<compile_context>
chip_gen: v7x
topology: tpu7x:2x2x1
jax: 0.10.2.dev20260603
libtpu: 0.0.44.dev20260713+nightly
codegen_flags: <defaults>
</compile_context>

<pallas_src>
import functools

import jax
import jax.numpy as jnp
from jax import lax
from jax.experimental import pallas as pl
from jax.experimental.pallas import tpu as pltpu
from jax.experimental.pallas import tpu_sc as plsc

N_ROWS = 100000
D = 128
NSEG = 64
GARBAGE = NSEG
ACC_ROWS = 72
CHUNK = 128
NC, NS = 2, 16
NW = NC * NS
NCHUNKS = -(-N_ROWS // CHUNK)
LAST = NCHUNKS - 1
OVERLAP = NCHUNKS * CHUNK - N_ROWS
MAX_ITERS = -(-NCHUNKS // NW)
CHUNKS_PER_W, EXTRA_W = divmod(NCHUNKS, NW)
HIST_BLK = 8
R_TC = -(-N_ROWS // (HIST_BLK * D)) * HIST_BLK


def _sc_segment_sums(node_feat, ids_aug, zrow):
    mesh = plsc.VectorSubcoreMesh(
        core_axis_name="c", subcore_axis_name="s",
        num_cores=NC, num_subcores=NS)

    @functools.partial(
        pl.kernel,
        out_type=jax.ShapeDtypeStruct((NC, ACC_ROWS, D), jnp.float32),
        mesh=mesh,
        scratch_types=[
            pltpu.VMEM((3, CHUNK, D), jnp.float32),
            pltpu.VMEM((3, CHUNK), jnp.int32),
            pltpu.VMEM((ACC_ROWS, D), jnp.float32),
            pltpu.VMEM_SHARED((ACC_ROWS, D), jnp.float32),
            pltpu.SemaphoreType.DMA,
            pltpu.SemaphoreType.DMA,
            pltpu.SemaphoreType.DMA,
        ],
    )
    def seg_sum(feat_hbm, ids_hbm, zrow_hbm, sums_hbm,
                fbuf, ibuf, zbuf, acc_sh, sem0, sem1, sem2):
        ci = lax.axis_index("c")
        si = lax.axis_index("s")
        wid = si * NC + ci
        start = wid * CHUNKS_PER_W + jnp.minimum(wid, EXTRA_W)
        n_w = CHUNKS_PER_W + jnp.where(wid < EXTRA_W, 1, 0)
        sems = (sem0, sem1, sem2)

        @pl.when(si == 0)
        def _():
            pltpu.sync_copy(zrow_hbm, zbuf)
            pltpu.sync_copy(zbuf, acc_sh)
        plsc.subcore_barrier()

        def issue(i, b):
            c = start + i
            feat_base = pl.multiple_of(
                jnp.where(c == LAST, N_ROWS - CHUNK, c * CHUNK), 8)
            idx_base = pl.multiple_of(
                jnp.where(c == LAST, N_ROWS, c * CHUNK), 8)
            pltpu.async_copy(
                feat_hbm.at[pl.ds(feat_base, CHUNK)], fbuf.at[b], sems[b])
            pltpu.async_copy(
                ids_hbm.at[pl.ds(idx_base, CHUNK)], ibuf.at[b], sems[b])

        def wait_load(b):
            pltpu.make_async_copy(
                feat_hbm.at[pl.ds(0, CHUNK)], fbuf.at[b], sems[b]).wait()
            pltpu.make_async_copy(
                ids_hbm.at[pl.ds(0, CHUNK)], ibuf.at[b], sems[b]).wait()

        for p in range(3):
            @pl.when(p < n_w)
            def _(p=p):
                issue(p, p)

        for i in range(MAX_ITERS):
            b = i % 3

            @pl.when(i < n_w)
            def _(i=i, b=b):
                wait_load(b)
                pltpu.sync_copy(fbuf.at[b], acc_sh.at[ibuf.at[b]], add=True)

                @pl.when(i + 3 < n_w)
                def _():
                    issue(i + 3, b)

        plsc.subcore_barrier()

        @pl.when(si == 0)
        def _():
            pltpu.sync_copy(acc_sh, zbuf)
            pltpu.sync_copy(zbuf, sums_hbm.at[ci])

    return seg_sum(node_feat, ids_aug, zrow)


def _hist_body(i_ref, o_ref):
    r = pl.program_id(0)

    @pl.when(r == 0)
    def _():
        o_ref[...] = jnp.zeros((NSEG, D), jnp.float32)

    seg = lax.broadcasted_iota(jnp.int32, (NSEG, D), 0)
    acc = o_ref[...]
    for j in range(HIST_BLK):
        row = i_ref[j:j + 1, :]
        acc = acc + (jnp.broadcast_to(row, (NSEG, D)) == seg).astype(jnp.float32)
    o_ref[...] = acc


def _tc_histogram(ids_2d):
    return pl.pallas_call(
        _hist_body,
        grid=(R_TC // HIST_BLK,),
        in_specs=[pl.BlockSpec((HIST_BLK, D), lambda r: (r, 0))],
        out_specs=pl.BlockSpec((NSEG, D), lambda r: (0, 0)),
        out_shape=jax.ShapeDtypeStruct((NSEG, D), jnp.float32),
    )(ids_2d)


def _combine_body(s_ref, h_ref, o_ref):
    s = s_ref[0, :NSEG, :] + s_ref[1, :NSEG, :]
    cnt = jnp.sum(h_ref[...], axis=1, keepdims=True)
    o_ref[...] = s / cnt


def _combine(sums, hist):
    return pl.pallas_call(
        _combine_body,
        out_shape=jax.ShapeDtypeStruct((NSEG, D), jnp.float32),
    )(sums, hist)


@jax.jit
def kernel(node_feat, segment_ids):
    ids32 = segment_ids.astype(jnp.int32)
    idx_last = jnp.concatenate(
        [jnp.full((OVERLAP,), GARBAGE, jnp.int32),
         ids32[N_ROWS - CHUNK + OVERLAP:]])
    ids_aug = jnp.concatenate([ids32, idx_last])
    ids_2d = jnp.concatenate(
        [ids32, jnp.full((R_TC * D - N_ROWS,), GARBAGE, jnp.int32)]
    ).reshape(R_TC, D)
    zrow = jnp.zeros((ACC_ROWS, D), jnp.float32)
    hist = _tc_histogram(ids_2d)
    sums = _sc_segment_sums(node_feat, ids_aug, zrow)
    return _combine(sums, hist)

# --- scband reference (transcript-rebuilt; emitter-appended) ---
"""Pipeline reference for scband-mean-pool-420906795777 (READ-ONLY COPY).

The authoritative reference and input builder live on the scoring server;
editing this copy changes nothing except your own understanding.
"""

import jax, jax.numpy as jnp
import numpy as np

NUM_SEGMENTS = 64

def setup_inputs(seed: int = 0) -> dict:
    key = jax.random.key(seed)
    k1, k2 = jax.random.split(key)
    node_feat = jax.random.normal(k1, (100000, 128), dtype=jnp.float32)
    segment_ids = jnp.sort(jax.random.randint(k2, (100000,), 0, NUM_SEGMENTS, dtype=jnp.int64))
    return {"node_feat": node_feat, "segment_ids": segment_ids}

def reference(node_feat, segment_ids):
    # SumPooling over batched graph: segment-sum node features per graph
    sum_pooled = jax.ops.segment_sum(node_feat, segment_ids, num_segments=NUM_SEGMENTS)
    ones_sum_pooled = jax.ops.segment_sum(jnp.ones_like(node_feat), segment_ids, num_segments=NUM_SEGMENTS)
    pooled = sum_pooled / ones_sum_pooled
    return pooled

if __name__ == "__main__":
    import jax
    _d = setup_inputs()
    print(jax.jit(kernel)(*tuple(_d.values())))

</pallas_src>

<mosaic_0001>
#map = affine_map<(d0, d1) -> (0, 0)>
#map1 = affine_map<(d0, d1) -> (0)>
#map2 = affine_map<(d0, d1) -> (0, 0, 0)>
module attributes {stable_mosaic.version = 14 : i64} {
  func.func @seg_sum(%arg0: i32, %arg1: i32, %arg2: memref<100000x128xf32, #tpu.memory_space<hbm>>, %arg3: memref<100128xi32, #tpu.memory_space<hbm>>, %arg4: memref<72x128xf32, #tpu.memory_space<hbm>>, %arg5: memref<2x72x128xf32, #tpu.memory_space<hbm>>, %arg6: memref<3x128x128xf32, #tpu.memory_space<vmem>>, %arg7: memref<3x128xi32, #tpu.memory_space<vmem>>, %arg8: memref<72x128xf32, #tpu.memory_space<vmem>>, %arg9: memref<72x128xf32, #tpu.memory_space<vmem_shared>>, %arg10: memref<!tpu.dma_semaphore, #tpu.memory_space<semaphore_mem>>, %arg11: memref<!tpu.dma_semaphore, #tpu.memory_space<semaphore_mem>>, %arg12: memref<!tpu.dma_semaphore, #tpu.memory_space<semaphore_mem>>) attributes {dimension_semantics = [#tpu.dimension_semantics<core_parallel>, #tpu.dimension_semantics<subcore_parallel>], iteration_bounds = array<i64: 2, 16>, scalar_prefetch = 0 : i64, scratch_operands = 7 : i64, tpu.core_type = #tpu.core_type<sc_vector_subcore>, window_params = [{transform_indices = #map}, {transform_indices = #map1}, {transform_indices = #map}, {transform_indices = #map2}]} {
    %mul3A = arith.constant 2 : i32
    %mul3A_0 = arith.muli %arg1, %mul3A : i32
    %add3A = arith.addi %mul3A_0, %arg0 : i32
    %mul3A_1 = arith.constant 24 : i32
    %mul3A_2 = arith.muli %add3A, %mul3A_1 : i32
    %min3A = arith.constant 14 : i32
    %min3A_3 = arith.minsi %add3A, %min3A : i32
    %add3A_4 = arith.addi %mul3A_2, %min3A_3 : i32
    %lt3A = arith.constant 14 : i32
    %lt3A_5 = arith.cmpi slt, %add3A, %lt3A : i32
    %jit3A = arith.constant 1 : i32
    %jit3A_6 = arith.constant 0 : i32
    %select_n3A = arith.select %lt3A_5, %jit3A, %jit3A_6 : i32
    %add3A_7 = arith.constant 24 : i32
    %add3A_8 = arith.addi %add3A_7, %select_n3A : i32
    %eq3A = arith.constant 0 : i32
    %eq3A_9 = arith.cmpi eq, %arg1, %eq3A : i32
    %convert_element_type3A = arith.extui %eq3A_9 : i1 to i32
    %cond3A = arith.constant 0 : i32
    %cond3A_10 = arith.cmpi ne, %convert_element_type3A, %cond3A : i32
    scf.if %cond3A_10 {
      "tpu.region"() ({
        %run_scoped3A = tpu.sem_alloc : memref<!tpu.dma_semaphore, #tpu.memory_space<semaphore_mem>>
        tpu.enqueue_dma source(%arg4 : memref<72x128xf32, #tpu.memory_space<hbm>>) target(%arg8 : memref<72x128xf32, #tpu.memory_space<vmem>>) target_semaphore(%run_scoped3A : memref<!tpu.dma_semaphore, #tpu.memory_space<semaphore_mem>>)
        tpu.wait_dma2 semaphore(%run_scoped3A : memref<!tpu.dma_semaphore, #tpu.memory_space<semaphore_mem>>) src(%arg4 : memref<72x128xf32, #tpu.memory_space<hbm>>) dst(%arg8 : memref<72x128xf32, #tpu.memory_space<vmem>>)
        tpu.yield
      }) : () -> ()
      "tpu.region"() ({
        %run_scoped3A = tpu.sem_alloc : memref<!tpu.dma_semaphore, #tpu.memory_space<semaphore_mem>>
        tpu.enqueue_dma source(%arg8 : memref<72x128xf32, #tpu.memory_space<vmem>>) target(%arg9 : memref<72x128xf32, #tpu.memory_space<vmem_shared>>) target_semaphore(%run_scoped3A : memref<!tpu.dma_semaphore, #tpu.memory_space<semaphore_mem>>)
        tpu.wait_dma2 semaphore(%run_scoped3A : memref<!tpu.dma_semaphore, #tpu.memory_space<semaphore_mem>>) src(%arg8 : memref<72x128xf32, #tpu.memory_space<vmem>>) dst(%arg9 : memref<72x128xf32, #tpu.memory_space<vmem_shared>>)
        tpu.yield
      }) : () -> ()
    } else {
    }
    %barrier3A = arith.constant 0 : index
    tpu.barrier barrier_id(%barrier3A)
    %gt3A = arith.constant 0 : i32
    %gt3A_11 = arith.cmpi sgt, %add3A_8, %gt3A : i32
    %convert_element_type3A_12 = arith.extui %gt3A_11 : i1 to i32
    %cond3A_13 = arith.constant 0 : i32
    %cond3A_14 = arith.cmpi ne, %convert_element_type3A_12, %cond3A_13 : i32
    scf.if %cond3A_14 {
      %add3A_156 = arith.constant 0 : i32
      %add3A_157 = arith.addi %add3A_4, %add3A_156 : i32
      %eq3A_158 = arith.constant 781 : i32
      %eq3A_159 = arith.cmpi eq, %add3A_157, %eq3A_158 : i32
      %mul3A_160 = arith.constant 128 : i32
      %mul3A_161 = arith.muli %add3A_157, %mul3A_160 : i32
      %jit3A_162 = arith.constant 99872 : i32
      %select_n3A_163 = arith.select %eq3A_159, %jit3A_162, %mul3A_161 : i32
      %multiple_of3A = tpu.assume_multiple %select_n3A_163, 8 : i32
      %eq3A_164 = arith.constant 781 : i32
      %eq3A_165 = arith.cmpi eq, %add3A_157, %eq3A_164 : i32
      %mul3A_166 = arith.constant 128 : i32
      %mul3A_167 = arith.muli %add3A_157, %mul3A_166 : i32
      %jit3A_168 = arith.constant 100000 : i32
      %select_n3A_169 = arith.select %eq3A_165, %jit3A_168, %mul3A_167 : i32
      %multiple_of3A_170 = tpu.assume_multiple %select_n3A_169, 8 : i32
      %dma_start3A = arith.constant 0 : i32
      %dma_start3A_171 = arith.constant 0 : i32
      %dma_start3A_172 = arith.constant 0 : i32
      %dma_start3A_173 = tpu.memref_slice %arg6[%dma_start3A, %dma_start3A_171, %dma_start3A_172] : memref<3x128x128xf32, #tpu.memory_space<vmem>> -> memref<1x128x128xf32, #tpu.memory_space<vmem>>
      %dma_start3A_174 = tpu.memref_squeeze %dma_start3A_173 : memref<1x128x128xf32, #tpu.memory_space<vmem>> -> memref<128x128xf32, #tpu.memory_space<vmem>>
      %dma_start3A_175 = arith.constant 0 : i32
      %dma_start3A_176 = tpu.memref_slice %arg2[%multiple_of3A, %dma_start3A_175] : memref<100000x128xf32, #tpu.memory_space<hbm>> -> memref<128x128xf32, #tpu.memory_space<hbm>>
      %dma_start3A_177 = arith.constant 0 : i32
      %dma_start3A_178 = arith.constant 0 : i32
      %dma_start3A_179 = tpu.memref_slice %arg6[%dma_start3A, %dma_start3A_177, %dma_start3A_178] : memref<3x128x128xf32, #tpu.memory_space<vmem>> -> memref<1x128x128xf32, #tpu.memory_space<vmem>>
      %dma_start3A_180 = tpu.memref_squeeze %dma_start3A_179 : memref<1x128x128xf32, #tpu.memory_space<vmem>> -> memref<128x128xf32, #tpu.memory_space<vmem>>
      %dma_start3A_181 = arith.constant 0 : i32
      %dma_start3A_182 = tpu.memref_slice %arg2[%multiple_of3A, %dma_start3A_181] : memref<100000x128xf32, #tpu.memory_space<hbm>> -> memref<128x128xf32, #tpu.memory_space<hbm>>
      tpu.enqueue_dma source(%dma_start3A_182 : memref<128x128xf32, #tpu.memory_space<hbm>>) target(%dma_start3A_180 : memref<128x128xf32, #tpu.memory_space<vmem>>) target_semaphore(%arg10 : memref<!tpu.dma_semaphore, #tpu.memory_space<semaphore_mem>>)
      %dma_start3A_183 = arith.constant 0 : i32
      %dma_start3A_184 = arith.constant 0 : i32
      %dma_start3A_185 = tpu.memref_slice %arg7[%dma_start3A_183, %dma_start3A_184] : memref<3x128xi32, #tpu.memory_space<vmem>> -> memref<1x128xi32, #tpu.memory_space<vmem>>
      %dma_start3A_186 = tpu.memref_squeeze %dma_start3A_185 : memref<1x128xi32, #tpu.memory_space<vmem>> -> memref<128xi32, #tpu.memory_space<vmem>>
      %dma_start3A_187 = tpu.memref_slice %arg3[%multiple_of3A_170] : memref<100128xi32, #tpu.memory_space<hbm>> -> memref<128xi32, #tpu.memory_space<hbm>>
      %dma_start3A_188 = arith.constant 0 : i32
      %dma_start3A_189 = tpu.memref_slice %arg7[%dma_start3A_183, %dma_start3A_188] : memref<3x128xi32, #tpu.memory_space<vmem>> -> memref<1x128xi32, #tpu.memory_space<vmem>>
      %dma_start3A_190 = tpu.memref_squeeze %dma_start3A_189 : memref<1x128xi32, #tpu.memory_space<vmem>> -> memref<128xi32, #tpu.memory_space<vmem>>
      %dma_start3A_191 = tpu.memref_slice %arg3[%multiple_of3A_170] : memref<100128xi32, #tpu.memory_space<hbm>> -> memref<128xi32, #tpu.memory_space<hbm>>
      tpu.enqueue_dma source(%dma_start3A_191 : memref<128xi32, #tpu.memory_space<hbm>>) target(%dma_start3A_190 : memref<128xi32, #tpu.memory_space<vmem>>) target_semaphore(%arg10 : memref<!tpu.dma_semaphore, #tpu.memory_space<semaphore_mem>>)
    } else {
    }
    %gt3A_15 = arith.constant 1 : i32
    %gt3A_16 = arith.cmpi sgt, %add3A_8, %gt3A_15 : i32
    %convert_element_type3A_17 = arith.extui %gt3A_16 : i1 to i32
    %cond3A_18 = arith.constant 0 : i32
    %cond3A_19 = arith.cmpi ne, %convert_element_type3A_17, %cond3A_18 : i32
    scf.if %cond3A_19 {
      %add3A_156 = arith.constant 1 : i32
      %add3A_157 = arith.addi %add3A_4, %add3A_156 : i32
      %eq3A_158 = arith.constant 781 : i32
      %eq3A_159 = arith.cmpi eq, %add3A_157, %eq3A_158 : i32
      %mul3A_160 = arith.constant 128 : i32
      %mul3A_161 = arith.muli %add3A_157, %mul3A_160 : i32
      %jit3A_162 = arith.constant 99872 : i32
      %select_n3A_163 = arith.select %eq3A_159, %jit3A_162, %mul3A_161 : i32
      %multiple_of3A = tpu.assume_multiple %select_n3A_163, 8 : i32
      %eq3A_164 = arith.constant 781 : i32
      %eq3A_165 = arith.cmpi eq, %add3A_157, %eq3A_164 : i32
      %mul3A_166 = arith.constant 128 : i32
      %mul3A_167 = arith.muli %add3A_157, %mul3A_166 : i32
      %jit3A_168 = arith.constant 100000 : i32
      %select_n3A_169 = arith.select %eq3A_165, %jit3A_168, %mul3A_167 : i32
      %multiple_of3A_170 = tpu.assume_multiple %select_n3A_169, 8 : i32
      %dma_start3A = arith.constant 1 : i32
      %dma_start3A_171 = arith.constant 0 : i32
      %dma_start3A_172 = arith.constant 0 : i32
      %dma_start3A_173 = tpu.memref_slice %arg6[%dma_start3A, %dma_start3A_171, %dma_start3A_172] : memref<3x128x128xf32, #tpu.memory_space<vmem>> -> memref<1x128x128xf32, #tpu.memory_space<vmem>>
      %dma_start3A_174 = tpu.memref_squeeze %dma_start3A_173 : memref<1x128x128xf32, #tpu.memory_space<vmem>> -> memref<128x128xf32, #tpu.memory_space<vmem>>
      %dma_start3A_175 = arith.constant 0 : i32
      %dma_start3A_176 = tpu.memref_slice %arg2[%multiple_of3A, %dma_start3A_175] : memref<100000x128xf32, #tpu.memory_space<hbm>> -> memref<128x128xf32, #tpu.memory_space<hbm>>
      %dma_start3A_177 = arith.constant 0 : i32
      %dma_start3A_178 = arith.constant 0 : i32
      %dma_start3A_179 = tpu.memref_slice %arg6[%dma_start3A, %dma_start3A_177, %dma_start3A_178] : memref<3x128x128xf32, #tpu.memory_space<vmem>> -> memref<1x128x128xf32, #tpu.memory_space<vmem>>
      %dma_start3A_180 = tpu.memref_squeeze %dma_start3A_179 : memref<1x128x128xf32, #tpu.memory_space<vmem>> -> memref<128x128xf32, #tpu.memory_space<vmem>>
      %dma_start3A_181 = arith.constant 0 : i32
      %dma_start3A_182 = tpu.memref_slice %arg2[%multiple_of3A, %dma_start3A_181] : memref<100000x128xf32, #tpu.memory_space<hbm>> -> memref<128x128xf32, #tpu.memory_space<hbm>>
      tpu.enqueue_dma source(%dma_start3A_182 : memref<128x128xf32, #tpu.memory_space<hbm>>) target(%dma_start3A_180 : memref<128x128xf32, #tpu.memory_space<vmem>>) target_semaphore(%arg11 : memref<!tpu.dma_semaphore, #tpu.memory_space<semaphore_mem>>)
      %dma_start3A_183 = arith.constant 1 : i32
      %dma_start3A_184 = arith.constant 0 : i32
      %dma_start3A_185 = tpu.memref_slice %arg7[%dma_start3A_183, %dma_start3A_184] : memref<3x128xi32, #tpu.memory_space<vmem>> -> memref<1x128xi32, #tpu.memory_space<vmem>>
      %dma_start3A_186 = tpu.memref_squeeze %dma_start3A_185 : memref<1x128xi32, #tpu.memory_space<vmem>> -> memref<128xi32, #tpu.memory_space<vmem>>
      %dma_start3A_187 = tpu.memref_slice %arg3[%multiple_of3A_170] : memref<100128xi32, #tpu.memory_space<hbm>> -> memref<128xi32, #tpu.memory_space<hbm>>
      %dma_start3A_188 = arith.constant 0 : i32
      %dma_start3A_189 = tpu.memref_slice %arg7[%dma_start3A_183, %dma_start3A_188] : memref<3x128xi32, #tpu.memory_space<vmem>> -> memref<1x128xi32, #tpu.memory_space<vmem>>
      %dma_start3A_190 = tpu.memref_squeeze %dma_start3A_189 : memref<1x128xi32, #tpu.memory_space<vmem>> -> memref<128xi32, #tpu.memory_space<vmem>>
      %dma_start3A_191 = tpu.memref_slice %arg3[%multiple_of3A_170] : memref<100128xi32, #tpu.memory_space<hbm>> -> memref<128xi32, #tpu.memory_space<hbm>>
      tpu.enqueue_dma source(%dma_start3A_191 : memref<128xi32, #tpu.memory_space<hbm>>) target(%dma_start3A_190 : memref<128xi32, #tpu.memory_space<vmem>>) target_semaphore(%arg11 : memref<!tpu.dma_semaphore, #tpu.memory_space<semaphore_mem>>)
    } else {
    }
    %gt3A_20 = arith.constant 2 : i32
    %gt3A_21 = arith.cmpi sgt, %add3A_8, %gt3A_20 : i32
    %convert_element_type3A_22 = arith.extui %gt3A_21 : i1 to i32
    %cond3A_23 = arith.constant 0 : i32
    %cond3A_24 = arith.cmpi ne, %convert_element_type3A_22, %cond3A_23 : i32
    scf.if %cond3A_24 {
      %add3A_156 = arith.constant 2 : i32
      %add3A_157 = arith.addi %add3A_4, %add3A_156 : i32
      %eq3A_158 = arith.constant 781 : i32
      %eq3A_159 = arith.cmpi eq, %add3A_157, %eq3A_158 : i32
      %mul3A_160 = arith.constant 128 : i32
      %mul3A_161 = arith.muli %add3A_157, %mul3A_160 : i32
      %jit3A_162 = arith.constant 99872 : i32
      %select_n3A_163 = arith.select %eq3A_159, %jit3A_162, %mul3A_161 : i32
      %multiple_of3A = tpu.assume_multiple %select_n3A_163, 8 : i32
      %eq3A_164 = arith.constant 781 : i32
      %eq3A_165 = arith.cmpi eq, %add3A_157, %eq3A_164 : i32
      %mul3A_166 = arith.constant 128 : i32
      %mul3A_167 = arith.muli %add3A_157, %mul3A_166 : i32
      %jit3A_168 = arith.constant 100000 : i32
      %select_n3A_169 = arith.select %eq3A_165, %jit3A_168, %mul3A_167 : i32
      %multiple_of3A_170 = tpu.assume_multiple %select_n3A_169, 8 : i32
      %dma_start3A = arith.constant 2 : i32
      %dma_start3A_171 = arith.constant 0 : i32
      %dma_start3A_172 = arith.constant 0 : i32
      %dma_start3A_173 = tpu.memref_slice %arg6[%dma_start3A, %dma_start3A_171, %dma_start3A_172] : memref<3x128x128xf32, #tpu.memory_space<vmem>> -> memref<1x128x128xf32, #tpu.memory_space<vmem>>
      %dma_start3A_174 = tpu.memref_squeeze %dma_start3A_173 : memref<1x128x128xf32, #tpu.memory_space<vmem>> -> memref<128x128xf32, #tpu.memory_space<vmem>>
      %dma_start3A_175 = arith.constant 0 : i32
      %dma_start3A_176 = tpu.memref_slice %arg2[%multiple_of3A, %dma_start3A_175] : memref<100000x128xf32, #tpu.memory_space<hbm>> -> memref<128x128xf32, #tpu.memory_space<hbm>>
      %dma_start3A_177 = arith.constant 0 : i32
      %dma_start3A_178 = arith.constant 0 : i32
      %dma_start3A_179 = tpu.memref_slice %arg6[%dma_start3A, %dma_start3A_177, %dma_start3A_178] : memref<3x128x128xf32, #tpu.memory_space<vmem>> -> memref<1x128x128xf32, #tpu.memory_space<vmem>>
      %dma_start3A_180 = tpu.memref_squeeze %dma_start3A_179 : memref<1x128x128xf32, #tpu.memory_space<vmem>> -> memref<128x128xf32, #tpu.memory_space<vmem>>
      %dma_start3A_181 = arith.constant 0 : i32
      %dma_start3A_182 = tpu.memref_slice %arg2[%multiple_of3A, %dma_start3A_181] : memref<100000x128xf32, #tpu.memory_space<hbm>> -> memref<128x128xf32, #tpu.memory_space<hbm>>
      tpu.enqueue_dma source(%dma_start3A_182 : memref<128x128xf32, #tpu.memory_space<hbm>>) target(%dma_start3A_180 : memref<128x128xf32, #tpu.memory_space<vmem>>) target_semaphore(%arg12 : memref<!tpu.dma_semaphore, #tpu.memory_space<semaphore_mem>>)
      %dma_start3A_183 = arith.constant 2 : i32
      %dma_start3A_184 = arith.constant 0 : i32
      %dma_start3A_185 = tpu.memref_slice %arg7[%dma_start3A_183, %dma_start3A_184] : memref<3x128xi32, #tpu.memory_space<vmem>> -> memref<1x128xi32, #tpu.memory_space<vmem>>
      %dma_start3A_186 = tpu.memref_squeeze %dma_start3A_185 : memref<1x128xi32, #tpu.memory_space<vmem>> -> memref<128xi32, #tpu.memory_space<vmem>>
      %dma_start3A_187 = tpu.memref_slice %arg3[%multiple_of3A_170] : memref<100128xi32, #tpu.memory_space<hbm>> -> memref<128xi32, #tpu.memory_space<hbm>>
      %dma_start3A_188 = arith.constant 0 : i32
      %dma_start3A_189 = tpu.memref_slice %arg7[%dma_start3A_183, %dma_start3A_188] : memref<3x128xi32, #tpu.memory_space<vmem>> -> memref<1x128xi32, #tpu.memory_space<vmem>>
      %dma_start3A_190 = tpu.memref_squeeze %dma_start3A_189 : memref<1x128xi32, #tpu.memory_space<vmem>> -> memref<128xi32, #tpu.memory_space<vmem>>
      %dma_start3A_191 = tpu.memref_slice %arg3[%multiple_of3A_170] : memref<100128xi32, #tpu.memory_space<hbm>> -> memref<128xi32, #tpu.memory_space<hbm>>
      tpu.enqueue_dma source(%dma_start3A_191 : memref<128xi32, #tpu.memory_space<hbm>>) target(%dma_start3A_190 : memref<128xi32, #tpu.memory_space<vmem>>) target_semaphore(%arg12 : memref<!tpu.dma_semaphore, #tpu.memory_space<semaphore_mem>>)
    } else {
    }
    %gt3A_25 = arith.constant 0 : i32
    %gt3A_26 = arith.cmpi sgt, %add3A_8, %gt3A_25 : i32
    %convert_element_type3A_27 = arith.extui %gt3A_26 : i1 to i32
    %cond3A_28 = arith.constant 0 : i32
    %cond3A_29 = arith.cmpi ne, %convert_element_type3A_27, %cond3A_28 : i32
    scf.if %cond3A_29 {
      %dma_wait3A = arith.constant 0 : i32
      %dma_wait3A_156 = arith.constant 0 : i32
      %dma_wait3A_157 = arith.constant 0 : i32
      %dma_wait3A_158 = tpu.memref_slice %arg6[%dma_wait3A, %dma_wait3A_156, %dma_wait3A_157] : memref<3x128x128xf32, #tpu.memory_space<vmem>> -> memref<1x128x128xf32, #tpu.memory_space<vmem>>
      %dma_wait3A_159 = tpu.memref_squeeze %dma_wait3A_158 : memref<1x128x128xf32, #tpu.memory_space<vmem>> -> memref<128x128xf32, #tpu.memory_space<vmem>>
      %dma_wait3A_160 = arith.constant 0 : i32
      %dma_wait3A_161 = arith.constant 0 : i32
      %dma_wait3A_162 = tpu.memref_slice %arg2[%dma_wait3A_160, %dma_wait3A_161] : memref<100000x128xf32, #tpu.memory_space<hbm>> -> memref<128x128xf32, #tpu.memory_space<hbm>>
      %dma_wait3A_163 = arith.constant 0 : i32
      %dma_wait3A_164 = arith.constant 0 : i32
      %dma_wait3A_165 = tpu.memref_slice %arg6[%dma_wait3A, %dma_wait3A_163, %dma_wait3A_164] : memref<3x128x128xf32, #tpu.memory_space<vmem>> -> memref<1x128x128xf32, #tpu.memory_space<vmem>>
      %dma_wait3A_166 = tpu.memref_squeeze %dma_wait3A_165 : memref<1x128x128xf32, #tpu.memory_space<vmem>> -> memref<128x128xf32, #tpu.memory_space<vmem>>
      %dma_wait3A_167 = arith.constant 0 : i32
      %dma_wait3A_168 = arith.constant 0 : i32
      %dma_wait3A_169 = tpu.memref_slice %arg2[%dma_wait3A_167, %dma_wait3A_168] : memref<100000x128xf32, #tpu.memory_space<hbm>> -> memref<128x128xf32, #tpu.memory_space<hbm>>
      tpu.wait_dma2 semaphore(%arg10 : memref<!tpu.dma_semaphore, #tpu.memory_space<semaphore_mem>>) src(%dma_wait3A_169 : memref<128x128xf32, #tpu.memory_space<hbm>>) dst(%dma_wait3A_166 : memref<128x128xf32, #tpu.memory_space<vmem>>)
      %dma_wait3A_170 = arith.constant 0 : i32
      %dma_wait3A_171 = arith.constant 0 : i32
      %dma_wait3A_172 = tpu.memref_slice %arg7[%dma_wait3A_170, %dma_wait3A_171] : memref<3x128xi32, #tpu.memory_space<vmem>> -> memref<1x128xi32, #tpu.memory_space<vmem>>
      %dma_wait3A_173 = tpu.memref_squeeze %dma_wait3A_172 : memref<1x128xi32, #tpu.memory_space<vmem>> -> memref<128xi32, #tpu.memory_space<vmem>>
      %dma_wait3A_174 = arith.constant 0 : i32
      %dma_wait3A_175 = tpu.memref_slice %arg3[%dma_wait3A_174] : memref<100128xi32, #tpu.memory_space<hbm>> -> memref<128xi32, #tpu.memory_space<hbm>>
      %dma_wait3A_176 = arith.constant 0 : i32
      %dma_wait3A_177 = tpu.memref_slice %arg7[%dma_wait3A_170, %dma_wait3A_176] : memref<3x128xi32, #tpu.memory_space<vmem>> -> memref<1x128xi32, #tpu.memory_space<vmem>>
      %dma_wait3A_178 = tpu.memref_squeeze %dma_wait3A_177 : memref<1x128xi32, #tpu.memory_space<vmem>> -> memref<128xi32, #tpu.memory_space<vmem>>
      %dma_wait3A_179 = arith.constant 0 : i32
      %dma_wait3A_180 = tpu.memref_slice %arg3[%dma_wait3A_179] : memref<100128xi32, #tpu.memory_space<hbm>> -> memref<128xi32, #tpu.memory_space<hbm>>
      tpu.wait_dma2 semaphore(%arg10 : memref<!tpu.dma_semaphore, #tpu.memory_space<semaphore_mem>>) src(%dma_wait3A_180 : memref<128xi32, #tpu.memory_space<hbm>>) dst(%dma_wait3A_178 : memref<128xi32, #tpu.memory_space<vmem>>)
      %run_scoped3A = arith.constant 0 : i32
      %run_scoped3A_181 = arith.constant 0 : i32
      "tpu.region"() ({
        %run_scoped3A_187 = tpu.sem_alloc : memref<!tpu.dma_semaphore, #tpu.memory_space<semaphore_mem>>
        %dma_start3A = arith.constant 0 : i32
        %dma_start3A_188 = arith.constant 0 : i32
        %dma_start3A_189 = tpu.memref_slice %arg6[%run_scoped3A, %dma_start3A, %dma_start3A_188] : memref<3x128x128xf32, #tpu.memory_space<vmem>> -> memref<1x128x128xf32, #tpu.memory_space<vmem>>
        %dma_start3A_190 = tpu.memref_squeeze %dma_start3A_189 : memref<1x128x128xf32, #tpu.memory_space<vmem>> -> memref<128x128xf32, #tpu.memory_space<vmem>>
        %dma_start3A_191 = arith.constant 0 : i32
        %dma_start3A_192 = tpu.memref_slice %arg7[%run_scoped3A_181, %dma_start3A_191] : memref<3x128xi32, #tpu.memory_space<vmem>> -> memref<1x128xi32, #tpu.memory_space<vmem>>
        %dma_start3A_193 = tpu.memref_squeeze %dma_start3A_192 : memref<1x128xi32, #tpu.memory_space<vmem>> -> memref<128xi32, #tpu.memory_space<vmem>>
        %dma_start3A_194 = arith.constant 0 : i32
        %dma_start3A_195 = arith.constant 0 : i32
        %dma_start3A_196 = tpu.memref_slice %arg9[%dma_start3A_194, %dma_start3A_195] : memref<72x128xf32, #tpu.memory_space<vmem_shared>> -> memref<72x128xf32, #tpu.memory_space<vmem_shared>>
        tpu.enqueue_indirect_dma source(%dma_start3A_190 : memref<128x128xf32, #tpu.memory_space<vmem>>) target(%dma_start3A_196 : memref<72x128xf32, #tpu.memory_space<vmem_shared>>) offsets(%dma_start3A_193 : memref<128xi32, #tpu.memory_space<vmem>>) semaphore(%run_scoped3A_187 : memref<!tpu.dma_semaphore, #tpu.memory_space<semaphore_mem>>) {add = true}
        %dma_wait3A_197 = arith.constant 0 : i32
        %dma_wait3A_198 = arith.constant 0 : i32
        %dma_wait3A_199 = tpu.memref_slice %arg6[%run_scoped3A, %dma_wait3A_197, %dma_wait3A_198] : memref<3x128x128xf32, #tpu.memory_space<vmem>> -> memref<1x128x128xf32, #tpu.memory_space<vmem>>
        %dma_wait3A_200 = tpu.memref_squeeze %dma_wait3A_199 : memref<1x128x128xf32, #tpu.memory_space<vmem>> -> memref<128x128xf32, #tpu.memory_space<vmem>>
        %dma_wait3A_201 = arith.constant 0 : i32
        %dma_wait3A_202 = tpu.memref_slice %arg7[%run_scoped3A_181, %dma_wait3A_201] : memref<3x128xi32, #tpu.memory_space<vmem>> -> memref<1x128xi32, #tpu.memory_space<vmem>>
        %dma_wait3A_203 = tpu.memref_squeeze %dma_wait3A_202 : memref<1x128xi32, #tpu.memory_space<vmem>> -> memref<128xi32, #tpu.memory_space<vmem>>
        %dma_wait3A_204 = arith.constant 0 : i32
        %dma_wait3A_205 = arith.constant 0 : i32
        %dma_wait3A_206 = tpu.memref_slice %arg9[%dma_wait3A_204, %dma_wait3A_205] : memref<72x128xf32, #tpu.memory_space<vmem_shared>> -> memref<72x128xf32, #tpu.memory_space<vmem_shared>>
        tpu.wait_indirect_dma semaphore(%run_scoped3A_187 : memref<!tpu.dma_semaphore, #tpu.memory_space<semaphore_mem>>) src(%dma_wait3A_200 : memref<128x128xf32, #tpu.memory_space<vmem>>) dst(%dma_wait3A_206 : memref<72x128xf32, #tpu.memory_space<vmem_shared>>)
        tpu.yield
      }) : () -> ()
      %gt3A_182 = arith.constant 3 : i32
      %gt3A_183 = arith.cmpi sgt, %add3A_8, %gt3A_182 : i32
      %convert_element_type3A_184 = arith.extui %gt3A_183 : i1 to i32
      %cond3A_185 = arith.constant 0 : i32
      %cond3A_186 = arith.cmpi ne, %convert_element_type3A_184, %cond3A_185 : i32
      scf.if %cond3A_186 {
        %add3A_187 = arith.constant 3 : i32
        %add3A_188 = arith.addi %add3A_4, %add3A_187 : i32
        %eq3A_189 = arith.constant 781 : i32
        %eq3A_190 = arith.cmpi eq, %add3A_188, %eq3A_189 : i32
        %mul3A_191 = arith.constant 128 : i32
        %mul3A_192 = arith.muli %add3A_188, %mul3A_191 : i32
        %jit3A_193 = arith.constant 99872 : i32
        %select_n3A_194 = arith.select %eq3A_190, %jit3A_193, %mul3A_192 : i32
        %multiple_of3A = tpu.assume_multiple %select_n3A_194, 8 : i32
        %eq3A_195 = arith.constant 781 : i32
        %eq3A_196 = arith.cmpi eq, %add3A_188, %eq3A_195 : i32
        %mul3A_197 = arith.constant 128 : i32
        %mul3A_198 = arith.muli %add3A_188, %mul3A_197 : i32
        %jit3A_199 = arith.constant 100000 : i32
        %select_n3A_200 = arith.select %eq3A_196, %jit3A_199, %mul3A_198 : i32
        %multiple_of3A_201 = tpu.assume_multiple %select_n3A_200, 8 : i32
        %dma_start3A = arith.constant 0 : i32
        %dma_start3A_202 = arith.constant 0 : i32
        %dma_start3A_203 = arith.constant 0 : i32
        %dma_start3A_204 = tpu.memref_slice %arg6[%dma_start3A, %dma_start3A_202, %dma_start3A_203] : memref<3x128x128xf32, #tpu.memory_space<vmem>> -> memref<1x128x128xf32, #tpu.memory_space<vmem>>
        %dma_start3A_205 = tpu.memref_squeeze %dma_start3A_204 : memref<1x128x128xf32, #tpu.memory_space<vmem>> -> memref<128x128xf32, #tpu.memory_space<vmem>>
        %dma_start3A_206 = arith.constant 0 : i32
        %dma_start3A_207 = tpu.memref_slice %arg2[%multiple_of3A, %dma_start3A_206] : memref<100000x128xf32, #tpu.memory_space<hbm>> -> memref<128x128xf32, #tpu.memory_space<hbm>>
        %dma_start3A_208 = arith.constant 0 : i32
        %dma_start3A_209 = arith.constant 0 : i32
        %dma_start3A_210 = tpu.memref_slice %arg6[%dma_start3A, %dma_start3A_208, %dma_start3A_209] : memref<3x128x128xf32, #tpu.memory_space<vmem>> -> memref<1x128x128xf32, #tpu.memory_space<vmem>>
        %dma_start3A_211 = tpu.memref_squeeze %dma_start3A_210 : memref<1x128x128xf32, #tpu.memory_space<vmem>> -> memref<128x128xf32, #tpu.memory_space<vmem>>
        %dma_start3A_212 = arith.constant 0 : i32
        %dma_start3A_213 = tpu.memref_slice %arg2[%multiple_of3A, %dma_start3A_212] : memref<100000x128xf32, #tpu.memory_space<hbm>> -> memref<128x128xf32, #tpu.memory_space<hbm>>
        tpu.enqueue_dma source(%dma_start3A_213 : memref<128x128xf32, #tpu.memory_space<hbm>>) target(%dma_start3A_211 : memref<128x128xf32, #tpu.memory_space<vmem>>) target_semaphore(%arg10 : memref<!tpu.dma_semaphore, #tpu.memory_space<semaphore_mem>>)
        %dma_start3A_214 = arith.constant 0 : i32
        %dma_start3A_215 = arith.constant 0 : i32
        %dma_start3A_216 = tpu.memref_slice %arg7[%dma_start3A_214, %dma_start3A_215] : memref<3x128xi32, #tpu.memory_space<vmem>> -> memref<1x128xi32, #tpu.memory_space<vmem>>
        %dma_start3A_217 = tpu.memref_squeeze %dma_start3A_216 : memref<1x128xi32, #tpu.memory_space<vmem>> -> memref<128xi32, #tpu.memory_space<vmem>>
        %dma_start3A_218 = tpu.memref_slice %arg3[%multiple_of3A_201] : memref<100128xi32, #tpu.memory_space<hbm>> -> memref<128xi32, #tpu.memory_space<hbm>>
        %dma_start3A_219 = arith.constant 0 : i32
        %dma_start3A_220 = tpu.memref_slice %arg7[%dma_start3A_214, %dma_start3A_219] : memref<3x128xi32, #tpu.memory_space<vmem>> -> memref<1x128xi32, #tpu.memory_space<vmem>>
        %dma_start3A_221 = tpu.memref_squeeze %dma_start3A_220 : memref<1x128xi32, #tpu.memory_space<vmem>> -> memref<128xi32, #tpu.memory_space<vmem>>
        %dma_start3A_222 = tpu.memref_slice %arg3[%multiple_of3A_201] : memref<100128xi32, #tpu.memory_space<hbm>> -> memref<128xi32, #tpu.memory_space<hbm>>
        tpu.enqueue_dma source(%dma_start3A_222 : memref<128xi32, #tpu.memory_space<hbm>>) target(%dma_start3A_221 : memref<128xi32, #tpu.memory_space<vmem>>) target_semaphore(%arg10 : memref<!tpu.dma_semaphore, #tpu.memory_space<semaphore_mem>>)
      } else {
      }
    } else {
    }
    %gt3A_30 = arith.constant 1 : i32
    %gt3A_31 = arith.cmpi sgt, %add3A_8, %gt3A_30 : i32
    %convert_element_type3A_32 = arith.extui %gt3A_31 : i1 to i32
    %cond3A_33 = arith.constant 0 : i32
    %cond3A_34 = arith.cmpi ne, %convert_element_type3A_32, %cond3A_33 : i32
    scf.if %cond3A_34 {
      %dma_wait3A = arith.constant 1 : i32
      %dma_wait3A_156 = arith.constant 0 : i32
      %dma_wait3A_157 = arith.constant 0 : i32
      %dma_wait3A_158 = tpu.memref_slice %arg6[%dma_wait3A, %dma_wait3A_156, %dma_wait3A_157] : memref<3x128x128xf32, #tpu.memory_space<vmem>> -> memref<1x128x128xf32, #tpu.memory_space<vmem>>
      %dma_wait3A_159 = tpu.memref_squeeze %dma_wait3A_158 : memref<1x128x128xf32, #tpu.memory_space<vmem>> -> memref<128x128xf32, #tpu.memory_space<vmem>>
      %dma_wait3A_160 = arith.constant 0 : i32
      %dma_wait3A_161 = arith.constant 0 : i32
      %dma_wait3A_162 = tpu.memref_slice %arg2[%dma_wait3A_160, %dma_wait3A_161] : memref<100000x128xf32, #tpu.memory_space<hbm>> -> memref<128x128xf32, #tpu.memory_space<hbm>>
      %dma_wait3A_163 = arith.constant 0 : i32
      %dma_wait3A_164 = arith.constant 0 : i32
      %dma_wait3A_165 = tpu.memref_slice %arg6[%dma_wait3A, %dma_wait3A_163, %dma_wait3A_164] : memref<3x128x128xf32, #tpu.memory_space<vmem>> -> memref<1x128x128xf32, #tpu.memory_space<vmem>>
      %dma_wait3A_166 = tpu.memref_squeeze %dma_wait3A_165 : memref<1x128x128xf32, #tpu.memory_space<vmem>> -> memref<128x128xf32, #tpu.memory_space<vmem>>
      %dma_wait3A_167 = arith.constant 0 : i32
      %dma_wait3A_168 = arith.constant 0 : i32
      %dma_wait3A_169 = tpu.memref_slice %arg2[%dma_wait3A_167, %dma_wait3A_168] : memref<100000x128xf32, #tpu.memory_space<hbm>> -> memref<128x128xf32, #tpu.memory_space<hbm>>
      tpu.wait_dma2 semaphore(%arg11 : memref<!tpu.dma_semaphore, #tpu.memory_space<semaphore_mem>>) src(%dma_wait3A_169 : memref<128x128xf32, #tpu.memory_space<hbm>>) dst(%dma_wait3A_166 : memref<128x128xf32, #tpu.memory_space<vmem>>)
      %dma_wait3A_170 = arith.constant 1 : i32
      %dma_wait3A_171 = arith.constant 0 : i32
      %dma_wait3A_172 = tpu.memref_slice %arg7[%dma_wait3A_170, %dma_wait3A_171] : memref<3x128xi32, #tpu.memory_space<vmem>> -> memref<1x128xi32, #tpu.memory_space<vmem>>
      %dma_wait3A_173 = tpu.memref_squeeze %dma_wait3A_172 : memref<1x128xi32, #tpu.memory_space<vmem>> -> memref<128xi32, #tpu.memory_space<vmem>>
      %dma_wait3A_174 = arith.constant 0 : i32
      %dma_wait3A_175 = tpu.memref_slice %arg3[%dma_wait3A_174] : memref<100128xi32, #tpu.memory_space<hbm>> -> memref<128xi32, #tpu.memory_space<hbm>>
      %dma_wait3A_176 = arith.constant 0 : i32
      %dma_wait3A_177 = tpu.memref_slice %arg7[%dma_wait3A_170, %dma_wait3A_176] : memref<3x128xi32, #tpu.memory_space<vmem>> -> memref<1x128xi32, #tpu.memory_space<vmem>>
      %dma_wait3A_178 = tpu.memref_squeeze %dma_wait3A_177 : memref<1x128xi32, #tpu.memory_space<vmem>> -> memref<128xi32, #tpu.memory_space<vmem>>
      %dma_wait3A_179 = arith.constant 0 : i32
      %dma_wait3A_180 = tpu.memref_slice %arg3[%dma_wait3A_179] : memref<100128xi32, #tpu.memory_space<hbm>> -> memref<128xi32, #tpu.memory_space<hbm>>
      tpu.wait_dma2 semaphore(%arg11 : memref<!tpu.dma_semaphore, #tpu.memory_space<semaphore_mem>>) src(%dma_wait3A_180 : memref<128xi32, #tpu.memory_space<hbm>>) dst(%dma_wait3A_178 : memref<128xi32, #tpu.memory_space<vmem>>)
      %run_scoped3A = arith.constant 1 : i32
      %run_scoped3A_181 = arith.constant 1 : i32
      "tpu.region"() ({
        %run_scoped3A_187 = tpu.sem_alloc : memref<!tpu.dma_semaphore, #tpu.memory_space<semaphore_mem>>
        %dma_start3A = arith.constant 0 : i32
        %dma_start3A_188 = arith.constant 0 : i32
        %dma_start3A_189 = tpu.memref_slice %arg6[%run_scoped3A, %dma_start3A, %dma_start3A_188] : memref<3x128x128xf32, #tpu.memory_space<vmem>> -> memref<1x128x128xf32, #tpu.memory_space<vmem>>
        %dma_start3A_190 = tpu.memref_squeeze %dma_start3A_189 : memref<1x128x128xf32, #tpu.memory_space<vmem>> -> memref<128x128xf32, #tpu.memory_space<vmem>>
        %dma_start3A_191 = arith.constant 0 : i32
        %dma_start3A_192 = tpu.memref_slice %arg7[%run_scoped3A_181, %dma_start3A_191] : memref<3x128xi32, #tpu.memory_space<vmem>> -> memref<1x128xi32, #tpu.memory_space<vmem>>
        %dma_start3A_193 = tpu.memref_squeeze %dma_start3A_192 : memref<1x128xi32, #tpu.memory_space<vmem>> -> memref<128xi32, #tpu.memory_space<vmem>>
        %dma_start3A_194 = arith.constant 0 : i32
        %dma_start3A_195 = arith.constant 0 : i32
        %dma_start3A_196 = tpu.memref_slice %arg9[%dma_start3A_194, %dma_start3A_195] : memref<72x128xf32, #tpu.memory_space<vmem_shared>> -> memref<72x128xf32, #tpu.memory_space<vmem_shared>>
        tpu.enqueue_indirect_dma source(%dma_start3A_190 : memref<128x128xf32, #tpu.memory_space<vmem>>) target(%dma_start3A_196 : memref<72x128xf32, #tpu.memory_space<vmem_shared>>) offsets(%dma_start3A_193 : memref<128xi32, #tpu.memory_space<vmem>>) semaphore(%run_scoped3A_187 : memref<!tpu.dma_semaphore, #tpu.memory_space<semaphore_mem>>) {add = true}
        %dma_wait3A_197 = arith.constant 0 : i32
        %dma_wait3A_198 = arith.constant 0 : i32
        %dma_wait3A_199 = tpu.memref_slice %arg6[%run_scoped3A, %dma_wait3A_197, %dma_wait3A_198] : memref<3x128x128xf32, #tpu.memory_space<vmem>> -> memref<1x128x128xf32, #tpu.memory_space<vmem>>
        %dma_wait3A_200 = tpu.memref_squeeze %dma_wait3A_199 : memref<1x128x128xf32, #tpu.memory_space<vmem>> -> memref<128x128xf32, #tpu.memory_space<vmem>>
        %dma_wait3A_201 = arith.constant 0 : i32
        %dma_wait3A_202 = tpu.memref_slice %arg7[%run_scoped3A_181, %dma_wait3A_201] : memref<3x128xi32, #tpu.memory_space<vmem>> -> memref<1x128xi32, #tpu.memory_space<vmem>>
        %dma_wait3A_203 = tpu.memref_squeeze %dma_wait3A_202 : memref<1x128xi32, #tpu.memory_space<vmem>> -> memref<128xi32, #tpu.memory_space<vmem>>
        %dma_wait3A_204 = arith.constant 0 : i32
        %dma_wait3A_205 = arith.constant 0 : i32
        %dma_wait3A_206 = tpu.memref_slice %arg9[%dma_wait3A_204, %dma_wait3A_205] : memref<72x128xf32, #tpu.memory_space<vmem_shared>> -> memref<72x128xf32, #tpu.memory_space<vmem_shared>>
        tpu.wait_indirect_dma semaphore(%run_scoped3A_187 : memref<!tpu.dma_semaphore, #tpu.memory_space<semaphore_mem>>) src(%dma_wait3A_200 : memref<128x128xf32, #tpu.memory_space<vmem>>) dst(%dma_wait3A_206 : memref<72x128xf32, #tpu.memory_space<vmem_shared>>)
        tpu.yield
      }) : () -> ()
      %gt3A_182 = arith.constant 4 : i32
      %gt3A_183 = arith.cmpi sgt, %add3A_8, %gt3A_182 : i32
      %convert_element_type3A_184 = arith.extui %gt3A_183 : i1 to i32
      %cond3A_185 = arith.constant 0 : i32
      %cond3A_186 = arith.cmpi ne, %convert_element_type3A_184, %cond3A_185 : i32
      scf.if %cond3A_186 {
        %add3A_187 = arith.constant 4 : i32
        %add3A_188 = arith.addi %add3A_4, %add3A_187 : i32
        %eq3A_189 = arith.constant 781 : i32
        %eq3A_190 = arith.cmpi eq, %add3A_188, %eq3A_189 : i32
        %mul3A_191 = arith.constant 128 : i32
        %mul3A_192 = arith.muli %add3A_188, %mul3A_191 : i32
        %jit3A_193 = arith.constant 99872 : i32
        %select_n3A_194 = arith.select %eq3A_190, %jit3A_193, %mul3A_192 : i32
        %multiple_of3A = tpu.assume_multiple %select_n3A_194, 8 : i32
        %eq3A_195 = arith.constant 781 : i32
        %eq3A_196 = arith.cmpi eq, %add3A_188, %eq3A_195 : i32
        %mul3A_197 = arith.constant 128 : i32
        %mul3A_198 = arith.muli %add3A_188, %mul3A_197 : i32
        %jit3A_199 = arith.constant 100000 : i32
        %select_n3A_200 = arith.select %eq3A_196, %jit3A_199, %mul3A_198 : i32
        %multiple_of3A_201 = tpu.assume_multiple %select_n3A_200, 8 : i32
        %dma_start3A = arith.constant 1 : i32
        %dma_start3A_202 = arith.constant 0 : i32
        %dma_start3A_203 = arith.constant 0 : i32
        %dma_start3A_204 = tpu.memref_slice %arg6[%dma_start3A, %dma_start3A_202, %dma_start3A_203] : memref<3x128x128xf32, #tpu.memory_space<vmem>> -> memref<1x128x128xf32, #tpu.memory_space<vmem>>
        %dma_start3A_205 = tpu.memref_squeeze %dma_start3A_204 : memref<1x128x128xf32, #tpu.memory_space<vmem>> -> memref<128x128xf32, #tpu.memory_space<vmem>>
        %dma_start3A_206 = arith.constant 0 : i32
        %dma_start3A_207 = tpu.memref_slice %arg2[%multiple_of3A, %dma_start3A_206] : memref<100000x128xf32, #tpu.memory_space<hbm>> -> memref<128x128xf32, #tpu.memory_space<hbm>>
        %dma_start3A_208 = arith.constant 0 : i32
        %dma_start3A_209 = arith.constant 0 : i32
        %dma_start3A_210 = tpu.memref_slice %arg6[%dma_start3A, %dma_start3A_208, %dma_start3A_209] : memref<3x128x128xf32, #tpu.memory_space<vmem>> -> memref<1x128x128xf32, #tpu.memory_space<vmem>>
        %dma_start3A_211 = tpu.memref_squeeze %dma_start3A_210 : memref<1x128x128xf32, #tpu.memory_space<vmem>> -> memref<128x128xf32, #tpu.memory_space<vmem>>
        %dma_start3A_212 = arith.constant 0 : i32
        %dma_start3A_213 = tpu.memref_slice %arg2[%multiple_of3A, %dma_start3A_212] : memref<100000x128xf32, #tpu.memory_space<hbm>> -> memref<128x128xf32, #tpu.memory_space<hbm>>
        tpu.enqueue_dma source(%dma_start3A_213 : memref<128x128xf32, #tpu.memory_space<hbm>>) target(%dma_start3A_211 : memref<128x128xf32, #tpu.memory_space<vmem>>) target_semaphore(%arg11 : memref<!tpu.dma_semaphore, #tpu.memory_space<semaphore_mem>>)
        %dma_start3A_214 = arith.constant 1 : i32
        %dma_start3A_215 = arith.constant 0 : i32
        %dma_start3A_216 = tpu.memref_slice %arg7[%dma_start3A_214, %dma_start3A_215] : memref<3x128xi32, #tpu.memory_space<vmem>> -> memref<1x128xi32, #tpu.memory_space<vmem>>
        %dma_start3A_217 = tpu.memref_squeeze %dma_start3A_216 : memref<1x128xi32, #tpu.memory_space<vmem>> -> memref<128xi32, #tpu.memory_space<vmem>>
        %dma_start3A_218 = tpu.memref_slice %arg3[%multiple_of3A_201] : memref<100128xi32, #tpu.memory_space<hbm>> -> memref<128xi32, #tpu.memory_space<hbm>>
        %dma_start3A_219 = arith.constant 0 : i32
        %dma_start3A_220 = tpu.memref_slice %arg7[%dma_start3A_214, %dma_start3A_219] : memref<3x128xi32, #tpu.memory_space<vmem>> -> memref<1x128xi32, #tpu.memory_space<vmem>>
        %dma_start3A_221 = tpu.memref_squeeze %dma_start3A_220 : memref<1x128xi32, #tpu.memory_space<vmem>> -> memref<128xi32, #tpu.memory_space<vmem>>
        %dma_start3A_222 = tpu.memref_slice %arg3[%multiple_of3A_201] : memref<100128xi32, #tpu.memory_space<hbm>> -> memref<128xi32, #tpu.memory_space<hbm>>
        tpu.enqueue_dma source(%dma_start3A_222 : memref<128xi32, #tpu.memory_space<hbm>>) target(%dma_start3A_221 : memref<128xi32, #tpu.memory_space<vmem>>) target_semaphore(%arg11 : memref<!tpu.dma_semaphore, #tpu.memory_space<semaphore_mem>>)
      } else {
      }
    } else {
    }
    %gt3A_35 = arith.constant 2 : i32
    %gt3A_36 = arith.cmpi sgt, %add3A_8, %gt3A_35 : i32
    %convert_element_type3A_37 = arith.extui %gt3A_36 : i1 to i32
    %cond3A_38 = arith.constant 0 : i32
    %cond3A_39 = arith.cmpi ne, %convert_element_type3A_37, %cond3A_38 : i32
    scf.if %cond3A_39 {
      %dma_wait3A = arith.constant 2 : i32
      %dma_wait3A_156 = arith.constant 0 : i32
      %dma_wait3A_157 = arith.constant 0 : i32
      %dma_wait3A_158 = tpu.memref_slice %arg6[%dma_wait3A, %dma_wait3A_156, %dma_wait3A_157] : memref<3x128x128xf32, #tpu.memory_space<vmem>> -> memref<1x128x128xf32, #tpu.memory_space<vmem>>
      %dma_wait3A_159 = tpu.memref_squeeze %dma_wait3A_158 : memref<1x128x128xf32, #tpu.memory_space<vmem>> -> memref<128x128xf32, #tpu.memory_space<vmem>>
      %dma_wait3A_160 = arith.constant 0 : i32
      %dma_wait3A_161 = arith.constant 0 : i32
      %dma_wait3A_162 = tpu.memref_slice %arg2[%dma_wait3A_160, %dma_wait3A_161] : memref<100000x128xf32, #tpu.memory_space<hbm>> -> memref<128x128xf32, #tpu.memory_space<hbm>>
      %dma_wait3A_163 = arith.constant 0 : i32
      %dma_wait3A_164 = arith.constant 0 : i32
      %dma_wait3A_165 = tpu.memref_slice %arg6[%dma_wait3A, %dma_wait3A_163, %dma_wait3A_164] : memref<3x128x128xf32, #tpu.memory_space<vmem>> -> memref<1x128x128xf32, #tpu.memory_space<vmem>>
      %dma_wait3A_166 = tpu.memref_squeeze %dma_wait3A_165 : memref<1x128x128xf32, #tpu.memory_space<vmem>> -> memref<128x128xf32, #tpu.memory_space<vmem>>
      %dma_wait3A_167 = arith.constant 0 : i32
      %dma_wait3A_168 = arith.constant 0 : i32
      %dma_wait3A_169 = tpu.memref_slice %arg2[%dma_wait3A_167, %dma_wait3A_168] : memref<100000x128xf32, #tpu.memory_space<hbm>> -> memref<128x128xf32, #tpu.memory_space<hbm>>
      tpu.wait_dma2 semaphore(%arg12 : memref<!tpu.dma_semaphore, #tpu.memory_space<semaphore_mem>>) src(%dma_wait3A_169 : memref<128x128xf32, #tpu.memory_space<hbm>>) dst(%dma_wait3A_166 : memref<128x128xf32, #tpu.memory_space<vmem>>)
      %dma_wait3A_170 = arith.constant 2 : i32
      %dma_wait3A_171 = arith.constant 0 : i32
      %dma_wait3A_172 = tpu.memref_slice %arg7[%dma_wait3A_170, %dma_wait3A_171] : memref<3x128xi32, #tpu.memory_space<vmem>> -> memref<1x128xi32, #tpu.memory_space<vmem>>
      %dma_wait3A_173 = tpu.memref_squeeze %dma_wait3A_172 : memref<1x128xi32, #tpu.memory_space<vmem>> -> memref<128xi32, #tpu.memory_space<vmem>>
      %dma_wait3A_174 = arith.constant 0 : i32
      %dma_wait3A_175 = tpu.memref_slice %arg3[%dma_wait3A_174] : memref<100128xi32, #tpu.memory_space<hbm>> -> memref<128xi32, #tpu.memory_space<hbm>>
      %dma_wait3A_176 = arith.constant 0 : i32
      %dma_wait3A_177 = tpu.memref_slice %arg7[%dma_wait3A_170, %dma_wait3A_176] : memref<3x128xi32, #tpu.memory_space<vmem>> -> memref<1x128xi32, #tpu.memory_space<vmem>>
      %dma_wait3A_178 = tpu.memref_squeeze %dma_wait3A_177 : memref<1x128xi32, #tpu.memory_space<vmem>> -> memref<128xi32, #tpu.memory_space<vmem>>
      %dma_wait3A_179 = arith.constant 0 : i32
      %dma_wait3A_180 = tpu.memref_slice %arg3[%dma_wait3A_179] : memref<100128xi32, #tpu.memory_space<hbm>> -> memref<128xi32, #tpu.memory_space<hbm>>
      tpu.wait_dma2 semaphore(%arg12 : memref<!tpu.dma_semaphore, #tpu.memory_space<semaphore_mem>>) src(%dma_wait3A_180 : memref<128xi32, #tpu.memory_space<hbm>>) dst(%dma_wait3A_178 : memref<128xi32, #tpu.memory_space<vmem>>)
      %run_scoped3A = arith.constant 2 : i32
      %run_scoped3A_181 = arith.constant 2 : i32
      "tpu.region"() ({
        %run_scoped3A_187 = tpu.sem_alloc : memref<!tpu.dma_semaphore, #tpu.memory_space<semaphore_mem>>
        %dma_start3A = arith.constant 0 : i32
        %dma_start3A_188 = arith.constant 0 : i32
        %dma_start3A_189 = tpu.memref_slice %arg6[%run_scoped3A, %dma_start3A, %dma_start3A_188] : memref<3x128x128xf32, #tpu.memory_space<vmem>> -> memref<1x128x128xf32, #tpu.memory_space<vmem>>
        %dma_start3A_190 = tpu.memref_squeeze %dma_start3A_189 : memref<1x128x128xf32, #tpu.memory_space<vmem>> -> memref<128x128xf32, #tpu.memory_space<vmem>>
        %dma_start3A_191 = arith.constant 0 : i32
        %dma_start3A_192 = tpu.memref_slice %arg7[%run_scoped3A_181, %dma_start3A_191] : memref<3x128xi32, #tpu.memory_space<vmem>> -> memref<1x128xi32, #tpu.memory_space<vmem>>
        %dma_start3A_193 = tpu.memref_squeeze %dma_start3A_192 : memref<1x128xi32, #tpu.memory_space<vmem>> -> memref<128xi32, #tpu.memory_space<vmem>>
        %dma_start3A_194 = arith.constant 0 : i32
        %dma_start3A_195 = arith.constant 0 : i32
        %dma_start3A_196 = tpu.memref_slice %arg9[%dma_start3A_194, %dma_start3A_195] : memref<72x128xf32, #tpu.memory_space<vmem_shared>> -> memref<72x128xf32, #tpu.memory_space<vmem_shared>>
        tpu.enqueue_indirect_dma source(%dma_start3A_190 : memref<128x128xf32, #tpu.memory_space<vmem>>) target(%dma_start3A_196 : memref<72x128xf32, #tpu.memory_space<vmem_shared>>) offsets(%dma_start3A_193 : memref<128xi32, #tpu.memory_space<vmem>>) semaphore(%run_scoped3A_187 : memref<!tpu.dma_semaphore, #tpu.memory_space<semaphore_mem>>) {add = true}
        %dma_wait3A_197 = arith.constant 0 : i32
        %dma_wait3A_198 = arith.constant 0 : i32
        %dma_wait3A_199 = tpu.memref_slice %arg6[%run_scoped3A, %dma_wait3A_197, %dma_wait3A_198] : memref<3x128x128xf32, #tpu.memory_space<vmem>> -> memref<1x128x128xf32, #tpu.memory_space<vmem>>
        %dma_wait3A_200 = tpu.memref_squeeze %dma_wait3A_199 : memref<1x128x128xf32, #tpu.memory_space<vmem>> -> memref<128x128xf32, #tpu.memory_space<vmem>>
        %dma_wait3A_201 = arith.constant 0 : i32
        %dma_wait3A_202 = tpu.memref_slice %arg7[%run_scoped3A_181, %dma_wait3A_201] : memref<3x128xi32, #tpu.memory_space<vmem>> -> memref<1x128xi32, #tpu.memory_space<vmem>>
        %dma_wait3A_203 = tpu.memref_squeeze %dma_wait3A_202 : memref<1x128xi32, #tpu.memory_space<vmem>> -> memref<128xi32, #tpu.memory_space<vmem>>
        %dma_wait3A_204 = arith.constant 0 : i32
        %dma_wait3A_205 = arith.constant 0 : i32
        %dma_wait3A_206 = tpu.memref_slice %arg9[%dma_wait3A_204, %dma_wait3A_205] : memref<72x128xf32, #tpu.memory_space<vmem_shared>> -> memref<72x128xf32, #tpu.memory_space<vmem_shared>>
        tpu.wait_indirect_dma semaphore(%run_scoped3A_187 : memref<!tpu.dma_semaphore, #tpu.memory_space<semaphore_mem>>) src(%dma_wait3A_200 : memref<128x128xf32, #tpu.memory_space<vmem>>) dst(%dma_wait3A_206 : memref<72x128xf32, #tpu.memory_space<vmem_shared>>)
        tpu.yield
      }) : () -> ()
      %gt3A_182 = arith.constant 5 : i32
      %gt3A_183 = arith.cmpi sgt, %add3A_8, %gt3A_182 : i32
      %convert_element_type3A_184 = arith.extui %gt3A_183 : i1 to i32
      %cond3A_185 = arith.constant 0 : i32
      %cond3A_186 = arith.cmpi ne, %convert_element_type3A_184, %cond3A_185 : i32
      scf.if %cond3A_186 {
        %add3A_187 = arith.constant 5 : i32
        %add3A_188 = arith.addi %add3A_4, %add3A_187 : i32
        %eq3A_189 = arith.constant 781 : i32
        %eq3A_190 = arith.cmpi eq, %add3A_188, %eq3A_189 : i32
        %mul3A_191 = arith.constant 128 : i32
        %mul3A_192 = arith.muli %add3A_188, %mul3A_191 : i32
        %jit3A_193 = arith.constant 99872 : i32
        %select_n3A_194 = arith.select %eq3A_190, %jit3A_193, %mul3A_192 : i32
        %multiple_of3A = tpu.assume_multiple %select_n3A_194, 8 : i32
        %eq3A_195 = arith.constant 781 : i32
        %eq3A_196 = arith.cmpi eq, %add3A_188, %eq3A_195 : i32
        %mul3A_197 = arith.constant 128 : i32
        %mul3A_198 = arith.muli %add3A_188, %mul3A_197 : i32
        %jit3A_199 = arith.constant 100000 : i32
        %select_n3A_200 = arith.select %eq3A_196, %jit3A_199, %mul3A_198 : i32
        %multiple_of3A_201 = tpu.assume_multiple %select_n3A_200, 8 : i32
        %dma_start3A = arith.constant 2 : i32
        %dma_start3A_202 = arith.constant 0 : i32
        %dma_start3A_203 = arith.constant 0 : i32
        %dma_start3A_204 = tpu.memref_slice %arg6[%dma_start3A, %dma_start3A_202, %dma_start3A_203] : memref<3x128x128xf32, #tpu.memory_space<vmem>> -> memref<1x128x128xf32, #tpu.memory_space<vmem>>
        %dma_start3A_205 = tpu.memref_squeeze %dma_start3A_204 : memref<1x128x128xf32, #tpu.memory_space<vmem>> -> memref<128x128xf32, #tpu.memory_space<vmem>>
        %dma_start3A_206 = arith.constant 0 : i32
        %dma_start3A_207 = tpu.memref_slice %arg2[%multiple_of3A, %dma_start3A_206] : memref<100000x128xf32, #tpu.memory_space<hbm>> -> memref<128x128xf32, #tpu.memory_space<hbm>>
        %dma_start3A_208 = arith.constant 0 : i32
        %dma_start3A_209 = arith.constant 0 : i32
        %dma_start3A_210 = tpu.memref_slice %arg6[%dma_start3A, %dma_start3A_208, %dma_start3A_209] : memref<3x128x128xf32, #tpu.memory_space<vmem>> -> memref<1x128x128xf32, #tpu.memory_space<vmem>>
        %dma_start3A_211 = tpu.memref_squeeze %dma_start3A_210 : memref<1x128x128xf32, #tpu.memory_space<vmem>> -> memref<128x128xf32, #tpu.memory_space<vmem>>
        %dma_start3A_212 = arith.constant 0 : i32
        %dma_start3A_213 = tpu.memref_slice %arg2[%multiple_of3A, %dma_start3A_212] : memref<100000x128xf32, #tpu.memory_space<hbm>> -> memref<128x128xf32, #tpu.memory_space<hbm>>
        tpu.enqueue_dma source(%dma_start3A_213 : memref<128x128xf32, #tpu.memory_space<hbm>>) target(%dma_start3A_211 : memref<128x128xf32, #tpu.memory_space<vmem>>) target_semaphore(%arg12 : memref<!tpu.dma_semaphore, #tpu.memory_space<semaphore_mem>>)
        %dma_start3A_214 = arith.constant 2 : i32
        %dma_start3A_215 = arith.constant 0 : i32
        %dma_start3A_216 = tpu.memref_slice %arg7[%dma_start3A_214, %dma_start3A_215] : memref<3x128xi32, #tpu.memory_space<vmem>> -> memref<1x128xi32, #tpu.memory_space<vmem>>
        %dma_start3A_217 = tpu.memref_squeeze %dma_start3A_216 : memref<1x128xi32, #tpu.memory_space<vmem>> -> memref<128xi32, #tpu.memory_space<vmem>>
        %dma_start3A_218 = tpu.memref_slice %arg3[%multiple_of3A_201] : memref<100128xi32, #tpu.memory_space<hbm>> -> memref<128xi32, #tpu.memory_space<hbm>>
        %dma_start3A_219 = arith.constant 0 : i32
        %dma_start3A_220 = tpu.memref_slice %arg7[%dma_start3A_214, %dma_start3A_219] : memref<3x128xi32, #tpu.memory_space<vmem>> -> memref<1x128xi32, #tpu.memory_space<vmem>>
        %dma_start3A_221 = tpu.memref_squeeze %dma_start3A_220 : memref<1x128xi32, #tpu.memory_space<vmem>> -> memref<128xi32, #tpu.memory_space<vmem>>
        %dma_start3A_222 = tpu.memref_slice %arg3[%multiple_of3A_201] : memref<100128xi32, #tpu.memory_space<hbm>> -> memref<128xi32, #tpu.memory_space<hbm>>
        tpu.enqueue_dma source(%dma_start3A_222 : memref<128xi32, #tpu.memory_space<hbm>>) target(%dma_start3A_221 : memref<128xi32, #tpu.memory_space<vmem>>) target_semaphore(%arg12 : memref<!tpu.dma_semaphore, #tpu.memory_space<semaphore_mem>>)
      } else {
      }
    } else {
    }
    %gt3A_40 = arith.constant 3 : i32
    %gt3A_41 = arith.cmpi sgt, %add3A_8, %gt3A_40 : i32
    %convert_element_type3A_42 = arith.extui %gt3A_41 : i1 to i32
    %cond3A_43 = arith.constant 0 : i32
    %cond3A_44 = arith.cmpi ne, %convert_element_type3A_42, %cond3A_43 : i32
    scf.if %cond3A_44 {
      %dma_wait3A = arith.constant 0 : i32
      %dma_wait3A_156 = arith.constant 0 : i32
      %dma_wait3A_157 = arith.constant 0 : i32
      %dma_wait3A_158 = tpu.memref_slice %arg6[%dma_wait3A, %dma_wait3A_156, %dma_wait3A_157] : memref<3x128x128xf32, #tpu.memory_space<vmem>> -> memref<1x128x128xf32, #tpu.memory_space<vmem>>
      %dma_wait3A_159 = tpu.memref_squeeze %dma_wait3A_158 : memref<1x128x128xf32, #tpu.memory_space<vmem>> -> memref<128x128xf32, #tpu.memory_space<vmem>>
      %dma_wait3A_160 = arith.constant 0 : i32
      %dma_wait3A_161 = arith.constant 0 : i32
      %dma_wait3A_162 = tpu.memref_slice %arg2[%dma_wait3A_160, %dma_wait3A_161] : memref<100000x128xf32, #tpu.memory_space<hbm>> -> memref<128x128xf32, #tpu.memory_space<hbm>>
      %dma_wait3A_163 = arith.constant 0 : i32
      %dma_wait3A_164 = arith.constant 0 : i32
      %dma_wait3A_165 = tpu.memref_slice %arg6[%dma_wait3A, %dma_wait3A_163, %dma_wait3A_164] : memref<3x128x128xf32, #tpu.memory_space<vmem>> -> memref<1x128x128xf32, #tpu.memory_space<vmem>>
      %dma_wait3A_166 = tpu.memref_squeeze %dma_wait3A_165 : memref<1x128x128xf32, #tpu.memory_space<vmem>> -> memref<128x128xf32, #tpu.memory_space<vmem>>
      %dma_wait3A_167 = arith.constant 0 : i32
      %dma_wait3A_168 = arith.constant 0 : i32
      %dma_wait3A_169 = tpu.memref_slice %arg2[%dma_wait3A_167, %dma_wait3A_168] : memref<100000x128xf32, #tpu.memory_space<hbm>> -> memref<128x128xf32, #tpu.memory_space<hbm>>
      tpu.wait_dma2 semaphore(%arg10 : memref<!tpu.dma_semaphore, #tpu.memory_space<semaphore_mem>>) src(%dma_wait3A_169 : memref<128x128xf32, #tpu.memory_space<hbm>>) dst(%dma_wait3A_166 : memref<128x128xf32, #tpu.memory_space<vmem>>)
      %dma_wait3A_170 = arith.constant 0 : i32
      %dma_wait3A_171 = arith.constant 0 : i32
      %dma_wait3A_172 = tpu.memref_slice %arg7[%dma_wait3A_170, %dma_wait3A_171] : memref<3x128xi32, #tpu.memory_space<vmem>> -> memref<1x128xi32, #tpu.memory_space<vmem>>
      %dma_wait3A_173 = tpu.memref_squeeze %dma_wait3A_172 : memref<1x128xi32, #tpu.memory_space<vmem>> -> memref<128xi32, #tpu.memory_space<vmem>>
      %dma_wait3A_174 = arith.constant 0 : i32
      %dma_wait3A_175 = tpu.memref_slice %arg3[%dma_wait3A_174] : memref<100128xi32, #tpu.memory_space<hbm>> -> memref<128xi32, #tpu.memory_space<hbm>>
      %dma_wait3A_176 = arith.constant 0 : i32
      %dma_wait3A_177 = tpu.memref_slice %arg7[%dma_wait3A_170, %dma_wait3A_176] : memref<3x128xi32, #tpu.memory_space<vmem>> -> memref<1x128xi32, #tpu.memory_space<vmem>>
      %dma_wait3A_178 = tpu.memref_squeeze %dma_wait3A_177 : memref<1x128xi32, #tpu.memory_space<vmem>> -> memref<128xi32, #tpu.memory_space<vmem>>
      %dma_wait3A_179 = arith.constant 0 : i32
      %dma_wait3A_180 = tpu.memref_slice %arg3[%dma_wait3A_179] : memref<100128xi32, #tpu.memory_space<hbm>> -> memref<128xi32, #tpu.memory_space<hbm>>
      tpu.wait_dma2 semaphore(%arg10 : memref<!tpu.dma_semaphore, #tpu.memory_space<semaphore_mem>>) src(%dma_wait3A_180 : memref<128xi32, #tpu.memory_space<hbm>>) dst(%dma_wait3A_178 : memref<128xi32, #tpu.memory_space<vmem>>)
      %run_scoped3A = arith.constant 0 : i32
      %run_scoped3A_181 = arith.constant 0 : i32
      "tpu.region"() ({
        %run_scoped3A_187 = tpu.sem_alloc : memref<!tpu.dma_semaphore, #tpu.memory_space<semaphore_mem>>
        %dma_start3A = arith.constant 0 : i32
        %dma_start3A_188 = arith.constant 0 : i32
        %dma_start3A_189 = tpu.memref_slice %arg6[%run_scoped3A, %dma_start3A, %dma_start3A_188] : memref<3x128x128xf32, #tpu.memory_space<vmem>> -> memref<1x128x128xf32, #tpu.memory_space<vmem>>
        %dma_start3A_190 = tpu.memref_squeeze %dma_start3A_189 : memref<1x128x128xf32, #tpu.memory_space<vmem>> -> memref<128x128xf32, #tpu.memory_space<vmem>>
        %dma_start3A_191 = arith.constant 0 : i32
        %dma_start3A_192 = tpu.memref_slice %arg7[%run_scoped3A_181, %dma_start3A_191] : memref<3x128xi32, #tpu.memory_space<vmem>> -> memref<1x128xi32, #tpu.memory_space<vmem>>
        %dma_start3A_193 = tpu.memref_squeeze %dma_start3A_192 : memref<1x128xi32, #tpu.memory_space<vmem>> -> memref<128xi32, #tpu.memory_space<vmem>>
        %dma_start3A_194 = arith.constant 0 : i32
        %dma_start3A_195 = arith.constant 0 : i32
        %dma_start3A_196 = tpu.memref_slice %arg9[%dma_start3A_194, %dma_start3A_195] : memref<72x128xf32, #tpu.memory_space<vmem_shared>> -> memref<72x128xf32, #tpu.memory_space<vmem_shared>>
        tpu.enqueue_indirect_dma source(%dma_start3A_190 : memref<128x128xf32, #tpu.memory_space<vmem>>) target(%dma_start3A_196 : memref<72x128xf32, #tpu.memory_space<vmem_shared>>) offsets(%dma_start3A_193 : memref<128xi32, #tpu.memory_space<vmem>>) semaphore(%run_scoped3A_187 : memref<!tpu.dma_semaphore, #tpu.memory_space<semaphore_mem>>) {add = true}
        %dma_wait3A_197 = arith.constant 0 : i32
        %dma_wait3A_198 = arith.constant 0 : i32
        %dma_wait3A_199 = tpu.memref_slice %arg6[%run_scoped3A, %dma_wait3A_197, %dma_wait3A_198] : memref<3x128x128xf32, #tpu.memory_space<vmem>> -> memref<1x128x128xf32, #tpu.memory_space<vmem>>
        %dma_wait3A_200 = tpu.memref_squeeze %dma_wait3A_199 : memref<1x128x128xf32, #tpu.memory_space<vmem>> -> memref<128x128xf32, #tpu.memory_space<vmem>>
        %dma_wait3A_201 = arith.constant 0 : i32
        %dma_wait3A_202 = tpu.memref_slice %arg7[%run_scoped3A_181, %dma_wait3A_201] : memref<3x128xi32, #tpu.memory_space<vmem>> -> memref<1x128xi32, #tpu.memory_space<vmem>>
        %dma_wait3A_203 = tpu.memref_squeeze %dma_wait3A_202 : memref<1x128xi32, #tpu.memory_space<vmem>> -> memref<128xi32, #tpu.memory_space<vmem>>
        %dma_wait3A_204 = arith.constant 0 : i32
        %dma_wait3A_205 = arith.constant 0 : i32
        %dma_wait3A_206 = tpu.memref_slice %arg9[%dma_wait3A_204, %dma_wait3A_205] : memref<72x128xf32, #tpu.memory_space<vmem_shared>> -> memref<72x128xf32, #tpu.memory_space<vmem_shared>>
        tpu.wait_indirect_dma semaphore(%run_scoped3A_187 : memref<!tpu.dma_semaphore, #tpu.memory_space<semaphore_mem>>) src(%dma_wait3A_200 : memref<128x128xf32, #tpu.memory_space<vmem>>) dst(%dma_wait3A_206 : memref<72x128xf32, #tpu.memory_space<vmem_shared>>)
        tpu.yield
      }) : () -> ()
      %gt3A_182 = arith.constant 6 : i32
      %gt3A_183 = arith.cmpi sgt, %add3A_8, %gt3A_182 : i32
      %convert_element_type3A_184 = arith.extui %gt3A_183 : i1 to i32
      %cond3A_185 = arith.constant 0 : i32
      %cond3A_186 = arith.cmpi ne, %convert_element_type3A_184, %cond3A_185 : i32
      scf.if %cond3A_186 {
        %add3A_187 = arith.constant 6 : i32
        %add3A_188 = arith.addi %add3A_4, %add3A_187 : i32
        %eq3A_189 = arith.constant 781 : i32
        %eq3A_190 = arith.cmpi eq, %add3A_188, %eq3A_189 : i32
        %mul3A_191 = arith.constant 128 : i32
        %mul3A_192 = arith.muli %add3A_188, %mul3A_191 : i32
        %jit3A_193 = arith.constant 99872 : i32
        %select_n3A_194 = arith.select %eq3A_190, %jit3A_193, %mul3A_192 : i32
        %multiple_of3A = tpu.assume_multiple %select_n3A_194, 8 : i32
        %eq3A_195 = arith.constant 781 : i32
        %eq3A_196 = arith.cmpi eq, %add3A_188, %eq3A_195 : i32
        %mul3A_197 = arith.constant 128 : i32
        %mul3A_198 = arith.muli %add3A_188, %mul3A_197 : i32
        %jit3A_199 = arith.constant 100000 : i32
        %select_n3A_200 = arith.select %eq3A_196, %jit3A_199, %mul3A_198 : i32
        %multiple_of3A_201 = tpu.assume_multiple %select_n3A_200, 8 : i32
        %dma_start3A = arith.constant 0 : i32
        %dma_start3A_202 = arith.constant 0 : i32
        %dma_start3A_203 = arith.constant 0 : i32
        %dma_start3A_204 = tpu.memref_slice %arg6[%dma_start3A, %dma_start3A_202, %dma_start3A_203] : memref<3x128x128xf32, #tpu.memory_space<vmem>> -> memref<1x128x128xf32, #tpu.memory_space<vmem>>
        %dma_start3A_205 = tpu.memref_squeeze %dma_start3A_204 : memref<1x128x128xf32, #tpu.memory_space<vmem>> -> memref<128x128xf32, #tpu.memory_space<vmem>>
        %dma_start3A_206 = arith.constant 0 : i32
        %dma_start3A_207 = tpu.memref_slice %arg2[%multiple_of3A, %dma_start3A_206] : memref<100000x128xf32, #tpu.memory_space<hbm>> -> memref<128x128xf32, #tpu.memory_space<hbm>>
        %dma_start3A_208 = arith.constant 0 : i32
        %dma_start3A_209 = arith.constant 0 : i32
        %dma_start3A_210 = tpu.memref_slice %arg6[%dma_start3A, %dma_start3A_208, %dma_start3A_209] : memref<3x128x128xf32, #tpu.memory_space<vmem>> -> memref<1x128x128xf32, #tpu.memory_space<vmem>>
        %dma_start3A_211 = tpu.memref_squeeze %dma_start3A_210 : memref<1x128x128xf32, #tpu.memory_space<vmem>> -> memref<128x128xf32, #tpu.memory_space<vmem>>
        %dma_start3A_212 = arith.constant 0 : i32
        %dma_start3A_213 = tpu.memref_slice %arg2[%multiple_of3A, %dma_start3A_212] : memref<100000x128xf32, #tpu.memory_space<hbm>> -> memref<128x128xf32, #tpu.memory_space<hbm>>
        tpu.enqueue_dma source(%dma_start3A_213 : memref<128x128xf32, #tpu.memory_space<hbm>>) target(%dma_start3A_211 : memref<128x128xf32, #tpu.memory_space<vmem>>) target_semaphore(%arg10 : memref<!tpu.dma_semaphore, #tpu.memory_space<semaphore_mem>>)
        %dma_start3A_214 = arith.constant 0 : i32
        %dma_start3A_215 = arith.constant 0 : i32
        %dma_start3A_216 = tpu.memref_slice %arg7[%dma_start3A_214, %dma_start3A_215] : memref<3x128xi32, #tpu.memory_space<vmem>> -> memref<1x128xi32, #tpu.memory_space<vmem>>
        %dma_start3A_217 = tpu.memref_squeeze %dma_start3A_216 : memref<1x128xi32, #tpu.memory_space<vmem>> -> memref<128xi32, #tpu.memory_space<vmem>>
        %dma_start3A_218 = tpu.memref_slice %arg3[%multiple_of3A_201] : memref<100128xi32, #tpu.memory_space<hbm>> -> memref<128xi32, #tpu.memory_space<hbm>>
        %dma_start3A_219 = arith.constant 0 : i32
        %dma_start3A_220 = tpu.memref_slice %arg7[%dma_start3A_214, %dma_start3A_219] : memref<3x128xi32, #tpu.memory_space<vmem>> -> memref<1x128xi32, #tpu.memory_space<vmem>>
        %dma_start3A_221 = tpu.memref_squeeze %dma_start3A_220 : memref<1x128xi32, #tpu.memory_space<vmem>> -> memref<128xi32, #tpu.memory_space<vmem>>
        %dma_start3A_222 = tpu.memref_slice %arg3[%multiple_of3A_201] : memref<100128xi32, #tpu.memory_space<hbm>> -> memref<128xi32, #tpu.memory_space<hbm>>
        tpu.enqueue_dma source(%dma_start3A_222 : memref<128xi32, #tpu.memory_space<hbm>>) target(%dma_start3A_221 : memref<128xi32, #tpu.memory_space<vmem>>) target_semaphore(%arg10 : memref<!tpu.dma_semaphore, #tpu.memory_space<semaphore_mem>>)
      } else {
      }
    } else {
    }
    %gt3A_45 = arith.constant 4 : i32
    %gt3A_46 = arith.cmpi sgt, %add3A_8, %gt3A_45 : i32
    %convert_element_type3A_47 = arith.extui %gt3A_46 : i1 to i32
    %cond3A_48 = arith.constant 0 : i32
    %cond3A_49 = arith.cmpi ne, %convert_element_type3A_47, %cond3A_48 : i32
    scf.if %cond3A_49 {
      %dma_wait3A = arith.constant 1 : i32
      %dma_wait3A_156 = arith.constant 0 : i32
      %dma_wait3A_157 = arith.constant 0 : i32
      %dma_wait3A_158 = tpu.memref_slice %arg6[%dma_wait3A, %dma_wait3A_156, %dma_wait3A_157] : memref<3x128x128xf32, #tpu.memory_space<vmem>> -> memref<1x128x128xf32, #tpu.memory_space<vmem>>
      %dma_wait3A_159 = tpu.memref_squeeze %dma_wait3A_158 : memref<1x128x128xf32, #tpu.memory_space<vmem>> -> memref<128x128xf32, #tpu.memory_space<vmem>>
      %dma_wait3A_160 = arith.constant 0 : i32
      %dma_wait3A_161 = arith.constant 0 : i32
      %dma_wait3A_162 = tpu.memref_slice %arg2[%dma_wait3A_160, %dma_wait3A_161] : memref<100000x128xf32, #tpu.memory_space<hbm>> -> memref<128x128xf32, #tpu.memory_space<hbm>>
      %dma_wait3A_163 = arith.constant 0 : i32
      %dma_wait3A_164 = arith.constant 0 : i32
      %dma_wait3A_165 = tpu.memref_slice %arg6[%dma_wait3A, %dma_wait3A_163, %dma_wait3A_164] : memref<3x128x128xf32, #tpu.memory_space<vmem>> -> memref<1x128x128xf32, #tpu.memory_space<vmem>>
      %dma_wait3A_166 = tpu.memref_squeeze %dma_wait3A_165 : memref<1x128x128xf32, #tpu.memory_space<vmem>> -> memref<128x128xf32, #tpu.memory_space<vmem>>
      %dma_wait3A_167 = arith.constant 0 : i32
      %dma_wait3A_168 = arith.constant 0 : i32
      %dma_wait3A_169 = tpu.memref_slice %arg2[%dma_wait3A_167, %dma_wait3A_168] : memref<100000x128xf32, #tpu.memory_space<hbm>> -> memref<128x128xf32, #tpu.memory_space<hbm>>
      tpu.wait_dma2 semaphore(%arg11 : memref<!tpu.dma_semaphore, #tpu.memory_space<semaphore_mem>>) src(%dma_wait3A_169 : memref<128x128xf32, #tpu.memory_space<hbm>>) dst(%dma_wait3A_166 : memref<128x128xf32, #tpu.memory_space<vmem>>)
      %dma_wait3A_170 = arith.constant 1 : i32
      %dma_wait3A_171 = arith.constant 0 : i32
      %dma_wait3A_172 = tpu.memref_slice %arg7[%dma_wait3A_170, %dma_wait3A_171] : memref<3x128xi32, #tpu.memory_space<vmem>> -> memref<1x128xi32, #tpu.memory_space<vmem>>
      %dma_wait3A_173 = tpu.memref_squeeze %dma_wait3A_172 : memref<1x128xi32, #tpu.memory_space<vmem>> -> memref<128xi32, #tpu.memory_space<vmem>>
      %dma_wait3A_174 = arith.constant 0 : i32
      %dma_wait3A_175 = tpu.memref_slice %arg3[%dma_wait3A_174] : memref<100128xi32, #tpu.memory_space<hbm>> -> memref<128xi32, #tpu.memory_space<hbm>>
      %dma_wait3A_176 = arith.constant 0 : i32
      %dma_wait3A_177 = tpu.memref_slice %arg7[%dma_wait3A_170, %dma_wait3A_176] : memref<3x128xi32, #tpu.memory_space<vmem>> -> memref<1x128xi32, #tpu.memory_space<vmem>>
      %dma_wait3A_178 = tpu.memref_squeeze %dma_wait3A_177 : memref<1x128xi32, #tpu.memory_space<vmem>> -> memref<128xi32, #tpu.memory_space<vmem>>
      %dma_wait3A_179 = arith.constant 0 : i32
      %dma_wait3A_180 = tpu.memref_slice %arg3[%dma_wait3A_179] : memref<100128xi32, #tpu.memory_space<hbm>> -> memref<128xi32, #tpu.memory_space<hbm>>
      tpu.wait_dma2 semaphore(%arg11 : memref<!tpu.dma_semaphore, #tpu.memory_space<semaphore_mem>>) src(%dma_wait3A_180 : memref<128xi32, #tpu.memory_space<hbm>>) dst(%dma_wait3A_178 : memref<128xi32, #tpu.memory_space<vmem>>)
      %run_scoped3A = arith.constant 1 : i32
      %run_scoped3A_181 = arith.constant 1 : i32
      "tpu.region"() ({
        %run_scoped3A_187 = tpu.sem_alloc : memref<!tpu.dma_semaphore, #tpu.memory_space<semaphore_mem>>
        %dma_start3A = arith.constant 0 : i32
        %dma_start3A_188 = arith.constant 0 : i32
        %dma_start3A_189 = tpu.memref_slice %arg6[%run_scoped3A, %dma_start3A, %dma_start3A_188] : memref<3x128x128xf32, #tpu.memory_space<vmem>> -> memref<1x128x128xf32, #tpu.memory_space<vmem>>
        %dma_start3A_190 = tpu.memref_squeeze %dma_start3A_189 : memref<1x128x128xf32, #tpu.memory_space<vmem>> -> memref<128x128xf32, #tpu.memory_space<vmem>>
        %dma_start3A_191 = arith.constant 0 : i32
        %dma_start3A_192 = tpu.memref_slice %arg7[%run_scoped3A_181, %dma_start3A_191] : memref<3x128xi32, #tpu.memory_space<vmem>> -> memref<1x128xi32, #tpu.memory_space<vmem>>
        %dma_start3A_193 = tpu.memref_squeeze %dma_start3A_192 : memref<1x128xi32, #tpu.memory_space<vmem>> -> memref<128xi32, #tpu.memory_space<vmem>>
        %dma_start3A_194 = arith.constant 0 : i32
        %dma_start3A_195 = arith.constant 0 : i32
        %dma_start3A_196 = tpu.memref_slice %arg9[%dma_start3A_194, %dma_start3A_195] : memref<72x128xf32, #tpu.memory_space<vmem_shared>> -> memref<72x128xf32, #tpu.memory_space<vmem_shared>>
        tpu.enqueue_indirect_dma source(%dma_start3A_190 : memref<128x128xf32, #tpu.memory_space<vmem>>) target(%dma_start3A_196 : memref<72x128xf32, #tpu.memory_space<vmem_shared>>) offsets(%dma_start3A_193 : memref<128xi32, #tpu.memory_space<vmem>>) semaphore(%run_scoped3A_187 : memref<!tpu.dma_semaphore, #tpu.memory_space<semaphore_mem>>) {add = true}
        %dma_wait3A_197 = arith.constant 0 : i32
        %dma_wait3A_198 = arith.constant 0 : i32
        %dma_wait3A_199 = tpu.memref_slice %arg6[%run_scoped3A, %dma_wait3A_197, %dma_wait3A_198] : memref<3x128x128xf32, #tpu.memory_space<vmem>> -> memref<1x128x128xf32, #tpu.memory_space<vmem>>
        %dma_wait3A_200 = tpu.memref_squeeze %dma_wait3A_199 : memref<1x128x128xf32, #tpu.memory_space<vmem>> -> memref<128x128xf32, #tpu.memory_space<vmem>>
        %dma_wait3A_201 = arith.constant 0 : i32
        %dma_wait3A_202 = tpu.memref_slice %arg7[%run_scoped3A_181, %dma_wait3A_201] : memref<3x128xi32, #tpu.memory_space<vmem>> -> memref<1x128xi32, #tpu.memory_space<vmem>>
        %dma_wait3A_203 = tpu.memref_squeeze %dma_wait3A_202 : memref<1x128xi32, #tpu.memory_space<vmem>> -> memref<128xi32, #tpu.memory_space<vmem>>
        %dma_wait3A_204 = arith.constant 0 : i32
        %dma_wait3A_205 = arith.constant 0 : i32
        %dma_wait3A_206 = tpu.memref_slice %arg9[%dma_wait3A_204, %dma_wait3A_205] : memref<72x128xf32, #tpu.memory_space<vmem_shared>> -> memref<72x128xf32, #tpu.memory_space<vmem_shared>>
        tpu.wait_indirect_dma semaphore(%run_scoped3A_187 : memref<!tpu.dma_semaphore, #tpu.memory_space<semaphore_mem>>) src(%dma_wait3A_200 : memref<128x128xf32, #tpu.memory_space<vmem>>) dst(%dma_wait3A_206 : memref<72x128xf32, #tpu.memory_space<vmem_shared>>)
        tpu.yield
      }) : () -> ()
      %gt3A_182 = arith.constant 7 : i32
      %gt3A_183 = arith.cmpi sgt, %add3A_8, %gt3A_182 : i32
      %convert_element_type3A_184 = arith.extui %gt3A_183 : i1 to i32
      %cond3A_185 = arith.constant 0 : i32
      %cond3A_186 = arith.cmpi ne, %convert_element_type3A_184, %cond3A_185 : i32
      scf.if %cond3A_186 {
        %add3A_187 = arith.constant 7 : i32
        %add3A_188 = arith.addi %add3A_4, %add3A_187 : i32
        %eq3A_189 = arith.constant 781 : i32
        %eq3A_190 = arith.cmpi eq, %add3A_188, %eq3A_189 : i32
        %mul3A_191 = arith.constant 128 : i32
        %mul3A_192 = arith.muli %add3A_188, %mul3A_191 : i32
        %jit3A_193 = arith.constant 99872 : i32
        %select_n3A_194 = arith.select %eq3A_190, %jit3A_193, %mul3A_192 : i32
        %multiple_of3A = tpu.assume_multiple %select_n3A_194, 8 : i32
        %eq3A_195 = arith.constant 781 : i32
        %eq3A_196 = arith.cmpi eq, %add3A_188, %eq3A_195 : i32
        %mul3A_197 = arith.constant 128 : i32
        %mul3A_198 = arith.muli %add3A_188, %mul3A_197 : i32
        %jit3A_199 = arith.constant 100000 : i32
        %select_n3A_200 = arith.select %eq3A_196, %jit3A_199, %mul3A_198 : i32
        %multiple_of3A_201 = tpu.assume_multiple %select_n3A_200, 8 : i32
        %dma_start3A = arith.constant 1 : i32
        %dma_start3A_202 = arith.constant 0 : i32
        %dma_start3A_203 = arith.constant 0 : i32
        %dma_start3A_204 = tpu.memref_slice %arg6[%dma_start3A, %dma_start3A_202, %dma_start3A_203] : memref<3x128x128xf32, #tpu.memory_space<vmem>> -> memref<1x128x128xf32, #tpu.memory_space<vmem>>
        %dma_start3A_205 = tpu.memref_squeeze %dma_start3A_204 : memref<1x128x128xf32, #tpu.memory_space<vmem>> -> memref<128x128xf32, #tpu.memory_space<vmem>>
        %dma_start3A_206 = arith.constant 0 : i32
        %dma_start3A_207 = tpu.memref_slice %arg2[%multiple_of3A, %dma_start3A_206] : memref<100000x128xf32, #tpu.memory_space<hbm>> -> memref<128x128xf32, #tpu.memory_space<hbm>>
        %dma_start3A_208 = arith.constant 0 : i32
        %dma_start3A_209 = arith.constant 0 : i32
        %dma_start3A_210 = tpu.memref_slice %arg6[%dma_start3A, %dma_start3A_208, %dma_start3A_209] : memref<3x128x128xf32, #tpu.memory_space<vmem>> -> memref<1x128x128xf32, #tpu.memory_space<vmem>>
        %dma_start3A_211 = tpu.memref_squeeze %dma_start3A_210 : memref<1x128x128xf32, #tpu.memory_space<vmem>> -> memref<128x128xf32, #tpu.memory_space<vmem>>
        %dma_start3A_212 = arith.constant 0 : i32
        %dma_start3A_213 = tpu.memref_slice %arg2[%multiple_of3A, %dma_start3A_212] : memref<100000x128xf32, #tpu.memory_space<hbm>> -> memref<128x128xf32, #tpu.memory_space<hbm>>
        tpu.enqueue_dma source(%dma_start3A_213 : memref<128x128xf32, #tpu.memory_space<hbm>>) target(%dma_start3A_211 : memref<128x128xf32, #tpu.memory_space<vmem>>) target_semaphore(%arg11 : memref<!tpu.dma_semaphore, #tpu.memory_space<semaphore_mem>>)
        %dma_start3A_214 = arith.constant 1 : i32
        %dma_start3A_215 = arith.constant 0 : i32
        %dma_start3A_216 = tpu.memref_slice %arg7[%dma_start3A_214, %dma_start3A_215] : memref<3x128xi32, #tpu.memory_space<vmem>> -> memref<1x128xi32, #tpu.memory_space<vmem>>
        %dma_start3A_217 = tpu.memref_squeeze %dma_start3A_216 : memref<1x128xi32, #tpu.memory_space<vmem>> -> memref<128xi32, #tpu.memory_space<vmem>>
        %dma_start3A_218 = tpu.memref_slice %arg3[%multiple_of3A_201] : memref<100128xi32, #tpu.memory_space<hbm>> -> memref<128xi32, #tpu.memory_space<hbm>>
        %dma_start3A_219 = arith.constant 0 : i32
        %dma_start3A_220 = tpu.memref_slice %arg7[%dma_start3A_214, %dma_start3A_219] : memref<3x128xi32, #tpu.memory_space<vmem>> -> memref<1x128xi32, #tpu.memory_space<vmem>>
        %dma_start3A_221 = tpu.memref_squeeze %dma_start3A_220 : memref<1x128xi32, #tpu.memory_space<vmem>> -> memref<128xi32, #tpu.memory_space<vmem>>
        %dma_start3A_222 = tpu.memref_slice %arg3[%multiple_of3A_201] : memref<100128xi32, #tpu.memory_space<hbm>> -> memref<128xi32, #tpu.memory_space<hbm>>
        tpu.enqueue_dma source(%dma_start3A_222 : memref<128xi32, #tpu.memory_space<hbm>>) target(%dma_start3A_221 : memref<128xi32, #tpu.memory_space<vmem>>) target_semaphore(%arg11 : memref<!tpu.dma_semaphore, #tpu.memory_space<semaphore_mem>>)
      } else {
      }
    } else {
    }
    %gt3A_50 = arith.constant 5 : i32
    %gt3A_51 = arith.cmpi sgt, %add3A_8, %gt3A_50 : i32
    %convert_element_type3A_52 = arith.extui %gt3A_51 : i1 to i32
    %cond3A_53 = arith.constant 0 : i32
    %cond3A_54 = arith.cmpi ne, %convert_element_type3A_52, %cond3A_53 : i32
    scf.if %cond3A_54 {
      %dma_wait3A = arith.constant 2 : i32
      %dma_wait3A_156 = arith.constant 0 : i32
      %dma_wait3A_157 = arith.constant 0 : i32
      %dma_wait3A_158 = tpu.memref_slice %arg6[%dma_wait3A, %dma_wait3A_156, %dma_wait3A_157] : memref<3x128x128xf32, #tpu.memory_space<vmem>> -> memref<1x128x128xf32, #tpu.memory_space<vmem>>
      %dma_wait3A_159 = tpu.memref_squeeze %dma_wait3A_158 : memref<1x128x128xf32, #tpu.memory_space<vmem>> -> memref<128x128xf32, #tpu.memory_space<vmem>>
      %dma_wait3A_160 = arith.constant 0 : i32
      %dma_wait3A_161 = arith.constant 0 : i32
      %dma_wait3A_162 = tpu.memref_slice %arg2[%dma_wait3A_160, %dma_wait3A_161] : memref<100000x128xf32, #tpu.memory_space<hbm>> -> memref<128x128xf32, #tpu.memory_space<hbm>>
      %dma_wait3A_163 = arith.constant 0 : i32
      %dma_wait3A_164 = arith.constant 0 : i32
      %dma_wait3A_165 = tpu.memref_slice %arg6[%dma_wait3A, %dma_wait3A_163, %dma_wait3A_164] : memref<3x128x128xf32, #tpu.memory_space<vmem>> -> memref<1x128x128xf32, #tpu.memory_space<vmem>>
      %dma_wait3A_166 = tpu.memref_squeeze %dma_wait3A_165 : memref<1x128x128xf32, #tpu.memory_space<vmem>> -> memref<128x128xf32, #tpu.memory_space<vmem>>
      %dma_wait3A_167 = arith.constant 0 : i32
      %dma_wait3A_168 = arith.constant 0 : i32
      %dma_wait3A_169 = tpu.memref_slice %arg2[%dma_wait3A_167, %dma_wait3A_168] : memref<100000x128xf32, #tpu.memory_space<hbm>> -> memref<128x128xf32, #tpu.memory_space<hbm>>
      tpu.wait_dma2 semaphore(%arg12 : memref<!tpu.dma_semaphore, #tpu.memory_space<semaphore_mem>>) src(%dma_wait3A_169 : memref<128x128xf32, #tpu.memory_space<hbm>>) dst(%dma_wait3A_166 : memref<128x128xf32, #tpu.memory_space<vmem>>)
      %dma_wait3A_170 = arith.constant 2 : i32
      %dma_wait3A_171 = arith.constant 0 : i32
      %dma_wait3A_172 = tpu.memref_slice %arg7[%dma_wait3A_170, %dma_wait3A_171] : memref<3x128xi32, #tpu.memory_space<vmem>> -> memref<1x128xi32, #tpu.memory_space<vmem>>
      %dma_wait3A_173 = tpu.memref_squeeze %dma_wait3A_172 : memref<1x128xi32, #tpu.memory_space<vmem>> -> memref<128xi32, #tpu.memory_space<vmem>>
      %dma_wait3A_174 = arith.constant 0 : i32
      %dma_wait3A_175 = tpu.memref_slice %arg3[%dma_wait3A_174] : memref<100128xi32, #tpu.memory_space<hbm>> -> memref<128xi32, #tpu.memory_space<hbm>>
      %dma_wait3A_176 = arith.constant 0 : i32
      %dma_wait3A_177 = tpu.memref_slice %arg7[%dma_wait3A_170, %dma_wait3A_176] : memref<3x128xi32, #tpu.memory_space<vmem>> -> memref<1x128xi32, #tpu.memory_space<vmem>>
      %dma_wait3A_178 = tpu.memref_squeeze %dma_wait3A_177 : memref<1x128xi32, #tpu.memory_space<vmem>> -> memref<128xi32, #tpu.memory_space<vmem>>
      %dma_wait3A_179 = arith.constant 0 : i32
      %dma_wait3A_180 = tpu.memref_slice %arg3[%dma_wait3A_179] : memref<100128xi32, #tpu.memory_space<hbm>> -> memref<128xi32, #tpu.memory_space<hbm>>
      tpu.wait_dma2 semaphore(%arg12 : memref<!tpu.dma_semaphore, #tpu.memory_space<semaphore_mem>>) src(%dma_wait3A_180 : memref<128xi32, #tpu.memory_space<hbm>>) dst(%dma_wait3A_178 : memref<128xi32, #tpu.memory_space<vmem>>)
      %run_scoped3A = arith.constant 2 : i32
      %run_scoped3A_181 = arith.constant 2 : i32
      "tpu.region"() ({
        %run_scoped3A_187 = tpu.sem_alloc : memref<!tpu.dma_semaphore, #tpu.memory_space<semaphore_mem>>
        %dma_start3A = arith.constant 0 : i32
        %dma_start3A_188 = arith.constant 0 : i32
        %dma_start3A_189 = tpu.memref_slice %arg6[%run_scoped3A, %dma_start3A, %dma_start3A_188] : memref<3x128x128xf32, #tpu.memory_space<vmem>> -> memref<1x128x128xf32, #tpu.memory_space<vmem>>
        %dma_start3A_190 = tpu.memref_squeeze %dma_start3A_189 : memref<1x128x128xf32, #tpu.memory_space<vmem>> -> memref<128x128xf32, #tpu.memory_space<vmem>>
        %dma_start3A_191 = arith.constant 0 : i32
        %dma_start3A_192 = tpu.memref_slice %arg7[%run_scoped3A_181, %dma_start3A_191] : memref<3x128xi32, #tpu.memory_space<vmem>> -> memref<1x128xi32, #tpu.memory_space<vmem>>
        %dma_start3A_193 = tpu.memref_squeeze %dma_start3A_192 : memref<1x128xi32, #tpu.memory_space<vmem>> -> memref<128xi32, #tpu.memory_space<vmem>>
        %dma_start3A_194 = arith.constant 0 : i32
        %dma_start3A_195 = arith.constant 0 : i32
        %dma_start3A_196 = tpu.memref_slice %arg9[%dma_start3A_194, %dma_start3A_195] : memref<72x128xf32, #tpu.memory_space<vmem_shared>> -> memref<72x128xf32, #tpu.memory_space<vmem_shared>>
        tpu.enqueue_indirect_dma source(%dma_start3A_190 : memref<128x128xf32, #tpu.memory_space<vmem>>) target(%dma_start3A_196 : memref<72x128xf32, #tpu.memory_space<vmem_shared>>) offsets(%dma_start3A_193 : memref<128xi32, #tpu.memory_space<vmem>>) semaphore(%run_scoped3A_187 : memref<!tpu.dma_semaphore, #tpu.memory_space<semaphore_mem>>) {add = true}
        %dma_wait3A_197 = arith.constant 0 : i32
        %dma_wait3A_198 = arith.constant 0 : i32
        %dma_wait3A_199 = tpu.memref_slice %arg6[%run_scoped3A, %dma_wait3A_197, %dma_wait3A_198] : memref<3x128x128xf32, #tpu.memory_space<vmem>> -> memref<1x128x128xf32, #tpu.memory_space<vmem>>
        %dma_wait3A_200 = tpu.memref_squeeze %dma_wait3A_199 : memref<1x128x128xf32, #tpu.memory_space<vmem>> -> memref<128x128xf32, #tpu.memory_space<vmem>>
        %dma_wait3A_201 = arith.constant 0 : i32
        %dma_wait3A_202 = tpu.memref_slice %arg7[%run_scoped3A_181, %dma_wait3A_201] : memref<3x128xi32, #tpu.memory_space<vmem>> -> memref<1x128xi32, #tpu.memory_space<vmem>>
        %dma_wait3A_203 = tpu.memref_squeeze %dma_wait3A_202 : memref<1x128xi32, #tpu.memory_space<vmem>> -> memref<128xi32, #tpu.memory_space<vmem>>
        %dma_wait3A_204 = arith.constant 0 : i32
        %dma_wait3A_205 = arith.constant 0 : i32
        %dma_wait3A_206 = tpu.memref_slice %arg9[%dma_wait3A_204, %dma_wait3A_205] : memref<72x128xf32, #tpu.memory_space<vmem_shared>> -> memref<72x128xf32, #tpu.memory_space<vmem_shared>>
        tpu.wait_indirect_dma semaphore(%run_scoped3A_187 : memref<!tpu.dma_semaphore, #tpu.memory_space<semaphore_mem>>) src(%dma_wait3A_200 : memref<128x128xf32, #tpu.memory_space<vmem>>) dst(%dma_wait3A_206 : memref<72x128xf32, #tpu.memory_space<vmem_shared>>)
        tpu.yield
      }) : () -> ()
      %gt3A_182 = arith.constant 8 : i32
      %gt3A_183 = arith.cmpi sgt, %add3A_8, %gt3A_182 : i32
      %convert_element_type3A_184 = arith.extui %gt3A_183 : i1 to i32
      %cond3A_185 = arith.constant 0 : i32
      %cond3A_186 = arith.cmpi ne, %convert_element_type3A_184, %cond3A_185 : i32
      scf.if %cond3A_186 {
        %add3A_187 = arith.constant 8 : i32
        %add3A_188 = arith.addi %add3A_4, %add3A_187 : i32
        %eq3A_189 = arith.constant 781 : i32
        %eq3A_190 = arith.cmpi eq, %add3A_188, %eq3A_189 : i32
        %mul3A_191 = arith.constant 128 : i32
        %mul3A_192 = arith.muli %add3A_188, %mul3A_191 : i32
        %jit3A_193 = arith.constant 99872 : i32
        %select_n3A_194 = arith.select %eq3A_190, %jit3A_193, %mul3A_192 : i32
        %multiple_of3A = tpu.assume_multiple %select_n3A_194, 8 : i32
        %eq3A_195 = arith.constant 781 : i32
        %eq3A_196 = arith.cmpi eq, %add3A_188, %eq3A_195 : i32
        %mul3A_197 = arith.constant 128 : i32
        %mul3A_198 = arith.muli %add3A_188, %mul3A_197 : i32
        %jit3A_199 = arith.constant 100000 : i32
        %select_n3A_200 = arith.select %eq3A_196, %jit3A_199, %mul3A_198 : i32
        %multiple_of3A_201 = tpu.assume_multiple %select_n3A_200, 8 : i32
        %dma_start3A = arith.constant 2 : i32
        %dma_start3A_202 = arith.constant 0 : i32
        %dma_start3A_203 = arith.constant 0 : i32
        %dma_start3A_204 = tpu.memref_slice %arg6[%dma_start3A, %dma_start3A_202, %dma_start3A_203] : memref<3x128x128xf32, #tpu.memory_space<vmem>> -> memref<1x128x128xf32, #tpu.memory_space<vmem>>
        %dma_start3A_205 = tpu.memref_squeeze %dma_start3A_204 : memref<1x128x128xf32, #tpu.memory_space<vmem>> -> memref<128x128xf32, #tpu.memory_space<vmem>>
        %dma_start3A_206 = arith.constant 0 : i32
        %dma_start3A_207 = tpu.memref_slice %arg2[%multiple_of3A, %dma_start3A_206] : memref<100000x128xf32, #tpu.memory_space<hbm>> -> memref<128x128xf32, #tpu.memory_space<hbm>>
        %dma_start3A_208 = arith.constant 0 : i32
        %dma_start3A_209 = arith.constant 0 : i32
        %dma_start3A_210 = tpu.memref_slice %arg6[%dma_start3A, %dma_start3A_208, %dma_start3A_209] : memref<3x128x128xf32, #tpu.memory_space<vmem>> -> memref<1x128x128xf32, #tpu.memory_space<vmem>>
        %dma_start3A_211 = tpu.memref_squeeze %dma_start3A_210 : memref<1x128x128xf32, #tpu.memory_space<vmem>> -> memref<128x128xf32, #tpu.memory_space<vmem>>
        %dma_start3A_212 = arith.constant 0 : i32
        %dma_start3A_213 = tpu.memref_slice %arg2[%multiple_of3A, %dma_start3A_212] : memref<100000x128xf32, #tpu.memory_space<hbm>> -> memref<128x128xf32, #tpu.memory_space<hbm>>
        tpu.enqueue_dma source(%dma_start3A_213 : memref<128x128xf32, #tpu.memory_space<hbm>>) target(%dma_start3A_211 : memref<128x128xf32, #tpu.memory_space<vmem>>) target_semaphore(%arg12 : memref<!tpu.dma_semaphore, #tpu.memory_space<semaphore_mem>>)
        %dma_start3A_214 = arith.constant 2 : i32
        %dma_start3A_215 = arith.constant 0 : i32
        %dma_start3A_216 = tpu.memref_slice %arg7[%dma_start3A_214, %dma_start3A_215] : memref<3x128xi32, #tpu.memory_space<vmem>> -> memref<1x128xi32, #tpu.memory_space<vmem>>
        %dma_start3A_217 = tpu.memref_squeeze %dma_start3A_216 : memref<1x128xi32, #tpu.memory_space<vmem>> -> memref<128xi32, #tpu.memory_space<vmem>>
        %dma_start3A_218 = tpu.memref_slice %arg3[%multiple_of3A_201] : memref<100128xi32, #tpu.memory_space<hbm>> -> memref<128xi32, #tpu.memory_space<hbm>>
        %dma_start3A_219 = arith.constant 0 : i32
        %dma_start3A_220 = tpu.memref_slice %arg7[%dma_start3A_214, %dma_start3A_219] : memref<3x128xi32, #tpu.memory_space<vmem>> -> memref<1x128xi32, #tpu.memory_space<vmem>>
        %dma_start3A_221 = tpu.memref_squeeze %dma_start3A_220 : memref<1x128xi32, #tpu.memory_space<vmem>> -> memref<128xi32, #tpu.memory_space<vmem>>
        %dma_start3A_222 = tpu.memref_slice %arg3[%multiple_of3A_201] : memref<100128xi32, #tpu.memory_space<hbm>> -> memref<128xi32, #tpu.memory_space<hbm>>
        tpu.enqueue_dma source(%dma_start3A_222 : memref<128xi32, #tpu.memory_space<hbm>>) target(%dma_start3A_221 : memref<128xi32, #tpu.memory_space<vmem>>) target_semaphore(%arg12 : memref<!tpu.dma_semaphore, #tpu.memory_space<semaphore_mem>>)
      } else {
      }
    } else {
    }
    %gt3A_55 = arith.constant 6 : i32
    %gt3A_56 = arith.cmpi sgt, %add3A_8, %gt3A_55 : i32
    %convert_element_type3A_57 = arith.extui %gt3A_56 : i1 to i32
    %cond3A_58 = arith.constant 0 : i32
    %cond3A_59 = arith.cmpi ne, %convert_element_type3A_57, %cond3A_58 : i32
    scf.if %cond3A_59 {
      %dma_wait3A = arith.constant 0 : i32
      %dma_wait3A_156 = arith.constant 0 : i32
      %dma_wait3A_157 = arith.constant 0 : i32
      %dma_wait3A_158 = tpu.memref_slice %arg6[%dma_wait3A, %dma_wait3A_156, %dma_wait3A_157] : memref<3x128x128xf32, #tpu.memory_space<vmem>> -> memref<1x128x128xf32, #tpu.memory_space<vmem>>
      %dma_wait3A_159 = tpu.memref_squeeze %dma_wait3A_158 : memref<1x128x128xf32, #tpu.memory_space<vmem>> -> memref<128x128xf32, #tpu.memory_space<vmem>>
      %dma_wait3A_160 = arith.constant 0 : i32
      %dma_wait3A_161 = arith.constant 0 : i32
      %dma_wait3A_162 = tpu.memref_slice %arg2[%dma_wait3A_160, %dma_wait3A_161] : memref<100000x128xf32, #tpu.memory_space<hbm>> -> memref<128x128xf32, #tpu.memory_space<hbm>>
      %dma_wait3A_163 = arith.constant 0 : i32
      %dma_wait3A_164 = arith.constant 0 : i32
      %dma_wait3A_165 = tpu.memref_slice %arg6[%dma_wait3A, %dma_wait3A_163, %dma_wait3A_164] : memref<3x128x128xf32, #tpu.memory_space<vmem>> -> memref<1x128x128xf32, #tpu.memory_space<vmem>>
      %dma_wait3A_166 = tpu.memref_squeeze %dma_wait3A_165 : memref<1x128x128xf32, #tpu.memory_space<vmem>> -> memref<128x128xf32, #tpu.memory_space<vmem>>
      %dma_wait3A_167 = arith.constant 0 : i32
      %dma_wait3A_168 = arith.constant 0 : i32
      %dma_wait3A_169 = tpu.memref_slice %arg2[%dma_wait3A_167, %dma_wait3A_168] : memref<100000x128xf32, #tpu.memory_space<hbm>> -> memref<128x128xf32, #tpu.memory_space<hbm>>
      tpu.wait_dma2 semaphore(%arg10 : memref<!tpu.dma_semaphore, #tpu.memory_space<semaphore_mem>>) src(%dma_wait3A_169 : memref<128x128xf32, #tpu.memory_space<hbm>>) dst(%dma_wait3A_166 : memref<128x128xf32, #tpu.memory_space<vmem>>)
      %dma_wait3A_170 = arith.constant 0 : i32
      %dma_wait3A_171 = arith.constant 0 : i32
      %dma_wait3A_172 = tpu.memref_slice %arg7[%dma_wait3A_170, %dma_wait3A_171] : memref<3x128xi32, #tpu.memory_space<vmem>> -> memref<1x128xi32, #tpu.memory_space<vmem>>
      %dma_wait3A_173 = tpu.memref_squeeze %dma_wait3A_172 : memref<1x128xi32, #tpu.memory_space<vmem>> -> memref<128xi32, #tpu.memory_space<vmem>>
      %dma_wait3A_174 = arith.constant 0 : i32
      %dma_wait3A_175 = tpu.memref_slice %arg3[%dma_wait3A_174] : memref<100128xi32, #tpu.memory_space<hbm>> -> memref<128xi32, #tpu.memory_space<hbm>>
      %dma_wait3A_176 = arith.constant 0 : i32
      %dma_wait3A_177 = tpu.memref_slice %arg7[%dma_wait3A_170, %dma_wait3A_176] : memref<3x128xi32, #tpu.memory_space<vmem>> -> memref<1x128xi32, #tpu.memory_space<vmem>>
      %dma_wait3A_178 = tpu.memref_squeeze %dma_wait3A_177 : memref<1x128xi32, #tpu.memory_space<vmem>> -> memref<128xi32, #tpu.memory_space<vmem>>
      %dma_wait3A_179 = arith.constant 0 : i32
      %dma_wait3A_180 = tpu.memref_slice %arg3[%dma_wait3A_179] : memref<100128xi32, #tpu.memory_space<hbm>> -> memref<128xi32, #tpu.memory_space<hbm>>
      tpu.wait_dma2 semaphore(%arg10 : memref<!tpu.dma_semaphore, #tpu.memory_space<semaphore_mem>>) src(%dma_wait3A_180 : memref<128xi32, #tpu.memory_space<hbm>>) dst(%dma_wait3A_178 : memref<128xi32, #tpu.memory_space<vmem>>)
      %run_scoped3A = arith.constant 0 : i32
      %run_scoped3A_181 = arith.constant 0 : i32
      "tpu.region"() ({
        %run_scoped3A_187 = tpu.sem_alloc : memref<!tpu.dma_semaphore, #tpu.memory_space<semaphore_mem>>
        %dma_start3A = arith.constant 0 : i32
        %dma_start3A_188 = arith.constant 0 : i32
        %dma_start3A_189 = tpu.memref_slice %arg6[%run_scoped3A, %dma_start3A, %dma_start3A_188] : memref<3x128x128xf32, #tpu.memory_space<vmem>> -> memref<1x128x128xf32, #tpu.memory_space<vmem>>
        %dma_start3A_190 = tpu.memref_squeeze %dma_start3A_189 : memref<1x128x128xf32, #tpu.memory_space<vmem>> -> memref<128x128xf32, #tpu.memory_space<vmem>>
        %dma_start3A_191 = arith.constant 0 : i32
        %dma_start3A_192 = tpu.memref_slice %arg7[%run_scoped3A_181, %dma_start3A_191] : memref<3x128xi32, #tpu.memory_space<vmem>> -> memref<1x128xi32, #tpu.memory_space<vmem>>
        %dma_start3A_193 = tpu.memref_squeeze %dma_start3A_192 : memref<1x128xi32, #tpu.memory_space<vmem>> -> memref<128xi32, #tpu.memory_space<vmem>>
        %dma_start3A_194 = arith.constant 0 : i32
        %dma_start3A_195 = arith.constant 0 : i32
        %dma_start3A_196 = tpu.memref_slice %arg9[%dma_start3A_194, %dma_start3A_195] : memref<72x128xf32, #tpu.memory_space<vmem_shared>> -> memref<72x128xf32, #tpu.memory_space<vmem_shared>>
        tpu.enqueue_indirect_dma source(%dma_start3A_190 : memref<128x128xf32, #tpu.memory_space<vmem>>) target(%dma_start3A_196 : memref<72x128xf32, #tpu.memory_space<vmem_shared>>) offsets(%dma_start3A_193 : memref<128xi32, #tpu.memory_space<vmem>>) semaphore(%run_scoped3A_187 : memref<!tpu.dma_semaphore, #tpu.memory_space<semaphore_mem>>) {add = true}
        %dma_wait3A_197 = arith.constant 0 : i32
        %dma_wait3A_198 = arith.constant 0 : i32
        %dma_wait3A_199 = tpu.memref_slice %arg6[%run_scoped3A, %dma_wait3A_197, %dma_wait3A_198] : memref<3x128x128xf32, #tpu.memory_space<vmem>> -> memref<1x128x128xf32, #tpu.memory_space<vmem>>
        %dma_wait3A_200 = tpu.memref_squeeze %dma_wait3A_199 : memref<1x128x128xf32, #tpu.memory_space<vmem>> -> memref<128x128xf32, #tpu.memory_space<vmem>>
        %dma_wait3A_201 = arith.constant 0 : i32
        %dma_wait3A_202 = tpu.memref_slice %arg7[%run_scoped3A_181, %dma_wait3A_201] : memref<3x128xi32, #tpu.memory_space<vmem>> -> memref<1x128xi32, #tpu.memory_space<vmem>>
        %dma_wait3A_203 = tpu.memref_squeeze %dma_wait3A_202 : memref<1x128xi32, #tpu.memory_space<vmem>> -> memref<128xi32, #tpu.memory_space<vmem>>
        %dma_wait3A_204 = arith.constant 0 : i32
        %dma_wait3A_205 = arith.constant 0 : i32
        %dma_wait3A_206 = tpu.memref_slice %arg9[%dma_wait3A_204, %dma_wait3A_205] : memref<72x128xf32, #tpu.memory_space<vmem_shared>> -> memref<72x128xf32, #tpu.memory_space<vmem_shared>>
        tpu.wait_indirect_dma semaphore(%run_scoped3A_187 : memref<!tpu.dma_semaphore, #tpu.memory_space<semaphore_mem>>) src(%dma_wait3A_200 : memref<128x128xf32, #tpu.memory_space<vmem>>) dst(%dma_wait3A_206 : memref<72x128xf32, #tpu.memory_space<vmem_shared>>)
        tpu.yield
      }) : () -> ()
      %gt3A_182 = arith.constant 9 : i32
      %gt3A_183 = arith.cmpi sgt, %add3A_8, %gt3A_182 : i32
      %convert_element_type3A_184 = arith.extui %gt3A_183 : i1 to i32
      %cond3A_185 = arith.constant 0 : i32
      %cond3A_186 = arith.cmpi ne, %convert_element_type3A_184, %cond3A_185 : i32
      scf.if %cond3A_186 {
        %add3A_187 = arith.constant 9 : i32
        %add3A_188 = arith.addi %add3A_4, %add3A_187 : i32
        %eq3A_189 = arith.constant 781 : i32
        %eq3A_190 = arith.cmpi eq, %add3A_188, %eq3A_189 : i32
        %mul3A_191 = arith.constant 128 : i32
        %mul3A_192 = arith.muli %add3A_188, %mul3A_191 : i32
        %jit3A_193 = arith.constant 99872 : i32
        %select_n3A_194 = arith.select %eq3A_190, %jit3A_193, %mul3A_192 : i32
        %multiple_of3A = tpu.assume_multiple %select_n3A_194, 8 : i32
        %eq3A_195 = arith.constant 781 : i32
        %eq3A_196 = arith.cmpi eq, %add3A_188, %eq3A_195 : i32
        %mul3A_197 = arith.constant 128 : i32
        %mul3A_198 = arith.muli %add3A_188, %mul3A_197 : i32
        %jit3A_199 = arith.constant 100000 : i32
        %select_n3A_200 = arith.select %eq3A_196, %jit3A_199, %mul3A_198 : i32
        %multiple_of3A_201 = tpu.assume_multiple %select_n3A_200, 8 : i32
        %dma_start3A = arith.constant 0 : i32
        %dma_start3A_202 = arith.constant 0 : i32
        %dma_start3A_203 = arith.constant 0 : i32
        %dma_start3A_204 = tpu.memref_slice %arg6[%dma_start3A, %dma_start3A_202, %dma_start3A_203] : memref<3x128x128xf32, #tpu.memory_space<vmem>> -> memref<1x128x128xf32, #tpu.memory_space<vmem>>
        %dma_start3A_205 = tpu.memref_squeeze %dma_start3A_204 : memref<1x128x128xf32, #tpu.memory_space<vmem>> -> memref<128x128xf32, #tpu.memory_space<vmem>>
        %dma_start3A_206 = arith.constant 0 : i32
        %dma_start3A_207 = tpu.memref_slice %arg2[%multiple_of3A, %dma_start3A_206] : memref<100000x128xf32, #tpu.memory_space<hbm>> -> memref<128x128xf32, #tpu.memory_space<hbm>>
        %dma_start3A_208 = arith.constant 0 : i32
        %dma_start3A_209 = arith.constant 0 : i32
        %dma_start3A_210 = tpu.memref_slice %arg6[%dma_start3A, %dma_start3A_208, %dma_start3A_209] : memref<3x128x128xf32, #tpu.memory_space<vmem>> -> memref<1x128x128xf32, #tpu.memory_space<vmem>>
        %dma_start3A_211 = tpu.memref_squeeze %dma_start3A_210 : memref<1x128x128xf32, #tpu.memory_space<vmem>> -> memref<128x128xf32, #tpu.memory_space<vmem>>
        %dma_start3A_212 = arith.constant 0 : i32
        %dma_start3A_213 = tpu.memref_slice %arg2[%multiple_of3A, %dma_start3A_212] : memref<100000x128xf32, #tpu.memory_space<hbm>> -> memref<128x128xf32, #tpu.memory_space<hbm>>
        tpu.enqueue_dma source(%dma_start3A_213 : memref<128x128xf32, #tpu.memory_space<hbm>>) target(%dma_start3A_211 : memref<128x128xf32, #tpu.memory_space<vmem>>) target_semaphore(%arg10 : memref<!tpu.dma_semaphore, #tpu.memory_space<semaphore_mem>>)
        %dma_start3A_214 = arith.constant 0 : i32
        %dma_start3A_215 = arith.constant 0 : i32
        %dma_start3A_216 = tpu.memref_slice %arg7[%dma_start3A_214, %dma_start3A_215] : memref<3x128xi32, #tpu.memory_space<vmem>> -> memref<1x128xi32, #tpu.memory_space<vmem>>
        %dma_start3A_217 = tpu.memref_squeeze %dma_start3A_216 : memref<1x128xi32, #tpu.memory_space<vmem>> -> memref<128xi32, #tpu.memory_space<vmem>>
        %dma_start3A_218 = tpu.memref_slice %arg3[%multiple_of3A_201] : memref<100128xi32, #tpu.memory_space<hbm>> -> memref<128xi32, #tpu.memory_space<hbm>>
        %dma_start3A_219 = arith.constant 0 : i32
        %dma_start3A_220 = tpu.memref_slice %arg7[%dma_start3A_214, %dma_start3A_219] : memref<3x128xi32, #tpu.memory_space<vmem>> -> memref<1x128xi32, #tpu.memory_space<vmem>>
        %dma_start3A_221 = tpu.memref_squeeze %dma_start3A_220 : memref<1x128xi32, #tpu.memory_space<vmem>> -> memref<128xi32, #tpu.memory_space<vmem>>
        %dma_start3A_222 = tpu.memref_slice %arg3[%multiple_of3A_201] : memref<100128xi32, #tpu.memory_space<hbm>> -> memref<128xi32, #tpu.memory_space<hbm>>
        tpu.enqueue_dma source(%dma_start3A_222 : memref<128xi32, #tpu.memory_space<hbm>>) target(%dma_start3A_221 : memref<128xi32, #tpu.memory_space<vmem>>) target_semaphore(%arg10 : memref<!tpu.dma_semaphore, #tpu.memory_space<semaphore_mem>>)
      } else {
      }
    } else {
    }
    %gt3A_60 = arith.constant 7 : i32
    %gt3A_61 = arith.cmpi sgt, %add3A_8, %gt3A_60 : i32
    %convert_element_type3A_62 = arith.extui %gt3A_61 : i1 to i32
    %cond3A_63 = arith.constant 0 : i32
    %cond3A_64 = arith.cmpi ne, %convert_element_type3A_62, %cond3A_63 : i32
    scf.if %cond3A_64 {
      %dma_wait3A = arith.constant 1 : i32
      %dma_wait3A_156 = arith.constant 0 : i32
      %dma_wait3A_157 = arith.constant 0 : i32
      %dma_wait3A_158 = tpu.memref_slice %arg6[%dma_wait3A, %dma_wait3A_156, %dma_wait3A_157] : memref<3x128x128xf32, #tpu.memory_space<vmem>> -> memref<1x128x128xf32, #tpu.memory_space<vmem>>
      %dma_wait3A_159 = tpu.memref_squeeze %dma_wait3A_158 : memref<1x128x128xf32, #tpu.memory_space<vmem>> -> memref<128x128xf32, #tpu.memory_space<vmem>>
      %dma_wait3A_160 = arith.constant 0 : i32
      %dma_wait3A_161 = arith.constant 0 : i32
      %dma_wait3A_162 = tpu.memref_slice %arg2[%dma_wait3A_160, %dma_wait3A_161] : memref<100000x128xf32, #tpu.memory_space<hbm>> -> memref<128x128xf32, #tpu.memory_space<hbm>>
      %dma_wait3A_163 = arith.constant 0 : i32
      %dma_wait3A_164 = arith.constant 0 : i32
      %dma_wait3A_165 = tpu.memref_slice %arg6[%dma_wait3A, %dma_wait3A_163, %dma_wait3A_164] : memref<3x128x128xf32, #tpu.memory_space<vmem>> -> memref<1x128x128xf32, #tpu.memory_space<vmem>>
      %dma_wait3A_166 = tpu.memref_squeeze %dma_wait3A_165 : memref<1x128x128xf32, #tpu.memory_space<vmem>> -> memref<128x128xf32, #tpu.memory_space<vmem>>
      %dma_wait3A_167 = arith.constant 0 : i32
      %dma_wait3A_168 = arith.constant 0 : i32
      %dma_wait3A_169 = tpu.memref_slice %arg2[%dma_wait3A_167, %dma_wait3A_168] : memref<100000x128xf32, #tpu.memory_space<hbm>> -> memref<128x128xf32, #tpu.memory_space<hbm>>
      tpu.wait_dma2 semaphore(%arg11 : memref<!tpu.dma_semaphore, #tpu.memory_space<semaphore_mem>>) src(%dma_wait3A_169 : memref<128x128xf32, #tpu.memory_space<hbm>>) dst(%dma_wait3A_166 : memref<128x128xf32, #tpu.memory_space<vmem>>)
      %dma_wait3A_170 = arith.constant 1 : i32
      %dma_wait3A_171 = arith.constant 0 : i32
      %dma_wait3A_172 = tpu.memref_slice %arg7[%dma_wait3A_170, %dma_wait3A_171] : memref<3x128xi32, #tpu.memory_space<vmem>> -> memref<1x128xi32, #tpu.memory_space<vmem>>
      %dma_wait3A_173 = tpu.memref_squeeze %dma_wait3A_172 : memref<1x128xi32, #tpu.memory_space<vmem>> -> memref<128xi32, #tpu.memory_space<vmem>>
      %dma_wait3A_174 = arith.constant 0 : i32
      %dma_wait3A_175 = tpu.memref_slice %arg3[%dma_wait3A_174] : memref<100128xi32, #tpu.memory_space<hbm>> -> memref<128xi32, #tpu.memory_space<hbm>>
      %dma_wait3A_176 = arith.constant 0 : i32
      %dma_wait3A_177 = tpu.memref_slice %arg7[%dma_wait3A_170, %dma_wait3A_176] : memref<3x128xi32, #tpu.memory_space<vmem>> -> memref<1x128xi32, #tpu.memory_space<vmem>>
      %dma_wait3A_178 = tpu.memref_squeeze %dma_wait3A_177 : memref<1x128xi32, #tpu.memory_space<vmem>> -> memref<128xi32, #tpu.memory_space<vmem>>
      %dma_wait3A_179 = arith.constant 0 : i32
      %dma_wait3A_180 = tpu.memref_slice %arg3[%dma_wait3A_179] : memref<100128xi32, #tpu.memory_space<hbm>> -> memref<128xi32, #tpu.memory_space<hbm>>
      tpu.wait_dma2 semaphore(%arg11 : memref<!tpu.dma_semaphore, #tpu.memory_space<semaphore_mem>>) src(%dma_wait3A_180 : memref<128xi32, #tpu.memory_space<hbm>>) dst(%dma_wait3A_178 : memref<128xi32, #tpu.memory_space<vmem>>)
      %run_scoped3A = arith.constant 1 : i32
      %run_scoped3A_181 = arith.constant 1 : i32
      "tpu.region"() ({
        %run_scoped3A_187 = tpu.sem_alloc : memref<!tpu.dma_semaphore, #tpu.memory_space<semaphore_mem>>
        %dma_start3A = arith.constant 0 : i32
        %dma_start3A_188 = arith.constant 0 : i32
        %dma_start3A_189 = tpu.memref_slice %arg6[%run_scoped3A, %dma_start3A, %dma_start3A_188] : memref<3x128x128xf32, #tpu.memory_space<vmem>> -> memref<1x128x128xf32, #tpu.memory_space<vmem>>
        %dma_start3A_190 = tpu.memref_squeeze %dma_start3A_189 : memref<1x128x128xf32, #tpu.memory_space<vmem>> -> memref<128x128xf32, #tpu.memory_space<vmem>>
        %dma_start3A_191 = arith.constant 0 : i32
        %dma_start3A_192 = tpu.memref_slice %arg7[%run_scoped3A_181, %dma_start3A_191] : memref<3x128xi32, #tpu.memory_space<vmem>> -> memref<1x128xi32, #tpu.memory_space<vmem>>
        %dma_start3A_193 = tpu.memref_squeeze %dma_start3A_192 : memref<1x128xi32, #tpu.memory_space<vmem>> -> memref<128xi32, #tpu.memory_space<vmem>>
        %dma_start3A_194 = arith.constant 0 : i32
        %dma_start3A_195 = arith.constant 0 : i32
        %dma_start3A_196 = tpu.memref_slice %arg9[%dma_start3A_194, %dma_start3A_195] : memref<72x128xf32, #tpu.memory_space<vmem_shared>> -> memref<72x128xf32, #tpu.memory_space<vmem_shared>>
        tpu.enqueue_indirect_dma source(%dma_start3A_190 : memref<128x128xf32, #tpu.memory_space<vmem>>) target(%dma_start3A_196 : memref<72x128xf32, #tpu.memory_space<vmem_shared>>) offsets(%dma_start3A_193 : memref<128xi32, #tpu.memory_space<vmem>>) semaphore(%run_scoped3A_187 : memref<!tpu.dma_semaphore, #tpu.memory_space<semaphore_mem>>) {add = true}
        %dma_wait3A_197 = arith.constant 0 : i32
        %dma_wait3A_198 = arith.constant 0 : i32
        %dma_wait3A_199 = tpu.memref_slice %arg6[%run_scoped3A, %dma_wait3A_197, %dma_wait3A_198] : memref<3x128x128xf32, #tpu.memory_space<vmem>> -> memref<1x128x128xf32, #tpu.memory_space<vmem>>
        %dma_wait3A_200 = tpu.memref_squeeze %dma_wait3A_199 : memref<1x128x128xf32, #tpu.memory_space<vmem>> -> memref<128x128xf32, #tpu.memory_space<vmem>>
        %dma_wait3A_201 = arith.constant 0 : i32
        %dma_wait3A_202 = tpu.memref_slice %arg7[%run_scoped3A_181, %dma_wait3A_201] : memref<3x128xi32, #tpu.memory_space<vmem>> -> memref<1x128xi32, #tpu.memory_space<vmem>>
        %dma_wait3A_203 = tpu.memref_squeeze %dma_wait3A_202 : memref<1x128xi32, #tpu.memory_space<vmem>> -> memref<128xi32, #tpu.memory_space<vmem>>
        %dma_wait3A_204 = arith.constant 0 : i32
        %dma_wait3A_205 = arith.constant 0 : i32
        %dma_wait3A_206 = tpu.memref_slice %arg9[%dma_wait3A_204, %dma_wait3A_205] : memref<72x128xf32, #tpu.memory_space<vmem_shared>> -> memref<72x128xf32, #tpu.memory_space<vmem_shared>>
        tpu.wait_indirect_dma semaphore(%run_scoped3A_187 : memref<!tpu.dma_semaphore, #tpu.memory_space<semaphore_mem>>) src(%dma_wait3A_200 : memref<128x128xf32, #tpu.memory_space<vmem>>) dst(%dma_wait3A_206 : memref<72x128xf32, #tpu.memory_space<vmem_shared>>)
        tpu.yield
      }) : () -> ()
      %gt3A_182 = arith.constant 10 : i32
      %gt3A_183 = arith.cmpi sgt, %add3A_8, %gt3A_182 : i32
      %convert_element_type3A_184 = arith.extui %gt3A_183 : i1 to i32
      %cond3A_185 = arith.constant 0 : i32
      %cond3A_186 = arith.cmpi ne, %convert_element_type3A_184, %cond3A_185 : i32
      scf.if %cond3A_186 {
        %add3A_187 = arith.constant 10 : i32
        %add3A_188 = arith.addi %add3A_4, %add3A_187 : i32
        %eq3A_189 = arith.constant 781 : i32
        %eq3A_190 = arith.cmpi eq, %add3A_188, %eq3A_189 : i32
        %mul3A_191 = arith.constant 128 : i32
        %mul3A_192 = arith.muli %add3A_188, %mul3A_191 : i32
        %jit3A_193 = arith.constant 99872 : i32
        %select_n3A_194 = arith.select %eq3A_190, %jit3A_193, %mul3A_192 : i32
        %multiple_of3A = tpu.assume_multiple %select_n3A_194, 8 : i32
        %eq3A_195 = arith.constant 781 : i32
        %eq3A_196 = arith.cmpi eq, %add3A_188, %eq3A_195 : i32
        %mul3A_197 = arith.constant 128 : i32
        %mul3A_198 = arith.muli %add3A_188, %mul3A_197 : i32
        %jit3A_199 = arith.constant 100000 : i32
        %select_n3A_200 = arith.select %eq3A_196, %jit3A_199, %mul3A_198 : i32
        %multiple_of3A_201 = tpu.assume_multiple %select_n3A_200, 8 : i32
        %dma_start3A = arith.constant 1 : i32
        %dma_start3A_202 = arith.constant 0 : i32
        %dma_start3A_203 = arith.constant 0 : i32
        %dma_start3A_204 = tpu.memref_slice %arg6[%dma_start3A, %dma_start3A_202, %dma_start3A_203] : memref<3x128x128xf32, #tpu.memory_space<vmem>> -> memref<1x128x128xf32, #tpu.memory_space<vmem>>
        %dma_start3A_205 = tpu.memref_squeeze %dma_start3A_204 : memref<1x128x128xf32, #tpu.memory_space<vmem>> -> memref<128x128xf32, #tpu.memory_space<vmem>>
        %dma_start3A_206 = arith.constant 0 : i32
        %dma_start3A_207 = tpu.memref_slice %arg2[%multiple_of3A, %dma_start3A_206] : memref<100000x128xf32, #tpu.memory_space<hbm>> -> memref<128x128xf32, #tpu.memory_space<hbm>>
        %dma_start3A_208 = arith.constant 0 : i32
        %dma_start3A_209 = arith.constant 0 : i32
        %dma_start3A_210 = tpu.memref_slice %arg6[%dma_start3A, %dma_start3A_208, %dma_start3A_209] : memref<3x128x128xf32, #tpu.memory_space<vmem>> -> memref<1x128x128xf32, #tpu.memory_space<vmem>>
        %dma_start3A_211 = tpu.memref_squeeze %dma_start3A_210 : memref<1x128x128xf32, #tpu.memory_space<vmem>> -> memref<128x128xf32, #tpu.memory_space<vmem>>
        %dma_start3A_212 = arith.constant 0 : i32
        %dma_start3A_213 = tpu.memref_slice %arg2[%multiple_of3A, %dma_start3A_212] : memref<100000x128xf32, #tpu.memory_space<hbm>> -> memref<128x128xf32, #tpu.memory_space<hbm>>
        tpu.enqueue_dma source(%dma_start3A_213 : memref<128x128xf32, #tpu.memory_space<hbm>>) target(%dma_start3A_211 : memref<128x128xf32, #tpu.memory_space<vmem>>) target_semaphore(%arg11 : memref<!tpu.dma_semaphore, #tpu.memory_space<semaphore_mem>>)
        %dma_start3A_214 = arith.constant 1 : i32
        %dma_start3A_215 = arith.constant 0 : i32
        %dma_start3A_216 = tpu.memref_slice %arg7[%dma_start3A_214, %dma_start3A_215] : memref<3x128xi32, #tpu.memory_space<vmem>> -> memref<1x128xi32, #tpu.memory_space<vmem>>
        %dma_start3A_217 = tpu.memref_squeeze %dma_start3A_216 : memref<1x128xi32, #tpu.memory_space<vmem>> -> memref<128xi32, #tpu.memory_space<vmem>>
        %dma_start3A_218 = tpu.memref_slice %arg3[%multiple_of3A_201] : memref<100128xi32, #tpu.memory_space<hbm>> -> memref<128xi32, #tpu.memory_space<hbm>>
        %dma_start3A_219 = arith.constant 0 : i32
        %dma_start3A_220 = tpu.memref_slice %arg7[%dma_start3A_214, %dma_start3A_219] : memref<3x128xi32, #tpu.memory_space<vmem>> -> memref<1x128xi32, #tpu.memory_space<vmem>>
        %dma_start3A_221 = tpu.memref_squeeze %dma_start3A_220 : memref<1x128xi32, #tpu.memory_space<vmem>> -> memref<128xi32, #tpu.memory_space<vmem>>
        %dma_start3A_222 = tpu.memref_slice %arg3[%multiple_of3A_201] : memref<100128xi32, #tpu.memory_space<hbm>> -> memref<128xi32, #tpu.memory_space<hbm>>
        tpu.enqueue_dma source(%dma_start3A_222 : memref<128xi32, #tpu.memory_space<hbm>>) target(%dma_start3A_221 : memref<128xi32, #tpu.memory_space<vmem>>) target_semaphore(%arg11 : memref<!tpu.dma_semaphore, #tpu.memory_space<semaphore_mem>>)
      } else {
      }
    } else {
    }
    %gt3A_65 = arith.constant 8 : i32
    %gt3A_66 = arith.cmpi sgt, %add3A_8, %gt3A_65 : i32
    %convert_element_type3A_67 = arith.extui %gt3A_66 : i1 to i32
    %cond3A_68 = arith.constant 0 : i32
    %cond3A_69 = arith.cmpi ne, %convert_element_type3A_67, %cond3A_68 : i32
    scf.if %cond3A_69 {
      %dma_wait3A = arith.constant 2 : i32
      %dma_wait3A_156 = arith.constant 0 : i32
      %dma_wait3A_157 = arith.constant 0 : i32
      %dma_wait3A_158 = tpu.memref_slice %arg6[%dma_wait3A, %dma_wait3A_156, %dma_wait3A_157] : memref<3x128x128xf32, #tpu.memory_space<vmem>> -> memref<1x128x128xf32, #tpu.memory_space<vmem>>
      %dma_wait3A_159 = tpu.memref_squeeze %dma_wait3A_158 : memref<1x128x128xf32, #tpu.memory_space<vmem>> -> memref<128x128xf32, #tpu.memory_space<vmem>>
      %dma_wait3A_160 = arith.constant 0 : i32
      %dma_wait3A_161 = arith.constant 0 : i32
      %dma_wait3A_162 = tpu.memref_slice %arg2[%dma_wait3A_160, %dma_wait3A_161] : memref<100000x128xf32, #tpu.memory_space<hbm>> -> memref<128x128xf32, #tpu.memory_space<hbm>>
      %dma_wait3A_163 = arith.constant 0 : i32
      %dma_wait3A_164 = arith.constant 0 : i32
      %dma_wait3A_165 = tpu.memref_slice %arg6[%dma_wait3A, %dma_wait3A_163, %dma_wait3A_164] : memref<3x128x128xf32, #tpu.memory_space<vmem>> -> memref<1x128x128xf32, #tpu.memory_space<vmem>>
      %dma_wait3A_166 = tpu.memref_squeeze %dma_wait3A_165 : memref<1x128x128xf32, #tpu.memory_space<vmem>> -> memref<128x128xf32, #tpu.memory_space<vmem>>
      %dma_wait3A_167 = arith.constant 0 : i32
      %dma_wait3A_168 = arith.constant 0 : i32
      %dma_wait3A_169 = tpu.memref_slice %arg2[%dma_wait3A_167, %dma_wait3A_168] : memref<100000x128xf32, #tpu.memory_space<hbm>> -> memref<128x128xf32, #tpu.memory_space<hbm>>
      tpu.wait_dma2 semaphore(%arg12 : memref<!tpu.dma_semaphore, #tpu.memory_space<semaphore_mem>>) src(%dma_wait3A_169 : memref<128x128xf32, #tpu.memory_space<hbm>>) dst(%dma_wait3A_166 : memref<128x128xf32, #tpu.memory_space<vmem>>)
      %dma_wait3A_170 = arith.constant 2 : i32
      %dma_wait3A_171 = arith.constant 0 : i32
      %dma_wait3A_172 = tpu.memref_slice %arg7[%dma_wait3A_170, %dma_wait3A_171] : memref<3x128xi32, #tpu.memory_space<vmem>> -> memref<1x128xi32, #tpu.memory_space<vmem>>
      %dma_wait3A_173 = tpu.memref_squeeze %dma_wait3A_172 : memref<1x128xi32, #tpu.memory_space<vmem>> -> memref<128xi32, #tpu.memory_space<vmem>>
      %dma_wait3A_174 = arith.constant 0 : i32
      %dma_wait3A_175 = tpu.memref_slice %arg3[%dma_wait3A_174] : memref<100128xi32, #tpu.memory_space<hbm>> -> memref<128xi32, #tpu.memory_space<hbm>>
      %dma_wait3A_176 = arith.constant 0 : i32
      %dma_wait3A_177 = tpu.memref_slice %arg7[%dma_wait3A_170, %dma_wait3A_176] : memref<3x128xi32, #tpu.memory_space<vmem>> -> memref<1x128xi32, #tpu.memory_space<vmem>>
      %dma_wait3A_178 = tpu.memref_squeeze %dma_wait3A_177 : memref<1x128xi32, #tpu.memory_space<vmem>> -> memref<128xi32, #tpu.memory_space<vmem>>
      %dma_wait3A_179 = arith.constant 0 : i32
      %dma_wait3A_180 = tpu.memref_slice %arg3[%dma_wait3A_179] : memref<100128xi32, #tpu.memory_space<hbm>> -> memref<128xi32, #tpu.memory_space<hbm>>
      tpu.wait_dma2 semaphore(%arg12 : memref<!tpu.dma_semaphore, #tpu.memory_space<semaphore_mem>>) src(%dma_wait3A_180 : memref<128xi32, #tpu.memory_space<hbm>>) dst(%dma_wait3A_178 : memref<128xi32, #tpu.memory_space<vmem>>)
      %run_scoped3A = arith.constant 2 : i32
      %run_scoped3A_181 = arith.constant 2 : i32
      "tpu.region"() ({
        %run_scoped3A_187 = tpu.sem_alloc : memref<!tpu.dma_semaphore, #tpu.memory_space<semaphore_mem>>
        %dma_start3A = arith.constant 0 : i32
        %dma_start3A_188 = arith.constant 0 : i32
        %dma_start3A_189 = tpu.memref_slice %arg6[%run_scoped3A, %dma_start3A, %dma_start3A_188] : memref<3x128x128xf32, #tpu.memory_space<vmem>> -> memref<1x128x128xf32, #tpu.memory_space<vmem>>
        %dma_start3A_190 = tpu.memref_squeeze %dma_start3A_189 : memref<1x128x128xf32, #tpu.memory_space<vmem>> -> memref<128x128xf32, #tpu.memory_space<vmem>>
        %dma_start3A_191 = arith.constant 0 : i32
        %dma_start3A_192 = tpu.memref_slice %arg7[%run_scoped3A_181, %dma_start3A_191] : memref<3x128xi32, #tpu.memory_space<vmem>> -> memref<1x128xi32, #tpu.memory_space<vmem>>
        %dma_start3A_193 = tpu.memref_squeeze %dma_start3A_192 : memref<1x128xi32, #tpu.memory_space<vmem>> -> memref<128xi32, #tpu.memory_space<vmem>>
        %dma_start3A_194 = arith.constant 0 : i32
        %dma_start3A_195 = arith.constant 0 : i32
        %dma_start3A_196 = tpu.memref_slice %arg9[%dma_start3A_194, %dma_start3A_195] : memref<72x128xf32, #tpu.memory_space<vmem_shared>> -> memref<72x128xf32, #tpu.memory_space<vmem_shared>>
        tpu.enqueue_indirect_dma source(%dma_start3A_190 : memref<128x128xf32, #tpu.memory_space<vmem>>) target(%dma_start3A_196 : memref<72x128xf32, #tpu.memory_space<vmem_shared>>) offsets(%dma_start3A_193 : memref<128xi32, #tpu.memory_space<vmem>>) semaphore(%run_scoped3A_187 : memref<!tpu.dma_semaphore, #tpu.memory_space<semaphore_mem>>) {add = true}
        %dma_wait3A_197 = arith.constant 0 : i32
        %dma_wait3A_198 = arith.constant 0 : i32
        %dma_wait3A_199 = tpu.memref_slice %arg6[%run_scoped3A, %dma_wait3A_197, %dma_wait3A_198] : memref<3x128x128xf32, #tpu.memory_space<vmem>> -> memref<1x128x128xf32, #tpu.memory_space<vmem>>
        %dma_wait3A_200 = tpu.memref_squeeze %dma_wait3A_199 : memref<1x128x128xf32, #tpu.memory_space<vmem>> -> memref<128x128xf32, #tpu.memory_space<vmem>>
        %dma_wait3A_201 = arith.constant 0 : i32
        %dma_wait3A_202 = tpu.memref_slice %arg7[%run_scoped3A_181, %dma_wait3A_201] : memref<3x128xi32, #tpu.memory_space<vmem>> -> memref<1x128xi32, #tpu.memory_space<vmem>>
        %dma_wait3A_203 = tpu.memref_squeeze %dma_wait3A_202 : memref<1x128xi32, #tpu.memory_space<vmem>> -> memref<128xi32, #tpu.memory_space<vmem>>
        %dma_wait3A_204 = arith.constant 0 : i32
        %dma_wait3A_205 = arith.constant 0 : i32
        %dma_wait3A_206 = tpu.memref_slice %arg9[%dma_wait3A_204, %dma_wait3A_205] : memref<72x128xf32, #tpu.memory_space<vmem_shared>> -> memref<72x128xf32, #tpu.memory_space<vmem_shared>>
        tpu.wait_indirect_dma semaphore(%run_scoped3A_187 : memref<!tpu.dma_semaphore, #tpu.memory_space<semaphore_mem>>) src(%dma_wait3A_200 : memref<128x128xf32, #tpu.memory_space<vmem>>) dst(%dma_wait3A_206 : memref<72x128xf32, #tpu.memory_space<vmem_shared>>)
        tpu.yield
      }) : () -> ()
      %gt3A_182 = arith.constant 11 : i32
      %gt3A_183 = arith.cmpi sgt, %add3A_8, %gt3A_182 : i32
      %convert_element_type3A_184 = arith.extui %gt3A_183 : i1 to i32
      %cond3A_185 = arith.constant 0 : i32
      %cond3A_186 = arith.cmpi ne, %convert_element_type3A_184, %cond3A_185 : i32
      scf.if %cond3A_186 {
        %add3A_187 = arith.constant 11 : i32
        %add3A_188 = arith.addi %add3A_4, %add3A_187 : i32
        %eq3A_189 = arith.constant 781 : i32
        %eq3A_190 = arith.cmpi eq, %add3A_188, %eq3A_189 : i32
        %mul3A_191 = arith.constant 128 : i32
        %mul3A_192 = arith.muli %add3A_188, %mul3A_191 : i32
        %jit3A_193 = arith.constant 99872 : i32
        %select_n3A_194 = arith.select %eq3A_190, %jit3A_193, %mul3A_192 : i32
        %multiple_of3A = tpu.assume_multiple %select_n3A_194, 8 : i32
        %eq3A_195 = arith.constant 781 : i32
        %eq3A_196 = arith.cmpi eq, %add3A_188, %eq3A_195 : i32
        %mul3A_197 = arith.constant 128 : i32
        %mul3A_198 = arith.muli %add3A_188, %mul3A_197 : i32
        %jit3A_199 = arith.constant 100000 : i32
        %select_n3A_200 = arith.select %eq3A_196, %jit3A_199, %mul3A_198 : i32
        %multiple_of3A_201 = tpu.assume_multiple %select_n3A_200, 8 : i32
        %dma_start3A = arith.constant 2 : i32
        %dma_start3A_202 = arith.constant 0 : i32
        %dma_start3A_203 = arith.constant 0 : i32
        %dma_start3A_204 = tpu.memref_slice %arg6[%dma_start3A, %dma_start3A_202, %dma_start3A_203] : memref<3x128x128xf32, #tpu.memory_space<vmem>> -> memref<1x128x128xf32, #tpu.memory_space<vmem>>
        %dma_start3A_205 = tpu.memref_squeeze %dma_start3A_204 : memref<1x128x128xf32, #tpu.memory_space<vmem>> -> memref<128x128xf32, #tpu.memory_space<vmem>>
        %dma_start3A_206 = arith.constant 0 : i32
        %dma_start3A_207 = tpu.memref_slice %arg2[%multiple_of3A, %dma_start3A_206] : memref<100000x128xf32, #tpu.memory_space<hbm>> -> memref<128x128xf32, #tpu.memory_space<hbm>>
        %dma_start3A_208 = arith.constant 0 : i32
        %dma_start3A_209 = arith.constant 0 : i32
        %dma_start3A_210 = tpu.memref_slice %arg6[%dma_start3A, %dma_start3A_208, %dma_start3A_209] : memref<3x128x128xf32, #tpu.memory_space<vmem>> -> memref<1x128x128xf32, #tpu.memory_space<vmem>>
        %dma_start3A_211 = tpu.memref_squeeze %dma_start3A_210 : memref<1x128x128xf32, #tpu.memory_space<vmem>> -> memref<128x128xf32, #tpu.memory_space<vmem>>
        %dma_start3A_212 = arith.constant 0 : i32
        %dma_start3A_213 = tpu.memref_slice %arg2[%multiple_of3A, %dma_start3A_212] : memref<100000x128xf32, #tpu.memory_space<hbm>> -> memref<128x128xf32, #tpu.memory_space<hbm>>
        tpu.enqueue_dma source(%dma_start3A_213 : memref<128x128xf32, #tpu.memory_space<hbm>>) target(%dma_start3A_211 : memref<128x128xf32, #tpu.memory_space<vmem>>) target_semaphore(%arg12 : memref<!tpu.dma_semaphore, #tpu.memory_space<semaphore_mem>>)
        %dma_start3A_214 = arith.constant 2 : i32
        %dma_start3A_215 = arith.constant 0 : i32
        %dma_start3A_216 = tpu.memref_slice %arg7[%dma_start3A_214, %dma_start3A_215] : memref<3x128xi32, #tpu.memory_space<vmem>> -> memref<1x128xi32, #tpu.memory_space<vmem>>
        %dma_start3A_217 = tpu.memref_squeeze %dma_start3A_216 : memref<1x128xi32, #tpu.memory_space<vmem>> -> memref<128xi32, #tpu.memory_space<vmem>>
        %dma_start3A_218 = tpu.memref_slice %arg3[%multiple_of3A_201] : memref<100128xi32, #tpu.memory_space<hbm>> -> memref<128xi32, #tpu.memory_space<hbm>>
        %dma_start3A_219 = arith.constant 0 : i32
        %dma_start3A_220 = tpu.memref_slice %arg7[%dma_start3A_214, %dma_start3A_219] : memref<3x128xi32, #tpu.memory_space<vmem>> -> memref<1x128xi32, #tpu.memory_space<vmem>>
        %dma_start3A_221 = tpu.memref_squeeze %dma_start3A_220 : memref<1x128xi32, #tpu.memory_space<vmem>> -> memref<128xi32, #tpu.memory_space<vmem>>
        %dma_start3A_222 = tpu.memref_slice %arg3[%multiple_of3A_201] : memref<100128xi32, #tpu.memory_space<hbm>> -> memref<128xi32, #tpu.memory_space<hbm>>
        tpu.enqueue_dma source(%dma_start3A_222 : memref<128xi32, #tpu.memory_space<hbm>>) target(%dma_start3A_221 : memref<128xi32, #tpu.memory_space<vmem>>) target_semaphore(%arg12 : memref<!tpu.dma_semaphore, #tpu.memory_space<semaphore_mem>>)
      } else {
      }
    } else {
    }
    %gt3A_70 = arith.constant 9 : i32
    %gt3A_71 = arith.cmpi sgt, %add3A_8, %gt3A_70 : i32
    %convert_element_type3A_72 = arith.extui %gt3A_71 : i1 to i32
    %cond3A_73 = arith.constant 0 : i32
    %cond3A_74 = arith.cmpi ne, %convert_element_type3A_72, %cond3A_73 : i32
    scf.if %cond3A_74 {
      %dma_wait3A = arith.constant 0 : i32
      %dma_wait3A_156 = arith.constant 0 : i32
      %dma_wait3A_157 = arith.constant 0 : i32
      %dma_wait3A_158 = tpu.memref_slice %arg6[%dma_wait3A, %dma_wait3A_156, %dma_wait3A_157] : memref<3x128x128xf32, #tpu.memory_space<vmem>> -> memref<1x128x128xf32, #tpu.memory_space<vmem>>
      %dma_wait3A_159 = tpu.memref_squeeze %dma_wait3A_158 : memref<1x128x128xf32, #tpu.memory_space<vmem>> -> memref<128x128xf32, #tpu.memory_space<vmem>>
      %dma_wait3A_160 = arith.constant 0 : i32
      %dma_wait3A_161 = arith.constant 0 : i32
      %dma_wait3A_162 = tpu.memref_slice %arg2[%dma_wait3A_160, %dma_wait3A_161] : memref<100000x128xf32, #tpu.memory_space<hbm>> -> memref<128x128xf32, #tpu.memory_space<hbm>>
      %dma_wait3A_163 = arith.constant 0 : i32
      %dma_wait3A_164 = arith.constant 0 : i32
      %dma_wait3A_165 = tpu.memref_slice %arg6[%dma_wait3A, %dma_wait3A_163, %dma_wait3A_164] : memref<3x128x128xf32, #tpu.memory_space<vmem>> -> memref<1x128x128xf32, #tpu.memory_space<vmem>>
      %dma_wait3A_166 = tpu.memref_squeeze %dma_wait3A_165 : memref<1x128x128xf32, #tpu.memory_space<vmem>> -> memref<128x128xf32, #tpu.memory_space<vmem>>
      %dma_wait3A_167 = arith.constant 0 : i32
      %dma_wait3A_168 = arith.constant 0 : i32
      %dma_wait3A_169 = tpu.memref_slice %arg2[%dma_wait3A_167, %dma_wait3A_168] : memref<100000x128xf32, #tpu.memory_space<hbm>> -> memref<128x128xf32, #tpu.memory_space<hbm>>
      tpu.wait_dma2 semaphore(%arg10 : memref<!tpu.dma_semaphore, #tpu.memory_space<semaphore_mem>>) src(%dma_wait3A_169 : memref<128x128xf32, #tpu.memory_space<hbm>>) dst(%dma_wait3A_166 : memref<128x128xf32, #tpu.memory_space<vmem>>)
      %dma_wait3A_170 = arith.constant 0 : i32
      %dma_wait3A_171 = arith.constant 0 : i32
      %dma_wait3A_172 = tpu.memref_slice %arg7[%dma_wait3A_170, %dma_wait3A_171] : memref<3x128xi32, #tpu.memory_space<vmem>> -> memref<1x128xi32, #tpu.memory_space<vmem>>
      %dma_wait3A_173 = tpu.memref_squeeze %dma_wait3A_172 : memref<1x128xi32, #tpu.memory_space<vmem>> -> memref<128xi32, #tpu.memory_space<vmem>>
      %dma_wait3A_174 = arith.constant 0 : i32
      %dma_wait3A_175 = tpu.memref_slice %arg3[%dma_wait3A_174] : memref<100128xi32, #tpu.memory_space<hbm>> -> memref<128xi32, #tpu.memory_space<hbm>>
      %dma_wait3A_176 = arith.constant 0 : i32
      %dma_wait3A_177 = tpu.memref_slice %arg7[%dma_wait3A_170, %dma_wait3A_176] : memref<3x128xi32, #tpu.memory_space<vmem>> -> memref<1x128xi32, #tpu.memory_space<vmem>>
      %dma_wait3A_178 = tpu.memref_squeeze %dma_wait3A_177 : memref<1x128xi32, #tpu.memory_space<vmem>> -> memref<128xi32, #tpu.memory_space<vmem>>
      %dma_wait3A_179 = arith.constant 0 : i32
      %dma_wait3A_180 = tpu.memref_slice %arg3[%dma_wait3A_179] : memref<100128xi32, #tpu.memory_space<hbm>> -> memref<128xi32, #tpu.memory_space<hbm>>
      tpu.wait_dma2 semaphore(%arg10 : memref<!tpu.dma_semaphore, #tpu.memory_space<semaphore_mem>>) src(%dma_wait3A_180 : memref<128xi32, #tpu.memory_space<hbm>>) dst(%dma_wait3A_178 : memref<128xi32, #tpu.memory_space<vmem>>)
      %run_scoped3A = arith.constant 0 : i32
      %run_scoped3A_181 = arith.constant 0 : i32
      "tpu.region"() ({
        %run_scoped3A_187 = tpu.sem_alloc : memref<!tpu.dma_semaphore, #tpu.memory_space<semaphore_mem>>
        %dma_start3A = arith.constant 0 : i32
        %dma_start3A_188 = arith.constant 0 : i32
        %dma_start3A_189 = tpu.memref_slice %arg6[%run_scoped3A, %dma_start3A, %dma_start3A_188] : memref<3x128x128xf32, #tpu.memory_space<vmem>> -> memref<1x128x128xf32, #tpu.memory_space<vmem>>
        %dma_start3A_190 = tpu.memref_squeeze %dma_start3A_189 : memref<1x128x128xf32, #tpu.memory_space<vmem>> -> memref<128x128xf32, #tpu.memory_space<vmem>>
        %dma_start3A_191 = arith.constant 0 : i32
        %dma_start3A_192 = tpu.memref_slice %arg7[%run_scoped3A_181, %dma_start3A_191] : memref<3x128xi32, #tpu.memory_space<vmem>> -> memref<1x128xi32, #tpu.memory_space<vmem>>
        %dma_start3A_193 = tpu.memref_squeeze %dma_start3A_192 : memref<1x128xi32, #tpu.memory_space<vmem>> -> memref<128xi32, #tpu.memory_space<vmem>>
        %dma_start3A_194 = arith.constant 0 : i32
        %dma_start3A_195 = arith.constant 0 : i32
        %dma_start3A_196 = tpu.memref_slice %arg9[%dma_start3A_194, %dma_start3A_195] : memref<72x128xf32, #tpu.memory_space<vmem_shared>> -> memref<72x128xf32, #tpu.memory_space<vmem_shared>>
        tpu.enqueue_indirect_dma source(%dma_start3A_190 : memref<128x128xf32, #tpu.memory_space<vmem>>) target(%dma_start3A_196 : memref<72x128xf32, #tpu.memory_space<vmem_shared>>) offsets(%dma_start3A_193 : memref<128xi32, #tpu.memory_space<vmem>>) semaphore(%run_scoped3A_187 : memref<!tpu.dma_semaphore, #tpu.memory_space<semaphore_mem>>) {add = true}
        %dma_wait3A_197 = arith.constant 0 : i32
        %dma_wait3A_198 = arith.constant 0 : i32
        %dma_wait3A_199 = tpu.memref_slice %arg6[%run_scoped3A, %dma_wait3A_197, %dma_wait3A_198] : memref<3x128x128xf32, #tpu.memory_space<vmem>> -> memref<1x128x128xf32, #tpu.memory_space<vmem>>
        %dma_wait3A_200 = tpu.memref_squeeze %dma_wait3A_199 : memref<1x128x128xf32, #tpu.memory_space<vmem>> -> memref<128x128xf32, #tpu.memory_space<vmem>>
        %dma_wait3A_201 = arith.constant 0 : i32
        %dma_wait3A_202 = tpu.memref_slice %arg7[%run_scoped3A_181, %dma_wait3A_201] : memref<3x128xi32, #tpu.memory_space<vmem>> -> memref<1x128xi32, #tpu.memory_space<vmem>>
        %dma_wait3A_203 = tpu.memref_squeeze %dma_wait3A_202 : memref<1x128xi32, #tpu.memory_space<vmem>> -> memref<128xi32, #tpu.memory_space<vmem>>
        %dma_wait3A_204 = arith.constant 0 : i32
        %dma_wait3A_205 = arith.constant 0 : i32
        %dma_wait3A_206 = tpu.memref_slice %arg9[%dma_wait3A_204, %dma_wait3A_205] : memref<72x128xf32, #tpu.memory_space<vmem_shared>> -> memref<72x128xf32, #tpu.memory_space<vmem_shared>>
        tpu.wait_indirect_dma semaphore(%run_scoped3A_187 : memref<!tpu.dma_semaphore, #tpu.memory_space<semaphore_mem>>) src(%dma_wait3A_200 : memref<128x128xf32, #tpu.memory_space<vmem>>) dst(%dma_wait3A_206 : memref<72x128xf32, #tpu.memory_space<vmem_shared>>)
        tpu.yield
      }) : () -> ()
      %gt3A_182 = arith.constant 12 : i32
      %gt3A_183 = arith.cmpi sgt, %add3A_8, %gt3A_182 : i32
      %convert_element_type3A_184 = arith.extui %gt3A_183 : i1 to i32
      %cond3A_185 = arith.constant 0 : i32
      %cond3A_186 = arith.cmpi ne, %convert_element_type3A_184, %cond3A_185 : i32
      scf.if %cond3A_186 {
        %add3A_187 = arith.constant 12 : i32
        %add3A_188 = arith.addi %add3A_4, %add3A_187 : i32
        %eq3A_189 = arith.constant 781 : i32
        %eq3A_190 = arith.cmpi eq, %add3A_188, %eq3A_189 : i32
        %mul3A_191 = arith.constant 128 : i32
        %mul3A_192 = arith.muli %add3A_188, %mul3A_191 : i32
        %jit3A_193 = arith.constant 99872 : i32
        %select_n3A_194 = arith.select %eq3A_190, %jit3A_193, %mul3A_192 : i32
        %multiple_of3A = tpu.assume_multiple %select_n3A_194, 8 : i32
        %eq3A_195 = arith.constant 781 : i32
        %eq3A_196 = arith.cmpi eq, %add3A_188, %eq3A_195 : i32
        %mul3A_197 = arith.constant 128 : i32
        %mul3A_198 = arith.muli %add3A_188, %mul3A_197 : i32
        %jit3A_199 = arith.constant 100000 : i32
        %select_n3A_200 = arith.select %eq3A_196, %jit3A_199, %mul3A_198 : i32
        %multiple_of3A_201 = tpu.assume_multiple %select_n3A_200, 8 : i32
        %dma_start3A = arith.constant 0 : i32
        %dma_start3A_202 = arith.constant 0 : i32
        %dma_start3A_203 = arith.constant 0 : i32
        %dma_start3A_204 = tpu.memref_slice %arg6[%dma_start3A, %dma_start3A_202, %dma_start3A_203] : memref<3x128x128xf32, #tpu.memory_space<vmem>> -> memref<1x128x128xf32, #tpu.memory_space<vmem>>
        %dma_start3A_205 = tpu.memref_squeeze %dma_start3A_204 : memref<1x128x128xf32, #tpu.memory_space<vmem>> -> memref<128x128xf32, #tpu.memory_space<vmem>>
        %dma_start3A_206 = arith.constant 0 : i32
        %dma_start3A_207 = tpu.memref_slice %arg2[%multiple_of3A, %dma_start3A_206] : memref<100000x128xf32, #tpu.memory_space<hbm>> -> memref<128x128xf32, #tpu.memory_space<hbm>>
        %dma_start3A_208 = arith.constant 0 : i32
        %dma_start3A_209 = arith.constant 0 : i32
        %dma_start3A_210 = tpu.memref_slice %arg6[%dma_start3A, %dma_start3A_208, %dma_start3A_209] : memref<3x128x128xf32, #tpu.memory_space<vmem>> -> memref<1x128x128xf32, #tpu.memory_space<vmem>>
        %dma_start3A_211 = tpu.memref_squeeze %dma_start3A_210 : memref<1x128x128xf32, #tpu.memory_space<vmem>> -> memref<128x128xf32, #tpu.memory_space<vmem>>
        %dma_start3A_212 = arith.constant 0 : i32
        %dma_start3A_213 = tpu.memref_slice %arg2[%multiple_of3A, %dma_start3A_212] : memref<100000x128xf32, #tpu.memory_space<hbm>> -> memref<128x128xf32, #tpu.memory_space<hbm>>
        tpu.enqueue_dma source(%dma_start3A_213 : memref<128x128xf32, #tpu.memory_space<hbm>>) target(%dma_start3A_211 : memref<128x128xf32, #tpu.memory_space<vmem>>) target_semaphore(%arg10 : memref<!tpu.dma_semaphore, #tpu.memory_space<semaphore_mem>>)
        %dma_start3A_214 = arith.constant 0 : i32
        %dma_start3A_215 = arith.constant 0 : i32
        %dma_start3A_216 = tpu.memref_slice %arg7[%dma_start3A_214, %dma_start3A_215] : memref<3x128xi32, #tpu.memory_space<vmem>> -> memref<1x128xi32, #tpu.memory_space<vmem>>
        %dma_start3A_217 = tpu.memref_squeeze %dma_start3A_216 : memref<1x128xi32, #tpu.memory_space<vmem>> -> memref<128xi32, #tpu.memory_space<vmem>>
        %dma_start3A_218 = tpu.memref_slice %arg3[%multiple_of3A_201] : memref<100128xi32, #tpu.memory_space<hbm>> -> memref<128xi32, #tpu.memory_space<hbm>>
        %dma_start3A_219 = arith.constant 0 : i32
        %dma_start3A_220 = tpu.memref_slice %arg7[%dma_start3A_214, %dma_start3A_219] : memref<3x128xi32, #tpu.memory_space<vmem>> -> memref<1x128xi32, #tpu.memory_space<vmem>>
        %dma_start3A_221 = tpu.memref_squeeze %dma_start3A_220 : memref<1x128xi32, #tpu.memory_space<vmem>> -> memref<128xi32, #tpu.memory_space<vmem>>
        %dma_start3A_222 = tpu.memref_slice %arg3[%multiple_of3A_201] : memref<100128xi32, #tpu.memory_space<hbm>> -> memref<128xi32, #tpu.memory_space<hbm>>
        tpu.enqueue_dma source(%dma_start3A_222 : memref<128xi32, #tpu.memory_space<hbm>>) target(%dma_start3A_221 : memref<128xi32, #tpu.memory_space<vmem>>) target_semaphore(%arg10 : memref<!tpu.dma_semaphore, #tpu.memory_space<semaphore_mem>>)
      } else {
      }
    } else {
    }
    %gt3A_75 = arith.constant 10 : i32
    %gt3A_76 = arith.cmpi sgt, %add3A_8, %gt3A_75 : i32
    %convert_element_type3A_77 = arith.extui %gt3A_76 : i1 to i32
    %cond3A_78 = arith.constant 0 : i32
    %cond3A_79 = arith.cmpi ne, %convert_element_type3A_77, %cond3A_78 : i32
    scf.if %cond3A_79 {
      %dma_wait3A = arith.constant 1 : i32
      %dma_wait3A_156 = arith.constant 0 : i32
      %dma_wait3A_157 = arith.constant 0 : i32
      %dma_wait3A_158 = tpu.memref_slice %arg6[%dma_wait3A, %dma_wait3A_156, %dma_wait3A_157] : memref<3x128x128xf32, #tpu.memory_space<vmem>> -> memref<1x128x128xf32, #tpu.memory_space<vmem>>
      %dma_wait3A_159 = tpu.memref_squeeze %dma_wait3A_158 : memref<1x128x128xf32, #tpu.memory_space<vmem>> -> memref<128x128xf32, #tpu.memory_space<vmem>>
      %dma_wait3A_160 = arith.constant 0 : i32
      %dma_wait3A_161 = arith.constant 0 : i32
      %dma_wait3A_162 = tpu.memref_slice %arg2[%dma_wait3A_160, %dma_wait3A_161] : memref<100000x128xf32, #tpu.memory_space<hbm>> -> memref<128x128xf32, #tpu.memory_space<hbm>>
      %dma_wait3A_163 = arith.constant 0 : i32
      %dma_wait3A_164 = arith.constant 0 : i32
      %dma_wait3A_165 = tpu.memref_slice %arg6[%dma_wait3A, %dma_wait3A_163, %dma_wait3A_164] : memref<3x128x128xf32, #tpu.memory_space<vmem>> -> memref<1x128x128xf32, #tpu.memory_space<vmem>>
      %dma_wait3A_166 = tpu.memref_squeeze %dma_wait3A_165 : memref<1x128x128xf32, #tpu.memory_space<vmem>> -> memref<128x128xf32, #tpu.memory_space<vmem>>
      %dma_wait3A_167 = arith.constant 0 : i32
      %dma_wait3A_168 = arith.constant 0 : i32
      %dma_wait3A_169 = tpu.memref_slice %arg2[%dma_wait3A_167, %dma_wait3A_168] : memref<100000x128xf32, #tpu.memory_space<hbm>> -> memref<128x128xf32, #tpu.memory_space<hbm>>
      tpu.wait_dma2 semaphore(%arg11 : memref<!tpu.dma_semaphore, #tpu.memory_space<semaphore_mem>>) src(%dma_wait3A_169 : memref<128x128xf32, #tpu.memory_space<hbm>>) dst(%dma_wait3A_166 : memref<128x128xf32, #tpu.memory_space<vmem>>)
      %dma_wait3A_170 = arith.constant 1 : i32
      %dma_wait3A_171 = arith.constant 0 : i32
      %dma_wait3A_172 = tpu.memref_slice %arg7[%dma_wait3A_170, %dma_wait3A_171] : memref<3x128xi32, #tpu.memory_space<vmem>> -> memref<1x128xi32, #tpu.memory_space<vmem>>
      %dma_wait3A_173 = tpu.memref_squeeze %dma_wait3A_172 : memref<1x128xi32, #tpu.memory_space<vmem>> -> memref<128xi32, #tpu.memory_space<vmem>>
      %dma_wait3A_174 = arith.constant 0 : i32
      %dma_wait3A_175 = tpu.memref_slice %arg3[%dma_wait3A_174] : memref<100128xi32, #tpu.memory_space<hbm>> -> memref<128xi32, #tpu.memory_space<hbm>>
      %dma_wait3A_176 = arith.constant 0 : i32
      %dma_wait3A_177 = tpu.memref_slice %arg7[%dma_wait3A_170, %dma_wait3A_176] : memref<3x128xi32, #tpu.memory_space<vmem>> -> memref<1x128xi32, #tpu.memory_space<vmem>>
      %dma_wait3A_178 = tpu.memref_squeeze %dma_wait3A_177 : memref<1x128xi32, #tpu.memory_space<vmem>> -> memref<128xi32, #tpu.memory_space<vmem>>
      %dma_wait3A_179 = arith.constant 0 : i32
      %dma_wait3A_180 = tpu.memref_slice %arg3[%dma_wait3A_179] : memref<100128xi32, #tpu.memory_space<hbm>> -> memref<128xi32, #tpu.memory_space<hbm>>
      tpu.wait_dma2 semaphore(%arg11 : memref<!tpu.dma_semaphore, #tpu.memory_space<semaphore_mem>>) src(%dma_wait3A_180 : memref<128xi32, #tpu.memory_space<hbm>>) dst(%dma_wait3A_178 : memref<128xi32, #tpu.memory_space<vmem>>)
      %run_scoped3A = arith.constant 1 : i32
      %run_scoped3A_181 = arith.constant 1 : i32
      "tpu.region"() ({
        %run_scoped3A_187 = tpu.sem_alloc : memref<!tpu.dma_semaphore, #tpu.memory_space<semaphore_mem>>
        %dma_start3A = arith.constant 0 : i32
        %dma_start3A_188 = arith.constant 0 : i32
        %dma_start3A_189 = tpu.memref_slice %arg6[%run_scoped3A, %dma_start3A, %dma_start3A_188] : memref<3x128x128xf32, #tpu.memory_space<vmem>> -> memref<1x128x128xf32, #tpu.memory_space<vmem>>
        %dma_start3A_190 = tpu.memref_squeeze %dma_start3A_189 : memref<1x128x128xf32, #tpu.memory_space<vmem>> -> memref<128x128xf32, #tpu.memory_space<vmem>>
        %dma_start3A_191 = arith.constant 0 : i32
        %dma_start3A_192 = tpu.memref_slice %arg7[%run_scoped3A_181, %dma_start3A_191] : memref<3x128xi32, #tpu.memory_space<vmem>> -> memref<1x128xi32, #tpu.memory_space<vmem>>
        %dma_start3A_193 = tpu.memref_squeeze %dma_start3A_192 : memref<1x128xi32, #tpu.memory_space<vmem>> -> memref<128xi32, #tpu.memory_space<vmem>>
        %dma_start3A_194 = arith.constant 0 : i32
        %dma_start3A_195 = arith.constant 0 : i32
        %dma_start3A_196 = tpu.memref_slice %arg9[%dma_start3A_194, %dma_start3A_195] : memref<72x128xf32, #tpu.memory_space<vmem_shared>> -> memref<72x128xf32, #tpu.memory_space<vmem_shared>>
        tpu.enqueue_indirect_dma source(%dma_start3A_190 : memref<128x128xf32, #tpu.memory_space<vmem>>) target(%dma_start3A_196 : memref<72x128xf32, #tpu.memory_space<vmem_shared>>) offsets(%dma_start3A_193 : memref<128xi32, #tpu.memory_space<vmem>>) semaphore(%run_scoped3A_187 : memref<!tpu.dma_semaphore, #tpu.memory_space<semaphore_mem>>) {add = true}
        %dma_wait3A_197 = arith.constant 0 : i32
        %dma_wait3A_198 = arith.constant 0 : i32
        %dma_wait3A_199 = tpu.memref_slice %arg6[%run_scoped3A, %dma_wait3A_197, %dma_wait3A_198] : memref<3x128x128xf32, #tpu.memory_space<vmem>> -> memref<1x128x128xf32, #tpu.memory_space<vmem>>
        %dma_wait3A_200 = tpu.memref_squeeze %dma_wait3A_199 : memref<1x128x128xf32, #tpu.memory_space<vmem>> -> memref<128x128xf32, #tpu.memory_space<vmem>>
        %dma_wait3A_201 = arith.constant 0 : i32
        %dma_wait3A_202 = tpu.memref_slice %arg7[%run_scoped3A_181, %dma_wait3A_201] : memref<3x128xi32, #tpu.memory_space<vmem>> -> memref<1x128xi32, #tpu.memory_space<vmem>>
        %dma_wait3A_203 = tpu.memref_squeeze %dma_wait3A_202 : memref<1x128xi32, #tpu.memory_space<vmem>> -> memref<128xi32, #tpu.memory_space<vmem>>
        %dma_wait3A_204 = arith.constant 0 : i32
        %dma_wait3A_205 = arith.constant 0 : i32
        %dma_wait3A_206 = tpu.memref_slice %arg9[%dma_wait3A_204, %dma_wait3A_205] : memref<72x128xf32, #tpu.memory_space<vmem_shared>> -> memref<72x128xf32, #tpu.memory_space<vmem_shared>>
        tpu.wait_indirect_dma semaphore(%run_scoped3A_187 : memref<!tpu.dma_semaphore, #tpu.memory_space<semaphore_mem>>) src(%dma_wait3A_200 : memref<128x128xf32, #tpu.memory_space<vmem>>) dst(%dma_wait3A_206 : memref<72x128xf32, #tpu.memory_space<vmem_shared>>)
        tpu.yield
      }) : () -> ()
      %gt3A_182 = arith.constant 13 : i32
      %gt3A_183 = arith.cmpi sgt, %add3A_8, %gt3A_182 : i32
      %convert_element_type3A_184 = arith.extui %gt3A_183 : i1 to i32
      %cond3A_185 = arith.constant 0 : i32
      %cond3A_186 = arith.cmpi ne, %convert_element_type3A_184, %cond3A_185 : i32
      scf.if %cond3A_186 {
        %add3A_187 = arith.constant 13 : i32
        %add3A_188 = arith.addi %add3A_4, %add3A_187 : i32
        %eq3A_189 = arith.constant 781 : i32
        %eq3A_190 = arith.cmpi eq, %add3A_188, %eq3A_189 : i32
        %mul3A_191 = arith.constant 128 : i32
        %mul3A_192 = arith.muli %add3A_188, %mul3A_191 : i32
        %jit3A_193 = arith.constant 99872 : i32
        %select_n3A_194 = arith.select %eq3A_190, %jit3A_193, %mul3A_192 : i32
        %multiple_of3A = tpu.assume_multiple %select_n3A_194, 8 : i32
        %eq3A_195 = arith.constant 781 : i32
        %eq3A_196 = arith.cmpi eq, %add3A_188, %eq3A_195 : i32
        %mul3A_197 = arith.constant 128 : i32
        %mul3A_198 = arith.muli %add3A_188, %mul3A_197 : i32
        %jit3A_199 = arith.constant 100000 : i32
        %select_n3A_200 = arith.select %eq3A_196, %jit3A_199, %mul3A_198 : i32
        %multiple_of3A_201 = tpu.assume_multiple %select_n3A_200, 8 : i32
        %dma_start3A = arith.constant 1 : i32
        %dma_start3A_202 = arith.constant 0 : i32
        %dma_start3A_203 = arith.constant 0 : i32
        %dma_start3A_204 = tpu.memref_slice %arg6[%dma_start3A, %dma_start3A_202, %dma_start3A_203] : memref<3x128x128xf32, #tpu.memory_space<vmem>> -> memref<1x128x128xf32, #tpu.memory_space<vmem>>
        %dma_start3A_205 = tpu.memref_squeeze %dma_start3A_204 : memref<1x128x128xf32, #tpu.memory_space<vmem>> -> memref<128x128xf32, #tpu.memory_space<vmem>>
        %dma_start3A_206 = arith.constant 0 : i32
        %dma_start3A_207 = tpu.memref_slice %arg2[%multiple_of3A, %dma_start3A_206] : memref<100000x128xf32, #tpu.memory_space<hbm>> -> memref<128x128xf32, #tpu.memory_space<hbm>>
        %dma_start3A_208 = arith.constant 0 : i32
        %dma_start3A_209 = arith.constant 0 : i32
        %dma_start3A_210 = tpu.memref_slice %arg6[%dma_start3A, %dma_start3A_208, %dma_start3A_209] : memref<3x128x128xf32, #tpu.memory_space<vmem>> -> memref<1x128x128xf32, #tpu.memory_space<vmem>>
        %dma_start3A_211 = tpu.memref_squeeze %dma_start3A_210 : memref<1x128x128xf32, #tpu.memory_space<vmem>> -> memref<128x128xf32, #tpu.memory_space<vmem>>
        %dma_start3A_212 = arith.constant 0 : i32
        %dma_start3A_213 = tpu.memref_slice %arg2[%multiple_of3A, %dma_start3A_212] : memref<100000x128xf32, #tpu.memory_space<hbm>> -> memref<128x128xf32, #tpu.memory_space<hbm>>
        tpu.enqueue_dma source(%dma_start3A_213 : memref<128x128xf32, #tpu.memory_space<hbm>>) target(%dma_start3A_211 : memref<128x128xf32, #tpu.memory_space<vmem>>) target_semaphore(%arg11 : memref<!tpu.dma_semaphore, #tpu.memory_space<semaphore_mem>>)
        %dma_start3A_214 = arith.constant 1 : i32
        %dma_start3A_215 = arith.constant 0 : i32
        %dma_start3A_216 = tpu.memref_slice %arg7[%dma_start3A_214, %dma_start3A_215] : memref<3x128xi32, #tpu.memory_space<vmem>> -> memref<1x128xi32, #tpu.memory_space<vmem>>
        %dma_start3A_217 = tpu.memref_squeeze %dma_start3A_216 : memref<1x128xi32, #tpu.memory_space<vmem>> -> memref<128xi32, #tpu.memory_space<vmem>>
        %dma_start3A_218 = tpu.memref_slice %arg3[%multiple_of3A_201] : memref<100128xi32, #tpu.memory_space<hbm>> -> memref<128xi32, #tpu.memory_space<hbm>>
        %dma_start3A_219 = arith.constant 0 : i32
        %dma_start3A_220 = tpu.memref_slice %arg7[%dma_start3A_214, %dma_start3A_219] : memref<3x128xi32, #tpu.memory_space<vmem>> -> memref<1x128xi32, #tpu.memory_space<vmem>>
        %dma_start3A_221 = tpu.memref_squeeze %dma_start3A_220 : memref<1x128xi32, #tpu.memory_space<vmem>> -> memref<128xi32, #tpu.memory_space<vmem>>
        %dma_start3A_222 = tpu.memref_slice %arg3[%multiple_of3A_201] : memref<100128xi32, #tpu.memory_space<hbm>> -> memref<128xi32, #tpu.memory_space<hbm>>
        tpu.enqueue_dma source(%dma_start3A_222 : memref<128xi32, #tpu.memory_space<hbm>>) target(%dma_start3A_221 : memref<128xi32, #tpu.memory_space<vmem>>) target_semaphore(%arg11 : memref<!tpu.dma_semaphore, #tpu.memory_space<semaphore_mem>>)
      } else {
      }
    } else {
    }
    %gt3A_80 = arith.constant 11 : i32
    %gt3A_81 = arith.cmpi sgt, %add3A_8, %gt3A_80 : i32
    %convert_element_type3A_82 = arith.extui %gt3A_81 : i1 to i32
    %cond3A_83 = arith.constant 0 : i32
    %cond3A_84 = arith.cmpi ne, %convert_element_type3A_82, %cond3A_83 : i32
    scf.if %cond3A_84 {
      %dma_wait3A = arith.constant 2 : i32
      %dma_wait3A_156 = arith.constant 0 : i32
      %dma_wait3A_157 = arith.constant 0 : i32
      %dma_wait3A_158 = tpu.memref_slice %arg6[%dma_wait3A, %dma_wait3A_156, %dma_wait3A_157] : memref<3x128x128xf32, #tpu.memory_space<vmem>> -> memref<1x128x128xf32, #tpu.memory_space<vmem>>
      %dma_wait3A_159 = tpu.memref_squeeze %dma_wait3A_158 : memref<1x128x128xf32, #tpu.memory_space<vmem>> -> memref<128x128xf32, #tpu.memory_space<vmem>>
      %dma_wait3A_160 = arith.constant 0 : i32
      %dma_wait3A_161 = arith.constant 0 : i32
      %dma_wait3A_162 = tpu.memref_slice %arg2[%dma_wait3A_160, %dma_wait3A_161] : memref<100000x128xf32, #tpu.memory_space<hbm>> -> memref<128x128xf32, #tpu.memory_space<hbm>>
      %dma_wait3A_163 = arith.constant 0 : i32
      %dma_wait3A_164 = arith.constant 0 : i32
      %dma_wait3A_165 = tpu.memref_slice %arg6[%dma_wait3A, %dma_wait3A_163, %dma_wait3A_164] : memref<3x128x128xf32, #tpu.memory_space<vmem>> -> memref<1x128x128xf32, #tpu.memory_space<vmem>>
      %dma_wait3A_166 = tpu.memref_squeeze %dma_wait3A_165 : memref<1x128x128xf32, #tpu.memory_space<vmem>> -> memref<128x128xf32, #tpu.memory_space<vmem>>
      %dma_wait3A_167 = arith.constant 0 : i32
      %dma_wait3A_168 = arith.constant 0 : i32
      %dma_wait3A_169 = tpu.memref_slice %arg2[%dma_wait3A_167, %dma_wait3A_168] : memref<100000x128xf32, #tpu.memory_space<hbm>> -> memref<128x128xf32, #tpu.memory_space<hbm>>
      tpu.wait_dma2 semaphore(%arg12 : memref<!tpu.dma_semaphore, #tpu.memory_space<semaphore_mem>>) src(%dma_wait3A_169 : memref<128x128xf32, #tpu.memory_space<hbm>>) dst(%dma_wait3A_166 : memref<128x128xf32, #tpu.memory_space<vmem>>)
      %dma_wait3A_170 = arith.constant 2 : i32
      %dma_wait3A_171 = arith.constant 0 : i32
      %dma_wait3A_172 = tpu.memref_slice %arg7[%dma_wait3A_170, %dma_wait3A_171] : memref<3x128xi32, #tpu.memory_space<vmem>> -> memref<1x128xi32, #tpu.memory_space<vmem>>
      %dma_wait3A_173 = tpu.memref_squeeze %dma_wait3A_172 : memref<1x128xi32, #tpu.memory_space<vmem>> -> memref<128xi32, #tpu.memory_space<vmem>>
      %dma_wait3A_174 = arith.constant 0 : i32
      %dma_wait3A_175 = tpu.memref_slice %arg3[%dma_wait3A_174] : memref<100128xi32, #tpu.memory_space<hbm>> -> memref<128xi32, #tpu.memory_space<hbm>>
      %dma_wait3A_176 = arith.constant 0 : i32
      %dma_wait3A_177 = tpu.memref_slice %arg7[%dma_wait3A_170, %dma_wait3A_176] : memref<3x128xi32, #tpu.memory_space<vmem>> -> memref<1x128xi32, #tpu.memory_space<vmem>>
      %dma_wait3A_178 = tpu.memref_squeeze %dma_wait3A_177 : memref<1x128xi32, #tpu.memory_space<vmem>> -> memref<128xi32, #tpu.memory_space<vmem>>
      %dma_wait3A_179 = arith.constant 0 : i32
      %dma_wait3A_180 = tpu.memref_slice %arg3[%dma_wait3A_179] : memref<100128xi32, #tpu.memory_space<hbm>> -> memref<128xi32, #tpu.memory_space<hbm>>
      tpu.wait_dma2 semaphore(%arg12 : memref<!tpu.dma_semaphore, #tpu.memory_space<semaphore_mem>>) src(%dma_wait3A_180 : memref<128xi32, #tpu.memory_space<hbm>>) dst(%dma_wait3A_178 : memref<128xi32, #tpu.memory_space<vmem>>)
      %run_scoped3A = arith.constant 2 : i32
      %run_scoped3A_181 = arith.constant 2 : i32
      "tpu.region"() ({
        %run_scoped3A_187 = tpu.sem_alloc : memref<!tpu.dma_semaphore, #tpu.memory_space<semaphore_mem>>
        %dma_start3A = arith.constant 0 : i32
        %dma_start3A_188 = arith.constant 0 : i32
        %dma_start3A_189 = tpu.memref_slice %arg6[%run_scoped3A, %dma_start3A, %dma_start3A_188] : memref<3x128x128xf32, #tpu.memory_space<vmem>> -> memref<1x128x128xf32, #tpu.memory_space<vmem>>
        %dma_start3A_190 = tpu.memref_squeeze %dma_start3A_189 : memref<1x128x128xf32, #tpu.memory_space<vmem>> -> memref<128x128xf32, #tpu.memory_space<vmem>>
        %dma_start3A_191 = arith.constant 0 : i32
        %dma_start3A_192 = tpu.memref_slice %arg7[%run_scoped3A_181, %dma_start3A_191] : memref<3x128xi32, #tpu.memory_space<vmem>> -> memref<1x128xi32, #tpu.memory_space<vmem>>
        %dma_start3A_193 = tpu.memref_squeeze %dma_start3A_192 : memref<1x128xi32, #tpu.memory_space<vmem>> -> memref<128xi32, #tpu.memory_space<vmem>>
        %dma_start3A_194 = arith.constant 0 : i32
        %dma_start3A_195 = arith.constant 0 : i32
        %dma_start3A_196 = tpu.memref_slice %arg9[%dma_start3A_194, %dma_start3A_195] : memref<72x128xf32, #tpu.memory_space<vmem_shared>> -> memref<72x128xf32, #tpu.memory_space<vmem_shared>>
        tpu.enqueue_indirect_dma source(%dma_start3A_190 : memref<128x128xf32, #tpu.memory_space<vmem>>) target(%dma_start3A_196 : memref<72x128xf32, #tpu.memory_space<vmem_shared>>) offsets(%dma_start3A_193 : memref<128xi32, #tpu.memory_space<vmem>>) semaphore(%run_scoped3A_187 : memref<!tpu.dma_semaphore, #tpu.memory_space<semaphore_mem>>) {add = true}
        %dma_wait3A_197 = arith.constant 0 : i32
        %dma_wait3A_198 = arith.constant 0 : i32
        %dma_wait3A_199 = tpu.memref_slice %arg6[%run_scoped3A, %dma_wait3A_197, %dma_wait3A_198] : memref<3x128x128xf32, #tpu.memory_space<vmem>> -> memref<1x128x128xf32, #tpu.memory_space<vmem>>
        %dma_wait3A_200 = tpu.memref_squeeze %dma_wait3A_199 : memref<1x128x128xf32, #tpu.memory_space<vmem>> -> memref<128x128xf32, #tpu.memory_space<vmem>>
        %dma_wait3A_201 = arith.constant 0 : i32
        %dma_wait3A_202 = tpu.memref_slice %arg7[%run_scoped3A_181, %dma_wait3A_201] : memref<3x128xi32, #tpu.memory_space<vmem>> -> memref<1x128xi32, #tpu.memory_space<vmem>>
        %dma_wait3A_203 = tpu.memref_squeeze %dma_wait3A_202 : memref<1x128xi32, #tpu.memory_space<vmem>> -> memref<128xi32, #tpu.memory_space<vmem>>
        %dma_wait3A_204 = arith.constant 0 : i32
        %dma_wait3A_205 = arith.constant 0 : i32
        %dma_wait3A_206 = tpu.memref_slice %arg9[%dma_wait3A_204, %dma_wait3A_205] : memref<72x128xf32, #tpu.memory_space<vmem_shared>> -> memref<72x128xf32, #tpu.memory_space<vmem_shared>>
        tpu.wait_indirect_dma semaphore(%run_scoped3A_187 : memref<!tpu.dma_semaphore, #tpu.memory_space<semaphore_mem>>) src(%dma_wait3A_200 : memref<128x128xf32, #tpu.memory_space<vmem>>) dst(%dma_wait3A_206 : memref<72x128xf32, #tpu.memory_space<vmem_shared>>)
        tpu.yield
      }) : () -> ()
      %gt3A_182 = arith.constant 14 : i32
      %gt3A_183 = arith.cmpi sgt, %add3A_8, %gt3A_182 : i32
      %convert_element_type3A_184 = arith.extui %gt3A_183 : i1 to i32
      %cond3A_185 = arith.constant 0 : i32
      %cond3A_186 = arith.cmpi ne, %convert_element_type3A_184, %cond3A_185 : i32
      scf.if %cond3A_186 {
        %add3A_187 = arith.constant 14 : i32
        %add3A_188 = arith.addi %add3A_4, %add3A_187 : i32
        %eq3A_189 = arith.constant 781 : i32
        %eq3A_190 = arith.cmpi eq, %add3A_188, %eq3A_189 : i32
        %mul3A_191 = arith.constant 128 : i32
        %mul3A_192 = arith.muli %add3A_188, %mul3A_191 : i32
        %jit3A_193 = arith.constant 99872 : i32
        %select_n3A_194 = arith.select %eq3A_190, %jit3A_193, %mul3A_192 : i32
        %multiple_of3A = tpu.assume_multiple %select_n3A_194, 8 : i32
        %eq3A_195 = arith.constant 781 : i32
        %eq3A_196 = arith.cmpi eq, %add3A_188, %eq3A_195 : i32
        %mul3A_197 = arith.constant 128 : i32
        %mul3A_198 = arith.muli %add3A_188, %mul3A_197 : i32
        %jit3A_199 = arith.constant 100000 : i32
        %select_n3A_200 = arith.select %eq3A_196, %jit3A_199, %mul3A_198 : i32
        %multiple_of3A_201 = tpu.assume_multiple %select_n3A_200, 8 : i32
        %dma_start3A = arith.constant 2 : i32
        %dma_start3A_202 = arith.constant 0 : i32
        %dma_start3A_203 = arith.constant 0 : i32
        %dma_start3A_204 = tpu.memref_slice %arg6[%dma_start3A, %dma_start3A_202, %dma_start3A_203] : memref<3x128x128xf32, #tpu.memory_space<vmem>> -> memref<1x128x128xf32, #tpu.memory_space<vmem>>
        %dma_start3A_205 = tpu.memref_squeeze %dma_start3A_204 : memref<1x128x128xf32, #tpu.memory_space<vmem>> -> memref<128x128xf32, #tpu.memory_space<vmem>>
        %dma_start3A_206 = arith.constant 0 : i32
        %dma_start3A_207 = tpu.memref_slice %arg2[%multiple_of3A, %dma_start3A_206] : memref<100000x128xf32, #tpu.memory_space<hbm>> -> memref<128x128xf32, #tpu.memory_space<hbm>>
        %dma_start3A_208 = arith.constant 0 : i32
        %dma_start3A_209 = arith.constant 0 : i32
        %dma_start3A_210 = tpu.memref_slice %arg6[%dma_start3A, %dma_start3A_208, %dma_start3A_209] : memref<3x128x128xf32, #tpu.memory_space<vmem>> -> memref<1x128x128xf32, #tpu.memory_space<vmem>>
        %dma_start3A_211 = tpu.memref_squeeze %dma_start3A_210 : memref<1x128x128xf32, #tpu.memory_space<vmem>> -> memref<128x128xf32, #tpu.memory_space<vmem>>
        %dma_start3A_212 = arith.constant 0 : i32
        %dma_start3A_213 = tpu.memref_slice %arg2[%multiple_of3A, %dma_start3A_212] : memref<100000x128xf32, #tpu.memory_space<hbm>> -> memref<128x128xf32, #tpu.memory_space<hbm>>
        tpu.enqueue_dma source(%dma_start3A_213 : memref<128x128xf32, #tpu.memory_space<hbm>>) target(%dma_start3A_211 : memref<128x128xf32, #tpu.memory_space<vmem>>) target_semaphore(%arg12 : memref<!tpu.dma_semaphore, #tpu.memory_space<semaphore_mem>>)
        %dma_start3A_214 = arith.constant 2 : i32
        %dma_start3A_215 = arith.constant 0 : i32
        %dma_start3A_216 = tpu.memref_slice %arg7[%dma_start3A_214, %dma_start3A_215] : memref<3x128xi32, #tpu.memory_space<vmem>> -> memref<1x128xi32, #tpu.memory_space<vmem>>
        %dma_start3A_217 = tpu.memref_squeeze %dma_start3A_216 : memref<1x128xi32, #tpu.memory_space<vmem>> -> memref<128xi32, #tpu.memory_space<vmem>>
        %dma_start3A_218 = tpu.memref_slice %arg3[%multiple_of3A_201] : memref<100128xi32, #tpu.memory_space<hbm>> -> memref<128xi32, #tpu.memory_space<hbm>>
        %dma_start3A_219 = arith.constant 0 : i32
        %dma_start3A_220 = tpu.memref_slice %arg7[%dma_start3A_214, %dma_start3A_219] : memref<3x128xi32, #tpu.memory_space<vmem>> -> memref<1x128xi32, #tpu.memory_space<vmem>>
        %dma_start3A_221 = tpu.memref_squeeze %dma_start3A_220 : memref<1x128xi32, #tpu.memory_space<vmem>> -> memref<128xi32, #tpu.memory_space<vmem>>
        %dma_start3A_222 = tpu.memref_slice %arg3[%multiple_of3A_201] : memref<100128xi32, #tpu.memory_space<hbm>> -> memref<128xi32, #tpu.memory_space<hbm>>
        tpu.enqueue_dma source(%dma_start3A_222 : memref<128xi32, #tpu.memory_space<hbm>>) target(%dma_start3A_221 : memref<128xi32, #tpu.memory_space<vmem>>) target_semaphore(%arg12 : memref<!tpu.dma_semaphore, #tpu.memory_space<semaphore_mem>>)
      } else {
      }
    } else {
    }
    %gt3A_85 = arith.constant 12 : i32
    %gt3A_86 = arith.cmpi sgt, %add3A_8, %gt3A_85 : i32
    %convert_element_type3A_87 = arith.extui %gt3A_86 : i1 to i32
    %cond3A_88 = arith.constant 0 : i32
    %cond3A_89 = arith.cmpi ne, %convert_element_type3A_87, %cond3A_88 : i32
    scf.if %cond3A_89 {
      %dma_wait3A = arith.constant 0 : i32
      %dma_wait3A_156 = arith.constant 0 : i32
      %dma_wait3A_157 = arith.constant 0 : i32
      %dma_wait3A_158 = tpu.memref_slice %arg6[%dma_wait3A, %dma_wait3A_156, %dma_wait3A_157] : memref<3x128x128xf32, #tpu.memory_space<vmem>> -> memref<1x128x128xf32, #tpu.memory_space<vmem>>
      %dma_wait3A_159 = tpu.memref_squeeze %dma_wait3A_158 : memref<1x128x128xf32, #tpu.memory_space<vmem>> -> memref<128x128xf32, #tpu.memory_space<vmem>>
      %dma_wait3A_160 = arith.constant 0 : i32
      %dma_wait3A_161 = arith.constant 0 : i32
      %dma_wait3A_162 = tpu.memref_slice %arg2[%dma_wait3A_160, %dma_wait3A_161] : memref<100000x128xf32, #tpu.memory_space<hbm>> -> memref<128x128xf32, #tpu.memory_space<hbm>>
      %dma_wait3A_163 = arith.constant 0 : i32
      %dma_wait3A_164 = arith.constant 0 : i32
      %dma_wait3A_165 = tpu.memref_slice %arg6[%dma_wait3A, %dma_wait3A_163, %dma_wait3A_164] : memref<3x128x128xf32, #tpu.memory_space<vmem>> -> memref<1x128x128xf32, #tpu.memory_space<vmem>>
      %dma_wait3A_166 = tpu.memref_squeeze %dma_wait3A_165 : memref<1x128x128xf32, #tpu.memory_space<vmem>> -> memref<128x128xf32, #tpu.memory_space<vmem>>
      %dma_wait3A_167 = arith.constant 0 : i32
      %dma_wait3A_168 = arith.constant 0 : i32
      %dma_wait3A_169 = tpu.memref_slice %arg2[%dma_wait3A_167, %dma_wait3A_168] : memref<100000x128xf32, #tpu.memory_space<hbm>> -> memref<128x128xf32, #tpu.memory_space<hbm>>
      tpu.wait_dma2 semaphore(%arg10 : memref<!tpu.dma_semaphore, #tpu.memory_space<semaphore_mem>>) src(%dma_wait3A_169 : memref<128x128xf32, #tpu.memory_space<hbm>>) dst(%dma_wait3A_166 : memref<128x128xf32, #tpu.memory_space<vmem>>)
      %dma_wait3A_170 = arith.constant 0 : i32
      %dma_wait3A_171 = arith.constant 0 : i32
      %dma_wait3A_172 = tpu.memref_slice %arg7[%dma_wait3A_170, %dma_wait3A_171] : memref<3x128xi32, #tpu.memory_space<vmem>> -> memref<1x128xi32, #tpu.memory_space<vmem>>
      %dma_wait3A_173 = tpu.memref_squeeze %dma_wait3A_172 : memref<1x128xi32, #tpu.memory_space<vmem>> -> memref<128xi32, #tpu.memory_space<vmem>>
      %dma_wait3A_174 = arith.constant 0 : i32
      %dma_wait3A_175 = tpu.memref_slice %arg3[%dma_wait3A_174] : memref<100128xi32, #tpu.memory_space<hbm>> -> memref<128xi32, #tpu.memory_space<hbm>>
      %dma_wait3A_176 = arith.constant 0 : i32
      %dma_wait3A_177 = tpu.memref_slice %arg7[%dma_wait3A_170, %dma_wait3A_176] : memref<3x128xi32, #tpu.memory_space<vmem>> -> memref<1x128xi32, #tpu.memory_space<vmem>>
      %dma_wait3A_178 = tpu.memref_squeeze %dma_wait3A_177 : memref<1x128xi32, #tpu.memory_space<vmem>> -> memref<128xi32, #tpu.memory_space<vmem>>
      %dma_wait3A_179 = arith.constant 0 : i32
      %dma_wait3A_180 = tpu.memref_slice %arg3[%dma_wait3A_179] : memref<100128xi32, #tpu.memory_space<hbm>> -> memref<128xi32, #tpu.memory_space<hbm>>
      tpu.wait_dma2 semaphore(%arg10 : memref<!tpu.dma_semaphore, #tpu.memory_space<semaphore_mem>>) src(%dma_wait3A_180 : memref<128xi32, #tpu.memory_space<hbm>>) dst(%dma_wait3A_178 : memref<128xi32, #tpu.memory_space<vmem>>)
      %run_scoped3A = arith.constant 0 : i32
      %run_scoped3A_181 = arith.constant 0 : i32
      "tpu.region"() ({
        %run_scoped3A_187 = tpu.sem_alloc : memref<!tpu.dma_semaphore, #tpu.memory_space<semaphore_mem>>
        %dma_start3A = arith.constant 0 : i32
        %dma_start3A_188 = arith.constant 0 : i32
        %dma_start3A_189 = tpu.memref_slice %arg6[%run_scoped3A, %dma_start3A, %dma_start3A_188] : memref<3x128x128xf32, #tpu.memory_space<vmem>> -> memref<1x128x128xf32, #tpu.memory_space<vmem>>
        %dma_start3A_190 = tpu.memref_squeeze %dma_start3A_189 : memref<1x128x128xf32, #tpu.memory_space<vmem>> -> memref<128x128xf32, #tpu.memory_space<vmem>>
        %dma_start3A_191 = arith.constant 0 : i32
        %dma_start3A_192 = tpu.memref_slice %arg7[%run_scoped3A_181, %dma_start3A_191] : memref<3x128xi32, #tpu.memory_space<vmem>> -> memref<1x128xi32, #tpu.memory_space<vmem>>
        %dma_start3A_193 = tpu.memref_squeeze %dma_start3A_192 : memref<1x128xi32, #tpu.memory_space<vmem>> -> memref<128xi32, #tpu.memory_space<vmem>>
        %dma_start3A_194 = arith.constant 0 : i32
        %dma_start3A_195 = arith.constant 0 : i32
        %dma_start3A_196 = tpu.memref_slice %arg9[%dma_start3A_194, %dma_start3A_195] : memref<72x128xf32, #tpu.memory_space<vmem_shared>> -> memref<72x128xf32, #tpu.memory_space<vmem_shared>>
        tpu.enqueue_indirect_dma source(%dma_start3A_190 : memref<128x128xf32, #tpu.memory_space<vmem>>) target(%dma_start3A_196 : memref<72x128xf32, #tpu.memory_space<vmem_shared>>) offsets(%dma_start3A_193 : memref<128xi32, #tpu.memory_space<vmem>>) semaphore(%run_scoped3A_187 : memref<!tpu.dma_semaphore, #tpu.memory_space<semaphore_mem>>) {add = true}
        %dma_wait3A_197 = arith.constant 0 : i32
        %dma_wait3A_198 = arith.constant 0 : i32
        %dma_wait3A_199 = tpu.memref_slice %arg6[%run_scoped3A, %dma_wait3A_197, %dma_wait3A_198] : memref<3x128x128xf32, #tpu.memory_space<vmem>> -> memref<1x128x128xf32, #tpu.memory_space<vmem>>
        %dma_wait3A_200 = tpu.memref_squeeze %dma_wait3A_199 : memref<1x128x128xf32, #tpu.memory_space<vmem>> -> memref<128x128xf32, #tpu.memory_space<vmem>>
        %dma_wait3A_201 = arith.constant 0 : i32
        %dma_wait3A_202 = tpu.memref_slice %arg7[%run_scoped3A_181, %dma_wait3A_201] : memref<3x128xi32, #tpu.memory_space<vmem>> -> memref<1x128xi32, #tpu.memory_space<vmem>>
        %dma_wait3A_203 = tpu.memref_squeeze %dma_wait3A_202 : memref<1x128xi32, #tpu.memory_space<vmem>> -> memref<128xi32, #tpu.memory_space<vmem>>
        %dma_wait3A_204 = arith.constant 0 : i32
        %dma_wait3A_205 = arith.constant 0 : i32
        %dma_wait3A_206 = tpu.memref_slice %arg9[%dma_wait3A_204, %dma_wait3A_205] : memref<72x128xf32, #tpu.memory_space<vmem_shared>> -> memref<72x128xf32, #tpu.memory_space<vmem_shared>>
        tpu.wait_indirect_dma semaphore(%run_scoped3A_187 : memref<!tpu.dma_semaphore, #tpu.memory_space<semaphore_mem>>) src(%dma_wait3A_200 : memref<128x128xf32, #tpu.memory_space<vmem>>) dst(%dma_wait3A_206 : memref<72x128xf32, #tpu.memory_space<vmem_shared>>)
        tpu.yield
      }) : () -> ()
      %gt3A_182 = arith.constant 15 : i32
      %gt3A_183 = arith.cmpi sgt, %add3A_8, %gt3A_182 : i32
      %convert_element_type3A_184 = arith.extui %gt3A_183 : i1 to i32
      %cond3A_185 = arith.constant 0 : i32
      %cond3A_186 = arith.cmpi ne, %convert_element_type3A_184, %cond3A_185 : i32
      scf.if %cond3A_186 {
        %add3A_187 = arith.constant 15 : i32
        %add3A_188 = arith.addi %add3A_4, %add3A_187 : i32
        %eq3A_189 = arith.constant 781 : i32
        %eq3A_190 = arith.cmpi eq, %add3A_188, %eq3A_189 : i32
        %mul3A_191 = arith.constant 128 : i32
        %mul3A_192 = arith.muli %add3A_188, %mul3A_191 : i32
        %jit3A_193 = arith.constant 99872 : i32
        %select_n3A_194 = arith.select %eq3A_190, %jit3A_193, %mul3A_192 : i32
        %multiple_of3A = tpu.assume_multiple %select_n3A_194, 8 : i32
        %eq3A_195 = arith.constant 781 : i32
        %eq3A_196 = arith.cmpi eq, %add3A_188, %eq3A_195 : i32
        %mul3A_197 = arith.constant 128 : i32
        %mul3A_198 = arith.muli %add3A_188, %mul3A_197 : i32
        %jit3A_199 = arith.constant 100000 : i32
        %select_n3A_200 = arith.select %eq3A_196, %jit3A_199, %mul3A_198 : i32
        %multiple_of3A_201 = tpu.assume_multiple %select_n3A_200, 8 : i32
        %dma_start3A = arith.constant 0 : i32
        %dma_start3A_202 = arith.constant 0 : i32
        %dma_start3A_203 = arith.constant 0 : i32
        %dma_start3A_204 = tpu.memref_slice %arg6[%dma_start3A, %dma_start3A_202, %dma_start3A_203] : memref<3x128x128xf32, #tpu.memory_space<vmem>> -> memref<1x128x128xf32, #tpu.memory_space<vmem>>
        %dma_start3A_205 = tpu.memref_squeeze %dma_start3A_204 : memref<1x128x128xf32, #tpu.memory_space<vmem>> -> memref<128x128xf32, #tpu.memory_space<vmem>>
        %dma_start3A_206 = arith.constant 0 : i32
        %dma_start3A_207 = tpu.memref_slice %arg2[%multiple_of3A, %dma_start3A_206] : memref<100000x128xf32, #tpu.memory_space<hbm>> -> memref<128x128xf32, #tpu.memory_space<hbm>>
        %dma_start3A_208 = arith.constant 0 : i32
        %dma_start3A_209 = arith.constant 0 : i32
        %dma_start3A_210 = tpu.memref_slice %arg6[%dma_start3A, %dma_start3A_208, %dma_start3A_209] : memref<3x128x128xf32, #tpu.memory_space<vmem>> -> memref<1x128x128xf32, #tpu.memory_space<vmem>>
        %dma_start3A_211 = tpu.memref_squeeze %dma_start3A_210 : memref<1x128x128xf32, #tpu.memory_space<vmem>> -> memref<128x128xf32, #tpu.memory_space<vmem>>
        %dma_start3A_212 = arith.constant 0 : i32
        %dma_start3A_213 = tpu.memref_slice %arg2[%multiple_of3A, %dma_start3A_212] : memref<100000x128xf32, #tpu.memory_space<hbm>> -> memref<128x128xf32, #tpu.memory_space<hbm>>
        tpu.enqueue_dma source(%dma_start3A_213 : memref<128x128xf32, #tpu.memory_space<hbm>>) target(%dma_start3A_211 : memref<128x128xf32, #tpu.memory_space<vmem>>) target_semaphore(%arg10 : memref<!tpu.dma_semaphore, #tpu.memory_space<semaphore_mem>>)
        %dma_start3A_214 = arith.constant 0 : i32
        %dma_start3A_215 = arith.constant 0 : i32
        %dma_start3A_216 = tpu.memref_slice %arg7[%dma_start3A_214, %dma_start3A_215] : memref<3x128xi32, #tpu.memory_space<vmem>> -> memref<1x128xi32, #tpu.memory_space<vmem>>
        %dma_start3A_217 = tpu.memref_squeeze %dma_start3A_216 : memref<1x128xi32, #tpu.memory_space<vmem>> -> memref<128xi32, #tpu.memory_space<vmem>>
        %dma_start3A_218 = tpu.memref_slice %arg3[%multiple_of3A_201] : memref<100128xi32, #tpu.memory_space<hbm>> -> memref<128xi32, #tpu.memory_space<hbm>>
        %dma_start3A_219 = arith.constant 0 : i32
        %dma_start3A_220 = tpu.memref_slice %arg7[%dma_start3A_214, %dma_start3A_219] : memref<3x128xi32, #tpu.memory_space<vmem>> -> memref<1x128xi32, #tpu.memory_space<vmem>>
        %dma_start3A_221 = tpu.memref_squeeze %dma_start3A_220 : memref<1x128xi32, #tpu.memory_space<vmem>> -> memref<128xi32, #tpu.memory_space<vmem>>
        %dma_start3A_222 = tpu.memref_slice %arg3[%multiple_of3A_201] : memref<100128xi32, #tpu.memory_space<hbm>> -> memref<128xi32, #tpu.memory_space<hbm>>
        tpu.enqueue_dma source(%dma_start3A_222 : memref<128xi32, #tpu.memory_space<hbm>>) target(%dma_start3A_221 : memref<128xi32, #tpu.memory_space<vmem>>) target_semaphore(%arg10 : memref<!tpu.dma_semaphore, #tpu.memory_space<semaphore_mem>>)
      } else {
      }
    } else {
    }
    %gt3A_90 = arith.constant 13 : i32
    %gt3A_91 = arith.cmpi sgt, %add3A_8, %gt3A_90 : i32
    %convert_element_type3A_92 = arith.extui %gt3A_91 : i1 to i32
    %cond3A_93 = arith.constant 0 : i32
    %cond3A_94 = arith.cmpi ne, %convert_element_type3A_92, %cond3A_93 : i32
    scf.if %cond3A_94 {
      %dma_wait3A = arith.constant 1 : i32
      %dma_wait3A_156 = arith.constant 0 : i32
      %dma_wait3A_157 = arith.constant 0 : i32
      %dma_wait3A_158 = tpu.memref_slice %arg6[%dma_wait3A, %dma_wait3A_156, %dma_wait3A_157] : memref<3x128x128xf32, #tpu.memory_space<vmem>> -> memref<1x128x128xf32, #tpu.memory_space<vmem>>
      %dma_wait3A_159 = tpu.memref_squeeze %dma_wait3A_158 : memref<1x128x128xf32, #tpu.memory_space<vmem>> -> memref<128x128xf32, #tpu.memory_space<vmem>>
      %dma_wait3A_160 = arith.constant 0 : i32
      %dma_wait3A_161 = arith.constant 0 : i32
      %dma_wait3A_162 = tpu.memref_slice %arg2[%dma_wait3A_160, %dma_wait3A_161] : memref<100000x128xf32, #tpu.memory_space<hbm>> -> memref<128x128xf32, #tpu.memory_space<hbm>>
      %dma_wait3A_163 = arith.constant 0 : i32
      %dma_wait3A_164 = arith.constant 0 : i32
      %dma_wait3A_165 = tpu.memref_slice %arg6[%dma_wait3A, %dma_wait3A_163, %dma_wait3A_164] : memref<3x128x128xf32, #tpu.memory_space<vmem>> -> memref<1x128x128xf32, #tpu.memory_space<vmem>>
      %dma_wait3A_166 = tpu.memref_squeeze %dma_wait3A_165 : memref<1x128x128xf32, #tpu.memory_space<vmem>> -> memref<128x128xf32, #tpu.memory_space<vmem>>
      %dma_wait3A_167 = arith.constant 0 : i32
      %dma_wait3A_168 = arith.constant 0 : i32
      %dma_wait3A_169 = tpu.memref_slice %arg2[%dma_wait3A_167, %dma_wait3A_168] : memref<100000x128xf32, #tpu.memory_space<hbm>> -> memref<128x128xf32, #tpu.memory_space<hbm>>
      tpu.wait_dma2 semaphore(%arg11 : memref<!tpu.dma_semaphore, #tpu.memory_space<semaphore_mem>>) src(%dma_wait3A_169 : memref<128x128xf32, #tpu.memory_space<hbm>>) dst(%dma_wait3A_166 : memref<128x128xf32, #tpu.memory_space<vmem>>)
      %dma_wait3A_170 = arith.constant 1 : i32
      %dma_wait3A_171 = arith.constant 0 : i32
      %dma_wait3A_172 = tpu.memref_slice %arg7[%dma_wait3A_170, %dma_wait3A_171] : memref<3x128xi32, #tpu.memory_space<vmem>> -> memref<1x128xi32, #tpu.memory_space<vmem>>
      %dma_wait3A_173 = tpu.memref_squeeze %dma_wait3A_172 : memref<1x128xi32, #tpu.memory_space<vmem>> -> memref<128xi32, #tpu.memory_space<vmem>>
      %dma_wait3A_174 = arith.constant 0 : i32
      %dma_wait3A_175 = tpu.memref_slice %arg3[%dma_wait3A_174] : memref<100128xi32, #tpu.memory_space<hbm>> -> memref<128xi32, #tpu.memory_space<hbm>>
      %dma_wait3A_176 = arith.constant 0 : i32
      %dma_wait3A_177 = tpu.memref_slice %arg7[%dma_wait3A_170, %dma_wait3A_176] : memref<3x128xi32, #tpu.memory_space<vmem>> -> memref<1x128xi32, #tpu.memory_space<vmem>>
      %dma_wait3A_178 = tpu.memref_squeeze %dma_wait3A_177 : memref<1x128xi32, #tpu.memory_space<vmem>> -> memref<128xi32, #tpu.memory_space<vmem>>
      %dma_wait3A_179 = arith.constant 0 : i32
      %dma_wait3A_180 = tpu.memref_slice %arg3[%dma_wait3A_179] : memref<100128xi32, #tpu.memory_space<hbm>> -> memref<128xi32, #tpu.memory_space<hbm>>
      tpu.wait_dma2 semaphore(%arg11 : memref<!tpu.dma_semaphore, #tpu.memory_space<semaphore_mem>>) src(%dma_wait3A_180 : memref<128xi32, #tpu.memory_space<hbm>>) dst(%dma_wait3A_178 : memref<128xi32, #tpu.memory_space<vmem>>)
      %run_scoped3A = arith.constant 1 : i32
      %run_scoped3A_181 = arith.constant 1 : i32
      "tpu.region"() ({
        %run_scoped3A_187 = tpu.sem_alloc : memref<!tpu.dma_semaphore, #tpu.memory_space<semaphore_mem>>
        %dma_start3A = arith.constant 0 : i32
        %dma_start3A_188 = arith.constant 0 : i32
        %dma_start3A_189 = tpu.memref_slice %arg6[%run_scoped3A, %dma_start3A, %dma_start3A_188] : memref<3x128x128xf32, #tpu.memory_space<vmem>> -> memref<1x128x128xf32, #tpu.memory_space<vmem>>
        %dma_start3A_190 = tpu.memref_squeeze %dma_start3A_189 : memref<1x128x128xf32, #tpu.memory_space<vmem>> -> memref<128x128xf32, #tpu.memory_space<vmem>>
        %dma_start3A_191 = arith.constant 0 : i32
        %dma_start3A_192 = tpu.memref_slice %arg7[%run_scoped3A_181, %dma_start3A_191] : memref<3x128xi32, #tpu.memory_space<vmem>> -> memref<1x128xi32, #tpu.memory_space<vmem>>
        %dma_start3A_193 = tpu.memref_squeeze %dma_start3A_192 : memref<1x128xi32, #tpu.memory_space<vmem>> -> memref<128xi32, #tpu.memory_space<vmem>>
        %dma_start3A_194 = arith.constant 0 : i32
        %dma_start3A_195 = arith.constant 0 : i32
        %dma_start3A_196 = tpu.memref_slice %arg9[%dma_start3A_194, %dma_start3A_195] : memref<72x128xf32, #tpu.memory_space<vmem_shared>> -> memref<72x128xf32, #tpu.memory_space<vmem_shared>>
        tpu.enqueue_indirect_dma source(%dma_start3A_190 : memref<128x128xf32, #tpu.memory_space<vmem>>) target(%dma_start3A_196 : memref<72x128xf32, #tpu.memory_space<vmem_shared>>) offsets(%dma_start3A_193 : memref<128xi32, #tpu.memory_space<vmem>>) semaphore(%run_scoped3A_187 : memref<!tpu.dma_semaphore, #tpu.memory_space<semaphore_mem>>) {add = true}
        %dma_wait3A_197 = arith.constant 0 : i32
        %dma_wait3A_198 = arith.constant 0 : i32
        %dma_wait3A_199 = tpu.memref_slice %arg6[%run_scoped3A, %dma_wait3A_197, %dma_wait3A_198] : memref<3x128x128xf32, #tpu.memory_space<vmem>> -> memref<1x128x128xf32, #tpu.memory_space<vmem>>
        %dma_wait3A_200 = tpu.memref_squeeze %dma_wait3A_199 : memref<1x128x128xf32, #tpu.memory_space<vmem>> -> memref<128x128xf32, #tpu.memory_space<vmem>>
        %dma_wait3A_201 = arith.constant 0 : i32
        %dma_wait3A_202 = tpu.memref_slice %arg7[%run_scoped3A_181, %dma_wait3A_201] : memref<3x128xi32, #tpu.memory_space<vmem>> -> memref<1x128xi32, #tpu.memory_space<vmem>>
        %dma_wait3A_203 = tpu.memref_squeeze %dma_wait3A_202 : memref<1x128xi32, #tpu.memory_space<vmem>> -> memref<128xi32, #tpu.memory_space<vmem>>
        %dma_wait3A_204 = arith.constant 0 : i32
        %dma_wait3A_205 = arith.constant 0 : i32
        %dma_wait3A_206 = tpu.memref_slice %arg9[%dma_wait3A_204, %dma_wait3A_205] : memref<72x128xf32, #tpu.memory_space<vmem_shared>> -> memref<72x128xf32, #tpu.memory_space<vmem_shared>>
        tpu.wait_indirect_dma semaphore(%run_scoped3A_187 : memref<!tpu.dma_semaphore, #tpu.memory_space<semaphore_mem>>) src(%dma_wait3A_200 : memref<128x128xf32, #tpu.memory_space<vmem>>) dst(%dma_wait3A_206 : memref<72x128xf32, #tpu.memory_space<vmem_shared>>)
        tpu.yield
      }) : () -> ()
      %gt3A_182 = arith.constant 16 : i32
      %gt3A_183 = arith.cmpi sgt, %add3A_8, %gt3A_182 : i32
      %convert_element_type3A_184 = arith.extui %gt3A_183 : i1 to i32
      %cond3A_185 = arith.constant 0 : i32
      %cond3A_186 = arith.cmpi ne, %convert_element_type3A_184, %cond3A_185 : i32
      scf.if %cond3A_186 {
        %add3A_187 = arith.constant 16 : i32
        %add3A_188 = arith.addi %add3A_4, %add3A_187 : i32
        %eq3A_189 = arith.constant 781 : i32
        %eq3A_190 = arith.cmpi eq, %add3A_188, %eq3A_189 : i32
        %mul3A_191 = arith.constant 128 : i32
        %mul3A_192 = arith.muli %add3A_188, %mul3A_191 : i32
        %jit3A_193 = arith.constant 99872 : i32
        %select_n3A_194 = arith.select %eq3A_190, %jit3A_193, %mul3A_192 : i32
        %multiple_of3A = tpu.assume_multiple %select_n3A_194, 8 : i32
        %eq3A_195 = arith.constant 781 : i32
        %eq3A_196 = arith.cmpi eq, %add3A_188, %eq3A_195 : i32
        %mul3A_197 = arith.constant 128 : i32
        %mul3A_198 = arith.muli %add3A_188, %mul3A_197 : i32
        %jit3A_199 = arith.constant 100000 : i32
        %select_n3A_200 = arith.select %eq3A_196, %jit3A_199, %mul3A_198 : i32
        %multiple_of3A_201 = tpu.assume_multiple %select_n3A_200, 8 : i32
        %dma_start3A = arith.constant 1 : i32
        %dma_start3A_202 = arith.constant 0 : i32
        %dma_start3A_203 = arith.constant 0 : i32
        %dma_start3A_204 = tpu.memref_slice %arg6[%dma_start3A, %dma_start3A_202, %dma_start3A_203] : memref<3x128x128xf32, #tpu.memory_space<vmem>> -> memref<1x128x128xf32, #tpu.memory_space<vmem>>
        %dma_start3A_205 = tpu.memref_squeeze %dma_start3A_204 : memref<1x128x128xf32, #tpu.memory_space<vmem>> -> memref<128x128xf32, #tpu.memory_space<vmem>>
        %dma_start3A_206 = arith.constant 0 : i32
        %dma_start3A_207 = tpu.memref_slice %arg2[%multiple_of3A, %dma_start3A_206] : memref<100000x128xf32, #tpu.memory_space<hbm>> -> memref<128x128xf32, #tpu.memory_space<hbm>>
        %dma_start3A_208 = arith.constant 0 : i32
        %dma_start3A_209 = arith.constant 0 : i32
        %dma_start3A_210 = tpu.memref_slice %arg6[%dma_start3A, %dma_start3A_208, %dma_start3A_209] : memref<3x128x128xf32, #tpu.memory_space<vmem>> -> memref<1x128x128xf32, #tpu.memory_space<vmem>>
        %dma_start3A_211 = tpu.memref_squeeze %dma_start3A_210 : memref<1x128x128xf32, #tpu.memory_space<vmem>> -> memref<128x128xf32, #tpu.memory_space<vmem>>
        %dma_start3A_212 = arith.constant 0 : i32
        %dma_start3A_213 = tpu.memref_slice %arg2[%multiple_of3A, %dma_start3A_212] : memref<100000x128xf32, #tpu.memory_space<hbm>> -> memref<128x128xf32, #tpu.memory_space<hbm>>
        tpu.enqueue_dma source(%dma_start3A_213 : memref<128x128xf32, #tpu.memory_space<hbm>>) target(%dma_start3A_211 : memref<128x128xf32, #tpu.memory_space<vmem>>) target_semaphore(%arg11 : memref<!tpu.dma_semaphore, #tpu.memory_space<semaphore_mem>>)
        %dma_start3A_214 = arith.constant 1 : i32
        %dma_start3A_215 = arith.constant 0 : i32
        %dma_start3A_216 = tpu.memref_slice %arg7[%dma_start3A_214, %dma_start3A_215] : memref<3x128xi32, #tpu.memory_space<vmem>> -> memref<1x128xi32, #tpu.memory_space<vmem>>
        %dma_start3A_217 = tpu.memref_squeeze %dma_start3A_216 : memref<1x128xi32, #tpu.memory_space<vmem>> -> memref<128xi32, #tpu.memory_space<vmem>>
        %dma_start3A_218 = tpu.memref_slice %arg3[%multiple_of3A_201] : memref<100128xi32, #tpu.memory_space<hbm>> -> memref<128xi32, #tpu.memory_space<hbm>>
        %dma_start3A_219 = arith.constant 0 : i32
        %dma_start3A_220 = tpu.memref_slice %arg7[%dma_start3A_214, %dma_start3A_219] : memref<3x128xi32, #tpu.memory_space<vmem>> -> memref<1x128xi32, #tpu.memory_space<vmem>>
        %dma_start3A_221 = tpu.memref_squeeze %dma_start3A_220 : memref<1x128xi32, #tpu.memory_space<vmem>> -> memref<128xi32, #tpu.memory_space<vmem>>
        %dma_start3A_222 = tpu.memref_slice %arg3[%multiple_of3A_201] : memref<100128xi32, #tpu.memory_space<hbm>> -> memref<128xi32, #tpu.memory_space<hbm>>
        tpu.enqueue_dma source(%dma_start3A_222 : memref<128xi32, #tpu.memory_space<hbm>>) target(%dma_start3A_221 : memref<128xi32, #tpu.memory_space<vmem>>) target_semaphore(%arg11 : memref<!tpu.dma_semaphore, #tpu.memory_space<semaphore_mem>>)
      } else {
      }
    } else {
    }
    %gt3A_95 = arith.constant 14 : i32
    %gt3A_96 = arith.cmpi sgt, %add3A_8, %gt3A_95 : i32
    %convert_element_type3A_97 = arith.extui %gt3A_96 : i1 to i32
    %cond3A_98 = arith.constant 0 : i32
    %cond3A_99 = arith.cmpi ne, %convert_element_type3A_97, %cond3A_98 : i32
    scf.if %cond3A_99 {
      %dma_wait3A = arith.constant 2 : i32
      %dma_wait3A_156 = arith.constant 0 : i32
      %dma_wait3A_157 = arith.constant 0 : i32
      %dma_wait3A_158 = tpu.memref_slice %arg6[%dma_wait3A, %dma_wait3A_156, %dma_wait3A_157] : memref<3x128x128xf32, #tpu.memory_space<vmem>> -> memref<1x128x128xf32, #tpu.memory_space<vmem>>
      %dma_wait3A_159 = tpu.memref_squeeze %dma_wait3A_158 : memref<1x128x128xf32, #tpu.memory_space<vmem>> -> memref<128x128xf32, #tpu.memory_space<vmem>>
      %dma_wait3A_160 = arith.constant 0 : i32
      %dma_wait3A_161 = arith.constant 0 : i32
      %dma_wait3A_162 = tpu.memref_slice %arg2[%dma_wait3A_160, %dma_wait3A_161] : memref<100000x128xf32, #tpu.memory_space<hbm>> -> memref<128x128xf32, #tpu.memory_space<hbm>>
      %dma_wait3A_163 = arith.constant 0 : i32
      %dma_wait3A_164 = arith.constant 0 : i32
      %dma_wait3A_165 = tpu.memref_slice %arg6[%dma_wait3A, %dma_wait3A_163, %dma_wait3A_164] : memref<3x128x128xf32, #tpu.memory_space<vmem>> -> memref<1x128x128xf32, #tpu.memory_space<vmem>>
      %dma_wait3A_166 = tpu.memref_squeeze %dma_wait3A_165 : memref<1x128x128xf32, #tpu.memory_space<vmem>> -> memref<128x128xf32, #tpu.memory_space<vmem>>
      %dma_wait3A_167 = arith.constant 0 : i32
      %dma_wait3A_168 = arith.constant 0 : i32
      %dma_wait3A_169 = tpu.memref_slice %arg2[%dma_wait3A_167, %dma_wait3A_168] : memref<100000x128xf32, #tpu.memory_space<hbm>> -> memref<128x128xf32, #tpu.memory_space<hbm>>
      tpu.wait_dma2 semaphore(%arg12 : memref<!tpu.dma_semaphore, #tpu.memory_space<semaphore_mem>>) src(%dma_wait3A_169 : memref<128x128xf32, #tpu.memory_space<hbm>>) dst(%dma_wait3A_166 : memref<128x128xf32, #tpu.memory_space<vmem>>)
      %dma_wait3A_170 = arith.constant 2 : i32
      %dma_wait3A_171 = arith.constant 0 : i32
      %dma_wait3A_172 = tpu.memref_slice %arg7[%dma_wait3A_170, %dma_wait3A_171] : memref<3x128xi32, #tpu.memory_space<vmem>> -> memref<1x128xi32, #tpu.memory_space<vmem>>
      %dma_wait3A_173 = tpu.memref_squeeze %dma_wait3A_172 : memref<1x128xi32, #tpu.memory_space<vmem>> -> memref<128xi32, #tpu.memory_space<vmem>>
      %dma_wait3A_174 = arith.constant 0 : i32
      %dma_wait3A_175 = tpu.memref_slice %arg3[%dma_wait3A_174] : memref<100128xi32, #tpu.memory_space<hbm>> -> memref<128xi32, #tpu.memory_space<hbm>>
      %dma_wait3A_176 = arith.constant 0 : i32
      %dma_wait3A_177 = tpu.memref_slice %arg7[%dma_wait3A_170, %dma_wait3A_176] : memref<3x128xi32, #tpu.memory_space<vmem>> -> memref<1x128xi32, #tpu.memory_space<vmem>>
      %dma_wait3A_178 = tpu.memref_squeeze %dma_wait3A_177 : memref<1x128xi32, #tpu.memory_space<vmem>> -> memref<128xi32, #tpu.memory_space<vmem>>
      %dma_wait3A_179 = arith.constant 0 : i32
      %dma_wait3A_180 = tpu.memref_slice %arg3[%dma_wait3A_179] : memref<100128xi32, #tpu.memory_space<hbm>> -> memref<128xi32, #tpu.memory_space<hbm>>
      tpu.wait_dma2 semaphore(%arg12 : memref<!tpu.dma_semaphore, #tpu.memory_space<semaphore_mem>>) src(%dma_wait3A_180 : memref<128xi32, #tpu.memory_space<hbm>>) dst(%dma_wait3A_178 : memref<128xi32, #tpu.memory_space<vmem>>)
      %run_scoped3A = arith.constant 2 : i32
      %run_scoped3A_181 = arith.constant 2 : i32
      "tpu.region"() ({
        %run_scoped3A_187 = tpu.sem_alloc : memref<!tpu.dma_semaphore, #tpu.memory_space<semaphore_mem>>
        %dma_start3A = arith.constant 0 : i32
        %dma_start3A_188 = arith.constant 0 : i32
        %dma_start3A_189 = tpu.memref_slice %arg6[%run_scoped3A, %dma_start3A, %dma_start3A_188] : memref<3x128x128xf32, #tpu.memory_space<vmem>> -> memref<1x128x128xf32, #tpu.memory_space<vmem>>
        %dma_start3A_190 = tpu.memref_squeeze %dma_start3A_189 : memref<1x128x128xf32, #tpu.memory_space<vmem>> -> memref<128x128xf32, #tpu.memory_space<vmem>>
        %dma_start3A_191 = arith.constant 0 : i32
        %dma_start3A_192 = tpu.memref_slice %arg7[%run_scoped3A_181, %dma_start3A_191] : memref<3x128xi32, #tpu.memory_space<vmem>> -> memref<1x128xi32, #tpu.memory_space<vmem>>
        %dma_start3A_193 = tpu.memref_squeeze %dma_start3A_192 : memref<1x128xi32, #tpu.memory_space<vmem>> -> memref<128xi32, #tpu.memory_space<vmem>>
        %dma_start3A_194 = arith.constant 0 : i32
        %dma_start3A_195 = arith.constant 0 : i32
        %dma_start3A_196 = tpu.memref_slice %arg9[%dma_start3A_194, %dma_start3A_195] : memref<72x128xf32, #tpu.memory_space<vmem_shared>> -> memref<72x128xf32, #tpu.memory_space<vmem_shared>>
        tpu.enqueue_indirect_dma source(%dma_start3A_190 : memref<128x128xf32, #tpu.memory_space<vmem>>) target(%dma_start3A_196 : memref<72x128xf32, #tpu.memory_space<vmem_shared>>) offsets(%dma_start3A_193 : memref<128xi32, #tpu.memory_space<vmem>>) semaphore(%run_scoped3A_187 : memref<!tpu.dma_semaphore, #tpu.memory_space<semaphore_mem>>) {add = true}
        %dma_wait3A_197 = arith.constant 0 : i32
        %dma_wait3A_198 = arith.constant 0 : i32
        %dma_wait3A_199 = tpu.memref_slice %arg6[%run_scoped3A, %dma_wait3A_197, %dma_wait3A_198] : memref<3x128x128xf32, #tpu.memory_space<vmem>> -> memref<1x128x128xf32, #tpu.memory_space<vmem>>
        %dma_wait3A_200 = tpu.memref_squeeze %dma_wait3A_199 : memref<1x128x128xf32, #tpu.memory_space<vmem>> -> memref<128x128xf32, #tpu.memory_space<vmem>>
        %dma_wait3A_201 = arith.constant 0 : i32
        %dma_wait3A_202 = tpu.memref_slice %arg7[%run_scoped3A_181, %dma_wait3A_201] : memref<3x128xi32, #tpu.memory_space<vmem>> -> memref<1x128xi32, #tpu.memory_space<vmem>>
        %dma_wait3A_203 = tpu.memref_squeeze %dma_wait3A_202 : memref<1x128xi32, #tpu.memory_space<vmem>> -> memref<128xi32, #tpu.memory_space<vmem>>
        %dma_wait3A_204 = arith.constant 0 : i32
        %dma_wait3A_205 = arith.constant 0 : i32
        %dma_wait3A_206 = tpu.memref_slice %arg9[%dma_wait3A_204, %dma_wait3A_205] : memref<72x128xf32, #tpu.memory_space<vmem_shared>> -> memref<72x128xf32, #tpu.memory_space<vmem_shared>>
        tpu.wait_indirect_dma semaphore(%run_scoped3A_187 : memref<!tpu.dma_semaphore, #tpu.memory_space<semaphore_mem>>) src(%dma_wait3A_200 : memref<128x128xf32, #tpu.memory_space<vmem>>) dst(%dma_wait3A_206 : memref<72x128xf32, #tpu.memory_space<vmem_shared>>)
        tpu.yield
      }) : () -> ()
      %gt3A_182 = arith.constant 17 : i32
      %gt3A_183 = arith.cmpi sgt, %add3A_8, %gt3A_182 : i32
      %convert_element_type3A_184 = arith.extui %gt3A_183 : i1 to i32
      %cond3A_185 = arith.constant 0 : i32
      %cond3A_186 = arith.cmpi ne, %convert_element_type3A_184, %cond3A_185 : i32
      scf.if %cond3A_186 {
        %add3A_187 = arith.constant 17 : i32
        %add3A_188 = arith.addi %add3A_4, %add3A_187 : i32
        %eq3A_189 = arith.constant 781 : i32
        %eq3A_190 = arith.cmpi eq, %add3A_188, %eq3A_189 : i32
        %mul3A_191 = arith.constant 128 : i32
        %mul3A_192 = arith.muli %add3A_188, %mul3A_191 : i32
        %jit3A_193 = arith.constant 99872 : i32
        %select_n3A_194 = arith.select %eq3A_190, %jit3A_193, %mul3A_192 : i32
        %multiple_of3A = tpu.assume_multiple %select_n3A_194, 8 : i32
        %eq3A_195 = arith.constant 781 : i32
        %eq3A_196 = arith.cmpi eq, %add3A_188, %eq3A_195 : i32
        %mul3A_197 = arith.constant 128 : i32
        %mul3A_198 = arith.muli %add3A_188, %mul3A_197 : i32
        %jit3A_199 = arith.constant 100000 : i32
        %select_n3A_200 = arith.select %eq3A_196, %jit3A_199, %mul3A_198 : i32
        %multiple_of3A_201 = tpu.assume_multiple %select_n3A_200, 8 : i32
        %dma_start3A = arith.constant 2 : i32
        %dma_start3A_202 = arith.constant 0 : i32
        %dma_start3A_203 = arith.constant 0 : i32
        %dma_start3A_204 = tpu.memref_slice %arg6[%dma_start3A, %dma_start3A_202, %dma_start3A_203] : memref<3x128x128xf32, #tpu.memory_space<vmem>> -> memref<1x128x128xf32, #tpu.memory_space<vmem>>
        %dma_start3A_205 = tpu.memref_squeeze %dma_start3A_204 : memref<1x128x128xf32, #tpu.memory_space<vmem>> -> memref<128x128xf32, #tpu.memory_space<vmem>>
        %dma_start3A_206 = arith.constant 0 : i32
        %dma_start3A_207 = tpu.memref_slice %arg2[%multiple_of3A, %dma_start3A_206] : memref<100000x128xf32, #tpu.memory_space<hbm>> -> memref<128x128xf32, #tpu.memory_space<hbm>>
        %dma_start3A_208 = arith.constant 0 : i32
        %dma_start3A_209 = arith.constant 0 : i32
        %dma_start3A_210 = tpu.memref_slice %arg6[%dma_start3A, %dma_start3A_208, %dma_start3A_209] : memref<3x128x128xf32, #tpu.memory_space<vmem>> -> memref<1x128x128xf32, #tpu.memory_space<vmem>>
        %dma_start3A_211 = tpu.memref_squeeze %dma_start3A_210 : memref<1x128x128xf32, #tpu.memory_space<vmem>> -> memref<128x128xf32, #tpu.memory_space<vmem>>
        %dma_start3A_212 = arith.constant 0 : i32
        %dma_start3A_213 = tpu.memref_slice %arg2[%multiple_of3A, %dma_start3A_212] : memref<100000x128xf32, #tpu.memory_space<hbm>> -> memref<128x128xf32, #tpu.memory_space<hbm>>
        tpu.enqueue_dma source(%dma_start3A_213 : memref<128x128xf32, #tpu.memory_space<hbm>>) target(%dma_start3A_211 : memref<128x128xf32, #tpu.memory_space<vmem>>) target_semaphore(%arg12 : memref<!tpu.dma_semaphore, #tpu.memory_space<semaphore_mem>>)
        %dma_start3A_214 = arith.constant 2 : i32
        %dma_start3A_215 = arith.constant 0 : i32
        %dma_start3A_216 = tpu.memref_slice %arg7[%dma_start3A_214, %dma_start3A_215] : memref<3x128xi32, #tpu.memory_space<vmem>> -> memref<1x128xi32, #tpu.memory_space<vmem>>
        %dma_start3A_217 = tpu.memref_squeeze %dma_start3A_216 : memref<1x128xi32, #tpu.memory_space<vmem>> -> memref<128xi32, #tpu.memory_space<vmem>>
        %dma_start3A_218 = tpu.memref_slice %arg3[%multiple_of3A_201] : memref<100128xi32, #tpu.memory_space<hbm>> -> memref<128xi32, #tpu.memory_space<hbm>>
        %dma_start3A_219 = arith.constant 0 : i32
        %dma_start3A_220 = tpu.memref_slice %arg7[%dma_start3A_214, %dma_start3A_219] : memref<3x128xi32, #tpu.memory_space<vmem>> -> memref<1x128xi32, #tpu.memory_space<vmem>>
        %dma_start3A_221 = tpu.memref_squeeze %dma_start3A_220 : memref<1x128xi32, #tpu.memory_space<vmem>> -> memref<128xi32, #tpu.memory_space<vmem>>
        %dma_start3A_222 = tpu.memref_slice %arg3[%multiple_of3A_201] : memref<100128xi32, #tpu.memory_space<hbm>> -> memref<128xi32, #tpu.memory_space<hbm>>
        tpu.enqueue_dma source(%dma_start3A_222 : memref<128xi32, #tpu.memory_space<hbm>>) target(%dma_start3A_221 : memref<128xi32, #tpu.memory_space<vmem>>) target_semaphore(%arg12 : memref<!tpu.dma_semaphore, #tpu.memory_space<semaphore_mem>>)
      } else {
      }
    } else {
    }
    %gt3A_100 = arith.constant 15 : i32
    %gt3A_101 = arith.cmpi sgt, %add3A_8, %gt3A_100 : i32
    %convert_element_type3A_102 = arith.extui %gt3A_101 : i1 to i32
    %cond3A_103 = arith.constant 0 : i32
    %cond3A_104 = arith.cmpi ne, %convert_element_type3A_102, %cond3A_103 : i32
    scf.if %cond3A_104 {
      %dma_wait3A = arith.constant 0 : i32
      %dma_wait3A_156 = arith.constant 0 : i32
      %dma_wait3A_157 = arith.constant 0 : i32
      %dma_wait3A_158 = tpu.memref_slice %arg6[%dma_wait3A, %dma_wait3A_156, %dma_wait3A_157] : memref<3x128x128xf32, #tpu.memory_space<vmem>> -> memref<1x128x128xf32, #tpu.memory_space<vmem>>
      %dma_wait3A_159 = tpu.memref_squeeze %dma_wait3A_158 : memref<1x128x128xf32, #tpu.memory_space<vmem>> -> memref<128x128xf32, #tpu.memory_space<vmem>>
      %dma_wait3A_160 = arith.constant 0 : i32
      %dma_wait3A_161 = arith.constant 0 : i32
      %dma_wait3A_162 = tpu.memref_slice %arg2[%dma_wait3A_160, %dma_wait3A_161] : memref<100000x128xf32, #tpu.memory_space<hbm>> -> memref<128x128xf32, #tpu.memory_space<hbm>>
      %dma_wait3A_163 = arith.constant 0 : i32
      %dma_wait3A_164 = arith.constant 0 : i32
      %dma_wait3A_165 = tpu.memref_slice %arg6[%dma_wait3A, %dma_wait3A_163, %dma_wait3A_164] : memref<3x128x128xf32, #tpu.memory_space<vmem>> -> memref<1x128x128xf32, #tpu.memory_space<vmem>>
      %dma_wait3A_166 = tpu.memref_squeeze %dma_wait3A_165 : memref<1x128x128xf32, #tpu.memory_space<vmem>> -> memref<128x128xf32, #tpu.memory_space<vmem>>
      %dma_wait3A_167 = arith.constant 0 : i32
      %dma_wait3A_168 = arith.constant 0 : i32
      %dma_wait3A_169 = tpu.memref_slice %arg2[%dma_wait3A_167, %dma_wait3A_168] : memref<100000x128xf32, #tpu.memory_space<hbm>> -> memref<128x128xf32, #tpu.memory_space<hbm>>
      tpu.wait_dma2 semaphore(%arg10 : memref<!tpu.dma_semaphore, #tpu.memory_space<semaphore_mem>>) src(%dma_wait3A_169 : memref<128x128xf32, #tpu.memory_space<hbm>>) dst(%dma_wait3A_166 : memref<128x128xf32, #tpu.memory_space<vmem>>)
      %dma_wait3A_170 = arith.constant 0 : i32
      %dma_wait3A_171 = arith.constant 0 : i32
      %dma_wait3A_172 = tpu.memref_slice %arg7[%dma_wait3A_170, %dma_wait3A_171] : memref<3x128xi32, #tpu.memory_space<vmem>> -> memref<1x128xi32, #tpu.memory_space<vmem>>
      %dma_wait3A_173 = tpu.memref_squeeze %dma_wait3A_172 : memref<1x128xi32, #tpu.memory_space<vmem>> -> memref<128xi32, #tpu.memory_space<vmem>>
      %dma_wait3A_174 = arith.constant 0 : i32
      %dma_wait3A_175 = tpu.memref_slice %arg3[%dma_wait3A_174] : memref<100128xi32, #tpu.memory_space<hbm>> -> memref<128xi32, #tpu.memory_space<hbm>>
      %dma_wait3A_176 = arith.constant 0 : i32
      %dma_wait3A_177 = tpu.memref_slice %arg7[%dma_wait3A_170, %dma_wait3A_176] : memref<3x128xi32, #tpu.memory_space<vmem>> -> memref<1x128xi32, #tpu.memory_space<vmem>>
      %dma_wait3A_178 = tpu.memref_squeeze %dma_wait3A_177 : memref<1x128xi32, #tpu.memory_space<vmem>> -> memref<128xi32, #tpu.memory_space<vmem>>
      %dma_wait3A_179 = arith.constant 0 : i32
      %dma_wait3A_180 = tpu.memref_slice %arg3[%dma_wait3A_179] : memref<100128xi32, #tpu.memory_space<hbm>> -> memref<128xi32, #tpu.memory_space<hbm>>
      tpu.wait_dma2 semaphore(%arg10 : memref<!tpu.dma_semaphore, #tpu.memory_space<semaphore_mem>>) src(%dma_wait3A_180 : memref<128xi32, #tpu.memory_space<hbm>>) dst(%dma_wait3A_178 : memref<128xi32, #tpu.memory_space<vmem>>)
      %run_scoped3A = arith.constant 0 : i32
      %run_scoped3A_181 = arith.constant 0 : i32
      "tpu.region"() ({
        %run_scoped3A_187 = tpu.sem_alloc : memref<!tpu.dma_semaphore, #tpu.memory_space<semaphore_mem>>
        %dma_start3A = arith.constant 0 : i32
        %dma_start3A_188 = arith.constant 0 : i32
        %dma_start3A_189 = tpu.memref_slice %arg6[%run_scoped3A, %dma_start3A, %dma_start3A_188] : memref<3x128x128xf32, #tpu.memory_space<vmem>> -> memref<1x128x128xf32, #tpu.memory_space<vmem>>
        %dma_start3A_190 = tpu.memref_squeeze %dma_start3A_189 : memref<1x128x128xf32, #tpu.memory_space<vmem>> -> memref<128x128xf32, #tpu.memory_space<vmem>>
        %dma_start3A_191 = arith.constant 0 : i32
        %dma_start3A_192 = tpu.memref_slice %arg7[%run_scoped3A_181, %dma_start3A_191] : memref<3x128xi32, #tpu.memory_space<vmem>> -> memref<1x128xi32, #tpu.memory_space<vmem>>
        %dma_start3A_193 = tpu.memref_squeeze %dma_start3A_192 : memref<1x128xi32, #tpu.memory_space<vmem>> -> memref<128xi32, #tpu.memory_space<vmem>>
        %dma_start3A_194 = arith.constant 0 : i32
        %dma_start3A_195 = arith.constant 0 : i32
        %dma_start3A_196 = tpu.memref_slice %arg9[%dma_start3A_194, %dma_start3A_195] : memref<72x128xf32, #tpu.memory_space<vmem_shared>> -> memref<72x128xf32, #tpu.memory_space<vmem_shared>>
        tpu.enqueue_indirect_dma source(%dma_start3A_190 : memref<128x128xf32, #tpu.memory_space<vmem>>) target(%dma_start3A_196 : memref<72x128xf32, #tpu.memory_space<vmem_shared>>) offsets(%dma_start3A_193 : memref<128xi32, #tpu.memory_space<vmem>>) semaphore(%run_scoped3A_187 : memref<!tpu.dma_semaphore, #tpu.memory_space<semaphore_mem>>) {add = true}
        %dma_wait3A_197 = arith.constant 0 : i32
        %dma_wait3A_198 = arith.constant 0 : i32
        %dma_wait3A_199 = tpu.memref_slice %arg6[%run_scoped3A, %dma_wait3A_197, %dma_wait3A_198] : memref<3x128x128xf32, #tpu.memory_space<vmem>> -> memref<1x128x128xf32, #tpu.memory_space<vmem>>
        %dma_wait3A_200 = tpu.memref_squeeze %dma_wait3A_199 : memref<1x128x128xf32, #tpu.memory_space<vmem>> -> memref<128x128xf32, #tpu.memory_space<vmem>>
        %dma_wait3A_201 = arith.constant 0 : i32
        %dma_wait3A_202 = tpu.memref_slice %arg7[%run_scoped3A_181, %dma_wait3A_201] : memref<3x128xi32, #tpu.memory_space<vmem>> -> memref<1x128xi32, #tpu.memory_space<vmem>>
        %dma_wait3A_203 = tpu.memref_squeeze %dma_wait3A_202 : memref<1x128xi32, #tpu.memory_space<vmem>> -> memref<128xi32, #tpu.memory_space<vmem>>
        %dma_wait3A_204 = arith.constant 0 : i32
        %dma_wait3A_205 = arith.constant 0 : i32
        %dma_wait3A_206 = tpu.memref_slice %arg9[%dma_wait3A_204, %dma_wait3A_205] : memref<72x128xf32, #tpu.memory_space<vmem_shared>> -> memref<72x128xf32, #tpu.memory_space<vmem_shared>>
        tpu.wait_indirect_dma semaphore(%run_scoped3A_187 : memref<!tpu.dma_semaphore, #tpu.memory_space<semaphore_mem>>) src(%dma_wait3A_200 : memref<128x128xf32, #tpu.memory_space<vmem>>) dst(%dma_wait3A_206 : memref<72x128xf32, #tpu.memory_space<vmem_shared>>)
        tpu.yield
      }) : () -> ()
      %gt3A_182 = arith.constant 18 : i32
      %gt3A_183 = arith.cmpi sgt, %add3A_8, %gt3A_182 : i32
      %convert_element_type3A_184 = arith.extui %gt3A_183 : i1 to i32
      %cond3A_185 = arith.constant 0 : i32
      %cond3A_186 = arith.cmpi ne, %convert_element_type3A_184, %cond3A_185 : i32
      scf.if %cond3A_186 {
        %add3A_187 = arith.constant 18 : i32
        %add3A_188 = arith.addi %add3A_4, %add3A_187 : i32
        %eq3A_189 = arith.constant 781 : i32
        %eq3A_190 = arith.cmpi eq, %add3A_188, %eq3A_189 : i32
        %mul3A_191 = arith.constant 128 : i32
        %mul3A_192 = arith.muli %add3A_188, %mul3A_191 : i32
        %jit3A_193 = arith.constant 99872 : i32
        %select_n3A_194 = arith.select %eq3A_190, %jit3A_193, %mul3A_192 : i32
        %multiple_of3A = tpu.assume_multiple %select_n3A_194, 8 : i32
        %eq3A_195 = arith.constant 781 : i32
        %eq3A_196 = arith.cmpi eq, %add3A_188, %eq3A_195 : i32
        %mul3A_197 = arith.constant 128 : i32
        %mul3A_198 = arith.muli %add3A_188, %mul3A_197 : i32
        %jit3A_199 = arith.constant 100000 : i32
        %select_n3A_200 = arith.select %eq3A_196, %jit3A_199, %mul3A_198 : i32
        %multiple_of3A_201 = tpu.assume_multiple %select_n3A_200, 8 : i32
        %dma_start3A = arith.constant 0 : i32
        %dma_start3A_202 = arith.constant 0 : i32
        %dma_start3A_203 = arith.constant 0 : i32
        %dma_start3A_204 = tpu.memref_slice %arg6[%dma_start3A, %dma_start3A_202, %dma_start3A_203] : memref<3x128x128xf32, #tpu.memory_space<vmem>> -> memref<1x128x128xf32, #tpu.memory_space<vmem>>
        %dma_start3A_205 = tpu.memref_squeeze %dma_start3A_204 : memref<1x128x128xf32, #tpu.memory_space<vmem>> -> memref<128x128xf32, #tpu.memory_space<vmem>>
        %dma_start3A_206 = arith.constant 0 : i32
        %dma_start3A_207 = tpu.memref_slice %arg2[%multiple_of3A, %dma_start3A_206] : memref<100000x128xf32, #tpu.memory_space<hbm>> -> memref<128x128xf32, #tpu.memory_space<hbm>>
        %dma_start3A_208 = arith.constant 0 : i32
        %dma_start3A_209 = arith.constant 0 : i32
        %dma_start3A_210 = tpu.memref_slice %arg6[%dma_start3A, %dma_start3A_208, %dma_start3A_209] : memref<3x128x128xf32, #tpu.memory_space<vmem>> -> memref<1x128x128xf32, #tpu.memory_space<vmem>>
        %dma_start3A_211 = tpu.memref_squeeze %dma_start3A_210 : memref<1x128x128xf32, #tpu.memory_space<vmem>> -> memref<128x128xf32, #tpu.memory_space<vmem>>
        %dma_start3A_212 = arith.constant 0 : i32
        %dma_start3A_213 = tpu.memref_slice %arg2[%multiple_of3A, %dma_start3A_212] : memref<100000x128xf32, #tpu.memory_space<hbm>> -> memref<128x128xf32, #tpu.memory_space<hbm>>
        tpu.enqueue_dma source(%dma_start3A_213 : memref<128x128xf32, #tpu.memory_space<hbm>>) target(%dma_start3A_211 : memref<128x128xf32, #tpu.memory_space<vmem>>) target_semaphore(%arg10 : memref<!tpu.dma_semaphore, #tpu.memory_space<semaphore_mem>>)
        %dma_start3A_214 = arith.constant 0 : i32
        %dma_start3A_215 = arith.constant 0 : i32
        %dma_start3A_216 = tpu.memref_slice %arg7[%dma_start3A_214, %dma_start3A_215] : memref<3x128xi32, #tpu.memory_space<vmem>> -> memref<1x128xi32, #tpu.memory_space<vmem>>
        %dma_start3A_217 = tpu.memref_squeeze %dma_start3A_216 : memref<1x128xi32, #tpu.memory_space<vmem>> -> memref<128xi32, #tpu.memory_space<vmem>>
        %dma_start3A_218 = tpu.memref_slice %arg3[%multiple_of3A_201] : memref<100128xi32, #tpu.memory_space<hbm>> -> memref<128xi32, #tpu.memory_space<hbm>>
        %dma_start3A_219 = arith.constant 0 : i32
        %dma_start3A_220 = tpu.memref_slice %arg7[%dma_start3A_214, %dma_start3A_219] : memref<3x128xi32, #tpu.memory_space<vmem>> -> memref<1x128xi32, #tpu.memory_space<vmem>>
        %dma_start3A_221 = tpu.memref_squeeze %dma_start3A_220 : memref<1x128xi32, #tpu.memory_space<vmem>> -> memref<128xi32, #tpu.memory_space<vmem>>
        %dma_start3A_222 = tpu.memref_slice %arg3[%multiple_of3A_201] : memref<100128xi32, #tpu.memory_space<hbm>> -> memref<128xi32, #tpu.memory_space<hbm>>
        tpu.enqueue_dma source(%dma_start3A_222 : memref<128xi32, #tpu.memory_space<hbm>>) target(%dma_start3A_221 : memref<128xi32, #tpu.memory_space<vmem>>) target_semaphore(%arg10 : memref<!tpu.dma_semaphore, #tpu.memory_space<semaphore_mem>>)
      } else {
      }
    } else {
    }
    %gt3A_105 = arith.constant 16 : i32
    %gt3A_106 = arith.cmpi sgt, %add3A_8, %gt3A_105 : i32
    %convert_element_type3A_107 = arith.extui %gt3A_106 : i1 to i32
    %cond3A_108 = arith.constant 0 : i32
    %cond3A_109 = arith.cmpi ne, %convert_element_type3A_107, %cond3A_108 : i32
    scf.if %cond3A_109 {
      %dma_wait3A = arith.constant 1 : i32
      %dma_wait3A_156 = arith.constant 0 : i32
      %dma_wait3A_157 = arith.constant 0 : i32
      %dma_wait3A_158 = tpu.memref_slice %arg6[%dma_wait3A, %dma_wait3A_156, %dma_wait3A_157] : memref<3x128x128xf32, #tpu.memory_space<vmem>> -> memref<1x128x128xf32, #tpu.memory_space<vmem>>
      %dma_wait3A_159 = tpu.memref_squeeze %dma_wait3A_158 : memref<1x128x128xf32, #tpu.memory_space<vmem>> -> memref<128x128xf32, #tpu.memory_space<vmem>>
      %dma_wait3A_160 = arith.constant 0 : i32
      %dma_wait3A_161 = arith.constant 0 : i32
      %dma_wait3A_162 = tpu.memref_slice %arg2[%dma_wait3A_160, %dma_wait3A_161] : memref<100000x128xf32, #tpu.memory_space<hbm>> -> memref<128x128xf32, #tpu.memory_space<hbm>>
      %dma_wait3A_163 = arith.constant 0 : i32
      %dma_wait3A_164 = arith.constant 0 : i32
      %dma_wait3A_165 = tpu.memref_slice %arg6[%dma_wait3A, %dma_wait3A_163, %dma_wait3A_164] : memref<3x128x128xf32, #tpu.memory_space<vmem>> -> memref<1x128x128xf32, #tpu.memory_space<vmem>>
      %dma_wait3A_166 = tpu.memref_squeeze %dma_wait3A_165 : memref<1x128x128xf32, #tpu.memory_space<vmem>> -> memref<128x128xf32, #tpu.memory_space<vmem>>
      %dma_wait3A_167 = arith.constant 0 : i32
      %dma_wait3A_168 = arith.constant 0 : i32
      %dma_wait3A_169 = tpu.memref_slice %arg2[%dma_wait3A_167, %dma_wait3A_168] : memref<100000x128xf32, #tpu.memory_space<hbm>> -> memref<128x128xf32, #tpu.memory_space<hbm>>
      tpu.wait_dma2 semaphore(%arg11 : memref<!tpu.dma_semaphore, #tpu.memory_space<semaphore_mem>>) src(%dma_wait3A_169 : memref<128x128xf32, #tpu.memory_space<hbm>>) dst(%dma_wait3A_166 : memref<128x128xf32, #tpu.memory_space<vmem>>)
      %dma_wait3A_170 = arith.constant 1 : i32
      %dma_wait3A_171 = arith.constant 0 : i32
      %dma_wait3A_172 = tpu.memref_slice %arg7[%dma_wait3A_170, %dma_wait3A_171] : memref<3x128xi32, #tpu.memory_space<vmem>> -> memref<1x128xi32, #tpu.memory_space<vmem>>
      %dma_wait3A_173 = tpu.memref_squeeze %dma_wait3A_172 : memref<1x128xi32, #tpu.memory_space<vmem>> -> memref<128xi32, #tpu.memory_space<vmem>>
      %dma_wait3A_174 = arith.constant 0 : i32
      %dma_wait3A_175 = tpu.memref_slice %arg3[%dma_wait3A_174] : memref<100128xi32, #tpu.memory_space<hbm>> -> memref<128xi32, #tpu.memory_space<hbm>>
      %dma_wait3A_176 = arith.constant 0 : i32
      %dma_wait3A_177 = tpu.memref_slice %arg7[%dma_wait3A_170, %dma_wait3A_176] : memref<3x128xi32, #tpu.memory_space<vmem>> -> memref<1x128xi32, #tpu.memory_space<vmem>>
      %dma_wait3A_178 = tpu.memref_squeeze %dma_wait3A_177 : memref<1x128xi32, #tpu.memory_space<vmem>> -> memref<128xi32, #tpu.memory_space<vmem>>
      %dma_wait3A_179 = arith.constant 0 : i32
      %dma_wait3A_180 = tpu.memref_slice %arg3[%dma_wait3A_179] : memref<100128xi32, #tpu.memory_space<hbm>> -> memref<128xi32, #tpu.memory_space<hbm>>
      tpu.wait_dma2 semaphore(%arg11 : memref<!tpu.dma_semaphore, #tpu.memory_space<semaphore_mem>>) src(%dma_wait3A_180 : memref<128xi32, #tpu.memory_space<hbm>>) dst(%dma_wait3A_178 : memref<128xi32, #tpu.memory_space<vmem>>)
      %run_scoped3A = arith.constant 1 : i32
      %run_scoped3A_181 = arith.constant 1 : i32
      "tpu.region"() ({
        %run_scoped3A_187 = tpu.sem_alloc : memref<!tpu.dma_semaphore, #tpu.memory_space<semaphore_mem>>
        %dma_start3A = arith.constant 0 : i32
        %dma_start3A_188 = arith.constant 0 : i32
        %dma_start3A_189 = tpu.memref_slice %arg6[%run_scoped3A, %dma_start3A, %dma_start3A_188] : memref<3x128x128xf32, #tpu.memory_space<vmem>> -> memref<1x128x128xf32, #tpu.memory_space<vmem>>
        %dma_start3A_190 = tpu.memref_squeeze %dma_start3A_189 : memref<1x128x128xf32, #tpu.memory_space<vmem>> -> memref<128x128xf32, #tpu.memory_space<vmem>>
        %dma_start3A_191 = arith.constant 0 : i32
        %dma_start3A_192 = tpu.memref_slice %arg7[%run_scoped3A_181, %dma_start3A_191] : memref<3x128xi32, #tpu.memory_space<vmem>> -> memref<1x128xi32, #tpu.memory_space<vmem>>
        %dma_start3A_193 = tpu.memref_squeeze %dma_start3A_192 : memref<1x128xi32, #tpu.memory_space<vmem>> -> memref<128xi32, #tpu.memory_space<vmem>>
        %dma_start3A_194 = arith.constant 0 : i32
        %dma_start3A_195 = arith.constant 0 : i32
        %dma_start3A_196 = tpu.memref_slice %arg9[%dma_start3A_194, %dma_start3A_195] : memref<72x128xf32, #tpu.memory_space<vmem_shared>> -> memref<72x128xf32, #tpu.memory_space<vmem_shared>>
        tpu.enqueue_indirect_dma source(%dma_start3A_190 : memref<128x128xf32, #tpu.memory_space<vmem>>) target(%dma_start3A_196 : memref<72x128xf32, #tpu.memory_space<vmem_shared>>) offsets(%dma_start3A_193 : memref<128xi32, #tpu.memory_space<vmem>>) semaphore(%run_scoped3A_187 : memref<!tpu.dma_semaphore, #tpu.memory_space<semaphore_mem>>) {add = true}
        %dma_wait3A_197 = arith.constant 0 : i32
        %dma_wait3A_198 = arith.constant 0 : i32
        %dma_wait3A_199 = tpu.memref_slice %arg6[%run_scoped3A, %dma_wait3A_197, %dma_wait3A_198] : memref<3x128x128xf32, #tpu.memory_space<vmem>> -> memref<1x128x128xf32, #tpu.memory_space<vmem>>
        %dma_wait3A_200 = tpu.memref_squeeze %dma_wait3A_199 : memref<1x128x128xf32, #tpu.memory_space<vmem>> -> memref<128x128xf32, #tpu.memory_space<vmem>>
        %dma_wait3A_201 = arith.constant 0 : i32
        %dma_wait3A_202 = tpu.memref_slice %arg7[%run_scoped3A_181, %dma_wait3A_201] : memref<3x128xi32, #tpu.memory_space<vmem>> -> memref<1x128xi32, #tpu.memory_space<vmem>>
        %dma_wait3A_203 = tpu.memref_squeeze %dma_wait3A_202 : memref<1x128xi32, #tpu.memory_space<vmem>> -> memref<128xi32, #tpu.memory_space<vmem>>
        %dma_wait3A_204 = arith.constant 0 : i32
        %dma_wait3A_205 = arith.constant 0 : i32
        %dma_wait3A_206 = tpu.memref_slice %arg9[%dma_wait3A_204, %dma_wait3A_205] : memref<72x128xf32, #tpu.memory_space<vmem_shared>> -> memref<72x128xf32, #tpu.memory_space<vmem_shared>>
        tpu.wait_indirect_dma semaphore(%run_scoped3A_187 : memref<!tpu.dma_semaphore, #tpu.memory_space<semaphore_mem>>) src(%dma_wait3A_200 : memref<128x128xf32, #tpu.memory_space<vmem>>) dst(%dma_wait3A_206 : memref<72x128xf32, #tpu.memory_space<vmem_shared>>)
        tpu.yield
      }) : () -> ()
      %gt3A_182 = arith.constant 19 : i32
      %gt3A_183 = arith.cmpi sgt, %add3A_8, %gt3A_182 : i32
      %convert_element_type3A_184 = arith.extui %gt3A_183 : i1 to i32
      %cond3A_185 = arith.constant 0 : i32
      %cond3A_186 = arith.cmpi ne, %convert_element_type3A_184, %cond3A_185 : i32
      scf.if %cond3A_186 {
        %add3A_187 = arith.constant 19 : i32
        %add3A_188 = arith.addi %add3A_4, %add3A_187 : i32
        %eq3A_189 = arith.constant 781 : i32
        %eq3A_190 = arith.cmpi eq, %add3A_188, %eq3A_189 : i32
        %mul3A_191 = arith.constant 128 : i32
        %mul3A_192 = arith.muli %add3A_188, %mul3A_191 : i32
        %jit3A_193 = arith.constant 99872 : i32
        %select_n3A_194 = arith.select %eq3A_190, %jit3A_193, %mul3A_192 : i32
        %multiple_of3A = tpu.assume_multiple %select_n3A_194, 8 : i32
        %eq3A_195 = arith.constant 781 : i32
        %eq3A_196 = arith.cmpi eq, %add3A_188, %eq3A_195 : i32
        %mul3A_197 = arith.constant 128 : i32
        %mul3A_198 = arith.muli %add3A_188, %mul3A_197 : i32
        %jit3A_199 = arith.constant 100000 : i32
        %select_n3A_200 = arith.select %eq3A_196, %jit3A_199, %mul3A_198 : i32
        %multiple_of3A_201 = tpu.assume_multiple %select_n3A_200, 8 : i32
        %dma_start3A = arith.constant 1 : i32
        %dma_start3A_202 = arith.constant 0 : i32
        %dma_start3A_203 = arith.constant 0 : i32
        %dma_start3A_204 = tpu.memref_slice %arg6[%dma_start3A, %dma_start3A_202, %dma_start3A_203] : memref<3x128x128xf32, #tpu.memory_space<vmem>> -> memref<1x128x128xf32, #tpu.memory_space<vmem>>
        %dma_start3A_205 = tpu.memref_squeeze %dma_start3A_204 : memref<1x128x128xf32, #tpu.memory_space<vmem>> -> memref<128x128xf32, #tpu.memory_space<vmem>>
        %dma_start3A_206 = arith.constant 0 : i32
        %dma_start3A_207 = tpu.memref_slice %arg2[%multiple_of3A, %dma_start3A_206] : memref<100000x128xf32, #tpu.memory_space<hbm>> -> memref<128x128xf32, #tpu.memory_space<hbm>>
        %dma_start3A_208 = arith.constant 0 : i32
        %dma_start3A_209 = arith.constant 0 : i32
        %dma_start3A_210 = tpu.memref_slice %arg6[%dma_start3A, %dma_start3A_208, %dma_start3A_209] : memref<3x128x128xf32, #tpu.memory_space<vmem>> -> memref<1x128x128xf32, #tpu.memory_space<vmem>>
        %dma_start3A_211 = tpu.memref_squeeze %dma_start3A_210 : memref<1x128x128xf32, #tpu.memory_space<vmem>> -> memref<128x128xf32, #tpu.memory_space<vmem>>
        %dma_start3A_212 = arith.constant 0 : i32
        %dma_start3A_213 = tpu.memref_slice %arg2[%multiple_of3A, %dma_start3A_212] : memref<100000x128xf32, #tpu.memory_space<hbm>> -> memref<128x128xf32, #tpu.memory_space<hbm>>
        tpu.enqueue_dma source(%dma_start3A_213 : memref<128x128xf32, #tpu.memory_space<hbm>>) target(%dma_start3A_211 : memref<128x128xf32, #tpu.memory_space<vmem>>) target_semaphore(%arg11 : memref<!tpu.dma_semaphore, #tpu.memory_space<semaphore_mem>>)
        %dma_start3A_214 = arith.constant 1 : i32
        %dma_start3A_215 = arith.constant 0 : i32
        %dma_start3A_216 = tpu.memref_slice %arg7[%dma_start3A_214, %dma_start3A_215] : memref<3x128xi32, #tpu.memory_space<vmem>> -> memref<1x128xi32, #tpu.memory_space<vmem>>
        %dma_start3A_217 = tpu.memref_squeeze %dma_start3A_216 : memref<1x128xi32, #tpu.memory_space<vmem>> -> memref<128xi32, #tpu.memory_space<vmem>>
        %dma_start3A_218 = tpu.memref_slice %arg3[%multiple_of3A_201] : memref<100128xi32, #tpu.memory_space<hbm>> -> memref<128xi32, #tpu.memory_space<hbm>>
        %dma_start3A_219 = arith.constant 0 : i32
        %dma_start3A_220 = tpu.memref_slice %arg7[%dma_start3A_214, %dma_start3A_219] : memref<3x128xi32, #tpu.memory_space<vmem>> -> memref<1x128xi32, #tpu.memory_space<vmem>>
        %dma_start3A_221 = tpu.memref_squeeze %dma_start3A_220 : memref<1x128xi32, #tpu.memory_space<vmem>> -> memref<128xi32, #tpu.memory_space<vmem>>
        %dma_start3A_222 = tpu.memref_slice %arg3[%multiple_of3A_201] : memref<100128xi32, #tpu.memory_space<hbm>> -> memref<128xi32, #tpu.memory_space<hbm>>
        tpu.enqueue_dma source(%dma_start3A_222 : memref<128xi32, #tpu.memory_space<hbm>>) target(%dma_start3A_221 : memref<128xi32, #tpu.memory_space<vmem>>) target_semaphore(%arg11 : memref<!tpu.dma_semaphore, #tpu.memory_space<semaphore_mem>>)
      } else {
      }
    } else {
    }
    %gt3A_110 = arith.constant 17 : i32
    %gt3A_111 = arith.cmpi sgt, %add3A_8, %gt3A_110 : i32
    %convert_element_type3A_112 = arith.extui %gt3A_111 : i1 to i32
    %cond3A_113 = arith.constant 0 : i32
    %cond3A_114 = arith.cmpi ne, %convert_element_type3A_112, %cond3A_113 : i32
    scf.if %cond3A_114 {
      %dma_wait3A = arith.constant 2 : i32
      %dma_wait3A_156 = arith.constant 0 : i32
      %dma_wait3A_157 = arith.constant 0 : i32
      %dma_wait3A_158 = tpu.memref_slice %arg6[%dma_wait3A, %dma_wait3A_156, %dma_wait3A_157] : memref<3x128x128xf32, #tpu.memory_space<vmem>> -> memref<1x128x128xf32, #tpu.memory_space<vmem>>
      %dma_wait3A_159 = tpu.memref_squeeze %dma_wait3A_158 : memref<1x128x128xf32, #tpu.memory_space<vmem>> -> memref<128x128xf32, #tpu.memory_space<vmem>>
      %dma_wait3A_160 = arith.constant 0 : i32
      %dma_wait3A_161 = arith.constant 0 : i32
      %dma_wait3A_162 = tpu.memref_slice %arg2[%dma_wait3A_160, %dma_wait3A_161] : memref<100000x128xf32, #tpu.memory_space<hbm>> -> memref<128x128xf32, #tpu.memory_space<hbm>>
      %dma_wait3A_163 = arith.constant 0 : i32
      %dma_wait3A_164 = arith.constant 0 : i32
      %dma_wait3A_165 = tpu.memref_slice %arg6[%dma_wait3A, %dma_wait3A_163, %dma_wait3A_164] : memref<3x128x128xf32, #tpu.memory_space<vmem>> -> memref<1x128x128xf32, #tpu.memory_space<vmem>>
      %dma_wait3A_166 = tpu.memref_squeeze %dma_wait3A_165 : memref<1x128x128xf32, #tpu.memory_space<vmem>> -> memref<128x128xf32, #tpu.memory_space<vmem>>
      %dma_wait3A_167 = arith.constant 0 : i32
      %dma_wait3A_168 = arith.constant 0 : i32
      %dma_wait3A_169 = tpu.memref_slice %arg2[%dma_wait3A_167, %dma_wait3A_168] : memref<100000x128xf32, #tpu.memory_space<hbm>> -> memref<128x128xf32, #tpu.memory_space<hbm>>
      tpu.wait_dma2 semaphore(%arg12 : memref<!tpu.dma_semaphore, #tpu.memory_space<semaphore_mem>>) src(%dma_wait3A_169 : memref<128x128xf32, #tpu.memory_space<hbm>>) dst(%dma_wait3A_166 : memref<128x128xf32, #tpu.memory_space<vmem>>)
      %dma_wait3A_170 = arith.constant 2 : i32
      %dma_wait3A_171 = arith.constant 0 : i32
      %dma_wait3A_172 = tpu.memref_slice %arg7[%dma_wait3A_170, %dma_wait3A_171] : memref<3x128xi32, #tpu.memory_space<vmem>> -> memref<1x128xi32, #tpu.memory_space<vmem>>
      %dma_wait3A_173 = tpu.memref_squeeze %dma_wait3A_172 : memref<1x128xi32, #tpu.memory_space<vmem>> -> memref<128xi32, #tpu.memory_space<vmem>>
      %dma_wait3A_174 = arith.constant 0 : i32
      %dma_wait3A_175 = tpu.memref_slice %arg3[%dma_wait3A_174] : memref<100128xi32, #tpu.memory_space<hbm>> -> memref<128xi32, #tpu.memory_space<hbm>>
      %dma_wait3A_176 = arith.constant 0 : i32
      %dma_wait3A_177 = tpu.memref_slice %arg7[%dma_wait3A_170, %dma_wait3A_176] : memref<3x128xi32, #tpu.memory_space<vmem>> -> memref<1x128xi32, #tpu.memory_space<vmem>>
      %dma_wait3A_178 = tpu.memref_squeeze %dma_wait3A_177 : memref<1x128xi32, #tpu.memory_space<vmem>> -> memref<128xi32, #tpu.memory_space<vmem>>
      %dma_wait3A_179 = arith.constant 0 : i32
      %dma_wait3A_180 = tpu.memref_slice %arg3[%dma_wait3A_179] : memref<100128xi32, #tpu.memory_space<hbm>> -> memref<128xi32, #tpu.memory_space<hbm>>
      tpu.wait_dma2 semaphore(%arg12 : memref<!tpu.dma_semaphore, #tpu.memory_space<semaphore_mem>>) src(%dma_wait3A_180 : memref<128xi32, #tpu.memory_space<hbm>>) dst(%dma_wait3A_178 : memref<128xi32, #tpu.memory_space<vmem>>)
      %run_scoped3A = arith.constant 2 : i32
      %run_scoped3A_181 = arith.constant 2 : i32
      "tpu.region"() ({
        %run_scoped3A_187 = tpu.sem_alloc : memref<!tpu.dma_semaphore, #tpu.memory_space<semaphore_mem>>
        %dma_start3A = arith.constant 0 : i32
        %dma_start3A_188 = arith.constant 0 : i32
        %dma_start3A_189 = tpu.memref_slice %arg6[%run_scoped3A, %dma_start3A, %dma_start3A_188] : memref<3x128x128xf32, #tpu.memory_space<vmem>> -> memref<1x128x128xf32, #tpu.memory_space<vmem>>
        %dma_start3A_190 = tpu.memref_squeeze %dma_start3A_189 : memref<1x128x128xf32, #tpu.memory_space<vmem>> -> memref<128x128xf32, #tpu.memory_space<vmem>>
        %dma_start3A_191 = arith.constant 0 : i32
        %dma_start3A_192 = tpu.memref_slice %arg7[%run_scoped3A_181, %dma_start3A_191] : memref<3x128xi32, #tpu.memory_space<vmem>> -> memref<1x128xi32, #tpu.memory_space<vmem>>
        %dma_start3A_193 = tpu.memref_squeeze %dma_start3A_192 : memref<1x128xi32, #tpu.memory_space<vmem>> -> memref<128xi32, #tpu.memory_space<vmem>>
        %dma_start3A_194 = arith.constant 0 : i32
        %dma_start3A_195 = arith.constant 0 : i32
        %dma_start3A_196 = tpu.memref_slice %arg9[%dma_start3A_194, %dma_start3A_195] : memref<72x128xf32, #tpu.memory_space<vmem_shared>> -> memref<72x128xf32, #tpu.memory_space<vmem_shared>>
        tpu.enqueue_indirect_dma source(%dma_start3A_190 : memref<128x128xf32, #tpu.memory_space<vmem>>) target(%dma_start3A_196 : memref<72x128xf32, #tpu.memory_space<vmem_shared>>) offsets(%dma_start3A_193 : memref<128xi32, #tpu.memory_space<vmem>>) semaphore(%run_scoped3A_187 : memref<!tpu.dma_semaphore, #tpu.memory_space<semaphore_mem>>) {add = true}
        %dma_wait3A_197 = arith.constant 0 : i32
        %dma_wait3A_198 = arith.constant 0 : i32
        %dma_wait3A_199 = tpu.memref_slice %arg6[%run_scoped3A, %dma_wait3A_197, %dma_wait3A_198] : memref<3x128x128xf32, #tpu.memory_space<vmem>> -> memref<1x128x128xf32, #tpu.memory_space<vmem>>
        %dma_wait3A_200 = tpu.memref_squeeze %dma_wait3A_199 : memref<1x128x128xf32, #tpu.memory_space<vmem>> -> memref<128x128xf32, #tpu.memory_space<vmem>>
        %dma_wait3A_201 = arith.constant 0 : i32
        %dma_wait3A_202 = tpu.memref_slice %arg7[%run_scoped3A_181, %dma_wait3A_201] : memref<3x128xi32, #tpu.memory_space<vmem>> -> memref<1x128xi32, #tpu.memory_space<vmem>>
        %dma_wait3A_203 = tpu.memref_squeeze %dma_wait3A_202 : memref<1x128xi32, #tpu.memory_space<vmem>> -> memref<128xi32, #tpu.memory_space<vmem>>
        %dma_wait3A_204 = arith.constant 0 : i32
        %dma_wait3A_205 = arith.constant 0 : i32
        %dma_wait3A_206 = tpu.memref_slice %arg9[%dma_wait3A_204, %dma_wait3A_205] : memref<72x128xf32, #tpu.memory_space<vmem_shared>> -> memref<72x128xf32, #tpu.memory_space<vmem_shared>>
        tpu.wait_indirect_dma semaphore(%run_scoped3A_187 : memref<!tpu.dma_semaphore, #tpu.memory_space<semaphore_mem>>) src(%dma_wait3A_200 : memref<128x128xf32, #tpu.memory_space<vmem>>) dst(%dma_wait3A_206 : memref<72x128xf32, #tpu.memory_space<vmem_shared>>)
        tpu.yield
      }) : () -> ()
      %gt3A_182 = arith.constant 20 : i32
      %gt3A_183 = arith.cmpi sgt, %add3A_8, %gt3A_182 : i32
      %convert_element_type3A_184 = arith.extui %gt3A_183 : i1 to i32
      %cond3A_185 = arith.constant 0 : i32
      %cond3A_186 = arith.cmpi ne, %convert_element_type3A_184, %cond3A_185 : i32
      scf.if %cond3A_186 {
        %add3A_187 = arith.constant 20 : i32
        %add3A_188 = arith.addi %add3A_4, %add3A_187 : i32
        %eq3A_189 = arith.constant 781 : i32
        %eq3A_190 = arith.cmpi eq, %add3A_188, %eq3A_189 : i32
        %mul3A_191 = arith.constant 128 : i32
        %mul3A_192 = arith.muli %add3A_188, %mul3A_191 : i32
        %jit3A_193 = arith.constant 99872 : i32
        %select_n3A_194 = arith.select %eq3A_190, %jit3A_193, %mul3A_192 : i32
        %multiple_of3A = tpu.assume_multiple %select_n3A_194, 8 : i32
        %eq3A_195 = arith.constant 781 : i32
        %eq3A_196 = arith.cmpi eq, %add3A_188, %eq3A_195 : i32
        %mul3A_197 = arith.constant 128 : i32
        %mul3A_198 = arith.muli %add3A_188, %mul3A_197 : i32
        %jit3A_199 = arith.constant 100000 : i32
        %select_n3A_200 = arith.select %eq3A_196, %jit3A_199, %mul3A_198 : i32
        %multiple_of3A_201 = tpu.assume_multiple %select_n3A_200, 8 : i32
        %dma_start3A = arith.constant 2 : i32
        %dma_start3A_202 = arith.constant 0 : i32
        %dma_start3A_203 = arith.constant 0 : i32
        %dma_start3A_204 = tpu.memref_slice %arg6[%dma_start3A, %dma_start3A_202, %dma_start3A_203] : memref<3x128x128xf32, #tpu.memory_space<vmem>> -> memref<1x128x128xf32, #tpu.memory_space<vmem>>
        %dma_start3A_205 = tpu.memref_squeeze %dma_start3A_204 : memref<1x128x128xf32, #tpu.memory_space<vmem>> -> memref<128x128xf32, #tpu.memory_space<vmem>>
        %dma_start3A_206 = arith.constant 0 : i32
        %dma_start3A_207 = tpu.memref_slice %arg2[%multiple_of3A, %dma_start3A_206] : memref<100000x128xf32, #tpu.memory_space<hbm>> -> memref<128x128xf32, #tpu.memory_space<hbm>>
        %dma_start3A_208 = arith.constant 0 : i32
        %dma_start3A_209 = arith.constant 0 : i32
        %dma_start3A_210 = tpu.memref_slice %arg6[%dma_start3A, %dma_start3A_208, %dma_start3A_209] : memref<3x128x128xf32, #tpu.memory_space<vmem>> -> memref<1x128x128xf32, #tpu.memory_space<vmem>>
        %dma_start3A_211 = tpu.memref_squeeze %dma_start3A_210 : memref<1x128x128xf32, #tpu.memory_space<vmem>> -> memref<128x128xf32, #tpu.memory_space<vmem>>
        %dma_start3A_212 = arith.constant 0 : i32
        %dma_start3A_213 = tpu.memref_slice %arg2[%multiple_of3A, %dma_start3A_212] : memref<100000x128xf32, #tpu.memory_space<hbm>> -> memref<128x128xf32, #tpu.memory_space<hbm>>
        tpu.enqueue_dma source(%dma_start3A_213 : memref<128x128xf32, #tpu.memory_space<hbm>>) target(%dma_start3A_211 : memref<128x128xf32, #tpu.memory_space<vmem>>) target_semaphore(%arg12 : memref<!tpu.dma_semaphore, #tpu.memory_space<semaphore_mem>>)
        %dma_start3A_214 = arith.constant 2 : i32
        %dma_start3A_215 = arith.constant 0 : i32
        %dma_start3A_216 = tpu.memref_slice %arg7[%dma_start3A_214, %dma_start3A_215] : memref<3x128xi32, #tpu.memory_space<vmem>> -> memref<1x128xi32, #tpu.memory_space<vmem>>
        %dma_start3A_217 = tpu.memref_squeeze %dma_start3A_216 : memref<1x128xi32, #tpu.memory_space<vmem>> -> memref<128xi32, #tpu.memory_space<vmem>>
        %dma_start3A_218 = tpu.memref_slice %arg3[%multiple_of3A_201] : memref<100128xi32, #tpu.memory_space<hbm>> -> memref<128xi32, #tpu.memory_space<hbm>>
        %dma_start3A_219 = arith.constant 0 : i32
        %dma_start3A_220 = tpu.memref_slice %arg7[%dma_start3A_214, %dma_start3A_219] : memref<3x128xi32, #tpu.memory_space<vmem>> -> memref<1x128xi32, #tpu.memory_space<vmem>>
        %dma_start3A_221 = tpu.memref_squeeze %dma_start3A_220 : memref<1x128xi32, #tpu.memory_space<vmem>> -> memref<128xi32, #tpu.memory_space<vmem>>
        %dma_start3A_222 = tpu.memref_slice %arg3[%multiple_of3A_201] : memref<100128xi32, #tpu.memory_space<hbm>> -> memref<128xi32, #tpu.memory_space<hbm>>
        tpu.enqueue_dma source(%dma_start3A_222 : memref<128xi32, #tpu.memory_space<hbm>>) target(%dma_start3A_221 : memref<128xi32, #tpu.memory_space<vmem>>) target_semaphore(%arg12 : memref<!tpu.dma_semaphore, #tpu.memory_space<semaphore_mem>>)
      } else {
      }
    } else {
    }
    %gt3A_115 = arith.constant 18 : i32
    %gt3A_116 = arith.cmpi sgt, %add3A_8, %gt3A_115 : i32
    %convert_element_type3A_117 = arith.extui %gt3A_116 : i1 to i32
    %cond3A_118 = arith.constant 0 : i32
    %cond3A_119 = arith.cmpi ne, %convert_element_type3A_117, %cond3A_118 : i32
    scf.if %cond3A_119 {
      %dma_wait3A = arith.constant 0 : i32
      %dma_wait3A_156 = arith.constant 0 : i32
      %dma_wait3A_157 = arith.constant 0 : i32
      %dma_wait3A_158 = tpu.memref_slice %arg6[%dma_wait3A, %dma_wait3A_156, %dma_wait3A_157] : memref<3x128x128xf32, #tpu.memory_space<vmem>> -> memref<1x128x128xf32, #tpu.memory_space<vmem>>
      %dma_wait3A_159 = tpu.memref_squeeze %dma_wait3A_158 : memref<1x128x128xf32, #tpu.memory_space<vmem>> -> memref<128x128xf32, #tpu.memory_space<vmem>>
      %dma_wait3A_160 = arith.constant 0 : i32
      %dma_wait3A_161 = arith.constant 0 : i32
      %dma_wait3A_162 = tpu.memref_slice %arg2[%dma_wait3A_160, %dma_wait3A_161] : memref<100000x128xf32, #tpu.memory_space<hbm>> -> memref<128x128xf32, #tpu.memory_space<hbm>>
      %dma_wait3A_163 = arith.constant 0 : i32
      %dma_wait3A_164 = arith.constant 0 : i32
      %dma_wait3A_165 = tpu.memref_slice %arg6[%dma_wait3A, %dma_wait3A_163, %dma_wait3A_164] : memref<3x128x128xf32, #tpu.memory_space<vmem>> -> memref<1x128x128xf32, #tpu.memory_space<vmem>>
      %dma_wait3A_166 = tpu.memref_squeeze %dma_wait3A_165 : memref<1x128x128xf32, #tpu.memory_space<vmem>> -> memref<128x128xf32, #tpu.memory_space<vmem>>
      %dma_wait3A_167 = arith.constant 0 : i32
      %dma_wait3A_168 = arith.constant 0 : i32
      %dma_wait3A_169 = tpu.memref_slice %arg2[%dma_wait3A_167, %dma_wait3A_168] : memref<100000x128xf32, #tpu.memory_space<hbm>> -> memref<128x128xf32, #tpu.memory_space<hbm>>
      tpu.wait_dma2 semaphore(%arg10 : memref<!tpu.dma_semaphore, #tpu.memory_space<semaphore_mem>>) src(%dma_wait3A_169 : memref<128x128xf32, #tpu.memory_space<hbm>>) dst(%dma_wait3A_166 : memref<128x128xf32, #tpu.memory_space<vmem>>)
      %dma_wait3A_170 = arith.constant 0 : i32
      %dma_wait3A_171 = arith.constant 0 : i32
      %dma_wait3A_172 = tpu.memref_slice %arg7[%dma_wait3A_170, %dma_wait3A_171] : memref<3x128xi32, #tpu.memory_space<vmem>> -> memref<1x128xi32, #tpu.memory_space<vmem>>
      %dma_wait3A_173 = tpu.memref_squeeze %dma_wait3A_172 : memref<1x128xi32, #tpu.memory_space<vmem>> -> memref<128xi32, #tpu.memory_space<vmem>>
      %dma_wait3A_174 = arith.constant 0 : i32
      %dma_wait3A_175 = tpu.memref_slice %arg3[%dma_wait3A_174] : memref<100128xi32, #tpu.memory_space<hbm>> -> memref<128xi32, #tpu.memory_space<hbm>>
      %dma_wait3A_176 = arith.constant 0 : i32
      %dma_wait3A_177 = tpu.memref_slice %arg7[%dma_wait3A_170, %dma_wait3A_176] : memref<3x128xi32, #tpu.memory_space<vmem>> -> memref<1x128xi32, #tpu.memory_space<vmem>>
      %dma_wait3A_178 = tpu.memref_squeeze %dma_wait3A_177 : memref<1x128xi32, #tpu.memory_space<vmem>> -> memref<128xi32, #tpu.memory_space<vmem>>
      %dma_wait3A_179 = arith.constant 0 : i32
      %dma_wait3A_180 = tpu.memref_slice %arg3[%dma_wait3A_179] : memref<100128xi32, #tpu.memory_space<hbm>> -> memref<128xi32, #tpu.memory_space<hbm>>
      tpu.wait_dma2 semaphore(%arg10 : memref<!tpu.dma_semaphore, #tpu.memory_space<semaphore_mem>>) src(%dma_wait3A_180 : memref<128xi32, #tpu.memory_space<hbm>>) dst(%dma_wait3A_178 : memref<128xi32, #tpu.memory_space<vmem>>)
      %run_scoped3A = arith.constant 0 : i32
      %run_scoped3A_181 = arith.constant 0 : i32
      "tpu.region"() ({
        %run_scoped3A_187 = tpu.sem_alloc : memref<!tpu.dma_semaphore, #tpu.memory_space<semaphore_mem>>
        %dma_start3A = arith.constant 0 : i32
        %dma_start3A_188 = arith.constant 0 : i32
        %dma_start3A_189 = tpu.memref_slice %arg6[%run_scoped3A, %dma_start3A, %dma_start3A_188] : memref<3x128x128xf32, #tpu.memory_space<vmem>> -> memref<1x128x128xf32, #tpu.memory_space<vmem>>
        %dma_start3A_190 = tpu.memref_squeeze %dma_start3A_189 : memref<1x128x128xf32, #tpu.memory_space<vmem>> -> memref<128x128xf32, #tpu.memory_space<vmem>>
        %dma_start3A_191 = arith.constant 0 : i32
        %dma_start3A_192 = tpu.memref_slice %arg7[%run_scoped3A_181, %dma_start3A_191] : memref<3x128xi32, #tpu.memory_space<vmem>> -> memref<1x128xi32, #tpu.memory_space<vmem>>
        %dma_start3A_193 = tpu.memref_squeeze %dma_start3A_192 : memref<1x128xi32, #tpu.memory_space<vmem>> -> memref<128xi32, #tpu.memory_space<vmem>>
        %dma_start3A_194 = arith.constant 0 : i32
        %dma_start3A_195 = arith.constant 0 : i32
        %dma_start3A_196 = tpu.memref_slice %arg9[%dma_start3A_194, %dma_start3A_195] : memref<72x128xf32, #tpu.memory_space<vmem_shared>> -> memref<72x128xf32, #tpu.memory_space<vmem_shared>>
        tpu.enqueue_indirect_dma source(%dma_start3A_190 : memref<128x128xf32, #tpu.memory_space<vmem>>) target(%dma_start3A_196 : memref<72x128xf32, #tpu.memory_space<vmem_shared>>) offsets(%dma_start3A_193 : memref<128xi32, #tpu.memory_space<vmem>>) semaphore(%run_scoped3A_187 : memref<!tpu.dma_semaphore, #tpu.memory_space<semaphore_mem>>) {add = true}
        %dma_wait3A_197 = arith.constant 0 : i32
        %dma_wait3A_198 = arith.constant 0 : i32
        %dma_wait3A_199 = tpu.memref_slice %arg6[%run_scoped3A, %dma_wait3A_197, %dma_wait3A_198] : memref<3x128x128xf32, #tpu.memory_space<vmem>> -> memref<1x128x128xf32, #tpu.memory_space<vmem>>
        %dma_wait3A_200 = tpu.memref_squeeze %dma_wait3A_199 : memref<1x128x128xf32, #tpu.memory_space<vmem>> -> memref<128x128xf32, #tpu.memory_space<vmem>>
        %dma_wait3A_201 = arith.constant 0 : i32
        %dma_wait3A_202 = tpu.memref_slice %arg7[%run_scoped3A_181, %dma_wait3A_201] : memref<3x128xi32, #tpu.memory_space<vmem>> -> memref<1x128xi32, #tpu.memory_space<vmem>>
        %dma_wait3A_203 = tpu.memref_squeeze %dma_wait3A_202 : memref<1x128xi32, #tpu.memory_space<vmem>> -> memref<128xi32, #tpu.memory_space<vmem>>
        %dma_wait3A_204 = arith.constant 0 : i32
        %dma_wait3A_205 = arith.constant 0 : i32
        %dma_wait3A_206 = tpu.memref_slice %arg9[%dma_wait3A_204, %dma_wait3A_205] : memref<72x128xf32, #tpu.memory_space<vmem_shared>> -> memref<72x128xf32, #tpu.memory_space<vmem_shared>>
        tpu.wait_indirect_dma semaphore(%run_scoped3A_187 : memref<!tpu.dma_semaphore, #tpu.memory_space<semaphore_mem>>) src(%dma_wait3A_200 : memref<128x128xf32, #tpu.memory_space<vmem>>) dst(%dma_wait3A_206 : memref<72x128xf32, #tpu.memory_space<vmem_shared>>)
        tpu.yield
      }) : () -> ()
      %gt3A_182 = arith.constant 21 : i32
      %gt3A_183 = arith.cmpi sgt, %add3A_8, %gt3A_182 : i32
      %convert_element_type3A_184 = arith.extui %gt3A_183 : i1 to i32
      %cond3A_185 = arith.constant 0 : i32
      %cond3A_186 = arith.cmpi ne, %convert_element_type3A_184, %cond3A_185 : i32
      scf.if %cond3A_186 {
        %add3A_187 = arith.constant 21 : i32
        %add3A_188 = arith.addi %add3A_4, %add3A_187 : i32
        %eq3A_189 = arith.constant 781 : i32
        %eq3A_190 = arith.cmpi eq, %add3A_188, %eq3A_189 : i32
        %mul3A_191 = arith.constant 128 : i32
        %mul3A_192 = arith.muli %add3A_188, %mul3A_191 : i32
        %jit3A_193 = arith.constant 99872 : i32
        %select_n3A_194 = arith.select %eq3A_190, %jit3A_193, %mul3A_192 : i32
        %multiple_of3A = tpu.assume_multiple %select_n3A_194, 8 : i32
        %eq3A_195 = arith.constant 781 : i32
        %eq3A_196 = arith.cmpi eq, %add3A_188, %eq3A_195 : i32
        %mul3A_197 = arith.constant 128 : i32
        %mul3A_198 = arith.muli %add3A_188, %mul3A_197 : i32
        %jit3A_199 = arith.constant 100000 : i32
        %select_n3A_200 = arith.select %eq3A_196, %jit3A_199, %mul3A_198 : i32
        %multiple_of3A_201 = tpu.assume_multiple %select_n3A_200, 8 : i32
        %dma_start3A = arith.constant 0 : i32
        %dma_start3A_202 = arith.constant 0 : i32
        %dma_start3A_203 = arith.constant 0 : i32
        %dma_start3A_204 = tpu.memref_slice %arg6[%dma_start3A, %dma_start3A_202, %dma_start3A_203] : memref<3x128x128xf32, #tpu.memory_space<vmem>> -> memref<1x128x128xf32, #tpu.memory_space<vmem>>
        %dma_start3A_205 = tpu.memref_squeeze %dma_start3A_204 : memref<1x128x128xf32, #tpu.memory_space<vmem>> -> memref<128x128xf32, #tpu.memory_space<vmem>>
        %dma_start3A_206 = arith.constant 0 : i32
        %dma_start3A_207 = tpu.memref_slice %arg2[%multiple_of3A, %dma_start3A_206] : memref<100000x128xf32, #tpu.memory_space<hbm>> -> memref<128x128xf32, #tpu.memory_space<hbm>>
        %dma_start3A_208 = arith.constant 0 : i32
        %dma_start3A_209 = arith.constant 0 : i32
        %dma_start3A_210 = tpu.memref_slice %arg6[%dma_start3A, %dma_start3A_208, %dma_start3A_209] : memref<3x128x128xf32, #tpu.memory_space<vmem>> -> memref<1x128x128xf32, #tpu.memory_space<vmem>>
        %dma_start3A_211 = tpu.memref_squeeze %dma_start3A_210 : memref<1x128x128xf32, #tpu.memory_space<vmem>> -> memref<128x128xf32, #tpu.memory_space<vmem>>
        %dma_start3A_212 = arith.constant 0 : i32
        %dma_start3A_213 = tpu.memref_slice %arg2[%multiple_of3A, %dma_start3A_212] : memref<100000x128xf32, #tpu.memory_space<hbm>> -> memref<128x128xf32, #tpu.memory_space<hbm>>
        tpu.enqueue_dma source(%dma_start3A_213 : memref<128x128xf32, #tpu.memory_space<hbm>>) target(%dma_start3A_211 : memref<128x128xf32, #tpu.memory_space<vmem>>) target_semaphore(%arg10 : memref<!tpu.dma_semaphore, #tpu.memory_space<semaphore_mem>>)
        %dma_start3A_214 = arith.constant 0 : i32
        %dma_start3A_215 = arith.constant 0 : i32
        %dma_start3A_216 = tpu.memref_slice %arg7[%dma_start3A_214, %dma_start3A_215] : memref<3x128xi32, #tpu.memory_space<vmem>> -> memref<1x128xi32, #tpu.memory_space<vmem>>
        %dma_start3A_217 = tpu.memref_squeeze %dma_start3A_216 : memref<1x128xi32, #tpu.memory_space<vmem>> -> memref<128xi32, #tpu.memory_space<vmem>>
        %dma_start3A_218 = tpu.memref_slice %arg3[%multiple_of3A_201] : memref<100128xi32, #tpu.memory_space<hbm>> -> memref<128xi32, #tpu.memory_space<hbm>>
        %dma_start3A_219 = arith.constant 0 : i32
        %dma_start3A_220 = tpu.memref_slice %arg7[%dma_start3A_214, %dma_start3A_219] : memref<3x128xi32, #tpu.memory_space<vmem>> -> memref<1x128xi32, #tpu.memory_space<vmem>>
        %dma_start3A_221 = tpu.memref_squeeze %dma_start3A_220 : memref<1x128xi32, #tpu.memory_space<vmem>> -> memref<128xi32, #tpu.memory_space<vmem>>
        %dma_start3A_222 = tpu.memref_slice %arg3[%multiple_of3A_201] : memref<100128xi32, #tpu.memory_space<hbm>> -> memref<128xi32, #tpu.memory_space<hbm>>
        tpu.enqueue_dma source(%dma_start3A_222 : memref<128xi32, #tpu.memory_space<hbm>>) target(%dma_start3A_221 : memref<128xi32, #tpu.memory_space<vmem>>) target_semaphore(%arg10 : memref<!tpu.dma_semaphore, #tpu.memory_space<semaphore_mem>>)
      } else {
      }
    } else {
    }
    %gt3A_120 = arith.constant 19 : i32
    %gt3A_121 = arith.cmpi sgt, %add3A_8, %gt3A_120 : i32
    %convert_element_type3A_122 = arith.extui %gt3A_121 : i1 to i32
    %cond3A_123 = arith.constant 0 : i32
    %cond3A_124 = arith.cmpi ne, %convert_element_type3A_122, %cond3A_123 : i32
    scf.if %cond3A_124 {
      %dma_wait3A = arith.constant 1 : i32
      %dma_wait3A_156 = arith.constant 0 : i32
      %dma_wait3A_157 = arith.constant 0 : i32
      %dma_wait3A_158 = tpu.memref_slice %arg6[%dma_wait3A, %dma_wait3A_156, %dma_wait3A_157] : memref<3x128x128xf32, #tpu.memory_space<vmem>> -> memref<1x128x128xf32, #tpu.memory_space<vmem>>
      %dma_wait3A_159 = tpu.memref_squeeze %dma_wait3A_158 : memref<1x128x128xf32, #tpu.memory_space<vmem>> -> memref<128x128xf32, #tpu.memory_space<vmem>>
      %dma_wait3A_160 = arith.constant 0 : i32
      %dma_wait3A_161 = arith.constant 0 : i32
      %dma_wait3A_162 = tpu.memref_slice %arg2[%dma_wait3A_160, %dma_wait3A_161] : memref<100000x128xf32, #tpu.memory_space<hbm>> -> memref<128x128xf32, #tpu.memory_space<hbm>>
      %dma_wait3A_163 = arith.constant 0 : i32
      %dma_wait3A_164 = arith.constant 0 : i32
      %dma_wait3A_165 = tpu.memref_slice %arg6[%dma_wait3A, %dma_wait3A_163, %dma_wait3A_164] : memref<3x128x128xf32, #tpu.memory_space<vmem>> -> memref<1x128x128xf32, #tpu.memory_space<vmem>>
      %dma_wait3A_166 = tpu.memref_squeeze %dma_wait3A_165 : memref<1x128x128xf32, #tpu.memory_space<vmem>> -> memref<128x128xf32, #tpu.memory_space<vmem>>
      %dma_wait3A_167 = arith.constant 0 : i32
      %dma_wait3A_168 = arith.constant 0 : i32
      %dma_wait3A_169 = tpu.memref_slice %arg2[%dma_wait3A_167, %dma_wait3A_168] : memref<100000x128xf32, #tpu.memory_space<hbm>> -> memref<128x128xf32, #tpu.memory_space<hbm>>
      tpu.wait_dma2 semaphore(%arg11 : memref<!tpu.dma_semaphore, #tpu.memory_space<semaphore_mem>>) src(%dma_wait3A_169 : memref<128x128xf32, #tpu.memory_space<hbm>>) dst(%dma_wait3A_166 : memref<128x128xf32, #tpu.memory_space<vmem>>)
      %dma_wait3A_170 = arith.constant 1 : i32
      %dma_wait3A_171 = arith.constant 0 : i32
      %dma_wait3A_172 = tpu.memref_slice %arg7[%dma_wait3A_170, %dma_wait3A_171] : memref<3x128xi32, #tpu.memory_space<vmem>> -> memref<1x128xi32, #tpu.memory_space<vmem>>
      %dma_wait3A_173 = tpu.memref_squeeze %dma_wait3A_172 : memref<1x128xi32, #tpu.memory_space<vmem>> -> memref<128xi32, #tpu.memory_space<vmem>>
      %dma_wait3A_174 = arith.constant 0 : i32
      %dma_wait3A_175 = tpu.memref_slice %arg3[%dma_wait3A_174] : memref<100128xi32, #tpu.memory_space<hbm>> -> memref<128xi32, #tpu.memory_space<hbm>>
      %dma_wait3A_176 = arith.constant 0 : i32
      %dma_wait3A_177 = tpu.memref_slice %arg7[%dma_wait3A_170, %dma_wait3A_176] : memref<3x128xi32, #tpu.memory_space<vmem>> -> memref<1x128xi32, #tpu.memory_space<vmem>>
      %dma_wait3A_178 = tpu.memref_squeeze %dma_wait3A_177 : memref<1x128xi32, #tpu.memory_space<vmem>> -> memref<128xi32, #tpu.memory_space<vmem>>
      %dma_wait3A_179 = arith.constant 0 : i32
      %dma_wait3A_180 = tpu.memref_slice %arg3[%dma_wait3A_179] : memref<100128xi32, #tpu.memory_space<hbm>> -> memref<128xi32, #tpu.memory_space<hbm>>
      tpu.wait_dma2 semaphore(%arg11 : memref<!tpu.dma_semaphore, #tpu.memory_space<semaphore_mem>>) src(%dma_wait3A_180 : memref<128xi32, #tpu.memory_space<hbm>>) dst(%dma_wait3A_178 : memref<128xi32, #tpu.memory_space<vmem>>)
      %run_scoped3A = arith.constant 1 : i32
      %run_scoped3A_181 = arith.constant 1 : i32
      "tpu.region"() ({
        %run_scoped3A_187 = tpu.sem_alloc : memref<!tpu.dma_semaphore, #tpu.memory_space<semaphore_mem>>
        %dma_start3A = arith.constant 0 : i32
        %dma_start3A_188 = arith.constant 0 : i32
        %dma_start3A_189 = tpu.memref_slice %arg6[%run_scoped3A, %dma_start3A, %dma_start3A_188] : memref<3x128x128xf32, #tpu.memory_space<vmem>> -> memref<1x128x128xf32, #tpu.memory_space<vmem>>
        %dma_start3A_190 = tpu.memref_squeeze %dma_start3A_189 : memref<1x128x128xf32, #tpu.memory_space<vmem>> -> memref<128x128xf32, #tpu.memory_space<vmem>>
        %dma_start3A_191 = arith.constant 0 : i32
        %dma_start3A_192 = tpu.memref_slice %arg7[%run_scoped3A_181, %dma_start3A_191] : memref<3x128xi32, #tpu.memory_space<vmem>> -> memref<1x128xi32, #tpu.memory_space<vmem>>
        %dma_start3A_193 = tpu.memref_squeeze %dma_start3A_192 : memref<1x128xi32, #tpu.memory_space<vmem>> -> memref<128xi32, #tpu.memory_space<vmem>>
        %dma_start3A_194 = arith.constant 0 : i32
        %dma_start3A_195 = arith.constant 0 : i32
        %dma_start3A_196 = tpu.memref_slice %arg9[%dma_start3A_194, %dma_start3A_195] : memref<72x128xf32, #tpu.memory_space<vmem_shared>> -> memref<72x128xf32, #tpu.memory_space<vmem_shared>>
        tpu.enqueue_indirect_dma source(%dma_start3A_190 : memref<128x128xf32, #tpu.memory_space<vmem>>) target(%dma_start3A_196 : memref<72x128xf32, #tpu.memory_space<vmem_shared>>) offsets(%dma_start3A_193 : memref<128xi32, #tpu.memory_space<vmem>>) semaphore(%run_scoped3A_187 : memref<!tpu.dma_semaphore, #tpu.memory_space<semaphore_mem>>) {add = true}
        %dma_wait3A_197 = arith.constant 0 : i32
        %dma_wait3A_198 = arith.constant 0 : i32
        %dma_wait3A_199 = tpu.memref_slice %arg6[%run_scoped3A, %dma_wait3A_197, %dma_wait3A_198] : memref<3x128x128xf32, #tpu.memory_space<vmem>> -> memref<1x128x128xf32, #tpu.memory_space<vmem>>
        %dma_wait3A_200 = tpu.memref_squeeze %dma_wait3A_199 : memref<1x128x128xf32, #tpu.memory_space<vmem>> -> memref<128x128xf32, #tpu.memory_space<vmem>>
        %dma_wait3A_201 = arith.constant 0 : i32
        %dma_wait3A_202 = tpu.memref_slice %arg7[%run_scoped3A_181, %dma_wait3A_201] : memref<3x128xi32, #tpu.memory_space<vmem>> -> memref<1x128xi32, #tpu.memory_space<vmem>>
        %dma_wait3A_203 = tpu.memref_squeeze %dma_wait3A_202 : memref<1x128xi32, #tpu.memory_space<vmem>> -> memref<128xi32, #tpu.memory_space<vmem>>
        %dma_wait3A_204 = arith.constant 0 : i32
        %dma_wait3A_205 = arith.constant 0 : i32
        %dma_wait3A_206 = tpu.memref_slice %arg9[%dma_wait3A_204, %dma_wait3A_205] : memref<72x128xf32, #tpu.memory_space<vmem_shared>> -> memref<72x128xf32, #tpu.memory_space<vmem_shared>>
        tpu.wait_indirect_dma semaphore(%run_scoped3A_187 : memref<!tpu.dma_semaphore, #tpu.memory_space<semaphore_mem>>) src(%dma_wait3A_200 : memref<128x128xf32, #tpu.memory_space<vmem>>) dst(%dma_wait3A_206 : memref<72x128xf32, #tpu.memory_space<vmem_shared>>)
        tpu.yield
      }) : () -> ()
      %gt3A_182 = arith.constant 22 : i32
      %gt3A_183 = arith.cmpi sgt, %add3A_8, %gt3A_182 : i32
      %convert_element_type3A_184 = arith.extui %gt3A_183 : i1 to i32
      %cond3A_185 = arith.constant 0 : i32
      %cond3A_186 = arith.cmpi ne, %convert_element_type3A_184, %cond3A_185 : i32
      scf.if %cond3A_186 {
        %add3A_187 = arith.constant 22 : i32
        %add3A_188 = arith.addi %add3A_4, %add3A_187 : i32
        %eq3A_189 = arith.constant 781 : i32
        %eq3A_190 = arith.cmpi eq, %add3A_188, %eq3A_189 : i32
        %mul3A_191 = arith.constant 128 : i32
        %mul3A_192 = arith.muli %add3A_188, %mul3A_191 : i32
        %jit3A_193 = arith.constant 99872 : i32
        %select_n3A_194 = arith.select %eq3A_190, %jit3A_193, %mul3A_192 : i32
        %multiple_of3A = tpu.assume_multiple %select_n3A_194, 8 : i32
        %eq3A_195 = arith.constant 781 : i32
        %eq3A_196 = arith.cmpi eq, %add3A_188, %eq3A_195 : i32
        %mul3A_197 = arith.constant 128 : i32
        %mul3A_198 = arith.muli %add3A_188, %mul3A_197 : i32
        %jit3A_199 = arith.constant 100000 : i32
        %select_n3A_200 = arith.select %eq3A_196, %jit3A_199, %mul3A_198 : i32
        %multiple_of3A_201 = tpu.assume_multiple %select_n3A_200, 8 : i32
        %dma_start3A = arith.constant 1 : i32
        %dma_start3A_202 = arith.constant 0 : i32
        %dma_start3A_203 = arith.constant 0 : i32
        %dma_start3A_204 = tpu.memref_slice %arg6[%dma_start3A, %dma_start3A_202, %dma_start3A_203] : memref<3x128x128xf32, #tpu.memory_space<vmem>> -> memref<1x128x128xf32, #tpu.memory_space<vmem>>
        %dma_start3A_205 = tpu.memref_squeeze %dma_start3A_204 : memref<1x128x128xf32, #tpu.memory_space<vmem>> -> memref<128x128xf32, #tpu.memory_space<vmem>>
        %dma_start3A_206 = arith.constant 0 : i32
        %dma_start3A_207 = tpu.memref_slice %arg2[%multiple_of3A, %dma_start3A_206] : memref<100000x128xf32, #tpu.memory_space<hbm>> -> memref<128x128xf32, #tpu.memory_space<hbm>>
        %dma_start3A_208 = arith.constant 0 : i32
        %dma_start3A_209 = arith.constant 0 : i32
        %dma_start3A_210 = tpu.memref_slice %arg6[%dma_start3A, %dma_start3A_208, %dma_start3A_209] : memref<3x128x128xf32, #tpu.memory_space<vmem>> -> memref<1x128x128xf32, #tpu.memory_space<vmem>>
        %dma_start3A_211 = tpu.memref_squeeze %dma_start3A_210 : memref<1x128x128xf32, #tpu.memory_space<vmem>> -> memref<128x128xf32, #tpu.memory_space<vmem>>
        %dma_start3A_212 = arith.constant 0 : i32
        %dma_start3A_213 = tpu.memref_slice %arg2[%multiple_of3A, %dma_start3A_212] : memref<100000x128xf32, #tpu.memory_space<hbm>> -> memref<128x128xf32, #tpu.memory_space<hbm>>
        tpu.enqueue_dma source(%dma_start3A_213 : memref<128x128xf32, #tpu.memory_space<hbm>>) target(%dma_start3A_211 : memref<128x128xf32, #tpu.memory_space<vmem>>) target_semaphore(%arg11 : memref<!tpu.dma_semaphore, #tpu.memory_space<semaphore_mem>>)
        %dma_start3A_214 = arith.constant 1 : i32
        %dma_start3A_215 = arith.constant 0 : i32
        %dma_start3A_216 = tpu.memref_slice %arg7[%dma_start3A_214, %dma_start3A_215] : memref<3x128xi32, #tpu.memory_space<vmem>> -> memref<1x128xi32, #tpu.memory_space<vmem>>
        %dma_start3A_217 = tpu.memref_squeeze %dma_start3A_216 : memref<1x128xi32, #tpu.memory_space<vmem>> -> memref<128xi32, #tpu.memory_space<vmem>>
        %dma_start3A_218 = tpu.memref_slice %arg3[%multiple_of3A_201] : memref<100128xi32, #tpu.memory_space<hbm>> -> memref<128xi32, #tpu.memory_space<hbm>>
        %dma_start3A_219 = arith.constant 0 : i32
        %dma_start3A_220 = tpu.memref_slice %arg7[%dma_start3A_214, %dma_start3A_219] : memref<3x128xi32, #tpu.memory_space<vmem>> -> memref<1x128xi32, #tpu.memory_space<vmem>>
        %dma_start3A_221 = tpu.memref_squeeze %dma_start3A_220 : memref<1x128xi32, #tpu.memory_space<vmem>> -> memref<128xi32, #tpu.memory_space<vmem>>
        %dma_start3A_222 = tpu.memref_slice %arg3[%multiple_of3A_201] : memref<100128xi32, #tpu.memory_space<hbm>> -> memref<128xi32, #tpu.memory_space<hbm>>
        tpu.enqueue_dma source(%dma_start3A_222 : memref<128xi32, #tpu.memory_space<hbm>>) target(%dma_start3A_221 : memref<128xi32, #tpu.memory_space<vmem>>) target_semaphore(%arg11 : memref<!tpu.dma_semaphore, #tpu.memory_space<semaphore_mem>>)
      } else {
      }
    } else {
    }
    %gt3A_125 = arith.constant 20 : i32
    %gt3A_126 = arith.cmpi sgt, %add3A_8, %gt3A_125 : i32
    %convert_element_type3A_127 = arith.extui %gt3A_126 : i1 to i32
    %cond3A_128 = arith.constant 0 : i32
    %cond3A_129 = arith.cmpi ne, %convert_element_type3A_127, %cond3A_128 : i32
    scf.if %cond3A_129 {
      %dma_wait3A = arith.constant 2 : i32
      %dma_wait3A_156 = arith.constant 0 : i32
      %dma_wait3A_157 = arith.constant 0 : i32
      %dma_wait3A_158 = tpu.memref_slice %arg6[%dma_wait3A, %dma_wait3A_156, %dma_wait3A_157] : memref<3x128x128xf32, #tpu.memory_space<vmem>> -> memref<1x128x128xf32, #tpu.memory_space<vmem>>
      %dma_wait3A_159 = tpu.memref_squeeze %dma_wait3A_158 : memref<1x128x128xf32, #tpu.memory_space<vmem>> -> memref<128x128xf32, #tpu.memory_space<vmem>>
      %dma_wait3A_160 = arith.constant 0 : i32
      %dma_wait3A_161 = arith.constant 0 : i32
      %dma_wait3A_162 = tpu.memref_slice %arg2[%dma_wait3A_160, %dma_wait3A_161] : memref<100000x128xf32, #tpu.memory_space<hbm>> -> memref<128x128xf32, #tpu.memory_space<hbm>>
      %dma_wait3A_163 = arith.constant 0 : i32
      %dma_wait3A_164 = arith.constant 0 : i32
      %dma_wait3A_165 = tpu.memref_slice %arg6[%dma_wait3A, %dma_wait3A_163, %dma_wait3A_164] : memref<3x128x128xf32, #tpu.memory_space<vmem>> -> memref<1x128x128xf32, #tpu.memory_space<vmem>>
      %dma_wait3A_166 = tpu.memref_squeeze %dma_wait3A_165 : memref<1x128x128xf32, #tpu.memory_space<vmem>> -> memref<128x128xf32, #tpu.memory_space<vmem>>
      %dma_wait3A_167 = arith.constant 0 : i32
      %dma_wait3A_168 = arith.constant 0 : i32
      %dma_wait3A_169 = tpu.memref_slice %arg2[%dma_wait3A_167, %dma_wait3A_168] : memref<100000x128xf32, #tpu.memory_space<hbm>> -> memref<128x128xf32, #tpu.memory_space<hbm>>
      tpu.wait_dma2 semaphore(%arg12 : memref<!tpu.dma_semaphore, #tpu.memory_space<semaphore_mem>>) src(%dma_wait3A_169 : memref<128x128xf32, #tpu.memory_space<hbm>>) dst(%dma_wait3A_166 : memref<128x128xf32, #tpu.memory_space<vmem>>)
      %dma_wait3A_170 = arith.constant 2 : i32
      %dma_wait3A_171 = arith.constant 0 : i32
      %dma_wait3A_172 = tpu.memref_slice %arg7[%dma_wait3A_170, %dma_wait3A_171] : memref<3x128xi32, #tpu.memory_space<vmem>> -> memref<1x128xi32, #tpu.memory_space<vmem>>
      %dma_wait3A_173 = tpu.memref_squeeze %dma_wait3A_172 : memref<1x128xi32, #tpu.memory_space<vmem>> -> memref<128xi32, #tpu.memory_space<vmem>>
      %dma_wait3A_174 = arith.constant 0 : i32
      %dma_wait3A_175 = tpu.memref_slice %arg3[%dma_wait3A_174] : memref<100128xi32, #tpu.memory_space<hbm>> -> memref<128xi32, #tpu.memory_space<hbm>>
      %dma_wait3A_176 = arith.constant 0 : i32
      %dma_wait3A_177 = tpu.memref_slice %arg7[%dma_wait3A_170, %dma_wait3A_176] : memref<3x128xi32, #tpu.memory_space<vmem>> -> memref<1x128xi32, #tpu.memory_space<vmem>>
      %dma_wait3A_178 = tpu.memref_squeeze %dma_wait3A_177 : memref<1x128xi32, #tpu.memory_space<vmem>> -> memref<128xi32, #tpu.memory_space<vmem>>
      %dma_wait3A_179 = arith.constant 0 : i32
      %dma_wait3A_180 = tpu.memref_slice %arg3[%dma_wait3A_179] : memref<100128xi32, #tpu.memory_space<hbm>> -> memref<128xi32, #tpu.memory_space<hbm>>
      tpu.wait_dma2 semaphore(%arg12 : memref<!tpu.dma_semaphore, #tpu.memory_space<semaphore_mem>>) src(%dma_wait3A_180 : memref<128xi32, #tpu.memory_space<hbm>>) dst(%dma_wait3A_178 : memref<128xi32, #tpu.memory_space<vmem>>)
      %run_scoped3A = arith.constant 2 : i32
      %run_scoped3A_181 = arith.constant 2 : i32
      "tpu.region"() ({
        %run_scoped3A_187 = tpu.sem_alloc : memref<!tpu.dma_semaphore, #tpu.memory_space<semaphore_mem>>
        %dma_start3A = arith.constant 0 : i32
        %dma_start3A_188 = arith.constant 0 : i32
        %dma_start3A_189 = tpu.memref_slice %arg6[%run_scoped3A, %dma_start3A, %dma_start3A_188] : memref<3x128x128xf32, #tpu.memory_space<vmem>> -> memref<1x128x128xf32, #tpu.memory_space<vmem>>
        %dma_start3A_190 = tpu.memref_squeeze %dma_start3A_189 : memref<1x128x128xf32, #tpu.memory_space<vmem>> -> memref<128x128xf32, #tpu.memory_space<vmem>>
        %dma_start3A_191 = arith.constant 0 : i32
        %dma_start3A_192 = tpu.memref_slice %arg7[%run_scoped3A_181, %dma_start3A_191] : memref<3x128xi32, #tpu.memory_space<vmem>> -> memref<1x128xi32, #tpu.memory_space<vmem>>
        %dma_start3A_193 = tpu.memref_squeeze %dma_start3A_192 : memref<1x128xi32, #tpu.memory_space<vmem>> -> memref<128xi32, #tpu.memory_space<vmem>>
        %dma_start3A_194 = arith.constant 0 : i32
        %dma_start3A_195 = arith.constant 0 : i32
        %dma_start3A_196 = tpu.memref_slice %arg9[%dma_start3A_194, %dma_start3A_195] : memref<72x128xf32, #tpu.memory_space<vmem_shared>> -> memref<72x128xf32, #tpu.memory_space<vmem_shared>>
        tpu.enqueue_indirect_dma source(%dma_start3A_190 : memref<128x128xf32, #tpu.memory_space<vmem>>) target(%dma_start3A_196 : memref<72x128xf32, #tpu.memory_space<vmem_shared>>) offsets(%dma_start3A_193 : memref<128xi32, #tpu.memory_space<vmem>>) semaphore(%run_scoped3A_187 : memref<!tpu.dma_semaphore, #tpu.memory_space<semaphore_mem>>) {add = true}
        %dma_wait3A_197 = arith.constant 0 : i32
        %dma_wait3A_198 = arith.constant 0 : i32
        %dma_wait3A_199 = tpu.memref_slice %arg6[%run_scoped3A, %dma_wait3A_197, %dma_wait3A_198] : memref<3x128x128xf32, #tpu.memory_space<vmem>> -> memref<1x128x128xf32, #tpu.memory_space<vmem>>
        %dma_wait3A_200 = tpu.memref_squeeze %dma_wait3A_199 : memref<1x128x128xf32, #tpu.memory_space<vmem>> -> memref<128x128xf32, #tpu.memory_space<vmem>>
        %dma_wait3A_201 = arith.constant 0 : i32
        %dma_wait3A_202 = tpu.memref_slice %arg7[%run_scoped3A_181, %dma_wait3A_201] : memref<3x128xi32, #tpu.memory_space<vmem>> -> memref<1x128xi32, #tpu.memory_space<vmem>>
        %dma_wait3A_203 = tpu.memref_squeeze %dma_wait3A_202 : memref<1x128xi32, #tpu.memory_space<vmem>> -> memref<128xi32, #tpu.memory_space<vmem>>
        %dma_wait3A_204 = arith.constant 0 : i32
        %dma_wait3A_205 = arith.constant 0 : i32
        %dma_wait3A_206 = tpu.memref_slice %arg9[%dma_wait3A_204, %dma_wait3A_205] : memref<72x128xf32, #tpu.memory_space<vmem_shared>> -> memref<72x128xf32, #tpu.memory_space<vmem_shared>>
        tpu.wait_indirect_dma semaphore(%run_scoped3A_187 : memref<!tpu.dma_semaphore, #tpu.memory_space<semaphore_mem>>) src(%dma_wait3A_200 : memref<128x128xf32, #tpu.memory_space<vmem>>) dst(%dma_wait3A_206 : memref<72x128xf32, #tpu.memory_space<vmem_shared>>)
        tpu.yield
      }) : () -> ()
      %gt3A_182 = arith.constant 23 : i32
      %gt3A_183 = arith.cmpi sgt, %add3A_8, %gt3A_182 : i32
      %convert_element_type3A_184 = arith.extui %gt3A_183 : i1 to i32
      %cond3A_185 = arith.constant 0 : i32
      %cond3A_186 = arith.cmpi ne, %convert_element_type3A_184, %cond3A_185 : i32
      scf.if %cond3A_186 {
        %add3A_187 = arith.constant 23 : i32
        %add3A_188 = arith.addi %add3A_4, %add3A_187 : i32
        %eq3A_189 = arith.constant 781 : i32
        %eq3A_190 = arith.cmpi eq, %add3A_188, %eq3A_189 : i32
        %mul3A_191 = arith.constant 128 : i32
        %mul3A_192 = arith.muli %add3A_188, %mul3A_191 : i32
        %jit3A_193 = arith.constant 99872 : i32
        %select_n3A_194 = arith.select %eq3A_190, %jit3A_193, %mul3A_192 : i32
        %multiple_of3A = tpu.assume_multiple %select_n3A_194, 8 : i32
        %eq3A_195 = arith.constant 781 : i32
        %eq3A_196 = arith.cmpi eq, %add3A_188, %eq3A_195 : i32
        %mul3A_197 = arith.constant 128 : i32
        %mul3A_198 = arith.muli %add3A_188, %mul3A_197 : i32
        %jit3A_199 = arith.constant 100000 : i32
        %select_n3A_200 = arith.select %eq3A_196, %jit3A_199, %mul3A_198 : i32
        %multiple_of3A_201 = tpu.assume_multiple %select_n3A_200, 8 : i32
        %dma_start3A = arith.constant 2 : i32
        %dma_start3A_202 = arith.constant 0 : i32
        %dma_start3A_203 = arith.constant 0 : i32
        %dma_start3A_204 = tpu.memref_slice %arg6[%dma_start3A, %dma_start3A_202, %dma_start3A_203] : memref<3x128x128xf32, #tpu.memory_space<vmem>> -> memref<1x128x128xf32, #tpu.memory_space<vmem>>
        %dma_start3A_205 = tpu.memref_squeeze %dma_start3A_204 : memref<1x128x128xf32, #tpu.memory_space<vmem>> -> memref<128x128xf32, #tpu.memory_space<vmem>>
        %dma_start3A_206 = arith.constant 0 : i32
        %dma_start3A_207 = tpu.memref_slice %arg2[%multiple_of3A, %dma_start3A_206] : memref<100000x128xf32, #tpu.memory_space<hbm>> -> memref<128x128xf32, #tpu.memory_space<hbm>>
        %dma_start3A_208 = arith.constant 0 : i32
        %dma_start3A_209 = arith.constant 0 : i32
        %dma_start3A_210 = tpu.memref_slice %arg6[%dma_start3A, %dma_start3A_208, %dma_start3A_209] : memref<3x128x128xf32, #tpu.memory_space<vmem>> -> memref<1x128x128xf32, #tpu.memory_space<vmem>>
        %dma_start3A_211 = tpu.memref_squeeze %dma_start3A_210 : memref<1x128x128xf32, #tpu.memory_space<vmem>> -> memref<128x128xf32, #tpu.memory_space<vmem>>
        %dma_start3A_212 = arith.constant 0 : i32
        %dma_start3A_213 = tpu.memref_slice %arg2[%multiple_of3A, %dma_start3A_212] : memref<100000x128xf32, #tpu.memory_space<hbm>> -> memref<128x128xf32, #tpu.memory_space<hbm>>
        tpu.enqueue_dma source(%dma_start3A_213 : memref<128x128xf32, #tpu.memory_space<hbm>>) target(%dma_start3A_211 : memref<128x128xf32, #tpu.memory_space<vmem>>) target_semaphore(%arg12 : memref<!tpu.dma_semaphore, #tpu.memory_space<semaphore_mem>>)
        %dma_start3A_214 = arith.constant 2 : i32
        %dma_start3A_215 = arith.constant 0 : i32
        %dma_start3A_216 = tpu.memref_slice %arg7[%dma_start3A_214, %dma_start3A_215] : memref<3x128xi32, #tpu.memory_space<vmem>> -> memref<1x128xi32, #tpu.memory_space<vmem>>
        %dma_start3A_217 = tpu.memref_squeeze %dma_start3A_216 : memref<1x128xi32, #tpu.memory_space<vmem>> -> memref<128xi32, #tpu.memory_space<vmem>>
        %dma_start3A_218 = tpu.memref_slice %arg3[%multiple_of3A_201] : memref<100128xi32, #tpu.memory_space<hbm>> -> memref<128xi32, #tpu.memory_space<hbm>>
        %dma_start3A_219 = arith.constant 0 : i32
        %dma_start3A_220 = tpu.memref_slice %arg7[%dma_start3A_214, %dma_start3A_219] : memref<3x128xi32, #tpu.memory_space<vmem>> -> memref<1x128xi32, #tpu.memory_space<vmem>>
        %dma_start3A_221 = tpu.memref_squeeze %dma_start3A_220 : memref<1x128xi32, #tpu.memory_space<vmem>> -> memref<128xi32, #tpu.memory_space<vmem>>
        %dma_start3A_222 = tpu.memref_slice %arg3[%multiple_of3A_201] : memref<100128xi32, #tpu.memory_space<hbm>> -> memref<128xi32, #tpu.memory_space<hbm>>
        tpu.enqueue_dma source(%dma_start3A_222 : memref<128xi32, #tpu.memory_space<hbm>>) target(%dma_start3A_221 : memref<128xi32, #tpu.memory_space<vmem>>) target_semaphore(%arg12 : memref<!tpu.dma_semaphore, #tpu.memory_space<semaphore_mem>>)
      } else {
      }
    } else {
    }
    %gt3A_130 = arith.constant 21 : i32
    %gt3A_131 = arith.cmpi sgt, %add3A_8, %gt3A_130 : i32
    %convert_element_type3A_132 = arith.extui %gt3A_131 : i1 to i32
    %cond3A_133 = arith.constant 0 : i32
    %cond3A_134 = arith.cmpi ne, %convert_element_type3A_132, %cond3A_133 : i32
    scf.if %cond3A_134 {
      %dma_wait3A = arith.constant 0 : i32
      %dma_wait3A_156 = arith.constant 0 : i32
      %dma_wait3A_157 = arith.constant 0 : i32
      %dma_wait3A_158 = tpu.memref_slice %arg6[%dma_wait3A, %dma_wait3A_156, %dma_wait3A_157] : memref<3x128x128xf32, #tpu.memory_space<vmem>> -> memref<1x128x128xf32, #tpu.memory_space<vmem>>
      %dma_wait3A_159 = tpu.memref_squeeze %dma_wait3A_158 : memref<1x128x128xf32, #tpu.memory_space<vmem>> -> memref<128x128xf32, #tpu.memory_space<vmem>>
      %dma_wait3A_160 = arith.constant 0 : i32
      %dma_wait3A_161 = arith.constant 0 : i32
      %dma_wait3A_162 = tpu.memref_slice %arg2[%dma_wait3A_160, %dma_wait3A_161] : memref<100000x128xf32, #tpu.memory_space<hbm>> -> memref<128x128xf32, #tpu.memory_space<hbm>>
      %dma_wait3A_163 = arith.constant 0 : i32
      %dma_wait3A_164 = arith.constant 0 : i32
      %dma_wait3A_165 = tpu.memref_slice %arg6[%dma_wait3A, %dma_wait3A_163, %dma_wait3A_164] : memref<3x128x128xf32, #tpu.memory_space<vmem>> -> memref<1x128x128xf32, #tpu.memory_space<vmem>>
      %dma_wait3A_166 = tpu.memref_squeeze %dma_wait3A_165 : memref<1x128x128xf32, #tpu.memory_space<vmem>> -> memref<128x128xf32, #tpu.memory_space<vmem>>
      %dma_wait3A_167 = arith.constant 0 : i32
      %dma_wait3A_168 = arith.constant 0 : i32
      %dma_wait3A_169 = tpu.memref_slice %arg2[%dma_wait3A_167, %dma_wait3A_168] : memref<100000x128xf32, #tpu.memory_space<hbm>> -> memref<128x128xf32, #tpu.memory_space<hbm>>
      tpu.wait_dma2 semaphore(%arg10 : memref<!tpu.dma_semaphore, #tpu.memory_space<semaphore_mem>>) src(%dma_wait3A_169 : memref<128x128xf32, #tpu.memory_space<hbm>>) dst(%dma_wait3A_166 : memref<128x128xf32, #tpu.memory_space<vmem>>)
      %dma_wait3A_170 = arith.constant 0 : i32
      %dma_wait3A_171 = arith.constant 0 : i32
      %dma_wait3A_172 = tpu.memref_slice %arg7[%dma_wait3A_170, %dma_wait3A_171] : memref<3x128xi32, #tpu.memory_space<vmem>> -> memref<1x128xi32, #tpu.memory_space<vmem>>
      %dma_wait3A_173 = tpu.memref_squeeze %dma_wait3A_172 : memref<1x128xi32, #tpu.memory_space<vmem>> -> memref<128xi32, #tpu.memory_space<vmem>>
      %dma_wait3A_174 = arith.constant 0 : i32
      %dma_wait3A_175 = tpu.memref_slice %arg3[%dma_wait3A_174] : memref<100128xi32, #tpu.memory_space<hbm>> -> memref<128xi32, #tpu.memory_space<hbm>>
      %dma_wait3A_176 = arith.constant 0 : i32
      %dma_wait3A_177 = tpu.memref_slice %arg7[%dma_wait3A_170, %dma_wait3A_176] : memref<3x128xi32, #tpu.memory_space<vmem>> -> memref<1x128xi32, #tpu.memory_space<vmem>>
      %dma_wait3A_178 = tpu.memref_squeeze %dma_wait3A_177 : memref<1x128xi32, #tpu.memory_space<vmem>> -> memref<128xi32, #tpu.memory_space<vmem>>
      %dma_wait3A_179 = arith.constant 0 : i32
      %dma_wait3A_180 = tpu.memref_slice %arg3[%dma_wait3A_179] : memref<100128xi32, #tpu.memory_space<hbm>> -> memref<128xi32, #tpu.memory_space<hbm>>
      tpu.wait_dma2 semaphore(%arg10 : memref<!tpu.dma_semaphore, #tpu.memory_space<semaphore_mem>>) src(%dma_wait3A_180 : memref<128xi32, #tpu.memory_space<hbm>>) dst(%dma_wait3A_178 : memref<128xi32, #tpu.memory_space<vmem>>)
      %run_scoped3A = arith.constant 0 : i32
      %run_scoped3A_181 = arith.constant 0 : i32
      "tpu.region"() ({
        %run_scoped3A_187 = tpu.sem_alloc : memref<!tpu.dma_semaphore, #tpu.memory_space<semaphore_mem>>
        %dma_start3A = arith.constant 0 : i32
        %dma_start3A_188 = arith.constant 0 : i32
        %dma_start3A_189 = tpu.memref_slice %arg6[%run_scoped3A, %dma_start3A, %dma_start3A_188] : memref<3x128x128xf32, #tpu.memory_space<vmem>> -> memref<1x128x128xf32, #tpu.memory_space<vmem>>
        %dma_start3A_190 = tpu.memref_squeeze %dma_start3A_189 : memref<1x128x128xf32, #tpu.memory_space<vmem>> -> memref<128x128xf32, #tpu.memory_space<vmem>>
        %dma_start3A_191 = arith.constant 0 : i32
        %dma_start3A_192 = tpu.memref_slice %arg7[%run_scoped3A_181, %dma_start3A_191] : memref<3x128xi32, #tpu.memory_space<vmem>> -> memref<1x128xi32, #tpu.memory_space<vmem>>
        %dma_start3A_193 = tpu.memref_squeeze %dma_start3A_192 : memref<1x128xi32, #tpu.memory_space<vmem>> -> memref<128xi32, #tpu.memory_space<vmem>>
        %dma_start3A_194 = arith.constant 0 : i32
        %dma_start3A_195 = arith.constant 0 : i32
        %dma_start3A_196 = tpu.memref_slice %arg9[%dma_start3A_194, %dma_start3A_195] : memref<72x128xf32, #tpu.memory_space<vmem_shared>> -> memref<72x128xf32, #tpu.memory_space<vmem_shared>>
        tpu.enqueue_indirect_dma source(%dma_start3A_190 : memref<128x128xf32, #tpu.memory_space<vmem>>) target(%dma_start3A_196 : memref<72x128xf32, #tpu.memory_space<vmem_shared>>) offsets(%dma_start3A_193 : memref<128xi32, #tpu.memory_space<vmem>>) semaphore(%run_scoped3A_187 : memref<!tpu.dma_semaphore, #tpu.memory_space<semaphore_mem>>) {add = true}
        %dma_wait3A_197 = arith.constant 0 : i32
        %dma_wait3A_198 = arith.constant 0 : i32
        %dma_wait3A_199 = tpu.memref_slice %arg6[%run_scoped3A, %dma_wait3A_197, %dma_wait3A_198] : memref<3x128x128xf32, #tpu.memory_space<vmem>> -> memref<1x128x128xf32, #tpu.memory_space<vmem>>
        %dma_wait3A_200 = tpu.memref_squeeze %dma_wait3A_199 : memref<1x128x128xf32, #tpu.memory_space<vmem>> -> memref<128x128xf32, #tpu.memory_space<vmem>>
        %dma_wait3A_201 = arith.constant 0 : i32
        %dma_wait3A_202 = tpu.memref_slice %arg7[%run_scoped3A_181, %dma_wait3A_201] : memref<3x128xi32, #tpu.memory_space<vmem>> -> memref<1x128xi32, #tpu.memory_space<vmem>>
        %dma_wait3A_203 = tpu.memref_squeeze %dma_wait3A_202 : memref<1x128xi32, #tpu.memory_space<vmem>> -> memref<128xi32, #tpu.memory_space<vmem>>
        %dma_wait3A_204 = arith.constant 0 : i32
        %dma_wait3A_205 = arith.constant 0 : i32
        %dma_wait3A_206 = tpu.memref_slice %arg9[%dma_wait3A_204, %dma_wait3A_205] : memref<72x128xf32, #tpu.memory_space<vmem_shared>> -> memref<72x128xf32, #tpu.memory_space<vmem_shared>>
        tpu.wait_indirect_dma semaphore(%run_scoped3A_187 : memref<!tpu.dma_semaphore, #tpu.memory_space<semaphore_mem>>) src(%dma_wait3A_200 : memref<128x128xf32, #tpu.memory_space<vmem>>) dst(%dma_wait3A_206 : memref<72x128xf32, #tpu.memory_space<vmem_shared>>)
        tpu.yield
      }) : () -> ()
      %gt3A_182 = arith.constant 24 : i32
      %gt3A_183 = arith.cmpi sgt, %add3A_8, %gt3A_182 : i32
      %convert_element_type3A_184 = arith.extui %gt3A_183 : i1 to i32
      %cond3A_185 = arith.constant 0 : i32
      %cond3A_186 = arith.cmpi ne, %convert_element_type3A_184, %cond3A_185 : i32
      scf.if %cond3A_186 {
        %add3A_187 = arith.constant 24 : i32
        %add3A_188 = arith.addi %add3A_4, %add3A_187 : i32
        %eq3A_189 = arith.constant 781 : i32
        %eq3A_190 = arith.cmpi eq, %add3A_188, %eq3A_189 : i32
        %mul3A_191 = arith.constant 128 : i32
        %mul3A_192 = arith.muli %add3A_188, %mul3A_191 : i32
        %jit3A_193 = arith.constant 99872 : i32
        %select_n3A_194 = arith.select %eq3A_190, %jit3A_193, %mul3A_192 : i32
        %multiple_of3A = tpu.assume_multiple %select_n3A_194, 8 : i32
        %eq3A_195 = arith.constant 781 : i32
        %eq3A_196 = arith.cmpi eq, %add3A_188, %eq3A_195 : i32
        %mul3A_197 = arith.constant 128 : i32
        %mul3A_198 = arith.muli %add3A_188, %mul3A_197 : i32
        %jit3A_199 = arith.constant 100000 : i32
        %select_n3A_200 = arith.select %eq3A_196, %jit3A_199, %mul3A_198 : i32
        %multiple_of3A_201 = tpu.assume_multiple %select_n3A_200, 8 : i32
        %dma_start3A = arith.constant 0 : i32
        %dma_start3A_202 = arith.constant 0 : i32
        %dma_start3A_203 = arith.constant 0 : i32
        %dma_start3A_204 = tpu.memref_slice %arg6[%dma_start3A, %dma_start3A_202, %dma_start3A_203] : memref<3x128x128xf32, #tpu.memory_space<vmem>> -> memref<1x128x128xf32, #tpu.memory_space<vmem>>
        %dma_start3A_205 = tpu.memref_squeeze %dma_start3A_204 : memref<1x128x128xf32, #tpu.memory_space<vmem>> -> memref<128x128xf32, #tpu.memory_space<vmem>>
        %dma_start3A_206 = arith.constant 0 : i32
        %dma_start3A_207 = tpu.memref_slice %arg2[%multiple_of3A, %dma_start3A_206] : memref<100000x128xf32, #tpu.memory_space<hbm>> -> memref<128x128xf32, #tpu.memory_space<hbm>>
        %dma_start3A_208 = arith.constant 0 : i32
        %dma_start3A_209 = arith.constant 0 : i32
        %dma_start3A_210 = tpu.memref_slice %arg6[%dma_start3A, %dma_start3A_208, %dma_start3A_209] : memref<3x128x128xf32, #tpu.memory_space<vmem>> -> memref<1x128x128xf32, #tpu.memory_space<vmem>>
        %dma_start3A_211 = tpu.memref_squeeze %dma_start3A_210 : memref<1x128x128xf32, #tpu.memory_space<vmem>> -> memref<128x128xf32, #tpu.memory_space<vmem>>
        %dma_start3A_212 = arith.constant 0 : i32
        %dma_start3A_213 = tpu.memref_slice %arg2[%multiple_of3A, %dma_start3A_212] : memref<100000x128xf32, #tpu.memory_space<hbm>> -> memref<128x128xf32, #tpu.memory_space<hbm>>
        tpu.enqueue_dma source(%dma_start3A_213 : memref<128x128xf32, #tpu.memory_space<hbm>>) target(%dma_start3A_211 : memref<128x128xf32, #tpu.memory_space<vmem>>) target_semaphore(%arg10 : memref<!tpu.dma_semaphore, #tpu.memory_space<semaphore_mem>>)
        %dma_start3A_214 = arith.constant 0 : i32
        %dma_start3A_215 = arith.constant 0 : i32
        %dma_start3A_216 = tpu.memref_slice %arg7[%dma_start3A_214, %dma_start3A_215] : memref<3x128xi32, #tpu.memory_space<vmem>> -> memref<1x128xi32, #tpu.memory_space<vmem>>
        %dma_start3A_217 = tpu.memref_squeeze %dma_start3A_216 : memref<1x128xi32, #tpu.memory_space<vmem>> -> memref<128xi32, #tpu.memory_space<vmem>>
        %dma_start3A_218 = tpu.memref_slice %arg3[%multiple_of3A_201] : memref<100128xi32, #tpu.memory_space<hbm>> -> memref<128xi32, #tpu.memory_space<hbm>>
        %dma_start3A_219 = arith.constant 0 : i32
        %dma_start3A_220 = tpu.memref_slice %arg7[%dma_start3A_214, %dma_start3A_219] : memref<3x128xi32, #tpu.memory_space<vmem>> -> memref<1x128xi32, #tpu.memory_space<vmem>>
        %dma_start3A_221 = tpu.memref_squeeze %dma_start3A_220 : memref<1x128xi32, #tpu.memory_space<vmem>> -> memref<128xi32, #tpu.memory_space<vmem>>
        %dma_start3A_222 = tpu.memref_slice %arg3[%multiple_of3A_201] : memref<100128xi32, #tpu.memory_space<hbm>> -> memref<128xi32, #tpu.memory_space<hbm>>
        tpu.enqueue_dma source(%dma_start3A_222 : memref<128xi32, #tpu.memory_space<hbm>>) target(%dma_start3A_221 : memref<128xi32, #tpu.memory_space<vmem>>) target_semaphore(%arg10 : memref<!tpu.dma_semaphore, #tpu.memory_space<semaphore_mem>>)
      } else {
      }
    } else {
    }
    %gt3A_135 = arith.constant 22 : i32
    %gt3A_136 = arith.cmpi sgt, %add3A_8, %gt3A_135 : i32
    %convert_element_type3A_137 = arith.extui %gt3A_136 : i1 to i32
    %cond3A_138 = arith.constant 0 : i32
    %cond3A_139 = arith.cmpi ne, %convert_element_type3A_137, %cond3A_138 : i32
    scf.if %cond3A_139 {
      %dma_wait3A = arith.constant 1 : i32
      %dma_wait3A_156 = arith.constant 0 : i32
      %dma_wait3A_157 = arith.constant 0 : i32
      %dma_wait3A_158 = tpu.memref_slice %arg6[%dma_wait3A, %dma_wait3A_156, %dma_wait3A_157] : memref<3x128x128xf32, #tpu.memory_space<vmem>> -> memref<1x128x128xf32, #tpu.memory_space<vmem>>
      %dma_wait3A_159 = tpu.memref_squeeze %dma_wait3A_158 : memref<1x128x128xf32, #tpu.memory_space<vmem>> -> memref<128x128xf32, #tpu.memory_space<vmem>>
      %dma_wait3A_160 = arith.constant 0 : i32
      %dma_wait3A_161 = arith.constant 0 : i32
      %dma_wait3A_162 = tpu.memref_slice %arg2[%dma_wait3A_160, %dma_wait3A_161] : memref<100000x128xf32, #tpu.memory_space<hbm>> -> memref<128x128xf32, #tpu.memory_space<hbm>>
      %dma_wait3A_163 = arith.constant 0 : i32
      %dma_wait3A_164 = arith.constant 0 : i32
      %dma_wait3A_165 = tpu.memref_slice %arg6[%dma_wait3A, %dma_wait3A_163, %dma_wait3A_164] : memref<3x128x128xf32, #tpu.memory_space<vmem>> -> memref<1x128x128xf32, #tpu.memory_space<vmem>>
      %dma_wait3A_166 = tpu.memref_squeeze %dma_wait3A_165 : memref<1x128x128xf32, #tpu.memory_space<vmem>> -> memref<128x128xf32, #tpu.memory_space<vmem>>
      %dma_wait3A_167 = arith.constant 0 : i32
      %dma_wait3A_168 = arith.constant 0 : i32
      %dma_wait3A_169 = tpu.memref_slice %arg2[%dma_wait3A_167, %dma_wait3A_168] : memref<100000x128xf32, #tpu.memory_space<hbm>> -> memref<128x128xf32, #tpu.memory_space<hbm>>
      tpu.wait_dma2 semaphore(%arg11 : memref<!tpu.dma_semaphore, #tpu.memory_space<semaphore_mem>>) src(%dma_wait3A_169 : memref<128x128xf32, #tpu.memory_space<hbm>>) dst(%dma_wait3A_166 : memref<128x128xf32, #tpu.memory_space<vmem>>)
      %dma_wait3A_170 = arith.constant 1 : i32
      %dma_wait3A_171 = arith.constant 0 : i32
      %dma_wait3A_172 = tpu.memref_slice %arg7[%dma_wait3A_170, %dma_wait3A_171] : memref<3x128xi32, #tpu.memory_space<vmem>> -> memref<1x128xi32, #tpu.memory_space<vmem>>
      %dma_wait3A_173 = tpu.memref_squeeze %dma_wait3A_172 : memref<1x128xi32, #tpu.memory_space<vmem>> -> memref<128xi32, #tpu.memory_space<vmem>>
      %dma_wait3A_174 = arith.constant 0 : i32
      %dma_wait3A_175 = tpu.memref_slice %arg3[%dma_wait3A_174] : memref<100128xi32, #tpu.memory_space<hbm>> -> memref<128xi32, #tpu.memory_space<hbm>>
      %dma_wait3A_176 = arith.constant 0 : i32
      %dma_wait3A_177 = tpu.memref_slice %arg7[%dma_wait3A_170, %dma_wait3A_176] : memref<3x128xi32, #tpu.memory_space<vmem>> -> memref<1x128xi32, #tpu.memory_space<vmem>>
      %dma_wait3A_178 = tpu.memref_squeeze %dma_wait3A_177 : memref<1x128xi32, #tpu.memory_space<vmem>> -> memref<128xi32, #tpu.memory_space<vmem>>
      %dma_wait3A_179 = arith.constant 0 : i32
      %dma_wait3A_180 = tpu.memref_slice %arg3[%dma_wait3A_179] : memref<100128xi32, #tpu.memory_space<hbm>> -> memref<128xi32, #tpu.memory_space<hbm>>
      tpu.wait_dma2 semaphore(%arg11 : memref<!tpu.dma_semaphore, #tpu.memory_space<semaphore_mem>>) src(%dma_wait3A_180 : memref<128xi32, #tpu.memory_space<hbm>>) dst(%dma_wait3A_178 : memref<128xi32, #tpu.memory_space<vmem>>)
      %run_scoped3A = arith.constant 1 : i32
      %run_scoped3A_181 = arith.constant 1 : i32
      "tpu.region"() ({
        %run_scoped3A_187 = tpu.sem_alloc : memref<!tpu.dma_semaphore, #tpu.memory_space<semaphore_mem>>
        %dma_start3A = arith.constant 0 : i32
        %dma_start3A_188 = arith.constant 0 : i32
        %dma_start3A_189 = tpu.memref_slice %arg6[%run_scoped3A, %dma_start3A, %dma_start3A_188] : memref<3x128x128xf32, #tpu.memory_space<vmem>> -> memref<1x128x128xf32, #tpu.memory_space<vmem>>
        %dma_start3A_190 = tpu.memref_squeeze %dma_start3A_189 : memref<1x128x128xf32, #tpu.memory_space<vmem>> -> memref<128x128xf32, #tpu.memory_space<vmem>>
        %dma_start3A_191 = arith.constant 0 : i32
        %dma_start3A_192 = tpu.memref_slice %arg7[%run_scoped3A_181, %dma_start3A_191] : memref<3x128xi32, #tpu.memory_space<vmem>> -> memref<1x128xi32, #tpu.memory_space<vmem>>
        %dma_start3A_193 = tpu.memref_squeeze %dma_start3A_192 : memref<1x128xi32, #tpu.memory_space<vmem>> -> memref<128xi32, #tpu.memory_space<vmem>>
        %dma_start3A_194 = arith.constant 0 : i32
        %dma_start3A_195 = arith.constant 0 : i32
        %dma_start3A_196 = tpu.memref_slice %arg9[%dma_start3A_194, %dma_start3A_195] : memref<72x128xf32, #tpu.memory_space<vmem_shared>> -> memref<72x128xf32, #tpu.memory_space<vmem_shared>>
        tpu.enqueue_indirect_dma source(%dma_start3A_190 : memref<128x128xf32, #tpu.memory_space<vmem>>) target(%dma_start3A_196 : memref<72x128xf32, #tpu.memory_space<vmem_shared>>) offsets(%dma_start3A_193 : memref<128xi32, #tpu.memory_space<vmem>>) semaphore(%run_scoped3A_187 : memref<!tpu.dma_semaphore, #tpu.memory_space<semaphore_mem>>) {add = true}
        %dma_wait3A_197 = arith.constant 0 : i32
        %dma_wait3A_198 = arith.constant 0 : i32
        %dma_wait3A_199 = tpu.memref_slice %arg6[%run_scoped3A, %dma_wait3A_197, %dma_wait3A_198] : memref<3x128x128xf32, #tpu.memory_space<vmem>> -> memref<1x128x128xf32, #tpu.memory_space<vmem>>
        %dma_wait3A_200 = tpu.memref_squeeze %dma_wait3A_199 : memref<1x128x128xf32, #tpu.memory_space<vmem>> -> memref<128x128xf32, #tpu.memory_space<vmem>>
        %dma_wait3A_201 = arith.constant 0 : i32
        %dma_wait3A_202 = tpu.memref_slice %arg7[%run_scoped3A_181, %dma_wait3A_201] : memref<3x128xi32, #tpu.memory_space<vmem>> -> memref<1x128xi32, #tpu.memory_space<vmem>>
        %dma_wait3A_203 = tpu.memref_squeeze %dma_wait3A_202 : memref<1x128xi32, #tpu.memory_space<vmem>> -> memref<128xi32, #tpu.memory_space<vmem>>
        %dma_wait3A_204 = arith.constant 0 : i32
        %dma_wait3A_205 = arith.constant 0 : i32
        %dma_wait3A_206 = tpu.memref_slice %arg9[%dma_wait3A_204, %dma_wait3A_205] : memref<72x128xf32, #tpu.memory_space<vmem_shared>> -> memref<72x128xf32, #tpu.memory_space<vmem_shared>>
        tpu.wait_indirect_dma semaphore(%run_scoped3A_187 : memref<!tpu.dma_semaphore, #tpu.memory_space<semaphore_mem>>) src(%dma_wait3A_200 : memref<128x128xf32, #tpu.memory_space<vmem>>) dst(%dma_wait3A_206 : memref<72x128xf32, #tpu.memory_space<vmem_shared>>)
        tpu.yield
      }) : () -> ()
      %gt3A_182 = arith.constant 25 : i32
      %gt3A_183 = arith.cmpi sgt, %add3A_8, %gt3A_182 : i32
      %convert_element_type3A_184 = arith.extui %gt3A_183 : i1 to i32
      %cond3A_185 = arith.constant 0 : i32
      %cond3A_186 = arith.cmpi ne, %convert_element_type3A_184, %cond3A_185 : i32
      scf.if %cond3A_186 {
        %add3A_187 = arith.constant 25 : i32
        %add3A_188 = arith.addi %add3A_4, %add3A_187 : i32
        %eq3A_189 = arith.constant 781 : i32
        %eq3A_190 = arith.cmpi eq, %add3A_188, %eq3A_189 : i32
        %mul3A_191 = arith.constant 128 : i32
        %mul3A_192 = arith.muli %add3A_188, %mul3A_191 : i32
        %jit3A_193 = arith.constant 99872 : i32
        %select_n3A_194 = arith.select %eq3A_190, %jit3A_193, %mul3A_192 : i32
        %multiple_of3A = tpu.assume_multiple %select_n3A_194, 8 : i32
        %eq3A_195 = arith.constant 781 : i32
        %eq3A_196 = arith.cmpi eq, %add3A_188, %eq3A_195 : i32
        %mul3A_197 = arith.constant 128 : i32
        %mul3A_198 = arith.muli %add3A_188, %mul3A_197 : i32
        %jit3A_199 = arith.constant 100000 : i32
        %select_n3A_200 = arith.select %eq3A_196, %jit3A_199, %mul3A_198 : i32
        %multiple_of3A_201 = tpu.assume_multiple %select_n3A_200, 8 : i32
        %dma_start3A = arith.constant 1 : i32
        %dma_start3A_202 = arith.constant 0 : i32
        %dma_start3A_203 = arith.constant 0 : i32
        %dma_start3A_204 = tpu.memref_slice %arg6[%dma_start3A, %dma_start3A_202, %dma_start3A_203] : memref<3x128x128xf32, #tpu.memory_space<vmem>> -> memref<1x128x128xf32, #tpu.memory_space<vmem>>
        %dma_start3A_205 = tpu.memref_squeeze %dma_start3A_204 : memref<1x128x128xf32, #tpu.memory_space<vmem>> -> memref<128x128xf32, #tpu.memory_space<vmem>>
        %dma_start3A_206 = arith.constant 0 : i32
        %dma_start3A_207 = tpu.memref_slice %arg2[%multiple_of3A, %dma_start3A_206] : memref<100000x128xf32, #tpu.memory_space<hbm>> -> memref<128x128xf32, #tpu.memory_space<hbm>>
        %dma_start3A_208 = arith.constant 0 : i32
        %dma_start3A_209 = arith.constant 0 : i32
        %dma_start3A_210 = tpu.memref_slice %arg6[%dma_start3A, %dma_start3A_208, %dma_start3A_209] : memref<3x128x128xf32, #tpu.memory_space<vmem>> -> memref<1x128x128xf32, #tpu.memory_space<vmem>>
        %dma_start3A_211 = tpu.memref_squeeze %dma_start3A_210 : memref<1x128x128xf32, #tpu.memory_space<vmem>> -> memref<128x128xf32, #tpu.memory_space<vmem>>
        %dma_start3A_212 = arith.constant 0 : i32
        %dma_start3A_213 = tpu.memref_slice %arg2[%multiple_of3A, %dma_start3A_212] : memref<100000x128xf32, #tpu.memory_space<hbm>> -> memref<128x128xf32, #tpu.memory_space<hbm>>
        tpu.enqueue_dma source(%dma_start3A_213 : memref<128x128xf32, #tpu.memory_space<hbm>>) target(%dma_start3A_211 : memref<128x128xf32, #tpu.memory_space<vmem>>) target_semaphore(%arg11 : memref<!tpu.dma_semaphore, #tpu.memory_space<semaphore_mem>>)
        %dma_start3A_214 = arith.constant 1 : i32
        %dma_start3A_215 = arith.constant 0 : i32
        %dma_start3A_216 = tpu.memref_slice %arg7[%dma_start3A_214, %dma_start3A_215] : memref<3x128xi32, #tpu.memory_space<vmem>> -> memref<1x128xi32, #tpu.memory_space<vmem>>
        %dma_start3A_217 = tpu.memref_squeeze %dma_start3A_216 : memref<1x128xi32, #tpu.memory_space<vmem>> -> memref<128xi32, #tpu.memory_space<vmem>>
        %dma_start3A_218 = tpu.memref_slice %arg3[%multiple_of3A_201] : memref<100128xi32, #tpu.memory_space<hbm>> -> memref<128xi32, #tpu.memory_space<hbm>>
        %dma_start3A_219 = arith.constant 0 : i32
        %dma_start3A_220 = tpu.memref_slice %arg7[%dma_start3A_214, %dma_start3A_219] : memref<3x128xi32, #tpu.memory_space<vmem>> -> memref<1x128xi32, #tpu.memory_space<vmem>>
        %dma_start3A_221 = tpu.memref_squeeze %dma_start3A_220 : memref<1x128xi32, #tpu.memory_space<vmem>> -> memref<128xi32, #tpu.memory_space<vmem>>
        %dma_start3A_222 = tpu.memref_slice %arg3[%multiple_of3A_201] : memref<100128xi32, #tpu.memory_space<hbm>> -> memref<128xi32, #tpu.memory_space<hbm>>
        tpu.enqueue_dma source(%dma_start3A_222 : memref<128xi32, #tpu.memory_space<hbm>>) target(%dma_start3A_221 : memref<128xi32, #tpu.memory_space<vmem>>) target_semaphore(%arg11 : memref<!tpu.dma_semaphore, #tpu.memory_space<semaphore_mem>>)
      } else {
      }
    } else {
    }
    %gt3A_140 = arith.constant 23 : i32
    %gt3A_141 = arith.cmpi sgt, %add3A_8, %gt3A_140 : i32
    %convert_element_type3A_142 = arith.extui %gt3A_141 : i1 to i32
    %cond3A_143 = arith.constant 0 : i32
    %cond3A_144 = arith.cmpi ne, %convert_element_type3A_142, %cond3A_143 : i32
    scf.if %cond3A_144 {
      %dma_wait3A = arith.constant 2 : i32
      %dma_wait3A_156 = arith.constant 0 : i32
      %dma_wait3A_157 = arith.constant 0 : i32
      %dma_wait3A_158 = tpu.memref_slice %arg6[%dma_wait3A, %dma_wait3A_156, %dma_wait3A_157] : memref<3x128x128xf32, #tpu.memory_space<vmem>> -> memref<1x128x128xf32, #tpu.memory_space<vmem>>
      %dma_wait3A_159 = tpu.memref_squeeze %dma_wait3A_158 : memref<1x128x128xf32, #tpu.memory_space<vmem>> -> memref<128x128xf32, #tpu.memory_space<vmem>>
      %dma_wait3A_160 = arith.constant 0 : i32
      %dma_wait3A_161 = arith.constant 0 : i32
      %dma_wait3A_162 = tpu.memref_slice %arg2[%dma_wait3A_160, %dma_wait3A_161] : memref<100000x128xf32, #tpu.memory_space<hbm>> -> memref<128x128xf32, #tpu.memory_space<hbm>>
      %dma_wait3A_163 = arith.constant 0 : i32
      %dma_wait3A_164 = arith.constant 0 : i32
      %dma_wait3A_165 = tpu.memref_slice %arg6[%dma_wait3A, %dma_wait3A_163, %dma_wait3A_164] : memref<3x128x128xf32, #tpu.memory_space<vmem>> -> memref<1x128x128xf32, #tpu.memory_space<vmem>>
      %dma_wait3A_166 = tpu.memref_squeeze %dma_wait3A_165 : memref<1x128x128xf32, #tpu.memory_space<vmem>> -> memref<128x128xf32, #tpu.memory_space<vmem>>
      %dma_wait3A_167 = arith.constant 0 : i32
      %dma_wait3A_168 = arith.constant 0 : i32
      %dma_wait3A_169 = tpu.memref_slice %arg2[%dma_wait3A_167, %dma_wait3A_168] : memref<100000x128xf32, #tpu.memory_space<hbm>> -> memref<128x128xf32, #tpu.memory_space<hbm>>
      tpu.wait_dma2 semaphore(%arg12 : memref<!tpu.dma_semaphore, #tpu.memory_space<semaphore_mem>>) src(%dma_wait3A_169 : memref<128x128xf32, #tpu.memory_space<hbm>>) dst(%dma_wait3A_166 : memref<128x128xf32, #tpu.memory_space<vmem>>)
      %dma_wait3A_170 = arith.constant 2 : i32
      %dma_wait3A_171 = arith.constant 0 : i32
      %dma_wait3A_172 = tpu.memref_slice %arg7[%dma_wait3A_170, %dma_wait3A_171] : memref<3x128xi32, #tpu.memory_space<vmem>> -> memref<1x128xi32, #tpu.memory_space<vmem>>
      %dma_wait3A_173 = tpu.memref_squeeze %dma_wait3A_172 : memref<1x128xi32, #tpu.memory_space<vmem>> -> memref<128xi32, #tpu.memory_space<vmem>>
      %dma_wait3A_174 = arith.constant 0 : i32
      %dma_wait3A_175 = tpu.memref_slice %arg3[%dma_wait3A_174] : memref<100128xi32, #tpu.memory_space<hbm>> -> memref<128xi32, #tpu.memory_space<hbm>>
      %dma_wait3A_176 = arith.constant 0 : i32
      %dma_wait3A_177 = tpu.memref_slice %arg7[%dma_wait3A_170, %dma_wait3A_176] : memref<3x128xi32, #tpu.memory_space<vmem>> -> memref<1x128xi32, #tpu.memory_space<vmem>>
      %dma_wait3A_178 = tpu.memref_squeeze %dma_wait3A_177 : memref<1x128xi32, #tpu.memory_space<vmem>> -> memref<128xi32, #tpu.memory_space<vmem>>
      %dma_wait3A_179 = arith.constant 0 : i32
      %dma_wait3A_180 = tpu.memref_slice %arg3[%dma_wait3A_179] : memref<100128xi32, #tpu.memory_space<hbm>> -> memref<128xi32, #tpu.memory_space<hbm>>
      tpu.wait_dma2 semaphore(%arg12 : memref<!tpu.dma_semaphore, #tpu.memory_space<semaphore_mem>>) src(%dma_wait3A_180 : memref<128xi32, #tpu.memory_space<hbm>>) dst(%dma_wait3A_178 : memref<128xi32, #tpu.memory_space<vmem>>)
      %run_scoped3A = arith.constant 2 : i32
      %run_scoped3A_181 = arith.constant 2 : i32
      "tpu.region"() ({
        %run_scoped3A_187 = tpu.sem_alloc : memref<!tpu.dma_semaphore, #tpu.memory_space<semaphore_mem>>
        %dma_start3A = arith.constant 0 : i32
        %dma_start3A_188 = arith.constant 0 : i32
        %dma_start3A_189 = tpu.memref_slice %arg6[%run_scoped3A, %dma_start3A, %dma_start3A_188] : memref<3x128x128xf32, #tpu.memory_space<vmem>> -> memref<1x128x128xf32, #tpu.memory_space<vmem>>
        %dma_start3A_190 = tpu.memref_squeeze %dma_start3A_189 : memref<1x128x128xf32, #tpu.memory_space<vmem>> -> memref<128x128xf32, #tpu.memory_space<vmem>>
        %dma_start3A_191 = arith.constant 0 : i32
        %dma_start3A_192 = tpu.memref_slice %arg7[%run_scoped3A_181, %dma_start3A_191] : memref<3x128xi32, #tpu.memory_space<vmem>> -> memref<1x128xi32, #tpu.memory_space<vmem>>
        %dma_start3A_193 = tpu.memref_squeeze %dma_start3A_192 : memref<1x128xi32, #tpu.memory_space<vmem>> -> memref<128xi32, #tpu.memory_space<vmem>>
        %dma_start3A_194 = arith.constant 0 : i32
        %dma_start3A_195 = arith.constant 0 : i32
        %dma_start3A_196 = tpu.memref_slice %arg9[%dma_start3A_194, %dma_start3A_195] : memref<72x128xf32, #tpu.memory_space<vmem_shared>> -> memref<72x128xf32, #tpu.memory_space<vmem_shared>>
        tpu.enqueue_indirect_dma source(%dma_start3A_190 : memref<128x128xf32, #tpu.memory_space<vmem>>) target(%dma_start3A_196 : memref<72x128xf32, #tpu.memory_space<vmem_shared>>) offsets(%dma_start3A_193 : memref<128xi32, #tpu.memory_space<vmem>>) semaphore(%run_scoped3A_187 : memref<!tpu.dma_semaphore, #tpu.memory_space<semaphore_mem>>) {add = true}
        %dma_wait3A_197 = arith.constant 0 : i32
        %dma_wait3A_198 = arith.constant 0 : i32
        %dma_wait3A_199 = tpu.memref_slice %arg6[%run_scoped3A, %dma_wait3A_197, %dma_wait3A_198] : memref<3x128x128xf32, #tpu.memory_space<vmem>> -> memref<1x128x128xf32, #tpu.memory_space<vmem>>
        %dma_wait3A_200 = tpu.memref_squeeze %dma_wait3A_199 : memref<1x128x128xf32, #tpu.memory_space<vmem>> -> memref<128x128xf32, #tpu.memory_space<vmem>>
        %dma_wait3A_201 = arith.constant 0 : i32
        %dma_wait3A_202 = tpu.memref_slice %arg7[%run_scoped3A_181, %dma_wait3A_201] : memref<3x128xi32, #tpu.memory_space<vmem>> -> memref<1x128xi32, #tpu.memory_space<vmem>>
        %dma_wait3A_203 = tpu.memref_squeeze %dma_wait3A_202 : memref<1x128xi32, #tpu.memory_space<vmem>> -> memref<128xi32, #tpu.memory_space<vmem>>
        %dma_wait3A_204 = arith.constant 0 : i32
        %dma_wait3A_205 = arith.constant 0 : i32
        %dma_wait3A_206 = tpu.memref_slice %arg9[%dma_wait3A_204, %dma_wait3A_205] : memref<72x128xf32, #tpu.memory_space<vmem_shared>> -> memref<72x128xf32, #tpu.memory_space<vmem_shared>>
        tpu.wait_indirect_dma semaphore(%run_scoped3A_187 : memref<!tpu.dma_semaphore, #tpu.memory_space<semaphore_mem>>) src(%dma_wait3A_200 : memref<128x128xf32, #tpu.memory_space<vmem>>) dst(%dma_wait3A_206 : memref<72x128xf32, #tpu.memory_space<vmem_shared>>)
        tpu.yield
      }) : () -> ()
      %gt3A_182 = arith.constant 26 : i32
      %gt3A_183 = arith.cmpi sgt, %add3A_8, %gt3A_182 : i32
      %convert_element_type3A_184 = arith.extui %gt3A_183 : i1 to i32
      %cond3A_185 = arith.constant 0 : i32
      %cond3A_186 = arith.cmpi ne, %convert_element_type3A_184, %cond3A_185 : i32
      scf.if %cond3A_186 {
        %add3A_187 = arith.constant 26 : i32
        %add3A_188 = arith.addi %add3A_4, %add3A_187 : i32
        %eq3A_189 = arith.constant 781 : i32
        %eq3A_190 = arith.cmpi eq, %add3A_188, %eq3A_189 : i32
        %mul3A_191 = arith.constant 128 : i32
        %mul3A_192 = arith.muli %add3A_188, %mul3A_191 : i32
        %jit3A_193 = arith.constant 99872 : i32
        %select_n3A_194 = arith.select %eq3A_190, %jit3A_193, %mul3A_192 : i32
        %multiple_of3A = tpu.assume_multiple %select_n3A_194, 8 : i32
        %eq3A_195 = arith.constant 781 : i32
        %eq3A_196 = arith.cmpi eq, %add3A_188, %eq3A_195 : i32
        %mul3A_197 = arith.constant 128 : i32
        %mul3A_198 = arith.muli %add3A_188, %mul3A_197 : i32
        %jit3A_199 = arith.constant 100000 : i32
        %select_n3A_200 = arith.select %eq3A_196, %jit3A_199, %mul3A_198 : i32
        %multiple_of3A_201 = tpu.assume_multiple %select_n3A_200, 8 : i32
        %dma_start3A = arith.constant 2 : i32
        %dma_start3A_202 = arith.constant 0 : i32
        %dma_start3A_203 = arith.constant 0 : i32
        %dma_start3A_204 = tpu.memref_slice %arg6[%dma_start3A, %dma_start3A_202, %dma_start3A_203] : memref<3x128x128xf32, #tpu.memory_space<vmem>> -> memref<1x128x128xf32, #tpu.memory_space<vmem>>
        %dma_start3A_205 = tpu.memref_squeeze %dma_start3A_204 : memref<1x128x128xf32, #tpu.memory_space<vmem>> -> memref<128x128xf32, #tpu.memory_space<vmem>>
        %dma_start3A_206 = arith.constant 0 : i32
        %dma_start3A_207 = tpu.memref_slice %arg2[%multiple_of3A, %dma_start3A_206] : memref<100000x128xf32, #tpu.memory_space<hbm>> -> memref<128x128xf32, #tpu.memory_space<hbm>>
        %dma_start3A_208 = arith.constant 0 : i32
        %dma_start3A_209 = arith.constant 0 : i32
        %dma_start3A_210 = tpu.memref_slice %arg6[%dma_start3A, %dma_start3A_208, %dma_start3A_209] : memref<3x128x128xf32, #tpu.memory_space<vmem>> -> memref<1x128x128xf32, #tpu.memory_space<vmem>>
        %dma_start3A_211 = tpu.memref_squeeze %dma_start3A_210 : memref<1x128x128xf32, #tpu.memory_space<vmem>> -> memref<128x128xf32, #tpu.memory_space<vmem>>
        %dma_start3A_212 = arith.constant 0 : i32
        %dma_start3A_213 = tpu.memref_slice %arg2[%multiple_of3A, %dma_start3A_212] : memref<100000x128xf32, #tpu.memory_space<hbm>> -> memref<128x128xf32, #tpu.memory_space<hbm>>
        tpu.enqueue_dma source(%dma_start3A_213 : memref<128x128xf32, #tpu.memory_space<hbm>>) target(%dma_start3A_211 : memref<128x128xf32, #tpu.memory_space<vmem>>) target_semaphore(%arg12 : memref<!tpu.dma_semaphore, #tpu.memory_space<semaphore_mem>>)
        %dma_start3A_214 = arith.constant 2 : i32
        %dma_start3A_215 = arith.constant 0 : i32
        %dma_start3A_216 = tpu.memref_slice %arg7[%dma_start3A_214, %dma_start3A_215] : memref<3x128xi32, #tpu.memory_space<vmem>> -> memref<1x128xi32, #tpu.memory_space<vmem>>
        %dma_start3A_217 = tpu.memref_squeeze %dma_start3A_216 : memref<1x128xi32, #tpu.memory_space<vmem>> -> memref<128xi32, #tpu.memory_space<vmem>>
        %dma_start3A_218 = tpu.memref_slice %arg3[%multiple_of3A_201] : memref<100128xi32, #tpu.memory_space<hbm>> -> memref<128xi32, #tpu.memory_space<hbm>>
        %dma_start3A_219 = arith.constant 0 : i32
        %dma_start3A_220 = tpu.memref_slice %arg7[%dma_start3A_214, %dma_start3A_219] : memref<3x128xi32, #tpu.memory_space<vmem>> -> memref<1x128xi32, #tpu.memory_space<vmem>>
        %dma_start3A_221 = tpu.memref_squeeze %dma_start3A_220 : memref<1x128xi32, #tpu.memory_space<vmem>> -> memref<128xi32, #tpu.memory_space<vmem>>
        %dma_start3A_222 = tpu.memref_slice %arg3[%multiple_of3A_201] : memref<100128xi32, #tpu.memory_space<hbm>> -> memref<128xi32, #tpu.memory_space<hbm>>
        tpu.enqueue_dma source(%dma_start3A_222 : memref<128xi32, #tpu.memory_space<hbm>>) target(%dma_start3A_221 : memref<128xi32, #tpu.memory_space<vmem>>) target_semaphore(%arg12 : memref<!tpu.dma_semaphore, #tpu.memory_space<semaphore_mem>>)
      } else {
      }
    } else {
    }
    %gt3A_145 = arith.constant 24 : i32
    %gt3A_146 = arith.cmpi sgt, %add3A_8, %gt3A_145 : i32
    %convert_element_type3A_147 = arith.extui %gt3A_146 : i1 to i32
    %cond3A_148 = arith.constant 0 : i32
    %cond3A_149 = arith.cmpi ne, %convert_element_type3A_147, %cond3A_148 : i32
    scf.if %cond3A_149 {
      %dma_wait3A = arith.constant 0 : i32
      %dma_wait3A_156 = arith.constant 0 : i32
      %dma_wait3A_157 = arith.constant 0 : i32
      %dma_wait3A_158 = tpu.memref_slice %arg6[%dma_wait3A, %dma_wait3A_156, %dma_wait3A_157] : memref<3x128x128xf32, #tpu.memory_space<vmem>> -> memref<1x128x128xf32, #tpu.memory_space<vmem>>
      %dma_wait3A_159 = tpu.memref_squeeze %dma_wait3A_158 : memref<1x128x128xf32, #tpu.memory_space<vmem>> -> memref<128x128xf32, #tpu.memory_space<vmem>>
      %dma_wait3A_160 = arith.constant 0 : i32
      %dma_wait3A_161 = arith.constant 0 : i32
      %dma_wait3A_162 = tpu.memref_slice %arg2[%dma_wait3A_160, %dma_wait3A_161] : memref<100000x128xf32, #tpu.memory_space<hbm>> -> memref<128x128xf32, #tpu.memory_space<hbm>>
      %dma_wait3A_163 = arith.constant 0 : i32
      %dma_wait3A_164 = arith.constant 0 : i32
      %dma_wait3A_165 = tpu.memref_slice %arg6[%dma_wait3A, %dma_wait3A_163, %dma_wait3A_164] : memref<3x128x128xf32, #tpu.memory_space<vmem>> -> memref<1x128x128xf32, #tpu.memory_space<vmem>>
      %dma_wait3A_166 = tpu.memref_squeeze %dma_wait3A_165 : memref<1x128x128xf32, #tpu.memory_space<vmem>> -> memref<128x128xf32, #tpu.memory_space<vmem>>
      %dma_wait3A_167 = arith.constant 0 : i32
      %dma_wait3A_168 = arith.constant 0 : i32
      %dma_wait3A_169 = tpu.memref_slice %arg2[%dma_wait3A_167, %dma_wait3A_168] : memref<100000x128xf32, #tpu.memory_space<hbm>> -> memref<128x128xf32, #tpu.memory_space<hbm>>
      tpu.wait_dma2 semaphore(%arg10 : memref<!tpu.dma_semaphore, #tpu.memory_space<semaphore_mem>>) src(%dma_wait3A_169 : memref<128x128xf32, #tpu.memory_space<hbm>>) dst(%dma_wait3A_166 : memref<128x128xf32, #tpu.memory_space<vmem>>)
      %dma_wait3A_170 = arith.constant 0 : i32
      %dma_wait3A_171 = arith.constant 0 : i32
      %dma_wait3A_172 = tpu.memref_slice %arg7[%dma_wait3A_170, %dma_wait3A_171] : memref<3x128xi32, #tpu.memory_space<vmem>> -> memref<1x128xi32, #tpu.memory_space<vmem>>
      %dma_wait3A_173 = tpu.memref_squeeze %dma_wait3A_172 : memref<1x128xi32, #tpu.memory_space<vmem>> -> memref<128xi32, #tpu.memory_space<vmem>>
      %dma_wait3A_174 = arith.constant 0 : i32
      %dma_wait3A_175 = tpu.memref_slice %arg3[%dma_wait3A_174] : memref<100128xi32, #tpu.memory_space<hbm>> -> memref<128xi32, #tpu.memory_space<hbm>>
      %dma_wait3A_176 = arith.constant 0 : i32
      %dma_wait3A_177 = tpu.memref_slice %arg7[%dma_wait3A_170, %dma_wait3A_176] : memref<3x128xi32, #tpu.memory_space<vmem>> -> memref<1x128xi32, #tpu.memory_space<vmem>>
      %dma_wait3A_178 = tpu.memref_squeeze %dma_wait3A_177 : memref<1x128xi32, #tpu.memory_space<vmem>> -> memref<128xi32, #tpu.memory_space<vmem>>
      %dma_wait3A_179 = arith.constant 0 : i32
      %dma_wait3A_180 = tpu.memref_slice %arg3[%dma_wait3A_179] : memref<100128xi32, #tpu.memory_space<hbm>> -> memref<128xi32, #tpu.memory_space<hbm>>
      tpu.wait_dma2 semaphore(%arg10 : memref<!tpu.dma_semaphore, #tpu.memory_space<semaphore_mem>>) src(%dma_wait3A_180 : memref<128xi32, #tpu.memory_space<hbm>>) dst(%dma_wait3A_178 : memref<128xi32, #tpu.memory_space<vmem>>)
      %run_scoped3A = arith.constant 0 : i32
      %run_scoped3A_181 = arith.constant 0 : i32
      "tpu.region"() ({
        %run_scoped3A_187 = tpu.sem_alloc : memref<!tpu.dma_semaphore, #tpu.memory_space<semaphore_mem>>
        %dma_start3A = arith.constant 0 : i32
        %dma_start3A_188 = arith.constant 0 : i32
        %dma_start3A_189 = tpu.memref_slice %arg6[%run_scoped3A, %dma_start3A, %dma_start3A_188] : memref<3x128x128xf32, #tpu.memory_space<vmem>> -> memref<1x128x128xf32, #tpu.memory_space<vmem>>
        %dma_start3A_190 = tpu.memref_squeeze %dma_start3A_189 : memref<1x128x128xf32, #tpu.memory_space<vmem>> -> memref<128x128xf32, #tpu.memory_space<vmem>>
        %dma_start3A_191 = arith.constant 0 : i32
        %dma_start3A_192 = tpu.memref_slice %arg7[%run_scoped3A_181, %dma_start3A_191] : memref<3x128xi32, #tpu.memory_space<vmem>> -> memref<1x128xi32, #tpu.memory_space<vmem>>
        %dma_start3A_193 = tpu.memref_squeeze %dma_start3A_192 : memref<1x128xi32, #tpu.memory_space<vmem>> -> memref<128xi32, #tpu.memory_space<vmem>>
        %dma_start3A_194 = arith.constant 0 : i32
        %dma_start3A_195 = arith.constant 0 : i32
        %dma_start3A_196 = tpu.memref_slice %arg9[%dma_start3A_194, %dma_start3A_195] : memref<72x128xf32, #tpu.memory_space<vmem_shared>> -> memref<72x128xf32, #tpu.memory_space<vmem_shared>>
        tpu.enqueue_indirect_dma source(%dma_start3A_190 : memref<128x128xf32, #tpu.memory_space<vmem>>) target(%dma_start3A_196 : memref<72x128xf32, #tpu.memory_space<vmem_shared>>) offsets(%dma_start3A_193 : memref<128xi32, #tpu.memory_space<vmem>>) semaphore(%run_scoped3A_187 : memref<!tpu.dma_semaphore, #tpu.memory_space<semaphore_mem>>) {add = true}
        %dma_wait3A_197 = arith.constant 0 : i32
        %dma_wait3A_198 = arith.constant 0 : i32
        %dma_wait3A_199 = tpu.memref_slice %arg6[%run_scoped3A, %dma_wait3A_197, %dma_wait3A_198] : memref<3x128x128xf32, #tpu.memory_space<vmem>> -> memref<1x128x128xf32, #tpu.memory_space<vmem>>
        %dma_wait3A_200 = tpu.memref_squeeze %dma_wait3A_199 : memref<1x128x128xf32, #tpu.memory_space<vmem>> -> memref<128x128xf32, #tpu.memory_space<vmem>>
        %dma_wait3A_201 = arith.constant 0 : i32
        %dma_wait3A_202 = tpu.memref_slice %arg7[%run_scoped3A_181, %dma_wait3A_201] : memref<3x128xi32, #tpu.memory_space<vmem>> -> memref<1x128xi32, #tpu.memory_space<vmem>>
        %dma_wait3A_203 = tpu.memref_squeeze %dma_wait3A_202 : memref<1x128xi32, #tpu.memory_space<vmem>> -> memref<128xi32, #tpu.memory_space<vmem>>
        %dma_wait3A_204 = arith.constant 0 : i32
        %dma_wait3A_205 = arith.constant 0 : i32
        %dma_wait3A_206 = tpu.memref_slice %arg9[%dma_wait3A_204, %dma_wait3A_205] : memref<72x128xf32, #tpu.memory_space<vmem_shared>> -> memref<72x128xf32, #tpu.memory_space<vmem_shared>>
        tpu.wait_indirect_dma semaphore(%run_scoped3A_187 : memref<!tpu.dma_semaphore, #tpu.memory_space<semaphore_mem>>) src(%dma_wait3A_200 : memref<128x128xf32, #tpu.memory_space<vmem>>) dst(%dma_wait3A_206 : memref<72x128xf32, #tpu.memory_space<vmem_shared>>)
        tpu.yield
      }) : () -> ()
      %gt3A_182 = arith.constant 27 : i32
      %gt3A_183 = arith.cmpi sgt, %add3A_8, %gt3A_182 : i32
      %convert_element_type3A_184 = arith.extui %gt3A_183 : i1 to i32
      %cond3A_185 = arith.constant 0 : i32
      %cond3A_186 = arith.cmpi ne, %convert_element_type3A_184, %cond3A_185 : i32
      scf.if %cond3A_186 {
        %add3A_187 = arith.constant 27 : i32
        %add3A_188 = arith.addi %add3A_4, %add3A_187 : i32
        %eq3A_189 = arith.constant 781 : i32
        %eq3A_190 = arith.cmpi eq, %add3A_188, %eq3A_189 : i32
        %mul3A_191 = arith.constant 128 : i32
        %mul3A_192 = arith.muli %add3A_188, %mul3A_191 : i32
        %jit3A_193 = arith.constant 99872 : i32
        %select_n3A_194 = arith.select %eq3A_190, %jit3A_193, %mul3A_192 : i32
        %multiple_of3A = tpu.assume_multiple %select_n3A_194, 8 : i32
        %eq3A_195 = arith.constant 781 : i32
        %eq3A_196 = arith.cmpi eq, %add3A_188, %eq3A_195 : i32
        %mul3A_197 = arith.constant 128 : i32
        %mul3A_198 = arith.muli %add3A_188, %mul3A_197 : i32
        %jit3A_199 = arith.constant 100000 : i32
        %select_n3A_200 = arith.select %eq3A_196, %jit3A_199, %mul3A_198 : i32
        %multiple_of3A_201 = tpu.assume_multiple %select_n3A_200, 8 : i32
        %dma_start3A = arith.constant 0 : i32
        %dma_start3A_202 = arith.constant 0 : i32
        %dma_start3A_203 = arith.constant 0 : i32
        %dma_start3A_204 = tpu.memref_slice %arg6[%dma_start3A, %dma_start3A_202, %dma_start3A_203] : memref<3x128x128xf32, #tpu.memory_space<vmem>> -> memref<1x128x128xf32, #tpu.memory_space<vmem>>
        %dma_start3A_205 = tpu.memref_squeeze %dma_start3A_204 : memref<1x128x128xf32, #tpu.memory_space<vmem>> -> memref<128x128xf32, #tpu.memory_space<vmem>>
        %dma_start3A_206 = arith.constant 0 : i32
        %dma_start3A_207 = tpu.memref_slice %arg2[%multiple_of3A, %dma_start3A_206] : memref<100000x128xf32, #tpu.memory_space<hbm>> -> memref<128x128xf32, #tpu.memory_space<hbm>>
        %dma_start3A_208 = arith.constant 0 : i32
        %dma_start3A_209 = arith.constant 0 : i32
        %dma_start3A_210 = tpu.memref_slice %arg6[%dma_start3A, %dma_start3A_208, %dma_start3A_209] : memref<3x128x128xf32, #tpu.memory_space<vmem>> -> memref<1x128x128xf32, #tpu.memory_space<vmem>>
        %dma_start3A_211 = tpu.memref_squeeze %dma_start3A_210 : memref<1x128x128xf32, #tpu.memory_space<vmem>> -> memref<128x128xf32, #tpu.memory_space<vmem>>
        %dma_start3A_212 = arith.constant 0 : i32
        %dma_start3A_213 = tpu.memref_slice %arg2[%multiple_of3A, %dma_start3A_212] : memref<100000x128xf32, #tpu.memory_space<hbm>> -> memref<128x128xf32, #tpu.memory_space<hbm>>
        tpu.enqueue_dma source(%dma_start3A_213 : memref<128x128xf32, #tpu.memory_space<hbm>>) target(%dma_start3A_211 : memref<128x128xf32, #tpu.memory_space<vmem>>) target_semaphore(%arg10 : memref<!tpu.dma_semaphore, #tpu.memory_space<semaphore_mem>>)
        %dma_start3A_214 = arith.constant 0 : i32
        %dma_start3A_215 = arith.constant 0 : i32
        %dma_start3A_216 = tpu.memref_slice %arg7[%dma_start3A_214, %dma_start3A_215] : memref<3x128xi32, #tpu.memory_space<vmem>> -> memref<1x128xi32, #tpu.memory_space<vmem>>
        %dma_start3A_217 = tpu.memref_squeeze %dma_start3A_216 : memref<1x128xi32, #tpu.memory_space<vmem>> -> memref<128xi32, #tpu.memory_space<vmem>>
        %dma_start3A_218 = tpu.memref_slice %arg3[%multiple_of3A_201] : memref<100128xi32, #tpu.memory_space<hbm>> -> memref<128xi32, #tpu.memory_space<hbm>>
        %dma_start3A_219 = arith.constant 0 : i32
        %dma_start3A_220 = tpu.memref_slice %arg7[%dma_start3A_214, %dma_start3A_219] : memref<3x128xi32, #tpu.memory_space<vmem>> -> memref<1x128xi32, #tpu.memory_space<vmem>>
        %dma_start3A_221 = tpu.memref_squeeze %dma_start3A_220 : memref<1x128xi32, #tpu.memory_space<vmem>> -> memref<128xi32, #tpu.memory_space<vmem>>
        %dma_start3A_222 = tpu.memref_slice %arg3[%multiple_of3A_201] : memref<100128xi32, #tpu.memory_space<hbm>> -> memref<128xi32, #tpu.memory_space<hbm>>
        tpu.enqueue_dma source(%dma_start3A_222 : memref<128xi32, #tpu.memory_space<hbm>>) target(%dma_start3A_221 : memref<128xi32, #tpu.memory_space<vmem>>) target_semaphore(%arg10 : memref<!tpu.dma_semaphore, #tpu.memory_space<semaphore_mem>>)
      } else {
      }
    } else {
    }
    %barrier3A_150 = arith.constant 0 : index
    tpu.barrier barrier_id(%barrier3A_150)
    %eq3A_151 = arith.constant 0 : i32
    %eq3A_152 = arith.cmpi eq, %arg1, %eq3A_151 : i32
    %convert_element_type3A_153 = arith.extui %eq3A_152 : i1 to i32
    %cond3A_154 = arith.constant 0 : i32
    %cond3A_155 = arith.cmpi ne, %convert_element_type3A_153, %cond3A_154 : i32
    scf.if %cond3A_155 {
      "tpu.region"() ({
        %run_scoped3A = tpu.sem_alloc : memref<!tpu.dma_semaphore, #tpu.memory_space<semaphore_mem>>
        tpu.enqueue_dma source(%arg9 : memref<72x128xf32, #tpu.memory_space<vmem_shared>>) target(%arg8 : memref<72x128xf32, #tpu.memory_space<vmem>>) target_semaphore(%run_scoped3A : memref<!tpu.dma_semaphore, #tpu.memory_space<semaphore_mem>>)
        tpu.wait_dma2 semaphore(%run_scoped3A : memref<!tpu.dma_semaphore, #tpu.memory_space<semaphore_mem>>) src(%arg9 : memref<72x128xf32, #tpu.memory_space<vmem_shared>>) dst(%arg8 : memref<72x128xf32, #tpu.memory_space<vmem>>)
        tpu.yield
      }) : () -> ()
      "tpu.region"() ({
        %run_scoped3A = tpu.sem_alloc : memref<!tpu.dma_semaphore, #tpu.memory_space<semaphore_mem>>
        %dma_start3A = arith.constant 0 : i32
        %dma_start3A_156 = arith.constant 0 : i32
        %dma_start3A_157 = tpu.memref_slice %arg5[%arg0, %dma_start3A, %dma_start3A_156] : memref<2x72x128xf32, #tpu.memory_space<hbm>> -> memref<1x72x128xf32, #tpu.memory_space<hbm>>
        %dma_start3A_158 = tpu.memref_squeeze %dma_start3A_157 : memref<1x72x128xf32, #tpu.memory_space<hbm>> -> memref<72x128xf32, #tpu.memory_space<hbm>>
        %dma_start3A_159 = arith.constant 0 : i32
        %dma_start3A_160 = arith.constant 0 : i32
        %dma_start3A_161 = tpu.memref_slice %arg5[%arg0, %dma_start3A_159, %dma_start3A_160] : memref<2x72x128xf32, #tpu.memory_space<hbm>> -> memref<1x72x128xf32, #tpu.memory_space<hbm>>
        %dma_start3A_162 = tpu.memref_squeeze %dma_start3A_161 : memref<1x72x128xf32, #tpu.memory_space<hbm>> -> memref<72x128xf32, #tpu.memory_space<hbm>>
        tpu.enqueue_dma source(%arg8 : memref<72x128xf32, #tpu.memory_space<vmem>>) target(%dma_start3A_162 : memref<72x128xf32, #tpu.memory_space<hbm>>) target_semaphore(%run_scoped3A : memref<!tpu.dma_semaphore, #tpu.memory_space<semaphore_mem>>)
        %dma_wait3A = arith.constant 0 : i32
        %dma_wait3A_163 = arith.constant 0 : i32
        %dma_wait3A_164 = tpu.memref_slice %arg5[%arg0, %dma_wait3A, %dma_wait3A_163] : memref<2x72x128xf32, #tpu.memory_space<hbm>> -> memref<1x72x128xf32, #tpu.memory_space<hbm>>
        %dma_wait3A_165 = tpu.memref_squeeze %dma_wait3A_164 : memref<1x72x128xf32, #tpu.memory_space<hbm>> -> memref<72x128xf32, #tpu.memory_space<hbm>>
        %dma_wait3A_166 = arith.constant 0 : i32
        %dma_wait3A_167 = arith.constant 0 : i32
        %dma_wait3A_168 = tpu.memref_slice %arg5[%arg0, %dma_wait3A_166, %dma_wait3A_167] : memref<2x72x128xf32, #tpu.memory_space<hbm>> -> memref<1x72x128xf32, #tpu.memory_space<hbm>>
        %dma_wait3A_169 = tpu.memref_squeeze %dma_wait3A_168 : memref<1x72x128xf32, #tpu.memory_space<hbm>> -> memref<72x128xf32, #tpu.memory_space<hbm>>
        tpu.wait_dma2 semaphore(%run_scoped3A : memref<!tpu.dma_semaphore, #tpu.memory_space<semaphore_mem>>) src(%arg8 : memref<72x128xf32, #tpu.memory_space<vmem>>) dst(%dma_wait3A_169 : memref<72x128xf32, #tpu.memory_space<hbm>>)
        tpu.yield
      }) : () -> ()
    } else {
    }
    return
  }
}

module attributes {stable_mosaic.version = 14 : i64} {
  func.func @_combine_body(%arg0: memref<2x72x128xf32, #tpu.memory_space<vmem>>, %arg1: memref<64x128xf32, #tpu.memory_space<vmem>>, %arg2: memref<64x128xf32, #tpu.memory_space<vmem>>) attributes {dimension_semantics = [], scalar_prefetch = 0 : i64, scratch_operands = 0 : i64, tpu.core_type = #tpu.core_type<tc>} {
    %get3A = arith.constant 0 : index
    %get3A_0 = arith.constant 0 : index
    %get3A_1 = arith.constant 0 : index
    %get3A_2 = vector.load %arg0[%get3A, %get3A_0, %get3A_1] : memref<2x72x128xf32, #tpu.memory_space<vmem>>, vector<1x64x128xf32>
    %get3A_3 = vector.shape_cast %get3A_2 : vector<1x64x128xf32> to vector<64x128xf32>
    %get3A_4 = arith.constant 1 : index
    %get3A_5 = arith.constant 0 : index
    %get3A_6 = arith.constant 0 : index
    %get3A_7 = vector.load %arg0[%get3A_4, %get3A_5, %get3A_6] : memref<2x72x128xf32, #tpu.memory_space<vmem>>, vector<1x64x128xf32>
    %get3A_8 = vector.shape_cast %get3A_7 : vector<1x64x128xf32> to vector<64x128xf32>
    %add3A = arith.addf %get3A_3, %get3A_8 : vector<64x128xf32>
    %get3A_9 = arith.constant 0 : index
    %get3A_10 = arith.constant 0 : index
    %get3A_11 = vector.load %arg1[%get3A_9, %get3A_10] : memref<64x128xf32, #tpu.memory_space<vmem>>, vector<64x128xf32>
    %reduce_sum3A = arith.constant dense<0.000000e+00> : vector<64xf32>
    %reduce_sum3A_12 = vector.multi_reduction <add>, %get3A_11, %reduce_sum3A [1] : vector<64x128xf32> to vector<64xf32>
    %broadcast_in_dim3A = vector.shape_cast %reduce_sum3A_12 : vector<64xf32> to vector<64x1xf32>
    %div3A = vector.broadcast %broadcast_in_dim3A : vector<64x1xf32> to vector<64x128xf32>
    %div3A_13 = arith.divf %add3A, %div3A : vector<64x128xf32>
    %swap3A = arith.constant 0 : index
    %swap3A_14 = arith.constant 0 : index
    %swap3A_15 = vector.load %arg2[%swap3A, %swap3A_14] : memref<64x128xf32, #tpu.memory_space<vmem>>, vector<64x128xf32>
    tpu.vector_store %arg2[%swap3A, %swap3A_14], %div3A_13 {strides = array<i32>} : memref<64x128xf32, #tpu.memory_space<vmem>>, vector<64x128xf32>,
    return
  }
}

module attributes {stable_mosaic.version = 14 : i64} {
  func.func @_hist_body(%arg0: i32, %arg1: memref<8x128xi32, #tpu.memory_space<vmem>>, %arg2: memref<64x128xf32, #tpu.memory_space<vmem>>) attributes {dimension_semantics = [#tpu.dimension_semantics<arbitrary>], iteration_bounds = array<i64: 98>, scalar_prefetch = 0 : i64, scratch_operands = 0 : i64, tpu.core_type = #tpu.core_type<tc>, window_params = [{transform_indices = @transform_0, window_bounds = array<i64: 8, 128>}, {pipeline_mode = #tpu.pipeline_mode<synchronous>, transform_indices = @transform_1, window_bounds = array<i64: 64, 128>}]} {
    %eq3A = arith.constant 0 : i32
    %eq3A_0 = arith.cmpi eq, %arg0, %eq3A : i32
    %convert_element_type3A = arith.extui %eq3A_0 : i1 to i32
    %cond3A = arith.constant 0 : i32
    %cond3A_1 = arith.cmpi ne, %convert_element_type3A, %cond3A : i32
    scf.if %cond3A_1 {
      %broadcast_in_dim3A_76 = arith.constant 0.000000e+00 : f32
      %broadcast_in_dim3A_77 = vector.broadcast %broadcast_in_dim3A_76 : f32 to vector<64x128xf32>
      %swap3A_78 = arith.constant 0 : index
      %swap3A_79 = arith.constant 0 : index
      %swap3A_80 = vector.load %arg2[%swap3A_78, %swap3A_79] : memref<64x128xf32, #tpu.memory_space<vmem>>, vector<64x128xf32>
      tpu.vector_store %arg2[%swap3A_78, %swap3A_79], %broadcast_in_dim3A_77 {strides = array<i32>} : memref<64x128xf32, #tpu.memory_space<vmem>>, vector<64x128xf32>,
    } else {
    }
    %iota3A = tpu.iota {dimensions = array<i32: 0>} : vector<64x128xi32>
    %get3A = arith.constant 0 : index
    %get3A_2 = arith.constant 0 : index
    %get3A_3 = vector.load %arg2[%get3A, %get3A_2] : memref<64x128xf32, #tpu.memory_space<vmem>>, vector<64x128xf32>
    %get3A_4 = arith.constant 0 : index
    %get3A_5 = arith.constant 0 : index
    %get3A_6 = vector.load %arg1[%get3A_4, %get3A_5] : memref<8x128xi32, #tpu.memory_space<vmem>>, vector<1x128xi32>
    %broadcast_in_dim3A = vector.shape_cast %get3A_6 : vector<1x128xi32> to vector<1x128xi32>
    %broadcast_in_dim3A_7 = vector.broadcast %broadcast_in_dim3A : vector<1x128xi32> to vector<64x128xi32>
    %eq3A_8 = arith.cmpi eq, %broadcast_in_dim3A_7, %iota3A : vector<64x128xi32>
    %convert_element_type3A_9 = arith.extui %eq3A_8 : vector<64x128xi1> to vector<64x128xi32>
    %convert_element_type3A_10 = arith.sitofp %convert_element_type3A_9 : vector<64x128xi32> to vector<64x128xf32>
    %add3A = arith.addf %get3A_3, %convert_element_type3A_10 : vector<64x128xf32>
    %get3A_11 = arith.constant 1 : index
    %get3A_12 = arith.constant 0 : index
    %get3A_13 = vector.load %arg1[%get3A_11, %get3A_12] : memref<8x128xi32, #tpu.memory_space<vmem>>, vector<1x128xi32>
    %broadcast_in_dim3A_14 = vector.shape_cast %get3A_13 : vector<1x128xi32> to vector<1x128xi32>
    %broadcast_in_dim3A_15 = vector.broadcast %broadcast_in_dim3A_14 : vector<1x128xi32> to vector<64x128xi32>
    %eq3A_16 = arith.cmpi eq, %broadcast_in_dim3A_15, %iota3A : vector<64x128xi32>
    %convert_element_type3A_17 = arith.extui %eq3A_16 : vector<64x128xi1> to vector<64x128xi32>
    %convert_element_type3A_18 = arith.sitofp %convert_element_type3A_17 : vector<64x128xi32> to vector<64x128xf32>
    %add3A_19 = arith.addf %add3A, %convert_element_type3A_18 : vector<64x128xf32>
    %get3A_20 = arith.constant 2 : index
    %get3A_21 = arith.constant 0 : index
    %get3A_22 = vector.load %arg1[%get3A_20, %get3A_21] : memref<8x128xi32, #tpu.memory_space<vmem>>, vector<1x128xi32>
    %broadcast_in_dim3A_23 = vector.shape_cast %get3A_22 : vector<1x128xi32> to vector<1x128xi32>
    %broadcast_in_dim3A_24 = vector.broadcast %broadcast_in_dim3A_23 : vector<1x128xi32> to vector<64x128xi32>
    %eq3A_25 = arith.cmpi eq, %broadcast_in_dim3A_24, %iota3A : vector<64x128xi32>
    %convert_element_type3A_26 = arith.extui %eq3A_25 : vector<64x128xi1> to vector<64x128xi32>
    %convert_element_type3A_27 = arith.sitofp %convert_element_type3A_26 : vector<64x128xi32> to vector<64x128xf32>
    %add3A_28 = arith.addf %add3A_19, %convert_element_type3A_27 : vector<64x128xf32>
    %get3A_29 = arith.constant 3 : index
    %get3A_30 = arith.constant 0 : index
    %get3A_31 = vector.load %arg1[%get3A_29, %get3A_30] : memref<8x128xi32, #tpu.memory_space<vmem>>, vector<1x128xi32>
    %broadcast_in_dim3A_32 = vector.shape_cast %get3A_31 : vector<1x128xi32> to vector<1x128xi32>
    %broadcast_in_dim3A_33 = vector.broadcast %broadcast_in_dim3A_32 : vector<1x128xi32> to vector<64x128xi32>
    %eq3A_34 = arith.cmpi eq, %broadcast_in_dim3A_33, %iota3A : vector<64x128xi32>
    %convert_element_type3A_35 = arith.extui %eq3A_34 : vector<64x128xi1> to vector<64x128xi32>
    %convert_element_type3A_36 = arith.sitofp %convert_element_type3A_35 : vector<64x128xi32> to vector<64x128xf32>
    %add3A_37 = arith.addf %add3A_28, %convert_element_type3A_36 : vector<64x128xf32>
    %get3A_38 = arith.constant 4 : index
    %get3A_39 = arith.constant 0 : index
    %get3A_40 = vector.load %arg1[%get3A_38, %get3A_39] : memref<8x128xi32, #tpu.memory_space<vmem>>, vector<1x128xi32>
    %broadcast_in_dim3A_41 = vector.shape_cast %get3A_40 : vector<1x128xi32> to vector<1x128xi32>
    %broadcast_in_dim3A_42 = vector.broadcast %broadcast_in_dim3A_41 : vector<1x128xi32> to vector<64x128xi32>
    %eq3A_43 = arith.cmpi eq, %broadcast_in_dim3A_42, %iota3A : vector<64x128xi32>
    %convert_element_type3A_44 = arith.extui %eq3A_43 : vector<64x128xi1> to vector<64x128xi32>
    %convert_element_type3A_45 = arith.sitofp %convert_element_type3A_44 : vector<64x128xi32> to vector<64x128xf32>
    %add3A_46 = arith.addf %add3A_37, %convert_element_type3A_45 : vector<64x128xf32>
    %get3A_47 = arith.constant 5 : index
    %get3A_48 = arith.constant 0 : index
    %get3A_49 = vector.load %arg1[%get3A_47, %get3A_48] : memref<8x128xi32, #tpu.memory_space<vmem>>, vector<1x128xi32>
    %broadcast_in_dim3A_50 = vector.shape_cast %get3A_49 : vector<1x128xi32> to vector<1x128xi32>
    %broadcast_in_dim3A_51 = vector.broadcast %broadcast_in_dim3A_50 : vector<1x128xi32> to vector<64x128xi32>
    %eq3A_52 = arith.cmpi eq, %broadcast_in_dim3A_51, %iota3A : vector<64x128xi32>
    %convert_element_type3A_53 = arith.extui %eq3A_52 : vector<64x128xi1> to vector<64x128xi32>
    %convert_element_type3A_54 = arith.sitofp %convert_element_type3A_53 : vector<64x128xi32> to vector<64x128xf32>
    %add3A_55 = arith.addf %add3A_46, %convert_element_type3A_54 : vector<64x128xf32>
    %get3A_56 = arith.constant 6 : index
    %get3A_57 = arith.constant 0 : index
    %get3A_58 = vector.load %arg1[%get3A_56, %get3A_57] : memref<8x128xi32, #tpu.memory_space<vmem>>, vector<1x128xi32>
    %broadcast_in_dim3A_59 = vector.shape_cast %get3A_58 : vector<1x128xi32> to vector<1x128xi32>
    %broadcast_in_dim3A_60 = vector.broadcast %broadcast_in_dim3A_59 : vector<1x128xi32> to vector<64x128xi32>
    %eq3A_61 = arith.cmpi eq, %broadcast_in_dim3A_60, %iota3A : vector<64x128xi32>
    %convert_element_type3A_62 = arith.extui %eq3A_61 : vector<64x128xi1> to vector<64x128xi32>
    %convert_element_type3A_63 = arith.sitofp %convert_element_type3A_62 : vector<64x128xi32> to vector<64x128xf32>
    %add3A_64 = arith.addf %add3A_55, %convert_element_type3A_63 : vector<64x128xf32>
    %get3A_65 = arith.constant 7 : index
    %get3A_66 = arith.constant 0 : index
    %get3A_67 = vector.load %arg1[%get3A_65, %get3A_66] : memref<8x128xi32, #tpu.memory_space<vmem>>, vector<1x128xi32>
    %broadcast_in_dim3A_68 = vector.shape_cast %get3A_67 : vector<1x128xi32> to vector<1x128xi32>
    %broadcast_in_dim3A_69 = vector.broadcast %broadcast_in_dim3A_68 : vector<1x128xi32> to vector<64x128xi32>
    %eq3A_70 = arith.cmpi eq, %broadcast_in_dim3A_69, %iota3A : vector<64x128xi32>
    %convert_element_type3A_71 = arith.extui %eq3A_70 : vector<64x128xi1> to vector<64x128xi32>
    %convert_element_type3A_72 = arith.sitofp %convert_element_type3A_71 : vector<64x128xi32> to vector<64x128xf32>
    %add3A_73 = arith.addf %add3A_64, %convert_element_type3A_72 : vector<64x128xf32>
    %swap3A = arith.constant 0 : index
    %swap3A_74 = arith.constant 0 : index
    %swap3A_75 = vector.load %arg2[%swap3A, %swap3A_74] : memref<64x128xf32, #tpu.memory_space<vmem>>, vector<64x128xf32>
    tpu.vector_store %arg2[%swap3A, %swap3A_74], %add3A_73 {strides = array<i32>} : memref<64x128xf32, #tpu.memory_space<vmem>>, vector<64x128xf32>,
    return
  }
  func.func @transform_0(%arg0: i32) -> (i32, i32) {
    %c0_i32 = arith.constant 0 : i32
    %c0_i32_0 = arith.constant 0 : i32
    return %arg0, %c0_i32 : i32, i32
  }
  func.func @transform_1(%arg0: i32) -> (i32, i32) {
    %c0_i32 = arith.constant 0 : i32
    %c0_i32_0 = arith.constant 0 : i32
    %c0_i32_1 = arith.constant 0 : i32
    return %c0_i32, %c0_i32_0 : i32, i32
  }
}

</mosaic_0001>

<sc_bundles>
// kernel: kernel.5.cloned.1.call-start
scs
__scs_entry_jumppad:
0x0: {  	(pc) =	sbr.rel $0x88, $3  }
0x1: {  	(tag) =	ssettag $0x0;
	lr =	simm.s32 $0x1  }
0x2: {  	[smem:$0x3F9F] =	sst lr;
	_ =	strace $0xD0000000  }
0x3: {  	_ = 	snop  }
0x4: {  	_ = 	snop  }
0x5: {  	_ = 	snop  }
0x6: {  	_ = 	snop  }
0x7: {  	_ = 	snop  }
__scs_overlays_trampoline_lowered:
0x8: {  	[smem:$0x3FAE] =	sst s0  }
0x9: {  	[smem:$0x3FAF] =	sst s1  }
0xa: {  	[smem:$0x3FB0] =	sst s2  }
0xb: {  	[smem:$0x3FB1] =	sst s3  }
0xc: {  	[smem:$0x3FB2] =	sst s4  }
0xd: {  	[smem:$0x3FB3] =	sst s5  }
0xe: {  	[smem:$0x3FB4] =	sst s6  }
0xf: {  	[smem:$0x3FB5] =	sst s7  }
0x10: {  	[smem:$0x3FB6] =	sst s8  }
0x11: {  	[smem:$0x3FB7] =	sst s9;
	s0 =	simm.s32 @!p0 $0x0  }
0x12: {  	s1 =	sld [smem:$0x3F9D];
	s0 =	simm.s32 @p0 $0x1  }
0x13: {  	[smem:$0x3FB8] =	sst s0;
	s0 =	simm.s32 @!p1 $0x0  }
0x14: {  	s2 =	sld [smem:$0x3F9C];
	s0 =	simm.s32 @p1 $0x1  }
0x15: {  	[smem:$0x3FB9] =	sst s0;
	s0 =	simm.s32 @!p2 $0x0  }
0x16: {  	s3 =	sld [smem:$0x3FDB];
	s0 =	simm.s32 @p2 $0x1  }
0x17: {  	s4 =	simm.s32 $0x1BF5;
	[smem:$0x3FBB] =	sst s0  }
0x18: {  	s0 =	sld [smem:$0x3F9E];
	_ =	swait.ge [sflag:s4], $0x0  }
0x19: {  	s7 =	sld [smem:$0x3F9F]  }
0x1a: {  	s8 =	sadd.s32 $0xFFFFE003, lr  }
0x1b: {  	s9 =	sadd.s32 $0xFFFFFEF7, lr;
	s5 =	simm.s32 $0xFFFFFFFF;
	p2 =	slt.u32 s8, $0xFFFFF086  }
0x1c: {  	p1 =	slt.u32 s9, $0xF7A;
	s5 =	simm.s32 @!p2 $0x0  }
0x1d: {  	s5 =	simm.s32 @p1 $0x1;
	p0 =	seq.s32 s7, s2  }
0x1e: {  	s7 =	smul.u32 @!p0 $0xF7A, s2;
	p2 =	seq.s32 @!p0 s5, $0x0  }
0x1f: {  	s9 =	smul.u32 $0xF7A, s1;
	s8 =	simm.s32 @!p0 $0x1BF5;
	p2 =	por !p2, p0  }
0x20: {  	[sflag:s8] =	ssyncset.s32 @!p0 $0xFFFFF086;
	s6 =	sadd.s32 @!p0 s3, s7;
	s7 =	simm.s32 @!p0 $0x108  }
0x21: {  	s3 =	sadd.s32 s3, s9;
	s6 =	sadd.s32 @!p0 $0x88, s6;
	s7 =	simm.s32 @p2 $0x1082  }
0x22: {  	[simem:s7], [sflag:s8] =	dma.local @!p0 [hbm:s6], $0xF7A  }
0x23: {  	s9 =	sor.u32 $0xD0000000, s2;
	s6 =	simm.s32 $0x108;
	_ =	swait.ge @!p0 [sflag:s8], $0x0  }
0x24: {  	s3 =	sadd.s32 $0x88, s3;
	s6 =	simm.s32 @!p1 $0x1082;
	[sflag:s4] =	ssyncset.s32 $0xFFFFF086  }
0x25: {  	[simem:s6], [sflag:s4] =	dma.local [hbm:s3], $0xF7A  }
0x26: {  	[smem:$0x3F9F] =	sst s1;
	(tag) =	ssettag s2;
	_ =	strace s9  }
0x27: {  	s1 =	sld [smem:$0x3FAF]  }
0x28: {  	s2 =	sld [smem:$0x3FB0]  }
0x29: {  	s4 =	sld [smem:$0x3FB2]  }
0x2a: {  	p0 =	seq.s32 s5, $0x0;
	s5 =	sld [smem:$0x3FB3]  }
0x2b: {  	s6 =	sld [smem:$0x3FB4]  }
0x2c: {  	s7 =	sld [smem:$0x3FB5]  }
0x2d: {  	s3 =	simm.s32 $0x108;
	s8 =	sld [smem:$0x3FB6]  }
0x2e: {  	s3 =	simm.s32 @!p0 $0x1082;
	s9 =	sld [smem:$0x3FB7]  }
0x2f: {  	lr =	sadd.s32 s0, s3;
	s0 =	sld [smem:$0x3FAE]  }
0x30: {  	s3 =	sld [smem:$0x3FB1]  }
0x31: {  	[smem:$0x3FBA] =	sst s10  }
0x32: {  	s10 =	sld [smem:$0x3FB8];
	_ =	sdelay $0x3  }
0x33: {  	p0 =	seq.s32 s10, $0x1;
	s10 =	sld [smem:$0x3FBA];
	_ =	sdelay $0x3  }
0x34: {  	[smem:$0x3FBA] =	sst s10  }
0x35: {  	s10 =	sld [smem:$0x3FB9];
	_ =	sdelay $0x3  }
0x36: {  	p1 =	seq.s32 s10, $0x1;
	s10 =	sld [smem:$0x3FBA];
	_ =	sdelay $0x3  }
0x37: {  	[smem:$0x3FBA] =	sst s10  }
0x38: {  	s10 =	sld [smem:$0x3FBB]  }
0x39: {  	_ = 	snop;
	(pc) =	sbr.ind lr, $3  }
0x3a: {  	_ = 	snop  }
0x3b: {  	_ = 	snop  }
0x3c: {  	p2 =	seq.s32 s10, $0x1;
	s10 =	sld [smem:$0x3FBA]  }
0x3d: {  	_ =	shalt  }
0x3e: {  	_ =	shalt  }
0x3f: {  	_ =	shalt  }
0x40: {  	_ =	shalt  }
0x41: {  	_ =	shalt  }
0x42: {  	_ =	shalt  }
0x43: {  	_ =	shalt  }
0x44: {  	_ =	shalt  }
0x45: {  	_ =	shalt  }
0x46: {  	_ =	shalt  }
0x47: {  	_ =	shalt  }
0x48: {  	_ =	shalt  }
0x49: {  	_ =	shalt  }
0x4a: {  	_ =	shalt  }
0x4b: {  	_ =	shalt  }
0x4c: {  	_ =	shalt  }
0x4d: {  	_ =	shalt  }
0x4e: {  	_ =	shalt  }
0x4f: {  	_ =	shalt  }
0x50: {  	_ =	shalt  }
0x51: {  	_ =	shalt  }
0x52: {  	_ =	shalt  }
0x53: {  	_ =	shalt  }
0x54: {  	_ =	shalt  }
0x55: {  	_ =	shalt  }
0x56: {  	_ =	shalt  }
0x57: {  	_ =	shalt  }
0x58: {  	_ =	shalt  }
0x59: {  	_ =	shalt  }
0x5a: {  	_ =	shalt  }
0x5b: {  	_ =	shalt  }
0x5c: {  	_ =	shalt  }
0x5d: {  	_ =	shalt  }
0x5e: {  	_ =	shalt  }
0x5f: {  	_ =	shalt  }
0x60: {  	_ =	shalt  }
0x61: {  	_ =	shalt  }
0x62: {  	_ =	shalt  }
0x63: {  	_ =	shalt  }
0x64: {  	_ =	shalt  }
0x65: {  	_ =	shalt  }
0x66: {  	_ =	shalt  }
0x67: {  	_ =	shalt  }
0x68: {  	_ =	shalt  }
0x69: {  	_ =	shalt  }
0x6a: {  	_ =	shalt  }
0x6b: {  	_ =	shalt  }
0x6c: {  	_ =	shalt  }
0x6d: {  	_ =	shalt  }
0x6e: {  	_ =	shalt  }
0x6f: {  	_ =	shalt  }
0x70: {  	_ =	shalt  }
0x71: {  	_ =	shalt  }
0x72: {  	_ =	shalt  }
0x73: {  	_ =	shalt  }
0x74: {  	_ =	shalt  }
0x75: {  	_ =	shalt  }
0x76: {  	_ =	shalt  }
0x77: {  	_ =	shalt  }
0x78: {  	_ =	shalt  }
0x79: {  	_ =	shalt  }
0x7a: {  	_ =	shalt  }
0x7b: {  	_ =	shalt  }
0x7c: {  	_ =	shalt  }
0x7d: {  	_ =	shalt  }
0x7e: {  	_ =	shalt  }
0x7f: {  	_ =	shalt  }
0x80: {  	_ =	shalt  }
0x81: {  	_ =	shalt  }
0x82: {  	_ =	shalt  }
0x83: {  	_ =	shalt  }
0x84: {  	_ =	shalt  }
0x85: {  	_ =	shalt  }
0x86: {  	_ =	shalt  }
0x87: {  	_ =	shalt  }
.Lfunc_end0:
.L_simem_size_0:
called_computation_lowered:
.L_overlay_start_0:
0x88: {  	s2 =	sld [smem:$0x3FD9]  }
0x89: {  	s3 =	sld [smem:$0x3FFE];
	_ =	sdelay $0x1  }
0x8a: {  	s1 =	srdreg.scid  }
0x8b: {  	s0 =	sand.u32 $0x1, s1  }
0x8c: {  	s17 =	sshll.u32 s0, $0xA;
	s2 =	sadd.s32 s3, s2  }
0x8d: {  	s2 =	sadd.s32 s2, s17  }
0x8e: {  	[smem:$0x3FC6] =	sst s2  }
0x8f: {  	_ = 	snop  }
0x90: {  	s2 =	sld [smem:$0x3FC9];
	(tm) =	ssettm $0x1  }
0x91: {  	s18 =	sld [smem:$0x3FFB];
	_ =	sdelay $0x3  }
0x92: {  	_ =	strace s18  }
0x93: {  	s3 =	sld [smem:$0x3FFC];
	_ =	sdelay $0x3  }
0x94: {  	_ =	strace s3  }
0x95: {  	s3 =	sld [smem:$0x3FFD];
	_ =	sdelay $0x3  }
0x96: {  	_ =	strace s3  }
0x97: {  	_ =	strace $0x8FFFFFFF  }
0x98: {  	s19 =	sld [smem:$0x3FDB];
	_ =	sdelay $0x1  }
0x99: {  	s4 =	simm.s32 $_scs_section_size  }
0x9a: {  	s5 =	simm.s32 $_size__tile_overlayer_lowered;
	s6 =	simm.s32 $_tile_overlayer_lowered  }
0x9b: {  	s22 =	simm.s32 $0x1BFF;
	s21 =	sshll.u32 s6, $0x1;
	s3 =	sadd.s32 s4, s19  }
0x9c: {  	s7 =	simm.s32 $0x0;
	s20 =	sshll.u32 s5, $0x1;
	s5 =	sadd.s32 s21, s3  }
0x9d: {  	[timem:s7], [sflag:s22] =	dma.local [hbm:s5], s20  }
0x9e: {  	_ =	swait.ge [sflag:s22], s20  }
0x9f: {  	s4 =	ssub.s32 $0x0, s20;
	[sflag:s22] =	ssyncset.done $0x0  }
0xa0: {  	[sflag:s22] =	ssyncadd.s32 s4;
	_ =	sdelay $0x1  }
0xa1: {  	s23 =	simm.s32 $0x1B8B  }
0xa2: {  	_ =	swait.ge [sflag:s23], $0x1  }
0xa3: {  	[sflag:s23] =	ssyncset.done $0x0  }
0xa4: {  	s25 =	simm.s32 $0x1B8E;
	s24 =	sld [smem:$0x3FFE];
	[sflag:s23] =	ssyncadd.s32 $0xFFFFFFFF  }
0xa5: {  	s26 =	simm.s32 $execute0_lowered;
	[smem:$0x3FD2] =	sst s25  }
0xa6: {  	s5 =	sshll.u32 s26, $0x1;
	_ =	strace $0x80000046;
	[dreg:$0x1] =	wrdreg $0xFFFFFFFF  }
0xa7: {  	s28 =	simm.s32 $_size_execute0_lowered;
	s3 =	sadd.s32 s3, s5;
	[dreg:$0x0] =	wrdreg $0x0  }
0xa8: {  	s5 =	sshll.u32 s28, $0x1;
	[dreg:$0x2] =	wrdreg s3  }
0xa9: {  	[dreg:$0x3] =	wrdreg s5  }
0xaa: {  	[dreg:$0x4] =	wrdreg $0xC0  }
0xab: {  	_ =	task [dreg:s7], $0x5FFFF  }
0xac: {  	[dreg:$0x1] =	wrdreg $0xFFFFFFFF  }
0xad: {  	[dreg:$0x0] =	wrdreg $0x60  }
0xae: {  	[dreg:$0x2] =	wrdreg s2  }
0xaf: {  	[dreg:$0x3] =	wrdreg s24  }
0xb0: {  	[dreg:$0x4] =	wrdreg $0xE6000  }
0xb1: {  	[dreg:$0x5] =	wrdreg $0x9  }
0xb2: {  	_ =	task.clear_ibuf [dreg:s7], $0x6FFFF;
	_ =	strace $0x90000046  }
0xb3: {  	s29 =	simm.s32 $0x9;
	_ =	strace $0x80000048  }
0xb4: {  	_ =	swait.ge [sflag:s29], $0x1  }
0xb5: {  	[sflag:s29] =	ssyncadd.s32 $0xFFFFFFFF  }
0xb6: {  	_ =	strace $0x90000048  }
0xb7: {  	_ =	sfence  }
0xb8: {  	s30 =	sld [smem:$0x0];
	_ =	sdelay $0x2  }
0xb9: {  	s31 =	sshll.u32 s1, $0xD;
	s1 =	sshrl.u32 s1, $0x2  }
0xba: {  	s3 =	sand.u32 $0x4000, s31;
	s1 =	sadd.s32 s1, s30  }
0xbb: {  	s0 =	sor.u32 s3, s0;
	s1 =	sshll.u32 s1, $0x11  }
0xbc: {  	s0 =	sor.u32 s1, s0  }
0xbd: {  	s0 =	sadd.s32 $0x8F2B, s0  }
0xbe: {  	[sflag:s0] =	ssyncadd.remote.s32 $0x1  }
0xbf: {  	_ =	sfence.sel $0xFFFF  }
0xc0: {  	[dreg:$0x0] =	wrdreg $0xFFFFFFFF;
	(pc) =	sbr.abs _section_cstart, $3  }
0xc1: {  	[dreg:$0x1] =	wrdreg $0xFFFFFFFF  }
0xc2: {  	_ =	task.clear_ibuf [dreg:s7], $0x2FFFF;
	_ =	strace $0x9FFFFFFF  }
0xc3: {  	(tm) =	ssettm $0x7FFFFFFF  }
tec
execute0_lowered:
.L_overlay_start_1:
0x0: {  	(tag) =	ssettag $0x1  }
0x1: {  	s19 =	rddreg [dreg:$0x0]  }
0x2: {  	s1 =	srdreg.scid;
	s29 =	stileid.u32  }
0x3: {  	s0 =	rddreg [dreg:$0x1];
	s3 =	sand.u32 $0x1, s1;
	s2 =	sshll.u32 s29, $0x1  }
0x4: {  	s1 =	rddreg [dreg:$0x2];
	s6 =	sadd.s32 $0x3A00, s0;
	s4 =	sor.u32 s3, s2  }
0x5: {  	s21 =	sadd.s32 $0x800, s0;
	s2 =	simm.s32 $0x0;
	s5 =	smul.u32 $0x18, s4  }
0x6: {  	p0 =	sne.s32 s29, $0x0;
	[smem:$0x7FF] =	sst s2;
	s4 =	smin.u32 s4, $0xE  }
0x7: {  	_ =	strace $0x80000047;
	[dreg:$0x4] =	wrdreg s6;
	s20 =	sadd.s32 s4, s5  }
0x8: {  	s4 =	sshll.u32 s20, $0xB;
	s5 =	sshll.u32 s20, $0x4;
	s18 =	sadd.s32 $0x1, s20  }
0x9: {  	s26 =	sadd.s32 $0x2, s20;
	s11 =	sadd.s32 $0x3, s20;
	s16 =	sadd.s32 $0x4, s20  }
0xa: {  	s4 =	sadd.s32 s19, s4;
	s22 =	sadd.s32 s21, s5;
	s23 =	sshll.u32 s18, $0xB  }
0xb: {  	s25 =	sshll.u32 s18, $0x4;
	s8 =	sshll.u32 s26, $0xB;
	s10 =	sshll.u32 s26, $0x4  }
0xc: {  	s13 =	sshll.u32 s11, $0xB;
	s15 =	sshll.u32 s11, $0x4;
	[dreg:$0x5] =	wrdreg s4  }
0xd: {  	s18 =	sshll.u32 s16, $0xB;
	[dreg:$0x6] =	wrdreg s22;
	s24 =	sand.u32 $0x1FFFF800, s23  }
0xe: {  	s5 =	sand.u32 $0x1FFFFFF0, s25;
	s9 =	sand.u32 $0x1FFFF800, s8;
	s14 =	sand.u32 $0x1FFFF800, s13  }
0xf: {  	s22 =	sand.u32 $0x1FFFF800, s18;
	s23 =	sshll.u32 s16, $0x4;
	s8 =	sadd.s32 $0x6, s20  }
0x10: {  	s13 =	sadd.s32 $0x7, s20;
	s18 =	sadd.s32 $0x8, s20;
	s4 =	sadd.s32 s19, s24  }
0x11: {  	s7 =	sadd.s32 s21, s5;
	s5 =	sand.u32 $0x1FFFFFF0, s10;
	[dreg:$0x7] =	wrdreg s4  }
0x12: {  	s24 =	sadd.s32 $0x5, s20;
	s10 =	sshll.u32 s8, $0xB;
	[dreg:$0x8] =	wrdreg s7  }
0x13: {  	s4 =	sadd.s32 s19, s9;
	s12 =	sadd.s32 s21, s5;
	s5 =	sand.u32 $0x1FFFFFF0, s15  }
0x14: {  	s26 =	sshll.u32 s24, $0xB;
	s7 =	sshll.u32 s24, $0x4;
	[dreg:$0x9] =	wrdreg s4  }
0x15: {  	s11 =	sand.u32 $0x1FFFF800, s10;
	s15 =	sshll.u32 s13, $0xB;
	[dreg:$0xa] =	wrdreg s12  }
0x16: {  	s4 =	sadd.s32 s19, s14;
	s17 =	sadd.s32 s21, s5;
	s5 =	sand.u32 $0x1FFFFFF0, s23  }
0x17: {  	s12 =	sshll.u32 s8, $0x4;
	s16 =	sand.u32 $0x1FFFF800, s15;
	[dreg:$0xb] =	wrdreg s4  }
0x18: {  	s23 =	sshll.u32 s18, $0xB;
	[dreg:$0xc] =	wrdreg s17;
	s4 =	sadd.s32 s19, s22  }
0x19: {  	s25 =	sadd.s32 s21, s5;
	s5 =	sand.u32 $0x1FFFF800, s26;
	s17 =	sshll.u32 s13, $0x4  }
0x1a: {  	s24 =	sand.u32 $0x1FFFF800, s23;
	s26 =	sadd.s32 $0x9, s20;
	[dreg:$0xd] =	wrdreg s4  }
0x1b: {  	[dreg:$0xe] =	wrdreg s25;
	s4 =	sadd.s32 s19, s5;
	s5 =	sand.u32 $0x1FFFFFF0, s7  }
0x1c: {  	s25 =	sshll.u32 s18, $0x4;
	s8 =	sshll.u32 s26, $0xB;
	s10 =	sshll.u32 s26, $0x4  }
0x1d: {  	[dreg:$0xf] =	wrdreg s4;
	s9 =	sadd.s32 s21, s5;
	s4 =	sadd.s32 s19, s11  }
0x1e: {  	s5 =	sand.u32 $0x1FFFFFF0, s12;
	s11 =	sadd.s32 $0xA, s20;
	[dreg:$0x10] =	wrdreg s9  }
0x1f: {  	[dreg:$0x11] =	wrdreg s4;
	s14 =	sadd.s32 s21, s5;
	s5 =	sand.u32 $0x1FFFFFF0, s17  }
0x20: {  	s4 =	sadd.s32 s19, s16;
	s9 =	sand.u32 $0x1FFFF800, s8;
	s13 =	sshll.u32 s11, $0xB  }
0x21: {  	s15 =	sshll.u32 s11, $0x4;
	s16 =	sadd.s32 $0xB, s20;
	[dreg:$0x12] =	wrdreg s14  }
0x22: {  	s8 =	sadd.s32 $0xD, s20;
	[dreg:$0x13] =	wrdreg s4;
	s22 =	sadd.s32 s21, s5  }
0x23: {  	s4 =	sadd.s32 s19, s24;
	s5 =	sand.u32 $0x1FFFFFF0, s25;
	s14 =	sand.u32 $0x1FFFF800, s13  }
0x24: {  	s18 =	sshll.u32 s16, $0xB;
	s23 =	sshll.u32 s16, $0x4;
	[dreg:$0x14] =	wrdreg s22  }
0x25: {  	s24 =	sadd.s32 $0xC, s20;
	s13 =	sadd.s32 $0xE, s20;
	[dreg:$0x15] =	wrdreg s4  }
0x26: {  	s7 =	sadd.s32 s21, s5;
	s4 =	sadd.s32 s19, s9;
	s5 =	sand.u32 $0x1FFFFFF0, s10  }
0x27: {  	s22 =	sand.u32 $0x1FFFF800, s18;
	s26 =	sshll.u32 s24, $0xB;
	[dreg:$0x16] =	wrdreg s7  }
0x28: {  	s10 =	sshll.u32 s8, $0xB;
	s18 =	sadd.s32 $0xF, s20;
	[dreg:$0x17] =	wrdreg s4  }
0x29: {  	s12 =	sadd.s32 s21, s5;
	s4 =	sadd.s32 s19, s14;
	s5 =	sand.u32 $0x1FFFFFF0, s15  }
0x2a: {  	s7 =	sshll.u32 s24, $0x4;
	s11 =	sand.u32 $0x1FFFF800, s10;
	[dreg:$0x18] =	wrdreg s12  }
0x2b: {  	s15 =	sshll.u32 s13, $0xB;
	[dreg:$0x19] =	wrdreg s4;
	s17 =	sadd.s32 s21, s5  }
0x2c: {  	s4 =	sadd.s32 s19, s22;
	s5 =	sand.u32 $0x1FFFFFF0, s23;
	s12 =	sshll.u32 s8, $0x4  }
0x2d: {  	s16 =	sand.u32 $0x1FFFF800, s15;
	s23 =	sshll.u32 s18, $0xB;
	[dreg:$0x1a] =	wrdreg s17  }
0x2e: {  	[dreg:$0x1b] =	wrdreg s4;
	s25 =	sadd.s32 s21, s5;
	s5 =	sand.u32 $0x1FFFF800, s26  }
0x2f: {  	s17 =	sshll.u32 s13, $0x4;
	s24 =	sand.u32 $0x1FFFF800, s23;
	s26 =	sadd.s32 $0x10, s20  }
0x30: {  	[dreg:$0x1c] =	wrdreg s25;
	s4 =	sadd.s32 s19, s5;
	s5 =	sand.u32 $0x1FFFFFF0, s7  }
0x31: {  	s25 =	sshll.u32 s18, $0x4;
	s8 =	sshll.u32 s26, $0xB;
	s10 =	sshll.u32 s26, $0x4  }
0x32: {  	[dreg:$0x1d] =	wrdreg s4;
	s9 =	sadd.s32 s21, s5;
	s4 =	sadd.s32 s19, s11  }
0x33: {  	s5 =	sand.u32 $0x1FFFFFF0, s12;
	s11 =	sadd.s32 $0x11, s20;
	[dreg:$0x1e] =	wrdreg s9  }
0x34: {  	[dreg:$0x1f] =	wrdreg s4;
	s14 =	sadd.s32 s21, s5;
	s5 =	sand.u32 $0x1FFFFFF0, s17  }
0x35: {  	s4 =	sadd.s32 s19, s16;
	s9 =	sand.u32 $0x1FFFF800, s8;
	s13 =	sshll.u32 s11, $0xB  }
0x36: {  	s15 =	sshll.u32 s11, $0x4;
	s16 =	sadd.s32 $0x12, s20;
	[smem:$0x7EC] =	sst s14  }
0x37: {  	[smem:$0x7ED] =	sst s4;
	s22 =	sadd.s32 s21, s5;
	s5 =	sand.u32 $0x1FFFFFF0, s25  }
0x38: {  	s4 =	sadd.s32 s19, s24;
	s14 =	sand.u32 $0x1FFFF800, s13;
	s18 =	sshll.u32 s16, $0xB  }
0x39: {  	s23 =	sshll.u32 s16, $0x4;
	s24 =	sadd.s32 $0x13, s20;
	[smem:$0x7EE] =	sst s22  }
0x3a: {  	[smem:$0x7EF] =	sst s4;
	s7 =	sadd.s32 s21, s5;
	s5 =	sand.u32 $0x1FFFFFF0, s10  }
0x3b: {  	s4 =	sadd.s32 s19, s9;
	s22 =	sand.u32 $0x1FFFF800, s18;
	[smem:$0x7F0] =	sst s7  }
0x3c: {  	s26 =	sshll.u32 s24, $0xB;
	[smem:$0x7F1] =	sst s4;
	s12 =	sadd.s32 s21, s5  }
0x3d: {  	s6 =	sshll.u32 s24, $0x4;
	s4 =	sadd.s32 s19, s14;
	[smem:$0x7F2] =	sst s12  }
0x3e: {  	s5 =	sand.u32 $0x1FFFFFF0, s15;
	s7 =	sadd.s32 $0x14, s20;
	[smem:$0x7F3] =	sst s4  }
0x3f: {  	s17 =	sadd.s32 s21, s5;
	s4 =	sadd.s32 s19, s22;
	s5 =	sand.u32 $0x1FFFFFF0, s23  }
0x40: {  	s9 =	sshll.u32 s7, $0xB;
	s11 =	sshll.u32 s7, $0x4;
	[smem:$0x7F4] =	sst s17  }
0x41: {  	s12 =	sadd.s32 $0x15, s20;
	[smem:$0x7F5] =	sst s4;
	s25 =	sadd.s32 s21, s5  }
0x42: {  	s5 =	sand.u32 $0x1FFFF800, s26;
	s10 =	sand.u32 $0x1FFFF800, s9;
	[smem:$0x7F6] =	sst s25  }
0x43: {  	s4 =	sadd.s32 s19, s5;
	s5 =	sand.u32 $0x1FFFFFF0, s6;
	s6 =	rddreg [dreg:$0x4]  }
0x44: {  	s14 =	sshll.u32 s12, $0xB;
	[smem:$0x7F7] =	sst s4;
	s8 =	sadd.s32 s21, s5  }
0x45: {  	s15 =	sand.u32 $0x1FFFF800, s14;
	s4 =	sadd.s32 s19, s10;
	[smem:$0x7F8] =	sst s8  }
0x46: {  	s16 =	sshll.u32 s12, $0x4;
	s5 =	sand.u32 $0x1FFFFFF0, s11;
	[smem:$0x7F9] =	sst s4  }
0x47: {  	s13 =	sadd.s32 s21, s5;
	s5 =	sand.u32 $0x1FFFFFF0, s16;
	s16 =	sadd.s32 $0x16, s20  }
0x48: {  	s4 =	sadd.s32 s19, s15;
	[smem:$0x7FA] =	sst s13;
	s18 =	sshll.u32 s16, $0xB  }
0x49: {  	[smem:$0x7FB] =	sst s4;
	s17 =	sadd.s32 s21, s5;
	s22 =	sand.u32 $0x1FFFF800, s18  }
0x4a: {  	s7 =	simm.s32 @!p0 $0x0;
	[smem:$0x7FC] =	sst s17;
	s4 =	sadd.s32 s19, s22  }
0x4b: {  	s5 =	simm.s32 @!p0 $0x4;
	[smem:$0x7FD] =	sst s4;
	s4 =	simm.s32 @!p0 $0xC200  }
0x4c: {  	[tilespmem:s4], [sflag:$0x4] =	stream.linear.gather @!p0 [hbm4b:s6+s7], $0x2400, $0x38;
	[tilespmem:$0xE840] =	vst v63  }
0x4d: {  	_ =	swait.ge @!p0 [sflag:s5], $0x2400  }
0x4e: {  	[sflag:s5] =	ssyncset.done @!p0 $0x0  }
0x4f: {  	[sflag:s5] =	ssyncadd.s32 @!p0 $0xFFFFDC00  }
0x50: {  	[spmem:s1] =	stream.linear.scatter @!p0 [tilespmem:s4], [sflag:$0x4], $0x2400, $0x38;
	[tilespmem:$0xE840] =	vst v63  }
0x51: {  	_ =	swait.ge @!p0 [sflag:s5], $0x2400  }
0x52: {  	[sflag:s5] =	ssyncset.done @!p0 $0x0  }
0x53: {  	[sflag:s5] =	ssyncadd.s32 @!p0 $0xFFFFDC00  }
0x54: {  	[bflag:$0x0] =	sbarrier.arrive $0xFFFF  }
0x55: {  	s23 =	rddreg [dreg:$0x5]  }
0x56: {  	[tilespmem:s2], [sflag:$0x1] =	stream.linear.gather [hbm4b:s23+s2], $0x4000, $0x38;
	[tilespmem:$0xE840] =	vst v63  }
0x57: {  	s6 =	simm.s32 $0xC000;
	s24 =	rddreg [dreg:$0x6]  }
0x58: {  	[tilespmem:s6], [sflag:$0x1] =	stream.linear.gather [hbm4b:s24+s2], $0x80, $0x38;
	[tilespmem:$0xE840] =	vst v63  }
0x59: {  	s7 =	simm.s32 $0x4000;
	s8 =	rddreg [dreg:$0x7]  }
0x5a: {  	[tilespmem:s7], [sflag:$0x2] =	stream.linear.gather [hbm4b:s8+s2], $0x4000, $0x38;
	[tilespmem:$0xE840] =	vst v63  }
0x5b: {  	s9 =	rddreg [dreg:$0x8];
	s8 =	simm.s32 $0xC080  }
0x5c: {  	[tilespmem:s8], [sflag:$0x2] =	stream.linear.gather [hbm4b:s9+s2], $0x80, $0x38;
	[tilespmem:$0xE840] =	vst v63  }
0x5d: {  	s10 =	rddreg [dreg:$0x9];
	s9 =	simm.s32 $0x8000  }
0x5e: {  	[tilespmem:s9], [sflag:$0x3] =	stream.linear.gather [hbm4b:s10+s2], $0x4000, $0x38;
	[tilespmem:$0xE840] =	vst v63  }
0x5f: {  	s11 =	simm.s32 $0x1;
	s12 =	rddreg [dreg:$0xa];
	s10 =	simm.s32 $0xC100  }
0x60: {  	[tilespmem:s10], [sflag:$0x3] =	stream.linear.gather [hbm4b:s12+s2], $0x80, $0x38;
	[tilespmem:$0xE840] =	vst v63  }
0x61: {  	_ =	swait.ge [sflag:s11], $0x4000  }
0x62: {  	[sflag:s11] =	ssyncset.done $0x0  }
0x63: {  	[sflag:s11] =	ssyncadd.s32 $0xFFFFC000  }
0x64: {  	_ =	swait.ge [sflag:s11], $0x80  }
0x65: {  	[sflag:s11] =	ssyncset.done $0x0  }
0x66: {  	s13 =	simm.s32 $0x4;
	s12 =	simm.s32 $0x80;
	[sflag:s11] =	ssyncadd.s32 $0xFFFFFF80  }
0x67: {  	[spmem:s1] =	stream.indirect.scatter.add.f32 [tilespmem:s2], [sflag:$0x4], $0x80, s6, s12, $0xb8;
	[tilespmem:$0xE840] =	vst v63  }
0x68: {  	_ =	swait.ge [sflag:s13], $0x4000  }
0x69: {  	[sflag:s13] =	ssyncset.done $0x0  }
0x6a: {  	s14 =	rddreg [dreg:$0xb];
	[sflag:s13] =	ssyncadd.s32 $0xFFFFC000  }
0x6b: {  	[tilespmem:s2], [sflag:$0x1] =	stream.linear.gather [hbm4b:s14+s2], $0x4000, $0x38;
	[tilespmem:$0xE840] =	vst v63  }
0x6c: {  	s15 =	rddreg [dreg:$0xc];
	s14 =	simm.s32 $0x2  }
0x6d: {  	[tilespmem:s6], [sflag:$0x1] =	stream.linear.gather [hbm4b:s15+s2], $0x80, $0x38;
	[tilespmem:$0xE840] =	vst v63  }
0x6e: {  	_ =	swait.ge [sflag:s14], $0x4000  }
0x6f: {  	[sflag:s14] =	ssyncset.done $0x0  }
0x70: {  	[sflag:s14] =	ssyncadd.s32 $0xFFFFC000  }
0x71: {  	_ =	swait.ge [sflag:s14], $0x80  }
0x72: {  	[sflag:s14] =	ssyncset.done $0x0  }
0x73: {  	[sflag:s14] =	ssyncadd.s32 $0xFFFFFF80  }
0x74: {  	[spmem:s1] =	stream.indirect.scatter.add.f32 [tilespmem:s7], [sflag:$0x4], $0x80, s8, s12, $0xb8;
	[tilespmem:$0xE840] =	vst v63  }
0x75: {  	_ =	swait.ge [sflag:s13], $0x4000  }
0x76: {  	[sflag:s13] =	ssyncset.done $0x0  }
0x77: {  	s25 =	rddreg [dreg:$0xd];
	[sflag:s13] =	ssyncadd.s32 $0xFFFFC000  }
0x78: {  	[tilespmem:s7], [sflag:$0x2] =	stream.linear.gather [hbm4b:s25+s2], $0x4000, $0x38;
	[tilespmem:$0xE840] =	vst v63  }
0x79: {  	s15 =	simm.s32 $0x3;
	s17 =	rddreg [dreg:$0xe]  }
0x7a: {  	[tilespmem:s8], [sflag:$0x2] =	stream.linear.gather [hbm4b:s17+s2], $0x80, $0x38;
	[tilespmem:$0xE840] =	vst v63  }
0x7b: {  	_ =	swait.ge [sflag:s15], $0x4000  }
0x7c: {  	[sflag:s15] =	ssyncset.done $0x0  }
0x7d: {  	[sflag:s15] =	ssyncadd.s32 $0xFFFFC000  }
0x7e: {  	_ =	swait.ge [sflag:s15], $0x80  }
0x7f: {  	[sflag:s15] =	ssyncset.done $0x0  }
0x80: {  	[sflag:s15] =	ssyncadd.s32 $0xFFFFFF80  }
0x81: {  	[spmem:s1] =	stream.indirect.scatter.add.f32 [tilespmem:s9], [sflag:$0x4], $0x80, s10, s12, $0xb8;
	[tilespmem:$0xE840] =	vst v63  }
0x82: {  	_ =	swait.ge [sflag:s13], $0x4000  }
0x83: {  	[sflag:s13] =	ssyncset.done $0x0  }
0x84: {  	s26 =	rddreg [dreg:$0xf];
	[sflag:s13] =	ssyncadd.s32 $0xFFFFC000  }
0x85: {  	[tilespmem:s9], [sflag:$0x3] =	stream.linear.gather [hbm4b:s26+s2], $0x4000, $0x38;
	[tilespmem:$0xE840] =	vst v63  }
0x86: {  	s18 =	rddreg [dreg:$0x10]  }
0x87: {  	[tilespmem:s10], [sflag:$0x3] =	stream.linear.gather [hbm4b:s18+s2], $0x80, $0x38;
	[tilespmem:$0xE840] =	vst v63  }
0x88: {  	_ =	swait.ge [sflag:s11], $0x4000  }
0x89: {  	[sflag:s11] =	ssyncset.done $0x0  }
0x8a: {  	[sflag:s11] =	ssyncadd.s32 $0xFFFFC000  }
0x8b: {  	_ =	swait.ge [sflag:s11], $0x80  }
0x8c: {  	[sflag:s11] =	ssyncset.done $0x0  }
0x8d: {  	[sflag:s11] =	ssyncadd.s32 $0xFFFFFF80  }
0x8e: {  	[spmem:s1] =	stream.indirect.scatter.add.f32 [tilespmem:s2], [sflag:$0x4], $0x80, s6, s12, $0xb8;
	[tilespmem:$0xE840] =	vst v63  }
0x8f: {  	_ =	swait.ge [sflag:s13], $0x4000  }
0x90: {  	[sflag:s13] =	ssyncset.done $0x0  }
0x91: {  	s18 =	rddreg [dreg:$0x11];
	[sflag:s13] =	ssyncadd.s32 $0xFFFFC000  }
0x92: {  	[tilespmem:s2], [sflag:$0x1] =	stream.linear.gather [hbm4b:s18+s2], $0x4000, $0x38;
	[tilespmem:$0xE840] =	vst v63  }
0x93: {  	s22 =	rddreg [dreg:$0x12]  }
0x94: {  	[tilespmem:s6], [sflag:$0x1] =	stream.linear.gather [hbm4b:s22+s2], $0x80, $0x38;
	[tilespmem:$0xE840] =	vst v63  }
0x95: {  	_ =	swait.ge [sflag:s14], $0x4000  }
0x96: {  	[sflag:s14] =	ssyncset.done $0x0  }
0x97: {  	[sflag:s14] =	ssyncadd.s32 $0xFFFFC000  }
0x98: {  	_ =	swait.ge [sflag:s14], $0x80  }
0x99: {  	[sflag:s14] =	ssyncset.done $0x0  }
0x9a: {  	[sflag:s14] =	ssyncadd.s32 $0xFFFFFF80  }
0x9b: {  	[spmem:s1] =	stream.indirect.scatter.add.f32 [tilespmem:s7], [sflag:$0x4], $0x80, s8, s12, $0xb8;
	[tilespmem:$0xE840] =	vst v63  }
0x9c: {  	_ =	swait.ge [sflag:s13], $0x4000  }
0x9d: {  	[sflag:s13] =	ssyncset.done $0x0  }
0x9e: {  	s23 =	rddreg [dreg:$0x13];
	[sflag:s13] =	ssyncadd.s32 $0xFFFFC000  }
0x9f: {  	[tilespmem:s7], [sflag:$0x2] =	stream.linear.gather [hbm4b:s23+s2], $0x4000, $0x38;
	[tilespmem:$0xE840] =	vst v63  }
0xa0: {  	s24 =	rddreg [dreg:$0x14]  }
0xa1: {  	[tilespmem:s8], [sflag:$0x2] =	stream.linear.gather [hbm4b:s24+s2], $0x80, $0x38;
	[tilespmem:$0xE840] =	vst v63  }
0xa2: {  	_ =	swait.ge [sflag:s15], $0x4000  }
0xa3: {  	[sflag:s15] =	ssyncset.done $0x0  }
0xa4: {  	[sflag:s15] =	ssyncadd.s32 $0xFFFFC000  }
0xa5: {  	_ =	swait.ge [sflag:s15], $0x80  }
0xa6: {  	[sflag:s15] =	ssyncset.done $0x0  }
0xa7: {  	[sflag:s15] =	ssyncadd.s32 $0xFFFFFF80  }
0xa8: {  	[spmem:s1] =	stream.indirect.scatter.add.f32 [tilespmem:s9], [sflag:$0x4], $0x80, s10, s12, $0xb8;
	[tilespmem:$0xE840] =	vst v63  }
0xa9: {  	_ =	swait.ge [sflag:s13], $0x4000  }
0xaa: {  	[sflag:s13] =	ssyncset.done $0x0  }
0xab: {  	s25 =	rddreg [dreg:$0x15];
	[sflag:s13] =	ssyncadd.s32 $0xFFFFC000  }
0xac: {  	[tilespmem:s9], [sflag:$0x3] =	stream.linear.gather [hbm4b:s25+s2], $0x4000, $0x38;
	[tilespmem:$0xE840] =	vst v63  }
0xad: {  	s26 =	rddreg [dreg:$0x16]  }
0xae: {  	[tilespmem:s10], [sflag:$0x3] =	stream.linear.gather [hbm4b:s26+s2], $0x80, $0x38;
	[tilespmem:$0xE840] =	vst v63  }
0xaf: {  	_ =	swait.ge [sflag:s11], $0x4000  }
0xb0: {  	[sflag:s11] =	ssyncset.done $0x0  }
0xb1: {  	[sflag:s11] =	ssyncadd.s32 $0xFFFFC000  }
0xb2: {  	_ =	swait.ge [sflag:s11], $0x80  }
0xb3: {  	[sflag:s11] =	ssyncset.done $0x0  }
0xb4: {  	[sflag:s11] =	ssyncadd.s32 $0xFFFFFF80  }
0xb5: {  	[spmem:s1] =	stream.indirect.scatter.add.f32 [tilespmem:s2], [sflag:$0x4], $0x80, s6, s12, $0xb8;
	[tilespmem:$0xE840] =	vst v63  }
0xb6: {  	_ =	swait.ge [sflag:s13], $0x4000  }
0xb7: {  	[sflag:s13] =	ssyncset.done $0x0  }
0xb8: {  	s18 =	rddreg [dreg:$0x17];
	[sflag:s13] =	ssyncadd.s32 $0xFFFFC000  }
0xb9: {  	[tilespmem:s2], [sflag:$0x1] =	stream.linear.gather [hbm4b:s18+s2], $0x4000, $0x38;
	[tilespmem:$0xE840] =	vst v63  }
0xba: {  	s22 =	rddreg [dreg:$0x18]  }
0xbb: {  	[tilespmem:s6], [sflag:$0x1] =	stream.linear.gather [hbm4b:s22+s2], $0x80, $0x38;
	[tilespmem:$0xE840] =	vst v63  }
0xbc: {  	_ =	swait.ge [sflag:s14], $0x4000  }
0xbd: {  	[sflag:s14] =	ssyncset.done $0x0  }
0xbe: {  	[sflag:s14] =	ssyncadd.s32 $0xFFFFC000  }
0xbf: {  	_ =	swait.ge [sflag:s14], $0x80  }
0xc0: {  	[sflag:s14] =	ssyncset.done $0x0  }
0xc1: {  	[sflag:s14] =	ssyncadd.s32 $0xFFFFFF80  }
0xc2: {  	[spmem:s1] =	stream.indirect.scatter.add.f32 [tilespmem:s7], [sflag:$0x4], $0x80, s8, s12, $0xb8;
	[tilespmem:$0xE840] =	vst v63  }
0xc3: {  	_ =	swait.ge [sflag:s13], $0x4000  }
0xc4: {  	[sflag:s13] =	ssyncset.done $0x0  }
0xc5: {  	s23 =	rddreg [dreg:$0x19];
	[sflag:s13] =	ssyncadd.s32 $0xFFFFC000  }
0xc6: {  	[tilespmem:s7], [sflag:$0x2] =	stream.linear.gather [hbm4b:s23+s2], $0x4000, $0x38;
	[tilespmem:$0xE840] =	vst v63  }
0xc7: {  	s24 =	rddreg [dreg:$0x1a]  }
0xc8: {  	[tilespmem:s8], [sflag:$0x2] =	stream.linear.gather [hbm4b:s24+s2], $0x80, $0x38;
	[tilespmem:$0xE840] =	vst v63  }
0xc9: {  	_ =	swait.ge [sflag:s15], $0x4000  }
0xca: {  	[sflag:s15] =	ssyncset.done $0x0  }
0xcb: {  	[sflag:s15] =	ssyncadd.s32 $0xFFFFC000  }
0xcc: {  	_ =	swait.ge [sflag:s15], $0x80  }
0xcd: {  	[sflag:s15] =	ssyncset.done $0x0  }
0xce: {  	[sflag:s15] =	ssyncadd.s32 $0xFFFFFF80  }
0xcf: {  	[spmem:s1] =	stream.indirect.scatter.add.f32 [tilespmem:s9], [sflag:$0x4], $0x80, s10, s12, $0xb8;
	[tilespmem:$0xE840] =	vst v63  }
0xd0: {  	_ =	swait.ge [sflag:s13], $0x4000  }
0xd1: {  	[sflag:s13] =	ssyncset.done $0x0  }
0xd2: {  	s25 =	rddreg [dreg:$0x1b];
	[sflag:s13] =	ssyncadd.s32 $0xFFFFC000  }
0xd3: {  	[tilespmem:s9], [sflag:$0x3] =	stream.linear.gather [hbm4b:s25+s2], $0x4000, $0x38;
	[tilespmem:$0xE840] =	vst v63  }
0xd4: {  	s26 =	rddreg [dreg:$0x1c]  }
0xd5: {  	[tilespmem:s10], [sflag:$0x3] =	stream.linear.gather [hbm4b:s26+s2], $0x80, $0x38;
	[tilespmem:$0xE840] =	vst v63  }
0xd6: {  	_ =	swait.ge [sflag:s11], $0x4000  }
0xd7: {  	[sflag:s11] =	ssyncset.done $0x0  }
0xd8: {  	[sflag:s11] =	ssyncadd.s32 $0xFFFFC000  }
0xd9: {  	_ =	swait.ge [sflag:s11], $0x80  }
0xda: {  	[sflag:s11] =	ssyncset.done $0x0  }
0xdb: {  	[sflag:s11] =	ssyncadd.s32 $0xFFFFFF80  }
0xdc: {  	[spmem:s1] =	stream.indirect.scatter.add.f32 [tilespmem:s2], [sflag:$0x4], $0x80, s6, s12, $0xb8;
	[tilespmem:$0xE840] =	vst v63  }
0xdd: {  	_ =	swait.ge [sflag:s13], $0x4000  }
0xde: {  	[sflag:s13] =	ssyncset.done $0x0  }
0xdf: {  	s18 =	rddreg [dreg:$0x1d];
	[sflag:s13] =	ssyncadd.s32 $0xFFFFC000  }
0xe0: {  	[tilespmem:s2], [sflag:$0x1] =	stream.linear.gather [hbm4b:s18+s2], $0x4000, $0x38;
	[tilespmem:$0xE840] =	vst v63  }
0xe1: {  	s22 =	rddreg [dreg:$0x1e]  }
0xe2: {  	[tilespmem:s6], [sflag:$0x1] =	stream.linear.gather [hbm4b:s22+s2], $0x80, $0x38;
	[tilespmem:$0xE840] =	vst v63  }
0xe3: {  	_ =	swait.ge [sflag:s14], $0x4000  }
0xe4: {  	[sflag:s14] =	ssyncset.done $0x0  }
0xe5: {  	[sflag:s14] =	ssyncadd.s32 $0xFFFFC000  }
0xe6: {  	_ =	swait.ge [sflag:s14], $0x80  }
0xe7: {  	[sflag:s14] =	ssyncset.done $0x0  }
0xe8: {  	[sflag:s14] =	ssyncadd.s32 $0xFFFFFF80  }
0xe9: {  	[spmem:s1] =	stream.indirect.scatter.add.f32 [tilespmem:s7], [sflag:$0x4], $0x80, s8, s12, $0xb8;
	[tilespmem:$0xE840] =	vst v63  }
0xea: {  	_ =	swait.ge [sflag:s13], $0x4000  }
0xeb: {  	s23 =	rddreg [dreg:$0x1f];
	[sflag:s13] =	ssyncset.done $0x0  }
0xec: {  	s24 =	sld [smem:$0x7EC];
	[sflag:s13] =	ssyncadd.s32 $0xFFFFC000  }
0xed: {  	[tilespmem:s7], [sflag:$0x2] =	stream.linear.gather [hbm4b:s23+s2], $0x4000, $0x38;
	[tilespmem:$0xE840] =	vst v63  }
0xee: {  	_ = 	snop  }
0xef: {  	[tilespmem:s8], [sflag:$0x2] =	stream.linear.gather [hbm4b:s24+s2], $0x80, $0x38;
	[tilespmem:$0xE840] =	vst v63  }
0xf0: {  	_ =	swait.ge [sflag:s15], $0x4000  }
0xf1: {  	[sflag:s15] =	ssyncset.done $0x0  }
0xf2: {  	[sflag:s15] =	ssyncadd.s32 $0xFFFFC000  }
0xf3: {  	_ =	swait.ge [sflag:s15], $0x80  }
0xf4: {  	[sflag:s15] =	ssyncset.done $0x0  }
0xf5: {  	[sflag:s15] =	ssyncadd.s32 $0xFFFFFF80  }
0xf6: {  	[spmem:s1] =	stream.indirect.scatter.add.f32 [tilespmem:s9], [sflag:$0x4], $0x80, s10, s12, $0xb8;
	[tilespmem:$0xE840] =	vst v63  }
0xf7: {  	_ =	swait.ge [sflag:s13], $0x4000  }
0xf8: {  	s25 =	sld [smem:$0x7ED]  }
0xf9: {  	[sflag:s13] =	ssyncset.done $0x0  }
0xfa: {  	s26 =	sld [smem:$0x7EE];
	[sflag:s13] =	ssyncadd.s32 $0xFFFFC000  }
0xfb: {  	[tilespmem:s9], [sflag:$0x3] =	stream.linear.gather [hbm4b:s25+s2], $0x4000, $0x38;
	[tilespmem:$0xE840] =	vst v63  }
0xfc: {  	_ = 	snop  }
0xfd: {  	[tilespmem:s10], [sflag:$0x3] =	stream.linear.gather [hbm4b:s26+s2], $0x80, $0x38;
	[tilespmem:$0xE840] =	vst v63  }
0xfe: {  	_ =	swait.ge [sflag:s11], $0x4000  }
0xff: {  	[sflag:s11] =	ssyncset.done $0x0  }
0x100: {  	[sflag:s11] =	ssyncadd.s32 $0xFFFFC000  }
0x101: {  	_ =	swait.ge [sflag:s11], $0x80  }
0x102: {  	[sflag:s11] =	ssyncset.done $0x0  }
0x103: {  	[sflag:s11] =	ssyncadd.s32 $0xFFFFFF80  }
0x104: {  	[spmem:s1] =	stream.indirect.scatter.add.f32 [tilespmem:s2], [sflag:$0x4], $0x80, s6, s12, $0xb8;
	[tilespmem:$0xE840] =	vst v63  }
0x105: {  	_ =	swait.ge [sflag:s13], $0x4000  }
0x106: {  	s18 =	sld [smem:$0x7EF]  }
0x107: {  	[sflag:s13] =	ssyncset.done $0x0  }
0x108: {  	s22 =	sld [smem:$0x7F0];
	[sflag:s13] =	ssyncadd.s32 $0xFFFFC000  }
0x109: {  	[tilespmem:s2], [sflag:$0x1] =	stream.linear.gather [hbm4b:s18+s2], $0x4000, $0x38;
	[tilespmem:$0xE840] =	vst v63  }
0x10a: {  	_ = 	snop  }
0x10b: {  	[tilespmem:s6], [sflag:$0x1] =	stream.linear.gather [hbm4b:s22+s2], $0x80, $0x38;
	[tilespmem:$0xE840] =	vst v63  }
0x10c: {  	_ =	swait.ge [sflag:s14], $0x4000  }
0x10d: {  	[sflag:s14] =	ssyncset.done $0x0  }
0x10e: {  	[sflag:s14] =	ssyncadd.s32 $0xFFFFC000  }
0x10f: {  	_ =	swait.ge [sflag:s14], $0x80  }
0x110: {  	[sflag:s14] =	ssyncset.done $0x0  }
0x111: {  	[sflag:s14] =	ssyncadd.s32 $0xFFFFFF80  }
0x112: {  	[spmem:s1] =	stream.indirect.scatter.add.f32 [tilespmem:s7], [sflag:$0x4], $0x80, s8, s12, $0xb8;
	[tilespmem:$0xE840] =	vst v63  }
0x113: {  	_ =	swait.ge [sflag:s13], $0x4000  }
0x114: {  	s23 =	sld [smem:$0x7F1]  }
0x115: {  	[sflag:s13] =	ssyncset.done $0x0  }
0x116: {  	s24 =	sld [smem:$0x7F2];
	[sflag:s13] =	ssyncadd.s32 $0xFFFFC000  }
0x117: {  	[tilespmem:s7], [sflag:$0x2] =	stream.linear.gather [hbm4b:s23+s2], $0x4000, $0x38;
	[tilespmem:$0xE840] =	vst v63  }
0x118: {  	_ = 	snop  }
0x119: {  	[tilespmem:s8], [sflag:$0x2] =	stream.linear.gather [hbm4b:s24+s2], $0x80, $0x38;
	[tilespmem:$0xE840] =	vst v63  }
0x11a: {  	_ =	swait.ge [sflag:s15], $0x4000  }
0x11b: {  	[sflag:s15] =	ssyncset.done $0x0  }
0x11c: {  	[sflag:s15] =	ssyncadd.s32 $0xFFFFC000  }
0x11d: {  	_ =	swait.ge [sflag:s15], $0x80  }
0x11e: {  	[sflag:s15] =	ssyncset.done $0x0  }
0x11f: {  	[sflag:s15] =	ssyncadd.s32 $0xFFFFFF80  }
0x120: {  	[spmem:s1] =	stream.indirect.scatter.add.f32 [tilespmem:s9], [sflag:$0x4], $0x80, s10, s12, $0xb8;
	[tilespmem:$0xE840] =	vst v63  }
0x121: {  	_ =	swait.ge [sflag:s13], $0x4000  }
0x122: {  	s25 =	sld [smem:$0x7F3]  }
0x123: {  	[sflag:s13] =	ssyncset.done $0x0  }
0x124: {  	s26 =	sld [smem:$0x7F4];
	[sflag:s13] =	ssyncadd.s32 $0xFFFFC000  }
0x125: {  	[tilespmem:s9], [sflag:$0x3] =	stream.linear.gather [hbm4b:s25+s2], $0x4000, $0x38;
	[tilespmem:$0xE840] =	vst v63  }
0x126: {  	_ = 	snop  }
0x127: {  	[tilespmem:s10], [sflag:$0x3] =	stream.linear.gather [hbm4b:s26+s2], $0x80, $0x38;
	[tilespmem:$0xE840] =	vst v63  }
0x128: {  	_ =	swait.ge [sflag:s11], $0x4000  }
0x129: {  	[sflag:s11] =	ssyncset.done $0x0  }
0x12a: {  	[sflag:s11] =	ssyncadd.s32 $0xFFFFC000  }
0x12b: {  	_ =	swait.ge [sflag:s11], $0x80  }
0x12c: {  	[sflag:s11] =	ssyncset.done $0x0  }
0x12d: {  	[sflag:s11] =	ssyncadd.s32 $0xFFFFFF80  }
0x12e: {  	[spmem:s1] =	stream.indirect.scatter.add.f32 [tilespmem:s2], [sflag:$0x4], $0x80, s6, s12, $0xb8;
	[tilespmem:$0xE840] =	vst v63  }
0x12f: {  	_ =	swait.ge [sflag:s13], $0x4000  }
0x130: {  	s18 =	sld [smem:$0x7F5]  }
0x131: {  	[sflag:s13] =	ssyncset.done $0x0  }
0x132: {  	s22 =	sld [smem:$0x7F6];
	[sflag:s13] =	ssyncadd.s32 $0xFFFFC000  }
0x133: {  	[tilespmem:s2], [sflag:$0x1] =	stream.linear.gather [hbm4b:s18+s2], $0x4000, $0x38;
	[tilespmem:$0xE840] =	vst v63  }
0x134: {  	_ = 	snop  }
0x135: {  	[tilespmem:s6], [sflag:$0x1] =	stream.linear.gather [hbm4b:s22+s2], $0x80, $0x38;
	[tilespmem:$0xE840] =	vst v63  }
0x136: {  	_ =	swait.ge [sflag:s14], $0x4000  }
0x137: {  	[sflag:s14] =	ssyncset.done $0x0  }
0x138: {  	[sflag:s14] =	ssyncadd.s32 $0xFFFFC000  }
0x139: {  	_ =	swait.ge [sflag:s14], $0x80  }
0x13a: {  	[sflag:s14] =	ssyncset.done $0x0  }
0x13b: {  	[sflag:s14] =	ssyncadd.s32 $0xFFFFFF80  }
0x13c: {  	[spmem:s1] =	stream.indirect.scatter.add.f32 [tilespmem:s7], [sflag:$0x4], $0x80, s8, s12, $0xb8;
	[tilespmem:$0xE840] =	vst v63  }
0x13d: {  	_ =	swait.ge [sflag:s13], $0x4000  }
0x13e: {  	s23 =	sld [smem:$0x7F7]  }
0x13f: {  	[sflag:s13] =	ssyncset.done $0x0  }
0x140: {  	s24 =	sld [smem:$0x7F8];
	[sflag:s13] =	ssyncadd.s32 $0xFFFFC000  }
0x141: {  	[tilespmem:s7], [sflag:$0x2] =	stream.linear.gather [hbm4b:s23+s2], $0x4000, $0x38;
	[tilespmem:$0xE840] =	vst v63  }
0x142: {  	_ = 	snop  }
0x143: {  	[tilespmem:s8], [sflag:$0x2] =	stream.linear.gather [hbm4b:s24+s2], $0x80, $0x38;
	[tilespmem:$0xE840] =	vst v63  }
0x144: {  	_ =	swait.ge [sflag:s15], $0x4000  }
0x145: {  	[sflag:s15] =	ssyncset.done $0x0  }
0x146: {  	[sflag:s15] =	ssyncadd.s32 $0xFFFFC000  }
0x147: {  	_ =	swait.ge [sflag:s15], $0x80  }
0x148: {  	[sflag:s15] =	ssyncset.done $0x0  }
0x149: {  	[sflag:s15] =	ssyncadd.s32 $0xFFFFFF80  }
0x14a: {  	[spmem:s1] =	stream.indirect.scatter.add.f32 [tilespmem:s9], [sflag:$0x4], $0x80, s10, s12, $0xb8;
	[tilespmem:$0xE840] =	vst v63  }
0x14b: {  	_ =	swait.ge [sflag:s13], $0x4000  }
0x14c: {  	s25 =	sld [smem:$0x7F9]  }
0x14d: {  	[sflag:s13] =	ssyncset.done $0x0  }
0x14e: {  	s26 =	sld [smem:$0x7FA];
	[sflag:s13] =	ssyncadd.s32 $0xFFFFC000  }
0x14f: {  	[tilespmem:s9], [sflag:$0x3] =	stream.linear.gather [hbm4b:s25+s2], $0x4000, $0x38;
	[tilespmem:$0xE840] =	vst v63  }
0x150: {  	_ = 	snop  }
0x151: {  	[tilespmem:s10], [sflag:$0x3] =	stream.linear.gather [hbm4b:s26+s2], $0x80, $0x38;
	[tilespmem:$0xE840] =	vst v63  }
0x152: {  	_ =	swait.ge [sflag:s11], $0x4000  }
0x153: {  	[sflag:s11] =	ssyncset.done $0x0  }
0x154: {  	[sflag:s11] =	ssyncadd.s32 $0xFFFFC000  }
0x155: {  	_ =	swait.ge [sflag:s11], $0x80  }
0x156: {  	[sflag:s11] =	ssyncset.done $0x0  }
0x157: {  	[sflag:s11] =	ssyncadd.s32 $0xFFFFFF80  }
0x158: {  	[spmem:s1] =	stream.indirect.scatter.add.f32 [tilespmem:s2], [sflag:$0x4], $0x80, s6, s12, $0xb8;
	[tilespmem:$0xE840] =	vst v63  }
0x159: {  	_ =	swait.ge [sflag:s13], $0x4000  }
0x15a: {  	s18 =	sld [smem:$0x7FB]  }
0x15b: {  	[sflag:s13] =	ssyncset.done $0x0  }
0x15c: {  	s22 =	sld [smem:$0x7FC];
	[sflag:s13] =	ssyncadd.s32 $0xFFFFC000  }
0x15d: {  	[tilespmem:s2], [sflag:$0x1] =	stream.linear.gather [hbm4b:s18+s2], $0x4000, $0x38;
	[tilespmem:$0xE840] =	vst v63  }
0x15e: {  	_ = 	snop  }
0x15f: {  	[tilespmem:s6], [sflag:$0x1] =	stream.linear.gather [hbm4b:s22+s2], $0x80, $0x38;
	[tilespmem:$0xE840] =	vst v63  }
0x160: {  	_ =	swait.ge [sflag:s14], $0x4000  }
0x161: {  	[sflag:s14] =	ssyncset.done $0x0  }
0x162: {  	[sflag:s14] =	ssyncadd.s32 $0xFFFFC000  }
0x163: {  	_ =	swait.ge [sflag:s14], $0x80  }
0x164: {  	[sflag:s14] =	ssyncset.done $0x0  }
0x165: {  	[sflag:s14] =	ssyncadd.s32 $0xFFFFFF80  }
0x166: {  	[spmem:s1] =	stream.indirect.scatter.add.f32 [tilespmem:s7], [sflag:$0x4], $0x80, s8, s12, $0xb8;
	[tilespmem:$0xE840] =	vst v63  }
0x167: {  	_ =	swait.ge [sflag:s13], $0x4000  }
0x168: {  	s23 =	sld [smem:$0x7FD]  }
0x169: {  	s16 =	sshll.u32 s16, $0x4;
	[sflag:s13] =	ssyncset.done $0x0  }
0x16a: {  	s16 =	sand.u32 $0x1FFFFFF0, s16;
	[sflag:s13] =	ssyncadd.s32 $0xFFFFC000  }
0x16b: {  	[tilespmem:s7], [sflag:$0x2] =	stream.linear.gather [hbm4b:s23+s2], $0x4000, $0x38;
	[tilespmem:$0xE840] =	vst v63  }
0x16c: {  	s16 =	sadd.s32 s21, s16  }
0x16d: {  	[tilespmem:s8], [sflag:$0x2] =	stream.linear.gather [hbm4b:s16+s2], $0x80, $0x38;
	[tilespmem:$0xE840] =	vst v63  }
0x16e: {  	_ =	swait.ge [sflag:s15], $0x4000  }
0x16f: {  	[sflag:s15] =	ssyncset.done $0x0  }
0x170: {  	[sflag:s15] =	ssyncadd.s32 $0xFFFFC000  }
0x171: {  	_ =	swait.ge [sflag:s15], $0x80  }
0x172: {  	s24 =	sadd.s32 $0x17, s20;
	[sflag:s15] =	ssyncset.done $0x0  }
0x173: {  	p1 =	seq.s32 s24, $0x30D;
	s25 =	sshll.u32 s24, $0xB;
	[sflag:s15] =	ssyncadd.s32 $0xFFFFFF80  }
0x174: {  	[spmem:s1] =	stream.indirect.scatter.add.f32 [tilespmem:s9], [sflag:$0x4], $0x80, s10, s12, $0xb8;
	[tilespmem:$0xE840] =	vst v63  }
0x175: {  	s17 =	sshll.u32 s24, $0x4;
	s18 =	sand.u32 $0x1FFFF800, s25;
	_ =	swait.ge [sflag:s13], $0x4000  }
0x176: {  	s18 =	simm.s32 @p1 $0x186200;
	s22 =	sand.u32 $0x1FFFFFF0, s17;
	[sflag:s13] =	ssyncset.done $0x0  }
0x177: {  	s17 =	sadd.s32 s19, s18;
	s22 =	simm.s32 @p1 $0x30D4;
	[sflag:s13] =	ssyncadd.s32 $0xFFFFC000  }
0x178: {  	[tilespmem:s9], [sflag:$0x3] =	stream.linear.gather [hbm4b:s17+s2], $0x4000, $0x38;
	[tilespmem:$0xE840] =	vst v63  }
0x179: {  	s18 =	sadd.s32 s21, s22  }
0x17a: {  	[tilespmem:s10], [sflag:$0x3] =	stream.linear.gather [hbm4b:s18+s2], $0x80, $0x38;
	[tilespmem:$0xE840] =	vst v63  }
0x17b: {  	_ =	swait.ge [sflag:s11], $0x4000  }
0x17c: {  	[sflag:s11] =	ssyncset.done $0x0  }
0x17d: {  	[sflag:s11] =	ssyncadd.s32 $0xFFFFC000  }
0x17e: {  	s20 =	sadd.s32 $0x18, s20;
	_ =	swait.ge [sflag:s11], $0x80  }
0x17f: {  	p2 =	seq.s32 s20, $0x30D;
	s26 =	sshll.u32 s20, $0xB;
	[sflag:s11] =	ssyncset.done $0x0  }
0x180: {  	s20 =	sshll.u32 s20, $0x4;
	s22 =	sand.u32 $0x1FFFF800, s26;
	[sflag:s11] =	ssyncadd.s32 $0xFFFFFF80  }
0x181: {  	[spmem:s1] =	stream.indirect.scatter.add.f32 [tilespmem:s2], [sflag:$0x4], $0x80, s6, s12, $0xb8;
	[tilespmem:$0xE840] =	vst v63  }
0x182: {  	p1 =	sgt.u32 s29, $0x6;
	s22 =	simm.s32 @p2 $0x186200;
	_ =	swait.ge [sflag:s13], $0x4000  }
0x183: {  	s19 =	sadd.s32 s19, s22;
	s22 =	sand.u32 $0x1FFFFFF0, s20;
	[sflag:s13] =	ssyncset.done $0x0  }
0x184: {  	s20 =	simm.s32 @!p1 $0x0;
	s22 =	simm.s32 @p2 $0x30D4;
	[sflag:s13] =	ssyncadd.s32 $0xFFFFC000  }
0x185: {  	[tilespmem:s20], [sflag:$0x1] =	stream.linear.gather @!p1 [hbm4b:s19+s20], $0x4000, $0x38;
	[tilespmem:$0xE840] =	vst v63  }
0x186: {  	s21 =	sadd.s32 s21, s22;
	s22 =	simm.s32 @!p1 $0xC000  }
0x187: {  	[tilespmem:s22], [sflag:$0x1] =	stream.linear.gather @!p1 [hbm4b:s21+s20], $0x80, $0x38;
	[tilespmem:$0xE840] =	vst v63  }
0x188: {  	_ =	swait.ge [sflag:s14], $0x4000  }
0x189: {  	[sflag:s14] =	ssyncset.done $0x0  }
0x18a: {  	[sflag:s14] =	ssyncadd.s32 $0xFFFFC000  }
0x18b: {  	_ =	swait.ge [sflag:s14], $0x80  }
0x18c: {  	[sflag:s14] =	ssyncset.done $0x0  }
0x18d: {  	[sflag:s14] =	ssyncadd.s32 $0xFFFFFF80  }
0x18e: {  	[spmem:s1] =	stream.indirect.scatter.add.f32 [tilespmem:s7], [sflag:$0x4], $0x80, s8, s12, $0xb8;
	[tilespmem:$0xE840] =	vst v63  }
0x18f: {  	_ =	swait.ge [sflag:s13], $0x4000  }
0x190: {  	[sflag:s13] =	ssyncset.done $0x0  }
0x191: {  	[sflag:s13] =	ssyncadd.s32 $0xFFFFC000  }
0x192: {  	_ =	swait.ge [sflag:s15], $0x4000  }
0x193: {  	[sflag:s15] =	ssyncset.done $0x0  }
0x194: {  	[sflag:s15] =	ssyncadd.s32 $0xFFFFC000  }
0x195: {  	_ =	swait.ge [sflag:s15], $0x80  }
0x196: {  	[sflag:s15] =	ssyncset.done $0x0  }
0x197: {  	[sflag:s15] =	ssyncadd.s32 $0xFFFFFF80  }
0x198: {  	[spmem:s1] =	stream.indirect.scatter.add.f32 [tilespmem:s9], [sflag:$0x4], $0x80, s10, s12, $0xb8;
	[tilespmem:$0xE840] =	vst v63  }
0x199: {  	_ =	swait.ge [sflag:s13], $0x4000  }
0x19a: {  	p2 =	slt.u32 s29, $0x7;
	[sflag:s13] =	ssyncset.done $0x0  }
0x19b: {  	s23 =	simm.s32 @p2 $0x1;
	[sflag:s13] =	ssyncadd.s32 $0xFFFFC000  }
0x19c: {  	_ =	swait.ge @p2 [sflag:s23], $0x4000  }
0x19d: {  	[sflag:s23] =	ssyncset.done @p2 $0x0  }
0x19e: {  	[sflag:s23] =	ssyncadd.s32 @p2 $0xFFFFC000  }
0x19f: {  	s31 =	smul.u32 $0x480, s3;
	s3 =	ssub.s32 $0x2, s3;
	_ =	swait.ge @p2 [sflag:s23], $0x80  }
0x1a0: {  	s24 =	simm.s32 @p2 $0x80;
	s26 =	simm.s32 @p2 $0xC000;
	[sflag:s23] =	ssyncset.done @p2 $0x0  }
0x1a1: {  	s28 =	simm.s32 @p2 $0x4;
	s22 =	simm.s32 @p2 $0x0;
	[sflag:s23] =	ssyncadd.s32 @p2 $0xFFFFFF80  }
0x1a2: {  	[spmem:s1] =	stream.indirect.scatter.add.f32 @p2 [tilespmem:s22], [sflag:$0x4], $0x80, s26, s24, $0xb8;
	[tilespmem:$0xE840] =	vst v63  }
0x1a3: {  	s0 =	sadd.s32 s31, s0;
	s31 =	sshrl.u32 s3, $0x1;
	_ =	swait.ge @p2 [sflag:s28], $0x4000  }
0x1a4: {  	s3 =	ssub.s32 s3, s31;
	p3 =	sne.s32 @p2 s29, $0x0;
	[sflag:s28] =	ssyncset.done @p2 $0x0  }
0x1a5: {  	s3 =	smax.u32 s3, $0x1;
	p3 =	por p3, !p2;
	[sflag:s28] =	ssyncadd.s32 @p2 $0xFFFFC000  }
0x1a6: {  	s29 =	simm.s32 @!p3 $0xC200;
	s30 =	simm.s32 @!p3 $0x4;
	[bflag:$0x0] =	sbarrier.arrive @p2 $0xFFFF  }
0x1a7: {  	[tilespmem:s29], [sflag:$0x4] =	stream.linear.gather @!p3 [spmem:s1], $0x2400, $0x38;
	[tilespmem:$0xE840] =	vst v63  }
0x1a8: {  	s3 =	sadd.s32 $0xFFFFFFFF, s3;
	_ =	swait.ge @!p3 [sflag:s30], $0x2400  }
0x1a9: {  	s31 =	sadd.s32 $0x4000, s0;
	p4 =	sne.s32 s3, $0x0;
	[sflag:s30] =	ssyncset.done @!p3 $0x0  }
.Ltmp0:
0x1aa: {  	s0 =	simm.s32 @!p3 $0x0;
	[sflag:s30] =	ssyncadd.s32 @!p3 $0xFFFFDC00;
	(pc) =	sbr.rel @!p4 .LBB2_2-.Ltmp0, $4  }
0x1ab: {  	[hbm4b:s31+s0] =	stream.linear.scatter @!p3 [tilespmem:s29], [sflag:$0x4], $0x2400, $0x38;
	[tilespmem:$0xE840] =	vst v63  }
0x1ac: {  	_ =	swait.ge @!p3 [sflag:s30], $0x2400  }
0x1ad: {  	[sflag:s30] =	ssyncset.done @!p3 $0x0  }
0x1ae: {  	s25 =	simm.s32 @p2 $0x80;
	[sflag:s30] =	ssyncadd.s32 @!p3 $0xFFFFDC00  }
.LBB2_1:
0x1af: {  	[bflag:$0x0] =	sbarrier.arrive @!p2 $0xFFFF  }
0x1b0: {  	s24 =	simm.s32 @!p0 $0x0;
	s22 =	rddreg [dreg:$0x4]  }
0x1b1: {  	[tilespmem:s4], [sflag:$0x4] =	stream.linear.gather @!p0 [hbm4b:s22+s24], $0x2400, $0x38;
	[tilespmem:$0xE840] =	vst v63  }
0x1b2: {  	_ =	swait.ge @!p0 [sflag:s5], $0x2400  }
0x1b3: {  	[sflag:s5] =	ssyncset.done @!p0 $0x0  }
0x1b4: {  	[sflag:s5] =	ssyncadd.s32 @!p0 $0xFFFFDC00  }
0x1b5: {  	[spmem:s1] =	stream.linear.scatter @!p0 [tilespmem:s4], [sflag:$0x4], $0x2400, $0x38;
	[tilespmem:$0xE840] =	vst v63  }
0x1b6: {  	_ =	swait.ge @!p0 [sflag:s5], $0x2400  }
0x1b7: {  	[sflag:s5] =	ssyncset.done @!p0 $0x0  }
0x1b8: {  	[sflag:s5] =	ssyncadd.s32 @!p0 $0xFFFFDC00  }
0x1b9: {  	[bflag:$0x0] =	sbarrier.arrive $0xFFFF  }
0x1ba: {  	s22 =	rddreg [dreg:$0x5]  }
0x1bb: {  	[tilespmem:s2], [sflag:$0x1] =	stream.linear.gather [hbm4b:s22+s2], $0x4000, $0x38;
	[tilespmem:$0xE840] =	vst v63  }
0x1bc: {  	s24 =	rddreg [dreg:$0x6]  }
0x1bd: {  	[tilespmem:s6], [sflag:$0x1] =	stream.linear.gather [hbm4b:s24+s2], $0x80, $0x38;
	[tilespmem:$0xE840] =	vst v63  }
0x1be: {  	s22 =	rddreg [dreg:$0x7]  }
0x1bf: {  	[tilespmem:s7], [sflag:$0x2] =	stream.linear.gather [hbm4b:s22+s2], $0x4000, $0x38;
	[tilespmem:$0xE840] =	vst v63  }
0x1c0: {  	s24 =	rddreg [dreg:$0x8]  }
0x1c1: {  	[tilespmem:s8], [sflag:$0x2] =	stream.linear.gather [hbm4b:s24+s2], $0x80, $0x38;
	[tilespmem:$0xE840] =	vst v63  }
0x1c2: {  	s22 =	rddreg [dreg:$0x9]  }
0x1c3: {  	[tilespmem:s9], [sflag:$0x3] =	stream.linear.gather [hbm4b:s22+s2], $0x4000, $0x38;
	[tilespmem:$0xE840] =	vst v63  }
0x1c4: {  	s24 =	rddreg [dreg:$0xa]  }
0x1c5: {  	[tilespmem:s10], [sflag:$0x3] =	stream.linear.gather [hbm4b:s24+s2], $0x80, $0x38;
	[tilespmem:$0xE840] =	vst v63  }
0x1c6: {  	_ =	swait.ge [sflag:s11], $0x4000  }
0x1c7: {  	[sflag:s11] =	ssyncset.done $0x0  }
0x1c8: {  	[sflag:s11] =	ssyncadd.s32 $0xFFFFC000  }
0x1c9: {  	_ =	swait.ge [sflag:s11], $0x80  }
0x1ca: {  	[sflag:s11] =	ssyncset.done $0x0  }
0x1cb: {  	[sflag:s11] =	ssyncadd.s32 $0xFFFFFF80  }
0x1cc: {  	[spmem:s1] =	stream.indirect.scatter.add.f32 [tilespmem:s2], [sflag:$0x4], $0x80, s6, s12, $0xb8;
	[tilespmem:$0xE840] =	vst v63  }
0x1cd: {  	_ =	swait.ge [sflag:s13], $0x4000  }
0x1ce: {  	[sflag:s13] =	ssyncset.done $0x0  }
0x1cf: {  	s22 =	rddreg [dreg:$0xb];
	[sflag:s13] =	ssyncadd.s32 $0xFFFFC000  }
0x1d0: {  	[tilespmem:s2], [sflag:$0x1] =	stream.linear.gather [hbm4b:s22+s2], $0x4000, $0x38;
	[tilespmem:$0xE840] =	vst v63  }
0x1d1: {  	s24 =	rddreg [dreg:$0xc]  }
0x1d2: {  	[tilespmem:s6], [sflag:$0x1] =	stream.linear.gather [hbm4b:s24+s2], $0x80, $0x38;
	[tilespmem:$0xE840] =	vst v63  }
0x1d3: {  	_ =	swait.ge [sflag:s14], $0x4000  }
0x1d4: {  	[sflag:s14] =	ssyncset.done $0x0  }
0x1d5: {  	[sflag:s14] =	ssyncadd.s32 $0xFFFFC000  }
0x1d6: {  	_ =	swait.ge [sflag:s14], $0x80  }
0x1d7: {  	[sflag:s14] =	ssyncset.done $0x0  }
0x1d8: {  	[sflag:s14] =	ssyncadd.s32 $0xFFFFFF80  }
0x1d9: {  	[spmem:s1] =	stream.indirect.scatter.add.f32 [tilespmem:s7], [sflag:$0x4], $0x80, s8, s12, $0xb8;
	[tilespmem:$0xE840] =	vst v63  }
0x1da: {  	_ =	swait.ge [sflag:s13], $0x4000  }
0x1db: {  	[sflag:s13] =	ssyncset.done $0x0  }
0x1dc: {  	s22 =	rddreg [dreg:$0xd];
	[sflag:s13] =	ssyncadd.s32 $0xFFFFC000  }
0x1dd: {  	[tilespmem:s7], [sflag:$0x2] =	stream.linear.gather [hbm4b:s22+s2], $0x4000, $0x38;
	[tilespmem:$0xE840] =	vst v63  }
0x1de: {  	s24 =	rddreg [dreg:$0xe]  }
0x1df: {  	[tilespmem:s8], [sflag:$0x2] =	stream.linear.gather [hbm4b:s24+s2], $0x80, $0x38;
	[tilespmem:$0xE840] =	vst v63  }
0x1e0: {  	_ =	swait.ge [sflag:s15], $0x4000  }
0x1e1: {  	[sflag:s15] =	ssyncset.done $0x0  }
0x1e2: {  	[sflag:s15] =	ssyncadd.s32 $0xFFFFC000  }
0x1e3: {  	_ =	swait.ge [sflag:s15], $0x80  }
0x1e4: {  	[sflag:s15] =	ssyncset.done $0x0  }
0x1e5: {  	[sflag:s15] =	ssyncadd.s32 $0xFFFFFF80  }
0x1e6: {  	[spmem:s1] =	stream.indirect.scatter.add.f32 [tilespmem:s9], [sflag:$0x4], $0x80, s10, s12, $0xb8;
	[tilespmem:$0xE840] =	vst v63  }
0x1e7: {  	_ =	swait.ge [sflag:s13], $0x4000  }
0x1e8: {  	[sflag:s13] =	ssyncset.done $0x0  }
0x1e9: {  	s22 =	rddreg [dreg:$0xf];
	[sflag:s13] =	ssyncadd.s32 $0xFFFFC000  }
0x1ea: {  	[tilespmem:s9], [sflag:$0x3] =	stream.linear.gather [hbm4b:s22+s2], $0x4000, $0x38;
	[tilespmem:$0xE840] =	vst v63  }
0x1eb: {  	s24 =	rddreg [dreg:$0x10]  }
0x1ec: {  	[tilespmem:s10], [sflag:$0x3] =	stream.linear.gather [hbm4b:s24+s2], $0x80, $0x38;
	[tilespmem:$0xE840] =	vst v63  }
0x1ed: {  	_ =	swait.ge [sflag:s11], $0x4000  }
0x1ee: {  	[sflag:s11] =	ssyncset.done $0x0  }
0x1ef: {  	[sflag:s11] =	ssyncadd.s32 $0xFFFFC000  }
0x1f0: {  	_ =	swait.ge [sflag:s11], $0x80  }
0x1f1: {  	[sflag:s11] =	ssyncset.done $0x0  }
0x1f2: {  	[sflag:s11] =	ssyncadd.s32 $0xFFFFFF80  }
0x1f3: {  	[spmem:s1] =	stream.indirect.scatter.add.f32 [tilespmem:s2], [sflag:$0x4], $0x80, s6, s12, $0xb8;
	[tilespmem:$0xE840] =	vst v63  }
0x1f4: {  	_ =	swait.ge [sflag:s13], $0x4000  }
0x1f5: {  	[sflag:s13] =	ssyncset.done $0x0  }
0x1f6: {  	s22 =	rddreg [dreg:$0x11];
	[sflag:s13] =	ssyncadd.s32 $0xFFFFC000  }
0x1f7: {  	[tilespmem:s2], [sflag:$0x1] =	stream.linear.gather [hbm4b:s22+s2], $0x4000, $0x38;
	[tilespmem:$0xE840] =	vst v63  }
0x1f8: {  	s24 =	rddreg [dreg:$0x12]  }
0x1f9: {  	[tilespmem:s6], [sflag:$0x1] =	stream.linear.gather [hbm4b:s24+s2], $0x80, $0x38;
	[tilespmem:$0xE840] =	vst v63  }
0x1fa: {  	_ =	swait.ge [sflag:s14], $0x4000  }
0x1fb: {  	[sflag:s14] =	ssyncset.done $0x0  }
0x1fc: {  	[sflag:s14] =	ssyncadd.s32 $0xFFFFC000  }
0x1fd: {  	_ =	swait.ge [sflag:s14], $0x80  }
0x1fe: {  	[sflag:s14] =	ssyncset.done $0x0  }
0x1ff: {  	[sflag:s14] =	ssyncadd.s32 $0xFFFFFF80  }
0x200: {  	[spmem:s1] =	stream.indirect.scatter.add.f32 [tilespmem:s7], [sflag:$0x4], $0x80, s8, s12, $0xb8;
	[tilespmem:$0xE840] =	vst v63  }
0x201: {  	_ =	swait.ge [sflag:s13], $0x4000  }
0x202: {  	[sflag:s13] =	ssyncset.done $0x0  }
0x203: {  	s22 =	rddreg [dreg:$0x13];
	[sflag:s13] =	ssyncadd.s32 $0xFFFFC000  }
0x204: {  	[tilespmem:s7], [sflag:$0x2] =	stream.linear.gather [hbm4b:s22+s2], $0x4000, $0x38;
	[tilespmem:$0xE840] =	vst v63  }
0x205: {  	s24 =	rddreg [dreg:$0x14]  }
0x206: {  	[tilespmem:s8], [sflag:$0x2] =	stream.linear.gather [hbm4b:s24+s2], $0x80, $0x38;
	[tilespmem:$0xE840] =	vst v63  }
0x207: {  	_ =	swait.ge [sflag:s15], $0x4000  }
0x208: {  	[sflag:s15] =	ssyncset.done $0x0  }
0x209: {  	[sflag:s15] =	ssyncadd.s32 $0xFFFFC000  }
0x20a: {  	_ =	swait.ge [sflag:s15], $0x80  }
0x20b: {  	[sflag:s15] =	ssyncset.done $0x0  }
0x20c: {  	[sflag:s15] =	ssyncadd.s32 $0xFFFFFF80  }
0x20d: {  	[spmem:s1] =	stream.indirect.scatter.add.f32 [tilespmem:s9], [sflag:$0x4], $0x80, s10, s12, $0xb8;
	[tilespmem:$0xE840] =	vst v63  }
0x20e: {  	_ =	swait.ge [sflag:s13], $0x4000  }
0x20f: {  	[sflag:s13] =	ssyncset.done $0x0  }
0x210: {  	s22 =	rddreg [dreg:$0x15];
	[sflag:s13] =	ssyncadd.s32 $0xFFFFC000  }
0x211: {  	[tilespmem:s9], [sflag:$0x3] =	stream.linear.gather [hbm4b:s22+s2], $0x4000, $0x38;
	[tilespmem:$0xE840] =	vst v63  }
0x212: {  	s24 =	rddreg [dreg:$0x16]  }
0x213: {  	[tilespmem:s10], [sflag:$0x3] =	stream.linear.gather [hbm4b:s24+s2], $0x80, $0x38;
	[tilespmem:$0xE840] =	vst v63  }
0x214: {  	_ =	swait.ge [sflag:s11], $0x4000  }
0x215: {  	[sflag:s11] =	ssyncset.done $0x0  }
0x216: {  	[sflag:s11] =	ssyncadd.s32 $0xFFFFC000  }
0x217: {  	_ =	swait.ge [sflag:s11], $0x80  }
0x218: {  	[sflag:s11] =	ssyncset.done $0x0  }
0x219: {  	[sflag:s11] =	ssyncadd.s32 $0xFFFFFF80  }
0x21a: {  	[spmem:s1] =	stream.indirect.scatter.add.f32 [tilespmem:s2], [sflag:$0x4], $0x80, s6, s12, $0xb8;
	[tilespmem:$0xE840] =	vst v63  }
0x21b: {  	_ =	swait.ge [sflag:s13], $0x4000  }
0x21c: {  	[sflag:s13] =	ssyncset.done $0x0  }
0x21d: {  	s22 =	rddreg [dreg:$0x17];
	[sflag:s13] =	ssyncadd.s32 $0xFFFFC000  }
0x21e: {  	[tilespmem:s2], [sflag:$0x1] =	stream.linear.gather [hbm4b:s22+s2], $0x4000, $0x38;
	[tilespmem:$0xE840] =	vst v63  }
0x21f: {  	s24 =	rddreg [dreg:$0x18]  }
0x220: {  	[tilespmem:s6], [sflag:$0x1] =	stream.linear.gather [hbm4b:s24+s2], $0x80, $0x38;
	[tilespmem:$0xE840] =	vst v63  }
0x221: {  	_ =	swait.ge [sflag:s14], $0x4000  }
0x222: {  	[sflag:s14] =	ssyncset.done $0x0  }
0x223: {  	[sflag:s14] =	ssyncadd.s32 $0xFFFFC000  }
0x224: {  	_ =	swait.ge [sflag:s14], $0x80  }
0x225: {  	[sflag:s14] =	ssyncset.done $0x0  }
0x226: {  	[sflag:s14] =	ssyncadd.s32 $0xFFFFFF80  }
0x227: {  	[spmem:s1] =	stream.indirect.scatter.add.f32 [tilespmem:s7], [sflag:$0x4], $0x80, s8, s12, $0xb8;
	[tilespmem:$0xE840] =	vst v63  }
0x228: {  	_ =	swait.ge [sflag:s13], $0x4000  }
0x229: {  	[sflag:s13] =	ssyncset.done $0x0  }
0x22a: {  	s22 =	rddreg [dreg:$0x19];
	[sflag:s13] =	ssyncadd.s32 $0xFFFFC000  }
0x22b: {  	[tilespmem:s7], [sflag:$0x2] =	stream.linear.gather [hbm4b:s22+s2], $0x4000, $0x38;
	[tilespmem:$0xE840] =	vst v63  }
0x22c: {  	s24 =	rddreg [dreg:$0x1a]  }
0x22d: {  	[tilespmem:s8], [sflag:$0x2] =	stream.linear.gather [hbm4b:s24+s2], $0x80, $0x38;
	[tilespmem:$0xE840] =	vst v63  }
0x22e: {  	_ =	swait.ge [sflag:s15], $0x4000  }
0x22f: {  	[sflag:s15] =	ssyncset.done $0x0  }
0x230: {  	[sflag:s15] =	ssyncadd.s32 $0xFFFFC000  }
0x231: {  	_ =	swait.ge [sflag:s15], $0x80  }
0x232: {  	[sflag:s15] =	ssyncset.done $0x0  }
0x233: {  	[sflag:s15] =	ssyncadd.s32 $0xFFFFFF80  }
0x234: {  	[spmem:s1] =	stream.indirect.scatter.add.f32 [tilespmem:s9], [sflag:$0x4], $0x80, s10, s12, $0xb8;
	[tilespmem:$0xE840] =	vst v63  }
0x235: {  	_ =	swait.ge [sflag:s13], $0x4000  }
0x236: {  	[sflag:s13] =	ssyncset.done $0x0  }
0x237: {  	s22 =	rddreg [dreg:$0x1b];
	[sflag:s13] =	ssyncadd.s32 $0xFFFFC000  }
0x238: {  	[tilespmem:s9], [sflag:$0x3] =	stream.linear.gather [hbm4b:s22+s2], $0x4000, $0x38;
	[tilespmem:$0xE840] =	vst v63  }
0x239: {  	s24 =	rddreg [dreg:$0x1c]  }
0x23a: {  	[tilespmem:s10], [sflag:$0x3] =	stream.linear.gather [hbm4b:s24+s2], $0x80, $0x38;
	[tilespmem:$0xE840] =	vst v63  }
0x23b: {  	_ =	swait.ge [sflag:s11], $0x4000  }
0x23c: {  	[sflag:s11] =	ssyncset.done $0x0  }
0x23d: {  	[sflag:s11] =	ssyncadd.s32 $0xFFFFC000  }
0x23e: {  	_ =	swait.ge [sflag:s11], $0x80  }
0x23f: {  	[sflag:s11] =	ssyncset.done $0x0  }
0x240: {  	[sflag:s11] =	ssyncadd.s32 $0xFFFFFF80  }
0x241: {  	[spmem:s1] =	stream.indirect.scatter.add.f32 [tilespmem:s2], [sflag:$0x4], $0x80, s6, s12, $0xb8;
	[tilespmem:$0xE840] =	vst v63  }
0x242: {  	_ =	swait.ge [sflag:s13], $0x4000  }
0x243: {  	[sflag:s13] =	ssyncset.done $0x0  }
0x244: {  	s22 =	rddreg [dreg:$0x1d];
	[sflag:s13] =	ssyncadd.s32 $0xFFFFC000  }
0x245: {  	[tilespmem:s2], [sflag:$0x1] =	stream.linear.gather [hbm4b:s22+s2], $0x4000, $0x38;
	[tilespmem:$0xE840] =	vst v63  }
0x246: {  	s24 =	rddreg [dreg:$0x1e]  }
0x247: {  	[tilespmem:s6], [sflag:$0x1] =	stream.linear.gather [hbm4b:s24+s2], $0x80, $0x38;
	[tilespmem:$0xE840] =	vst v63  }
0x248: {  	_ =	swait.ge [sflag:s14], $0x4000  }
0x249: {  	[sflag:s14] =	ssyncset.done $0x0  }
0x24a: {  	[sflag:s14] =	ssyncadd.s32 $0xFFFFC000  }
0x24b: {  	_ =	swait.ge [sflag:s14], $0x80  }
0x24c: {  	[sflag:s14] =	ssyncset.done $0x0  }
0x24d: {  	[sflag:s14] =	ssyncadd.s32 $0xFFFFFF80  }
0x24e: {  	[spmem:s1] =	stream.indirect.scatter.add.f32 [tilespmem:s7], [sflag:$0x4], $0x80, s8, s12, $0xb8;
	[tilespmem:$0xE840] =	vst v63  }
0x24f: {  	_ =	swait.ge [sflag:s13], $0x4000  }
0x250: {  	s22 =	rddreg [dreg:$0x1f];
	[sflag:s13] =	ssyncset.done $0x0  }
0x251: {  	s24 =	sld [smem:$0x7EC];
	[sflag:s13] =	ssyncadd.s32 $0xFFFFC000  }
0x252: {  	[tilespmem:s7], [sflag:$0x2] =	stream.linear.gather [hbm4b:s22+s2], $0x4000, $0x38;
	[tilespmem:$0xE840] =	vst v63  }
0x253: {  	_ = 	snop  }
0x254: {  	[tilespmem:s8], [sflag:$0x2] =	stream.linear.gather [hbm4b:s24+s2], $0x80, $0x38;
	[tilespmem:$0xE840] =	vst v63  }
0x255: {  	_ =	swait.ge [sflag:s15], $0x4000  }
0x256: {  	[sflag:s15] =	ssyncset.done $0x0  }
0x257: {  	[sflag:s15] =	ssyncadd.s32 $0xFFFFC000  }
0x258: {  	_ =	swait.ge [sflag:s15], $0x80  }
0x259: {  	[sflag:s15] =	ssyncset.done $0x0  }
0x25a: {  	[sflag:s15] =	ssyncadd.s32 $0xFFFFFF80  }
0x25b: {  	[spmem:s1] =	stream.indirect.scatter.add.f32 [tilespmem:s9], [sflag:$0x4], $0x80, s10, s12, $0xb8;
	[tilespmem:$0xE840] =	vst v63  }
0x25c: {  	_ =	swait.ge [sflag:s13], $0x4000  }
0x25d: {  	s22 =	sld [smem:$0x7ED]  }
0x25e: {  	[sflag:s13] =	ssyncset.done $0x0  }
0x25f: {  	s24 =	sld [smem:$0x7EE];
	[sflag:s13] =	ssyncadd.s32 $0xFFFFC000  }
0x260: {  	[tilespmem:s9], [sflag:$0x3] =	stream.linear.gather [hbm4b:s22+s2], $0x4000, $0x38;
	[tilespmem:$0xE840] =	vst v63  }
0x261: {  	_ = 	snop  }
0x262: {  	[tilespmem:s10], [sflag:$0x3] =	stream.linear.gather [hbm4b:s24+s2], $0x80, $0x38;
	[tilespmem:$0xE840] =	vst v63  }
0x263: {  	_ =	swait.ge [sflag:s11], $0x4000  }
0x264: {  	[sflag:s11] =	ssyncset.done $0x0  }
0x265: {  	[sflag:s11] =	ssyncadd.s32 $0xFFFFC000  }
0x266: {  	_ =	swait.ge [sflag:s11], $0x80  }
0x267: {  	[sflag:s11] =	ssyncset.done $0x0  }
0x268: {  	[sflag:s11] =	ssyncadd.s32 $0xFFFFFF80  }
0x269: {  	[spmem:s1] =	stream.indirect.scatter.add.f32 [tilespmem:s2], [sflag:$0x4], $0x80, s6, s12, $0xb8;
	[tilespmem:$0xE840] =	vst v63  }
0x26a: {  	_ =	swait.ge [sflag:s13], $0x4000  }
0x26b: {  	s22 =	sld [smem:$0x7EF]  }
0x26c: {  	[sflag:s13] =	ssyncset.done $0x0  }
0x26d: {  	s24 =	sld [smem:$0x7F0];
	[sflag:s13] =	ssyncadd.s32 $0xFFFFC000  }
0x26e: {  	[tilespmem:s2], [sflag:$0x1] =	stream.linear.gather [hbm4b:s22+s2], $0x4000, $0x38;
	[tilespmem:$0xE840] =	vst v63  }
0x26f: {  	_ = 	snop  }
0x270: {  	[tilespmem:s6], [sflag:$0x1] =	stream.linear.gather [hbm4b:s24+s2], $0x80, $0x38;
	[tilespmem:$0xE840] =	vst v63  }
0x271: {  	_ =	swait.ge [sflag:s14], $0x4000  }
0x272: {  	[sflag:s14] =	ssyncset.done $0x0  }
0x273: {  	[sflag:s14] =	ssyncadd.s32 $0xFFFFC000  }
0x274: {  	_ =	swait.ge [sflag:s14], $0x80  }
0x275: {  	[sflag:s14] =	ssyncset.done $0x0  }
0x276: {  	[sflag:s14] =	ssyncadd.s32 $0xFFFFFF80  }
0x277: {  	[spmem:s1] =	stream.indirect.scatter.add.f32 [tilespmem:s7], [sflag:$0x4], $0x80, s8, s12, $0xb8;
	[tilespmem:$0xE840] =	vst v63  }
0x278: {  	_ =	swait.ge [sflag:s13], $0x4000  }
0x279: {  	s22 =	sld [smem:$0x7F1]  }
0x27a: {  	[sflag:s13] =	ssyncset.done $0x0  }
0x27b: {  	s24 =	sld [smem:$0x7F2];
	[sflag:s13] =	ssyncadd.s32 $0xFFFFC000  }
0x27c: {  	[tilespmem:s7], [sflag:$0x2] =	stream.linear.gather [hbm4b:s22+s2], $0x4000, $0x38;
	[tilespmem:$0xE840] =	vst v63  }
0x27d: {  	_ = 	snop  }
0x27e: {  	[tilespmem:s8], [sflag:$0x2] =	stream.linear.gather [hbm4b:s24+s2], $0x80, $0x38;
	[tilespmem:$0xE840] =	vst v63  }
0x27f: {  	_ =	swait.ge [sflag:s15], $0x4000  }
0x280: {  	[sflag:s15] =	ssyncset.done $0x0  }
0x281: {  	[sflag:s15] =	ssyncadd.s32 $0xFFFFC000  }
0x282: {  	_ =	swait.ge [sflag:s15], $0x80  }
0x283: {  	[sflag:s15] =	ssyncset.done $0x0  }
0x284: {  	[sflag:s15] =	ssyncadd.s32 $0xFFFFFF80  }
0x285: {  	[spmem:s1] =	stream.indirect.scatter.add.f32 [tilespmem:s9], [sflag:$0x4], $0x80, s10, s12, $0xb8;
	[tilespmem:$0xE840] =	vst v63  }
0x286: {  	_ =	swait.ge [sflag:s13], $0x4000  }
0x287: {  	s22 =	sld [smem:$0x7F3]  }
0x288: {  	[sflag:s13] =	ssyncset.done $0x0  }
0x289: {  	s24 =	sld [smem:$0x7F4];
	[sflag:s13] =	ssyncadd.s32 $0xFFFFC000  }
0x28a: {  	[tilespmem:s9], [sflag:$0x3] =	stream.linear.gather [hbm4b:s22+s2], $0x4000, $0x38;
	[tilespmem:$0xE840] =	vst v63  }
0x28b: {  	_ = 	snop  }
0x28c: {  	[tilespmem:s10], [sflag:$0x3] =	stream.linear.gather [hbm4b:s24+s2], $0x80, $0x38;
	[tilespmem:$0xE840] =	vst v63  }
0x28d: {  	_ =	swait.ge [sflag:s11], $0x4000  }
0x28e: {  	[sflag:s11] =	ssyncset.done $0x0  }
0x28f: {  	[sflag:s11] =	ssyncadd.s32 $0xFFFFC000  }
0x290: {  	_ =	swait.ge [sflag:s11], $0x80  }
0x291: {  	[sflag:s11] =	ssyncset.done $0x0  }
0x292: {  	[sflag:s11] =	ssyncadd.s32 $0xFFFFFF80  }
0x293: {  	[spmem:s1] =	stream.indirect.scatter.add.f32 [tilespmem:s2], [sflag:$0x4], $0x80, s6, s12, $0xb8;
	[tilespmem:$0xE840] =	vst v63  }
0x294: {  	_ =	swait.ge [sflag:s13], $0x4000  }
0x295: {  	s22 =	sld [smem:$0x7F5]  }
0x296: {  	[sflag:s13] =	ssyncset.done $0x0  }
0x297: {  	s24 =	sld [smem:$0x7F6];
	[sflag:s13] =	ssyncadd.s32 $0xFFFFC000  }
0x298: {  	[tilespmem:s2], [sflag:$0x1] =	stream.linear.gather [hbm4b:s22+s2], $0x4000, $0x38;
	[tilespmem:$0xE840] =	vst v63  }
0x299: {  	_ = 	snop  }
0x29a: {  	[tilespmem:s6], [sflag:$0x1] =	stream.linear.gather [hbm4b:s24+s2], $0x80, $0x38;
	[tilespmem:$0xE840] =	vst v63  }
0x29b: {  	_ =	swait.ge [sflag:s14], $0x4000  }
0x29c: {  	[sflag:s14] =	ssyncset.done $0x0  }
0x29d: {  	[sflag:s14] =	ssyncadd.s32 $0xFFFFC000  }
0x29e: {  	_ =	swait.ge [sflag:s14], $0x80  }
0x29f: {  	[sflag:s14] =	ssyncset.done $0x0  }
0x2a0: {  	[sflag:s14] =	ssyncadd.s32 $0xFFFFFF80  }
0x2a1: {  	[spmem:s1] =	stream.indirect.scatter.add.f32 [tilespmem:s7], [sflag:$0x4], $0x80, s8, s12, $0xb8;
	[tilespmem:$0xE840] =	vst v63  }
0x2a2: {  	_ =	swait.ge [sflag:s13], $0x4000  }
0x2a3: {  	s22 =	sld [smem:$0x7F7]  }
0x2a4: {  	[sflag:s13] =	ssyncset.done $0x0  }
0x2a5: {  	s24 =	sld [smem:$0x7F8];
	[sflag:s13] =	ssyncadd.s32 $0xFFFFC000  }
0x2a6: {  	[tilespmem:s7], [sflag:$0x2] =	stream.linear.gather [hbm4b:s22+s2], $0x4000, $0x38;
	[tilespmem:$0xE840] =	vst v63  }
0x2a7: {  	_ = 	snop  }
0x2a8: {  	[tilespmem:s8], [sflag:$0x2] =	stream.linear.gather [hbm4b:s24+s2], $0x80, $0x38;
	[tilespmem:$0xE840] =	vst v63  }
0x2a9: {  	_ =	swait.ge [sflag:s15], $0x4000  }
0x2aa: {  	[sflag:s15] =	ssyncset.done $0x0  }
0x2ab: {  	[sflag:s15] =	ssyncadd.s32 $0xFFFFC000  }
0x2ac: {  	_ =	swait.ge [sflag:s15], $0x80  }
0x2ad: {  	[sflag:s15] =	ssyncset.done $0x0  }
0x2ae: {  	[sflag:s15] =	ssyncadd.s32 $0xFFFFFF80  }
0x2af: {  	[spmem:s1] =	stream.indirect.scatter.add.f32 [tilespmem:s9], [sflag:$0x4], $0x80, s10, s12, $0xb8;
	[tilespmem:$0xE840] =	vst v63  }
0x2b0: {  	_ =	swait.ge [sflag:s13], $0x4000  }
0x2b1: {  	s22 =	sld [smem:$0x7F9]  }
0x2b2: {  	[sflag:s13] =	ssyncset.done $0x0  }
0x2b3: {  	s24 =	sld [smem:$0x7FA];
	[sflag:s13] =	ssyncadd.s32 $0xFFFFC000  }
0x2b4: {  	[tilespmem:s9], [sflag:$0x3] =	stream.linear.gather [hbm4b:s22+s2], $0x4000, $0x38;
	[tilespmem:$0xE840] =	vst v63  }
0x2b5: {  	_ = 	snop  }
0x2b6: {  	[tilespmem:s10], [sflag:$0x3] =	stream.linear.gather [hbm4b:s24+s2], $0x80, $0x38;
	[tilespmem:$0xE840] =	vst v63  }
0x2b7: {  	_ =	swait.ge [sflag:s11], $0x4000  }
0x2b8: {  	[sflag:s11] =	ssyncset.done $0x0  }
0x2b9: {  	[sflag:s11] =	ssyncadd.s32 $0xFFFFC000  }
0x2ba: {  	_ =	swait.ge [sflag:s11], $0x80  }
0x2bb: {  	[sflag:s11] =	ssyncset.done $0x0  }
0x2bc: {  	[sflag:s11] =	ssyncadd.s32 $0xFFFFFF80  }
0x2bd: {  	[spmem:s1] =	stream.indirect.scatter.add.f32 [tilespmem:s2], [sflag:$0x4], $0x80, s6, s12, $0xb8;
	[tilespmem:$0xE840] =	vst v63  }
0x2be: {  	_ =	swait.ge [sflag:s13], $0x4000  }
0x2bf: {  	s22 =	sld [smem:$0x7FB]  }
0x2c0: {  	[sflag:s13] =	ssyncset.done $0x0  }
0x2c1: {  	s24 =	sld [smem:$0x7FC];
	[sflag:s13] =	ssyncadd.s32 $0xFFFFC000  }
0x2c2: {  	[tilespmem:s2], [sflag:$0x1] =	stream.linear.gather [hbm4b:s22+s2], $0x4000, $0x38;
	[tilespmem:$0xE840] =	vst v63  }
0x2c3: {  	_ = 	snop  }
0x2c4: {  	[tilespmem:s6], [sflag:$0x1] =	stream.linear.gather [hbm4b:s24+s2], $0x80, $0x38;
	[tilespmem:$0xE840] =	vst v63  }
0x2c5: {  	_ =	swait.ge [sflag:s14], $0x4000  }
0x2c6: {  	[sflag:s14] =	ssyncset.done $0x0  }
0x2c7: {  	[sflag:s14] =	ssyncadd.s32 $0xFFFFC000  }
0x2c8: {  	_ =	swait.ge [sflag:s14], $0x80  }
0x2c9: {  	[sflag:s14] =	ssyncset.done $0x0  }
0x2ca: {  	[sflag:s14] =	ssyncadd.s32 $0xFFFFFF80  }
0x2cb: {  	[spmem:s1] =	stream.indirect.scatter.add.f32 [tilespmem:s7], [sflag:$0x4], $0x80, s8, s12, $0xb8;
	[tilespmem:$0xE840] =	vst v63  }
0x2cc: {  	_ =	swait.ge [sflag:s13], $0x4000  }
0x2cd: {  	s24 =	sld [smem:$0x7FD]  }
0x2ce: {  	[sflag:s13] =	ssyncset.done $0x0  }
0x2cf: {  	[sflag:s13] =	ssyncadd.s32 $0xFFFFC000  }
0x2d0: {  	[tilespmem:s7], [sflag:$0x2] =	stream.linear.gather [hbm4b:s24+s2], $0x4000, $0x38;
	[tilespmem:$0xE840] =	vst v63  }
0x2d1: {  	_ = 	snop  }
0x2d2: {  	[tilespmem:s8], [sflag:$0x2] =	stream.linear.gather [hbm4b:s16+s2], $0x80, $0x38;
	[tilespmem:$0xE840] =	vst v63  }
0x2d3: {  	_ =	swait.ge [sflag:s15], $0x4000  }
0x2d4: {  	[sflag:s15] =	ssyncset.done $0x0  }
0x2d5: {  	[sflag:s15] =	ssyncadd.s32 $0xFFFFC000  }
0x2d6: {  	_ =	swait.ge [sflag:s15], $0x80  }
0x2d7: {  	[sflag:s15] =	ssyncset.done $0x0  }
0x2d8: {  	[sflag:s15] =	ssyncadd.s32 $0xFFFFFF80  }
0x2d9: {  	[spmem:s1] =	stream.indirect.scatter.add.f32 [tilespmem:s9], [sflag:$0x4], $0x80, s10, s12, $0xb8;
	[tilespmem:$0xE840] =	vst v63  }
0x2da: {  	_ =	swait.ge [sflag:s13], $0x4000  }
0x2db: {  	[sflag:s13] =	ssyncset.done $0x0  }
0x2dc: {  	[sflag:s13] =	ssyncadd.s32 $0xFFFFC000  }
0x2dd: {  	[tilespmem:s9], [sflag:$0x3] =	stream.linear.gather [hbm4b:s17+s2], $0x4000, $0x38;
	[tilespmem:$0xE840] =	vst v63  }
0x2de: {  	_ = 	snop  }
0x2df: {  	[tilespmem:s10], [sflag:$0x3] =	stream.linear.gather [hbm4b:s18+s2], $0x80, $0x38;
	[tilespmem:$0xE840] =	vst v63  }
0x2e0: {  	_ =	swait.ge [sflag:s11], $0x4000  }
0x2e1: {  	[sflag:s11] =	ssyncset.done $0x0  }
0x2e2: {  	[sflag:s11] =	ssyncadd.s32 $0xFFFFC000  }
0x2e3: {  	_ =	swait.ge [sflag:s11], $0x80  }
0x2e4: {  	[sflag:s11] =	ssyncset.done $0x0  }
0x2e5: {  	[sflag:s11] =	ssyncadd.s32 $0xFFFFFF80  }
0x2e6: {  	[spmem:s1] =	stream.indirect.scatter.add.f32 [tilespmem:s2], [sflag:$0x4], $0x80, s6, s12, $0xb8;
	[tilespmem:$0xE840] =	vst v63  }
0x2e7: {  	_ =	swait.ge [sflag:s13], $0x4000  }
0x2e8: {  	[sflag:s13] =	ssyncset.done $0x0  }
0x2e9: {  	[sflag:s13] =	ssyncadd.s32 $0xFFFFC000  }
0x2ea: {  	[tilespmem:s20], [sflag:$0x1] =	stream.linear.gather @!p1 [hbm4b:s19+s20], $0x4000, $0x38;
	[tilespmem:$0xE840] =	vst v63  }
0x2eb: {  	s22 =	simm.s32 @!p1 $0xC000  }
0x2ec: {  	[tilespmem:s22], [sflag:$0x1] =	stream.linear.gather @!p1 [hbm4b:s21+s20], $0x80, $0x38;
	[tilespmem:$0xE840] =	vst v63  }
0x2ed: {  	_ =	swait.ge [sflag:s14], $0x4000  }
0x2ee: {  	[sflag:s14] =	ssyncset.done $0x0  }
0x2ef: {  	[sflag:s14] =	ssyncadd.s32 $0xFFFFC000  }
0x2f0: {  	_ =	swait.ge [sflag:s14], $0x80  }
0x2f1: {  	[sflag:s14] =	ssyncset.done $0x0  }
0x2f2: {  	[sflag:s14] =	ssyncadd.s32 $0xFFFFFF80  }
0x2f3: {  	[spmem:s1] =	stream.indirect.scatter.add.f32 [tilespmem:s7], [sflag:$0x4], $0x80, s8, s12, $0xb8;
	[tilespmem:$0xE840] =	vst v63  }
0x2f4: {  	_ =	swait.ge [sflag:s13], $0x4000  }
0x2f5: {  	[sflag:s13] =	ssyncset.done $0x0  }
0x2f6: {  	[sflag:s13] =	ssyncadd.s32 $0xFFFFC000  }
0x2f7: {  	_ =	swait.ge [sflag:s15], $0x4000  }
0x2f8: {  	[sflag:s15] =	ssyncset.done $0x0  }
0x2f9: {  	[sflag:s15] =	ssyncadd.s32 $0xFFFFC000  }
0x2fa: {  	_ =	swait.ge [sflag:s15], $0x80  }
0x2fb: {  	[sflag:s15] =	ssyncset.done $0x0  }
0x2fc: {  	[sflag:s15] =	ssyncadd.s32 $0xFFFFFF80  }
0x2fd: {  	[spmem:s1] =	stream.indirect.scatter.add.f32 [tilespmem:s9], [sflag:$0x4], $0x80, s10, s12, $0xb8;
	[tilespmem:$0xE840] =	vst v63  }
0x2fe: {  	_ =	swait.ge [sflag:s13], $0x4000  }
0x2ff: {  	[sflag:s13] =	ssyncset.done $0x0  }
0x300: {  	[sflag:s13] =	ssyncadd.s32 $0xFFFFC000  }
0x301: {  	_ =	swait.ge @p2 [sflag:s23], $0x4000  }
0x302: {  	[sflag:s23] =	ssyncset.done @p2 $0x0  }
0x303: {  	[sflag:s23] =	ssyncadd.s32 @p2 $0xFFFFC000  }
0x304: {  	_ =	swait.ge @p2 [sflag:s23], $0x80  }
0x305: {  	[sflag:s23] =	ssyncset.done @p2 $0x0  }
0x306: {  	s22 =	simm.s32 @p2 $0x0;
	[sflag:s23] =	ssyncadd.s32 @p2 $0xFFFFFF80  }
0x307: {  	[spmem:s1] =	stream.indirect.scatter.add.f32 @p2 [tilespmem:s22], [sflag:$0x4], $0x80, s26, s25, $0xb8;
	[tilespmem:$0xE840] =	vst v63  }
0x308: {  	_ =	swait.ge @p2 [sflag:s28], $0x4000  }
0x309: {  	[sflag:s28] =	ssyncset.done @p2 $0x0  }
0x30a: {  	[sflag:s28] =	ssyncadd.s32 @p2 $0xFFFFC000  }
0x30b: {  	[bflag:$0x0] =	sbarrier.arrive @p2 $0xFFFF  }
0x30c: {  	[tilespmem:s29], [sflag:$0x4] =	stream.linear.gather @!p3 [spmem:s1], $0x2400, $0x38;
	[tilespmem:$0xE840] =	vst v63  }
0x30d: {  	s3 =	sadd.s32 $0xFFFFFFFF, s3;
	_ =	swait.ge @!p3 [sflag:s30], $0x2400  }
0x30e: {  	p4 =	sne.s32 s3, $0x0;
	[sflag:s30] =	ssyncset.done @!p3 $0x0  }
.Ltmp1:
0x30f: {  	[sflag:s30] =	ssyncadd.s32 @!p3 $0xFFFFDC00;
	(pc) =	sbr.rel @p4 .LBB2_1-.Ltmp1, $4  }
0x310: {  	[hbm4b:s31+s0] =	stream.linear.scatter @!p3 [tilespmem:s29], [sflag:$0x4], $0x2400, $0x38;
	[tilespmem:$0xE840] =	vst v63  }
0x311: {  	_ =	swait.ge @!p3 [sflag:s30], $0x2400  }
0x312: {  	[sflag:s30] =	ssyncset.done @!p3 $0x0  }
0x313: {  	[sflag:s30] =	ssyncadd.s32 @!p3 $0xFFFFDC00  }
.LBB2_2:
0x314: {  	[bflag:$0x0] =	sbarrier.arrive @!p2 $0xFFFF  }
0x315: {  	_ =	sfence.sel $0x180000  }
0x316: {  	[bflag:$0x0] =	sbarrier.arrive $0xFFFF  }
0x317: {  	_ =	strace $0x90000047  }
0x318: {  	[bflag:$0x2] =	sbarrier.arrive $0xFFFF  }
0x319: {  	s0 =	rddreg [dreg:$0x3]  }
0x31a: {  	s0 =	sadd.s32 @!p0 $0x100000, s0  }
0x31b: {  	[sflag:s0] =	ssyncadd.tile.s32 @!p0 $0x1;
	_ =	shalt  }
.Lfunc_end2:
_tile_overlayer_lowered:
.L_overlay_start_2:
0x31c: {  	(tag) =	ssettag $0x2  }
0x31d: {  	s0 =	rddreg [dreg:$0x0];
	s2 =	stileid.u32  }
0x31e: {  	s1 =	rddreg [dreg:$0x1];
	p0 =	sne.s32 s2, $0x0  }
0x31f: {  	s3 =	rddreg [dreg:$0x2];
	[bflag:$0x3] =	sbarrier.arrive $0xFFFF;
	s2 =	simm.s32 @!p0 $0x1C04  }
0x320: {  	[timem:s3], [sflag:s2] =	dma.local @!p0 [hbm:s0], s1  }
0x321: {  	s0 =	simm.s32 @!p0 $0x4  }
0x322: {  	_ =	swait.ge @!p0 [sflag:s0], s1  }
0x323: {  	s1 =	ssub.s32 @!p0 $0x0, s1;
	[sflag:s0] =	ssyncset.done @!p0 $0x0  }
0x324: {  	[sflag:s0] =	ssyncadd.s32 @!p0 s1  }
0x325: {  	[bflag:$0x3] =	sbarrier.arrive $0xFFFF  }
0x326: {  	_ =	shalt  }

</sc_bundles>
